<compile_context>
chip_gen: v7x
topology: tpu7x:2x2x1
jax: 0.10.2.dev20260603
libtpu: 0.0.44.dev20260713+nightly
codegen_flags: <defaults>
</compile_context>

<pallas_src>
import functools

import jax
import jax.numpy as jnp
from jax import lax
from jax.experimental import pallas as pl
from jax.experimental.pallas import tpu as pltpu
from jax.experimental.pallas import tpu_sc as plsc

N = 10000
E = 320000
D = 128
G = 64

NC, NS = 2, 16
NW = NC * NS
CH = 128
NCH0 = 80
NCH1 = 80
NCHM = max(NCH0, NCH1)
E_PAD = NS * (NCH0 + NCH1) * CH
NPH = 5
PCH = NCH0 // NPH
NPAD = 10240
RPT = NPAD // NS


def _sc_mesh():
    return plsc.VectorSubcoreMesh(core_axis_name="c", subcore_axis_name="s",
                                  num_cores=NC, num_subcores=NS)


def _deg_body(dst_hbm, ones_hbm, zeros_hbm, out_hbm, idx_v, ones_v, deg_sh):
    c = lax.axis_index("c")
    s = lax.axis_index("s")
    w = c * NS + s
    n_me = NCH0 if NCH0 == NCH1 else jnp.where(c == 0, NCH0, NCH1)
    pltpu.sync_copy(zeros_hbm, deg_sh.at[pl.ds(s * RPT, RPT)])
    pltpu.sync_copy(ones_hbm, ones_v)
    pltpu.sync_copy(dst_hbm.at[w], idx_v)
    plsc.subcore_barrier()

    @pl.loop(0, n_me)
    def _(j):
        pltpu.sync_copy(ones_v, deg_sh.at[idx_v.at[j]], add=True)

    plsc.subcore_barrier()
    pltpu.sync_copy(deg_sh.at[pl.ds(s * RPT, RPT)],
                    out_hbm.at[c, pl.ds(s * RPT, RPT)])


@functools.cache
def _deg_kernel():
    return pl.kernel(
        _deg_body,
        out_type=jax.ShapeDtypeStruct((NC, NPAD, D), jnp.float32),
        mesh=_sc_mesh(),
        scratch_types=[
            pltpu.VMEM((NCHM, CH), jnp.int32),
            pltpu.VMEM((CH, D), jnp.float32),
            pltpu.VMEM_SHARED((NPAD, D), jnp.float32),
        ],
    )


def _deg(dstp, onesD, zerosD):
    return _deg_kernel()(dstp, onesD, zerosD)


def _prop_body(g_hbm, src_hbm, dst_hbm, zeros_hbm, out_hbm,
               src_v, dst_v, rows_a, rows_b, acc_sh, sem_a, sem_b):
    c = lax.axis_index("c")
    s = lax.axis_index("s")
    w = c * NS + s
    pltpu.sync_copy(zeros_hbm, acc_sh.at[pl.ds(s * RPT, RPT)])
    plsc.subcore_barrier()

    for p in range(NPH):
        pltpu.sync_copy(src_hbm.at[w, pl.ds(p * PCH, PCH)], src_v)
        pltpu.sync_copy(dst_hbm.at[w, pl.ds(p * PCH, PCH)], dst_v)
        pltpu.async_copy(g_hbm.at[src_v.at[0]], rows_a, sem_a)

        @pl.loop(0, PCH, step=2)
        def _(j):
            pltpu.async_copy(g_hbm.at[src_v.at[j + 1]], rows_b, sem_b)
            pltpu.make_async_copy(g_hbm.at[src_v.at[j]], rows_a, sem_a).wait()
            pltpu.sync_copy(rows_a, acc_sh.at[dst_v.at[j]], add=True)
            nxt = jnp.where(j + 2 < PCH, j + 2, 0)
            pltpu.async_copy(g_hbm.at[src_v.at[nxt]], rows_a, sem_a)
            pltpu.make_async_copy(g_hbm.at[src_v.at[j + 1]], rows_b, sem_b).wait()
            pltpu.sync_copy(rows_b, acc_sh.at[dst_v.at[j + 1]], add=True)

        pltpu.make_async_copy(g_hbm.at[src_v.at[0]], rows_a, sem_a).wait()

    plsc.subcore_barrier()
    pltpu.sync_copy(acc_sh.at[pl.ds(s * RPT, RPT)],
                    out_hbm.at[c, pl.ds(s * RPT, RPT)])


@functools.cache
def _prop_kernel():
    return pl.kernel(
        _prop_body,
        out_type=jax.ShapeDtypeStruct((NC, NPAD, D), jnp.float32),
        mesh=_sc_mesh(),
        scratch_types=[
            pltpu.VMEM((PCH, CH), jnp.int32),
            pltpu.VMEM((PCH, CH), jnp.int32),
            pltpu.VMEM((CH, D), jnp.float32),
            pltpu.VMEM((CH, D), jnp.float32),
            pltpu.VMEM_SHARED((NPAD, D), jnp.float32),
            pltpu.SemaphoreType.DMA,
            pltpu.SemaphoreType.DMA,
        ],
    )


def _prop(g, srcp, dstp, zerosD):
    return _prop_kernel()(g, srcp, dstp, zerosD)


_BLK = 1280


def _dinv_of(d0, d1):
    deg = d0[:, :1] + d1[:, :1] + 1.0
    return lax.rsqrt(jnp.maximum(deg, 1.0))


def _tc_a_body(x_ref, w_ref, d0_ref, d1_ref, o_ref):
    h = jnp.dot(x_ref[...], w_ref[...], preferred_element_type=jnp.float32)
    o_ref[...] = h * _dinv_of(d0_ref[...], d1_ref[...])


def _tc_a(x_pad, W1, degp0, degp1):
    grid = NPAD // _BLK
    return pl.pallas_call(
        _tc_a_body,
        grid=(grid,),
        in_specs=[
            pl.BlockSpec((_BLK, D), lambda i: (i, 0)),
            pl.BlockSpec((D, D), lambda i: (0, 0)),
            pl.BlockSpec((_BLK, 16), lambda i: (i, 0)),
            pl.BlockSpec((_BLK, 16), lambda i: (i, 0)),
        ],
        out_specs=pl.BlockSpec((_BLK, D), lambda i: (i, 0)),
        out_shape=jax.ShapeDtypeStruct((NPAD, D), jnp.float32),
    )(x_pad, W1, degp0, degp1)


def _tc_b_body(a0_ref, a1_ref, g_ref, d0_ref, d1_ref, b_ref, w_ref, o_ref):
    dinv = _dinv_of(d0_ref[...], d1_ref[...])
    pre = dinv * (a0_ref[...] + a1_ref[...] + g_ref[...]) + b_ref[...]
    h1 = jnp.maximum(pre, 0.0)
    h2 = jnp.dot(h1, w_ref[...], preferred_element_type=jnp.float32)
    o_ref[...] = h2 * dinv


def _tc_b(a0, a1, g1, degp0, degp1, b1, W2):
    grid = NPAD // _BLK
    return pl.pallas_call(
        _tc_b_body,
        grid=(grid,),
        in_specs=[
            pl.BlockSpec((_BLK, D), lambda i: (i, 0)),
            pl.BlockSpec((_BLK, D), lambda i: (i, 0)),
            pl.BlockSpec((_BLK, D), lambda i: (i, 0)),
            pl.BlockSpec((_BLK, 16), lambda i: (i, 0)),
            pl.BlockSpec((_BLK, 16), lambda i: (i, 0)),
            pl.BlockSpec((1, D), lambda i: (0, 0)),
            pl.BlockSpec((D, D), lambda i: (0, 0)),
        ],
        out_specs=pl.BlockSpec((_BLK, D), lambda i: (i, 0)),
        out_shape=jax.ShapeDtypeStruct((NPAD, D), jnp.float32),
    )(a0, a1, g1, degp0, degp1, b1, W2)


_CBLK = 1024
_NEG = -1e30


def _tc_c_body(a0_ref, a1_ref, g_ref, d0_ref, d1_ref, b_ref,
               batc_ref, batr_ref, lw_ref, lb_ref,
               xc_ref, out_ref, s0_ref, scnt_ref, smax_ref):
    i = pl.program_id(0)

    @pl.when(i == 0)
    def _init():
        s0_ref[...] = jnp.zeros((G, D), jnp.float32)
        scnt_ref[...] = jnp.zeros((G, D), jnp.float32)
        smax_ref[...] = jnp.full((G, D), _NEG, jnp.float32)

    dinv = _dinv_of(d0_ref[...], d1_ref[...])
    pre = dinv * (a0_ref[...] + a1_ref[...] + g_ref[...]) + b_ref[...]
    h = jnp.maximum(pre, 0.0)

    bat_row = batr_ref[...]
    gids = lax.broadcasted_iota(jnp.int32, (G, 1), 0)
    oh_t = (gids == bat_row).astype(jnp.float32)
    s0_ref[...] += jnp.dot(oh_t, h, preferred_element_type=jnp.float32)
    scnt_ref[...] += jnp.dot(oh_t, jnp.ones_like(h),
                             preferred_element_type=jnp.float32)

    bat_col = batc_ref[...]

    def _mx(gi, sm):
        masked = jnp.where(bat_col == gi, h, _NEG)
        bmax = jnp.max(masked, axis=0, keepdims=True)
        rowsel = gids == gi
        return jnp.where(rowsel, jnp.maximum(sm, bmax), sm)

    glo = batc_ref[0, 0]
    ghi = jnp.minimum(batc_ref[_CBLK - 1, 0], G - 1)
    smax_ref[...] = lax.fori_loop(glo, ghi + 1, _mx, smax_ref[...])

    @pl.when(i == pl.num_programs(0) - 1)
    def _fin():
        s0 = s0_ref[...]
        cnt = jnp.maximum(scnt_ref[...], 1.0)
        x1 = s0 / cnt
        xc = jnp.concatenate([s0, x1, smax_ref[...]], axis=1)
        xc_ref[...] = xc
        out_ref[...] = (jnp.dot(xc, lw_ref[...],
                                preferred_element_type=jnp.float32)
                        + lb_ref[...])


def _tc_c(a0, a1, g2, degp0, degp1, b2, batch_col, batch_row, lw, lb):
    grid = NPAD // _CBLK
    return pl.pallas_call(
        _tc_c_body,
        grid=(grid,),
        in_specs=[
            pl.BlockSpec((_CBLK, D), lambda i: (i, 0)),
            pl.BlockSpec((_CBLK, D), lambda i: (i, 0)),
            pl.BlockSpec((_CBLK, D), lambda i: (i, 0)),
            pl.BlockSpec((_CBLK, 16), lambda i: (i, 0)),
            pl.BlockSpec((_CBLK, 16), lambda i: (i, 0)),
            pl.BlockSpec((1, D), lambda i: (0, 0)),
            pl.BlockSpec((_CBLK, 1), lambda i: (i, 0)),
            pl.BlockSpec((1, _CBLK), lambda i: (0, i)),
            pl.BlockSpec((3 * D, D), lambda i: (0, 0)),
            pl.BlockSpec((1, D), lambda i: (0, 0)),
        ],
        out_specs=[
            pl.BlockSpec((G, 3 * D), lambda i: (0, 0)),
            pl.BlockSpec((G, D), lambda i: (0, 0)),
        ],
        out_shape=[
            jax.ShapeDtypeStruct((G, 3 * D), jnp.float32),
            jax.ShapeDtypeStruct((G, D), jnp.float32),
        ],
        scratch_shapes=[
            pltpu.VMEM((G, D), jnp.float32),
            pltpu.VMEM((G, D), jnp.float32),
            pltpu.VMEM((G, D), jnp.float32),
        ],
        compiler_params=pltpu.CompilerParams(
            dimension_semantics=("arbitrary",)),
    )(a0, a1, g2, degp0, degp1, b2, batch_col, batch_row, lw, lb)


def _split_edges(idx):
    spread = N + jnp.arange(E_PAD - E, dtype=jnp.int32) % (NPAD - N)
    padded = jnp.concatenate([idx, spread])
    e0 = NS * NCH0 * CH
    a = padded[:e0].reshape(NS, NCH0, CH)
    b = padded[e0:].reshape(NS, NCH1, CH)
    if NCH0 < NCHM:
        a = jnp.concatenate(
            [a, jnp.full((NS, NCHM - NCH0, CH), N, jnp.int32)], axis=1)
    if NCH1 < NCHM:
        b = jnp.concatenate(
            [b, jnp.full((NS, NCHM - NCH1, CH), N, jnp.int32)], axis=1)
    return jnp.concatenate([a, b], axis=0)


def kernel(x, edge_index, batch, W1, b1, W2, b2, lin_W, lin_b):
    f32 = jnp.float32
    srcp = _split_edges(edge_index[0])
    dstp = _split_edges(edge_index[1])
    x_pad = jnp.concatenate([x, jnp.zeros((NPAD - N, D), f32)], axis=0)
    bat_pad = jnp.concatenate(
        [batch.astype(jnp.int32), jnp.full((NPAD - N,), G, jnp.int32)])
    batch_col = bat_pad.reshape(NPAD, 1)
    batch_row = bat_pad.reshape(1, NPAD)
    onesD = jnp.ones((CH, D), f32)
    zerosD = jnp.zeros((RPT, D), f32)

    degp = _deg(dstp, onesD, zerosD)
    d0, d1 = degp[0, :, :16], degp[1, :, :16]
    g1 = _tc_a(x_pad, W1, d0, d1)
    acc1 = _prop(g1, srcp, dstp, zerosD)
    g2 = _tc_b(acc1[0], acc1[1], g1, d0, d1, b1.reshape(1, D), W2)
    acc2 = _prop(g2, srcp, dstp, zerosD)
    lw = jnp.zeros((3 * D, D), f32).at[:, :32].set(lin_W)
    lb = jnp.zeros((1, D), f32).at[0, :32].set(lin_b)
    xc, outp = _tc_c(acc2[0], acc2[1], g2, d0, d1, b2.reshape(1, D),
                     batch_col, batch_row, lw, lb)
    return (xc, outp[:, :32])

# --- scband reference (transcript-rebuilt; emitter-appended) ---
"""Pipeline reference for scband-gcnn-3p-old-81063212744718 (READ-ONLY COPY).

The authoritative reference and input builder live on the scoring server;
editing this copy changes nothing except your own understanding.
"""

import jax, jax.numpy as jnp
import numpy as np

N_NODES = 10000
N_EDGES = 320000
D_IN = 128
CL1 = 128
CL2 = 128
OUT_F = 32
N_GRAPHS = 64


def setup_inputs(seed: int = 0) -> dict:
    key = jax.random.key(seed)
    ks = jax.random.split(key, 10)
    x = jax.random.normal(ks[0], (N_NODES, D_IN), dtype=jnp.float32)
    edge_index = jax.random.randint(ks[1], (2, N_EDGES), 0, N_NODES, dtype=jnp.int32)
    batch = jnp.sort(jax.random.randint(ks[2], (N_NODES,), 0, N_GRAPHS, dtype=jnp.int32))
    s1 = 1.0 / np.sqrt(D_IN)
    s2 = 1.0 / np.sqrt(CL1)
    s3 = 1.0 / np.sqrt(CL2 * 3)
    W1 = jax.random.uniform(ks[3], (D_IN, CL1), dtype=jnp.float32, minval=-s1, maxval=s1)
    b1 = jnp.zeros((CL1,), dtype=jnp.float32)
    W2 = jax.random.uniform(ks[4], (CL1, CL2), dtype=jnp.float32, minval=-s2, maxval=s2)
    b2 = jnp.zeros((CL2,), dtype=jnp.float32)
    lin_W = jax.random.uniform(ks[5], (CL2 * 3, OUT_F), dtype=jnp.float32, minval=-s3, maxval=s3)
    lin_b = jax.random.uniform(ks[6], (OUT_F,), dtype=jnp.float32, minval=-s3, maxval=s3)
    return {"x": x, "edge_index": edge_index, "batch": batch,
            "W1": W1, "b1": b1, "W2": W2, "b2": b2, "lin_W": lin_W, "lin_b": lin_b}


def _gcn_conv(x, edge_index, W, b):
    # GCNConv: add self-loops, symmetric normalization D^-1/2 A_hat D^-1/2, then linear.
    src = edge_index[0]
    dst = edge_index[1]
    loops = jnp.arange(N_NODES, dtype=src.dtype)
    src = jnp.concatenate([src, loops])
    dst = jnp.concatenate([dst, loops])
    deg = jax.ops.segment_sum(jnp.ones_like(src, dtype=x.dtype), dst, num_segments=N_NODES)
    dinv = jax.lax.rsqrt(jnp.maximum(deg, 1.0))
    norm = dinv[src] * dinv[dst]
    h = x @ W
    msg = h[src] * norm[:, None]
    out = jax.ops.segment_sum(msg, dst, num_segments=N_NODES)
    return out + b


def reference(x, edge_index, batch, W1, b1, W2, b2, lin_W, lin_b):
    h = jax.nn.relu(_gcn_conv(x, edge_index, W1, b1))
    # dropout is identity in eval mode; bn1 undefined in source module -> skipped
    h = jax.nn.relu(_gcn_conv(h, edge_index, W2, b2))
    x0 = jax.ops.segment_sum(h, batch, num_segments=N_GRAPHS)
    cnt = jax.ops.segment_sum(jnp.ones((N_NODES,), dtype=h.dtype), batch, num_segments=N_GRAPHS)
    x1 = x0 / jnp.maximum(cnt, 1.0)[:, None]
    x2 = jax.ops.segment_max(h, batch, num_segments=N_GRAPHS)
    xc = jnp.concatenate([x0, x1, x2], axis=-1)
    out = xc @ lin_W + lin_b
    return (xc, out)

if __name__ == "__main__":
    import jax
    _d = setup_inputs()
    print(jax.jit(kernel)(*tuple(_d.values())))

</pallas_src>

<mosaic_0001>
#map = affine_map<(d0, d1) -> (0, 0, 0)>
#map1 = affine_map<(d0, d1) -> (0, 0)>
module attributes {stable_mosaic.version = 14 : i64} {
  func.func @_deg_body(%arg0: i32, %arg1: i32, %arg2: memref<32x80x128xi32, #tpu.memory_space<hbm>>, %arg3: memref<128x128xf32, #tpu.memory_space<hbm>>, %arg4: memref<640x128xf32, #tpu.memory_space<hbm>>, %arg5: memref<2x10240x128xf32, #tpu.memory_space<hbm>>, %arg6: memref<80x128xi32, #tpu.memory_space<vmem>>, %arg7: memref<128x128xf32, #tpu.memory_space<vmem>>, %arg8: memref<10240x128xf32, #tpu.memory_space<vmem_shared>>) attributes {dimension_semantics = [#tpu.dimension_semantics<core_parallel>, #tpu.dimension_semantics<subcore_parallel>], iteration_bounds = array<i64: 2, 16>, scalar_prefetch = 0 : i64, scratch_operands = 3 : i64, tpu.core_type = #tpu.core_type<sc_vector_subcore>, window_params = [{transform_indices = #map}, {transform_indices = #map1}, {transform_indices = #map1}, {transform_indices = #map}]} {
    %mul3A = arith.constant 16 : i32
    %mul3A_0 = arith.muli %arg0, %mul3A : i32
    %add3A = arith.addi %mul3A_0, %arg1 : i32
    %mul3A_1 = arith.constant 640 : i32
    %mul3A_2 = arith.muli %arg1, %mul3A_1 : i32
    "tpu.region"() ({
      %run_scoped3A = tpu.sem_alloc : memref<!tpu.dma_semaphore, #tpu.memory_space<semaphore_mem>>
      %dma_start3A = arith.constant 0 : i32
      %dma_start3A_12 = tpu.memref_slice %arg8[%mul3A_2, %dma_start3A] : memref<10240x128xf32, #tpu.memory_space<vmem_shared>> -> memref<640x128xf32, #tpu.memory_space<vmem_shared>>
      tpu.enqueue_dma source(%arg4 : memref<640x128xf32, #tpu.memory_space<hbm>>) target(%dma_start3A_12 : memref<640x128xf32, #tpu.memory_space<vmem_shared>>) target_semaphore(%run_scoped3A : memref<!tpu.dma_semaphore, #tpu.memory_space<semaphore_mem>>)
      %dma_wait3A = arith.constant 0 : i32
      %dma_wait3A_13 = tpu.memref_slice %arg8[%mul3A_2, %dma_wait3A] : memref<10240x128xf32, #tpu.memory_space<vmem_shared>> -> memref<640x128xf32, #tpu.memory_space<vmem_shared>>
      tpu.wait_dma2 semaphore(%run_scoped3A : memref<!tpu.dma_semaphore, #tpu.memory_space<semaphore_mem>>) src(%arg4 : memref<640x128xf32, #tpu.memory_space<hbm>>) dst(%dma_wait3A_13 : memref<640x128xf32, #tpu.memory_space<vmem_shared>>)
      tpu.yield
    }) : () -> ()
    "tpu.region"() ({
      %run_scoped3A = tpu.sem_alloc : memref<!tpu.dma_semaphore, #tpu.memory_space<semaphore_mem>>
      tpu.enqueue_dma source(%arg3 : memref<128x128xf32, #tpu.memory_space<hbm>>) target(%arg7 : memref<128x128xf32, #tpu.memory_space<vmem>>) target_semaphore(%run_scoped3A : memref<!tpu.dma_semaphore, #tpu.memory_space<semaphore_mem>>)
      tpu.wait_dma2 semaphore(%run_scoped3A : memref<!tpu.dma_semaphore, #tpu.memory_space<semaphore_mem>>) src(%arg3 : memref<128x128xf32, #tpu.memory_space<hbm>>) dst(%arg7 : memref<128x128xf32, #tpu.memory_space<vmem>>)
      tpu.yield
    }) : () -> ()
    "tpu.region"() ({
      %run_scoped3A = tpu.sem_alloc : memref<!tpu.dma_semaphore, #tpu.memory_space<semaphore_mem>>
      %dma_start3A = arith.constant 0 : i32
      %dma_start3A_12 = arith.constant 0 : i32
      %dma_start3A_13 = tpu.memref_slice %arg2[%add3A, %dma_start3A, %dma_start3A_12] : memref<32x80x128xi32, #tpu.memory_space<hbm>> -> memref<1x80x128xi32, #tpu.memory_space<hbm>>
      %dma_start3A_14 = tpu.memref_squeeze %dma_start3A_13 : memref<1x80x128xi32, #tpu.memory_space<hbm>> -> memref<80x128xi32, #tpu.memory_space<hbm>>
      %dma_start3A_15 = arith.constant 0 : i32
      %dma_start3A_16 = arith.constant 0 : i32
      %dma_start3A_17 = tpu.memref_slice %arg2[%add3A, %dma_start3A_15, %dma_start3A_16] : memref<32x80x128xi32, #tpu.memory_space<hbm>> -> memref<1x80x128xi32, #tpu.memory_space<hbm>>
      %dma_start3A_18 = tpu.memref_squeeze %dma_start3A_17 : memref<1x80x128xi32, #tpu.memory_space<hbm>> -> memref<80x128xi32, #tpu.memory_space<hbm>>
      tpu.enqueue_dma source(%dma_start3A_18 : memref<80x128xi32, #tpu.memory_space<hbm>>) target(%arg6 : memref<80x128xi32, #tpu.memory_space<vmem>>) target_semaphore(%run_scoped3A : memref<!tpu.dma_semaphore, #tpu.memory_space<semaphore_mem>>)
      %dma_wait3A = arith.constant 0 : i32
      %dma_wait3A_19 = arith.constant 0 : i32
      %dma_wait3A_20 = tpu.memref_slice %arg2[%add3A, %dma_wait3A, %dma_wait3A_19] : memref<32x80x128xi32, #tpu.memory_space<hbm>> -> memref<1x80x128xi32, #tpu.memory_space<hbm>>
      %dma_wait3A_21 = tpu.memref_squeeze %dma_wait3A_20 : memref<1x80x128xi32, #tpu.memory_space<hbm>> -> memref<80x128xi32, #tpu.memory_space<hbm>>
      %dma_wait3A_22 = arith.constant 0 : i32
      %dma_wait3A_23 = arith.constant 0 : i32
      %dma_wait3A_24 = tpu.memref_slice %arg2[%add3A, %dma_wait3A_22, %dma_wait3A_23] : memref<32x80x128xi32, #tpu.memory_space<hbm>> -> memref<1x80x128xi32, #tpu.memory_space<hbm>>
      %dma_wait3A_25 = tpu.memref_squeeze %dma_wait3A_24 : memref<1x80x128xi32, #tpu.memory_space<hbm>> -> memref<80x128xi32, #tpu.memory_space<hbm>>
      tpu.wait_dma2 semaphore(%run_scoped3A : memref<!tpu.dma_semaphore, #tpu.memory_space<semaphore_mem>>) src(%dma_wait3A_25 : memref<80x128xi32, #tpu.memory_space<hbm>>) dst(%arg6 : memref<80x128xi32, #tpu.memory_space<vmem>>)
      tpu.yield
    }) : () -> ()
    %barrier3A = arith.constant 0 : index
    tpu.barrier barrier_id(%barrier3A)
    %scan3A = arith.constant 0 : i32
    %scan3A_3 = arith.constant 80 : i32
    %scan3A_4 = arith.addi %scan3A, %scan3A_3 : i32
    %scan3A_5 = arith.constant 1 : i32
    scf.for %scan3A_12 = %scan3A to %scan3A_4 step %scan3A_5  : i32 {
      %mul3A_13 = arith.constant 1 : i32
      %mul3A_14 = arith.muli %scan3A_12, %mul3A_13 : i32
      %add3A_15 = arith.constant 0 : i32
      %add3A_16 = arith.addi %add3A_15, %mul3A_14 : i32
      "tpu.region"() ({
        %run_scoped3A = tpu.sem_alloc : memref<!tpu.dma_semaphore, #tpu.memory_space<semaphore_mem>>
        %dma_start3A = arith.constant 0 : i32
        %dma_start3A_17 = tpu.memref_slice %arg6[%add3A_16, %dma_start3A] : memref<80x128xi32, #tpu.memory_space<vmem>> -> memref<1x128xi32, #tpu.memory_space<vmem>>
        %dma_start3A_18 = tpu.memref_squeeze %dma_start3A_17 : memref<1x128xi32, #tpu.memory_space<vmem>> -> memref<128xi32, #tpu.memory_space<vmem>>
        %dma_start3A_19 = arith.constant 0 : i32
        %dma_start3A_20 = arith.constant 0 : i32
        %dma_start3A_21 = tpu.memref_slice %arg8[%dma_start3A_19, %dma_start3A_20] : memref<10240x128xf32, #tpu.memory_space<vmem_shared>> -> memref<10240x128xf32, #tpu.memory_space<vmem_shared>>
        tpu.enqueue_indirect_dma source(%arg7 : memref<128x128xf32, #tpu.memory_space<vmem>>) target(%dma_start3A_21 : memref<10240x128xf32, #tpu.memory_space<vmem_shared>>) offsets(%dma_start3A_18 : memref<128xi32, #tpu.memory_space<vmem>>) semaphore(%run_scoped3A : memref<!tpu.dma_semaphore, #tpu.memory_space<semaphore_mem>>) {add = true}
        %dma_wait3A = arith.constant 0 : i32
        %dma_wait3A_22 = tpu.memref_slice %arg6[%add3A_16, %dma_wait3A] : memref<80x128xi32, #tpu.memory_space<vmem>> -> memref<1x128xi32, #tpu.memory_space<vmem>>
        %dma_wait3A_23 = tpu.memref_squeeze %dma_wait3A_22 : memref<1x128xi32, #tpu.memory_space<vmem>> -> memref<128xi32, #tpu.memory_space<vmem>>
        %dma_wait3A_24 = arith.constant 0 : i32
        %dma_wait3A_25 = arith.constant 0 : i32
        %dma_wait3A_26 = tpu.memref_slice %arg8[%dma_wait3A_24, %dma_wait3A_25] : memref<10240x128xf32, #tpu.memory_space<vmem_shared>> -> memref<10240x128xf32, #tpu.memory_space<vmem_shared>>
        tpu.wait_indirect_dma semaphore(%run_scoped3A : memref<!tpu.dma_semaphore, #tpu.memory_space<semaphore_mem>>) src(%arg7 : memref<128x128xf32, #tpu.memory_space<vmem>>) dst(%dma_wait3A_26 : memref<10240x128xf32, #tpu.memory_space<vmem_shared>>)
        tpu.yield
      }) : () -> ()
    }
    %scan3A_6 = arith.constant 80 : i32
    %barrier3A_7 = arith.constant 0 : index
    tpu.barrier barrier_id(%barrier3A_7)
    %mul3A_8 = arith.constant 640 : i32
    %mul3A_9 = arith.muli %arg1, %mul3A_8 : i32
    %mul3A_10 = arith.constant 640 : i32
    %mul3A_11 = arith.muli %arg1, %mul3A_10 : i32
    "tpu.region"() ({
      %run_scoped3A = tpu.sem_alloc : memref<!tpu.dma_semaphore, #tpu.memory_space<semaphore_mem>>
      %dma_start3A = arith.constant 0 : i32
      %dma_start3A_12 = tpu.memref_slice %arg5[%arg0, %mul3A_11, %dma_start3A] : memref<2x10240x128xf32, #tpu.memory_space<hbm>> -> memref<1x640x128xf32, #tpu.memory_space<hbm>>
      %dma_start3A_13 = tpu.memref_squeeze %dma_start3A_12 : memref<1x640x128xf32, #tpu.memory_space<hbm>> -> memref<640x128xf32, #tpu.memory_space<hbm>>
      %dma_start3A_14 = arith.constant 0 : i32
      %dma_start3A_15 = tpu.memref_slice %arg8[%mul3A_9, %dma_start3A_14] : memref<10240x128xf32, #tpu.memory_space<vmem_shared>> -> memref<640x128xf32, #tpu.memory_space<vmem_shared>>
      tpu.enqueue_dma source(%dma_start3A_15 : memref<640x128xf32, #tpu.memory_space<vmem_shared>>) target(%dma_start3A_13 : memref<640x128xf32, #tpu.memory_space<hbm>>) target_semaphore(%run_scoped3A : memref<!tpu.dma_semaphore, #tpu.memory_space<semaphore_mem>>)
      %dma_wait3A = arith.constant 0 : i32
      %dma_wait3A_16 = tpu.memref_slice %arg5[%arg0, %mul3A_11, %dma_wait3A] : memref<2x10240x128xf32, #tpu.memory_space<hbm>> -> memref<1x640x128xf32, #tpu.memory_space<hbm>>
      %dma_wait3A_17 = tpu.memref_squeeze %dma_wait3A_16 : memref<1x640x128xf32, #tpu.memory_space<hbm>> -> memref<640x128xf32, #tpu.memory_space<hbm>>
      %dma_wait3A_18 = arith.constant 0 : i32
      %dma_wait3A_19 = tpu.memref_slice %arg8[%mul3A_9, %dma_wait3A_18] : memref<10240x128xf32, #tpu.memory_space<vmem_shared>> -> memref<640x128xf32, #tpu.memory_space<vmem_shared>>
      tpu.wait_dma2 semaphore(%run_scoped3A : memref<!tpu.dma_semaphore, #tpu.memory_space<semaphore_mem>>) src(%dma_wait3A_19 : memref<640x128xf32, #tpu.memory_space<vmem_shared>>) dst(%dma_wait3A_17 : memref<640x128xf32, #tpu.memory_space<hbm>>)
      tpu.yield
    }) : () -> ()
    return
  }
}

#map = affine_map<(d0, d1) -> (0, 0)>
#map1 = affine_map<(d0, d1) -> (0, 0, 0)>
module attributes {stable_mosaic.version = 14 : i64} {
  func.func @_prop_body(%arg0: i32, %arg1: i32, %arg2: memref<10240x128xf32, #tpu.memory_space<hbm>>, %arg3: memref<32x80x128xi32, #tpu.memory_space<hbm>>, %arg4: memref<32x80x128xi32, #tpu.memory_space<hbm>>, %arg5: memref<640x128xf32, #tpu.memory_space<hbm>>, %arg6: memref<2x10240x128xf32, #tpu.memory_space<hbm>>, %arg7: memref<16x128xi32, #tpu.memory_space<vmem>>, %arg8: memref<16x128xi32, #tpu.memory_space<vmem>>, %arg9: memref<128x128xf32, #tpu.memory_space<vmem>>, %arg10: memref<128x128xf32, #tpu.memory_space<vmem>>, %arg11: memref<10240x128xf32, #tpu.memory_space<vmem_shared>>, %arg12: memref<!tpu.dma_semaphore, #tpu.memory_space<semaphore_mem>>, %arg13: memref<!tpu.dma_semaphore, #tpu.memory_space<semaphore_mem>>) attributes {dimension_semantics = [#tpu.dimension_semantics<core_parallel>, #tpu.dimension_semantics<subcore_parallel>], iteration_bounds = array<i64: 2, 16>, scalar_prefetch = 0 : i64, scratch_operands = 7 : i64, tpu.core_type = #tpu.core_type<sc_vector_subcore>, window_params = [{transform_indices = #map}, {transform_indices = #map1}, {transform_indices = #map1}, {transform_indices = #map}, {transform_indices = #map1}]} {
    %mul3A = arith.constant 16 : i32
    %mul3A_0 = arith.muli %arg0, %mul3A : i32
    %add3A = arith.addi %mul3A_0, %arg1 : i32
    %mul3A_1 = arith.constant 640 : i32
    %mul3A_2 = arith.muli %arg1, %mul3A_1 : i32
    "tpu.region"() ({
      %run_scoped3A = tpu.sem_alloc : memref<!tpu.dma_semaphore, #tpu.memory_space<semaphore_mem>>
      %dma_start3A_100 = arith.constant 0 : i32
      %dma_start3A_101 = tpu.memref_slice %arg11[%mul3A_2, %dma_start3A_100] : memref<10240x128xf32, #tpu.memory_space<vmem_shared>> -> memref<640x128xf32, #tpu.memory_space<vmem_shared>>
      tpu.enqueue_dma source(%arg5 : memref<640x128xf32, #tpu.memory_space<hbm>>) target(%dma_start3A_101 : memref<640x128xf32, #tpu.memory_space<vmem_shared>>) target_semaphore(%run_scoped3A : memref<!tpu.dma_semaphore, #tpu.memory_space<semaphore_mem>>)
      %dma_wait3A_102 = arith.constant 0 : i32
      %dma_wait3A_103 = tpu.memref_slice %arg11[%mul3A_2, %dma_wait3A_102] : memref<10240x128xf32, #tpu.memory_space<vmem_shared>> -> memref<640x128xf32, #tpu.memory_space<vmem_shared>>
      tpu.wait_dma2 semaphore(%run_scoped3A : memref<!tpu.dma_semaphore, #tpu.memory_space<semaphore_mem>>) src(%arg5 : memref<640x128xf32, #tpu.memory_space<hbm>>) dst(%dma_wait3A_103 : memref<640x128xf32, #tpu.memory_space<vmem_shared>>)
      tpu.yield
    }) : () -> ()
    %barrier3A = arith.constant 0 : index
    tpu.barrier barrier_id(%barrier3A)
    "tpu.region"() ({
      %run_scoped3A = tpu.sem_alloc : memref<!tpu.dma_semaphore, #tpu.memory_space<semaphore_mem>>
      %dma_start3A_100 = arith.constant 0 : i32
      %dma_start3A_101 = arith.constant 0 : i32
      %dma_start3A_102 = tpu.memref_slice %arg3[%add3A, %dma_start3A_100, %dma_start3A_101] : memref<32x80x128xi32, #tpu.memory_space<hbm>> -> memref<1x16x128xi32, #tpu.memory_space<hbm>>
      %dma_start3A_103 = tpu.memref_squeeze %dma_start3A_102 : memref<1x16x128xi32, #tpu.memory_space<hbm>> -> memref<16x128xi32, #tpu.memory_space<hbm>>
      %dma_start3A_104 = arith.constant 0 : i32
      %dma_start3A_105 = arith.constant 0 : i32
      %dma_start3A_106 = tpu.memref_slice %arg3[%add3A, %dma_start3A_104, %dma_start3A_105] : memref<32x80x128xi32, #tpu.memory_space<hbm>> -> memref<1x16x128xi32, #tpu.memory_space<hbm>>
      %dma_start3A_107 = tpu.memref_squeeze %dma_start3A_106 : memref<1x16x128xi32, #tpu.memory_space<hbm>> -> memref<16x128xi32, #tpu.memory_space<hbm>>
      tpu.enqueue_dma source(%dma_start3A_107 : memref<16x128xi32, #tpu.memory_space<hbm>>) target(%arg7 : memref<16x128xi32, #tpu.memory_space<vmem>>) target_semaphore(%run_scoped3A : memref<!tpu.dma_semaphore, #tpu.memory_space<semaphore_mem>>)
      %dma_wait3A_108 = arith.constant 0 : i32
      %dma_wait3A_109 = arith.constant 0 : i32
      %dma_wait3A_110 = tpu.memref_slice %arg3[%add3A, %dma_wait3A_108, %dma_wait3A_109] : memref<32x80x128xi32, #tpu.memory_space<hbm>> -> memref<1x16x128xi32, #tpu.memory_space<hbm>>
      %dma_wait3A_111 = tpu.memref_squeeze %dma_wait3A_110 : memref<1x16x128xi32, #tpu.memory_space<hbm>> -> memref<16x128xi32, #tpu.memory_space<hbm>>
      %dma_wait3A_112 = arith.constant 0 : i32
      %dma_wait3A_113 = arith.constant 0 : i32
      %dma_wait3A_114 = tpu.memref_slice %arg3[%add3A, %dma_wait3A_112, %dma_wait3A_113] : memref<32x80x128xi32, #tpu.memory_space<hbm>> -> memref<1x16x128xi32, #tpu.memory_space<hbm>>
      %dma_wait3A_115 = tpu.memref_squeeze %dma_wait3A_114 : memref<1x16x128xi32, #tpu.memory_space<hbm>> -> memref<16x128xi32, #tpu.memory_space<hbm>>
      tpu.wait_dma2 semaphore(%run_scoped3A : memref<!tpu.dma_semaphore, #tpu.memory_space<semaphore_mem>>) src(%dma_wait3A_115 : memref<16x128xi32, #tpu.memory_space<hbm>>) dst(%arg7 : memref<16x128xi32, #tpu.memory_space<vmem>>)
      tpu.yield
    }) : () -> ()
    "tpu.region"() ({
      %run_scoped3A = tpu.sem_alloc : memref<!tpu.dma_semaphore, #tpu.memory_space<semaphore_mem>>
      %dma_start3A_100 = arith.constant 0 : i32
      %dma_start3A_101 = arith.constant 0 : i32
      %dma_start3A_102 = tpu.memref_slice %arg4[%add3A, %dma_start3A_100, %dma_start3A_101] : memref<32x80x128xi32, #tpu.memory_space<hbm>> -> memref<1x16x128xi32, #tpu.memory_space<hbm>>
      %dma_start3A_103 = tpu.memref_squeeze %dma_start3A_102 : memref<1x16x128xi32, #tpu.memory_space<hbm>> -> memref<16x128xi32, #tpu.memory_space<hbm>>
      %dma_start3A_104 = arith.constant 0 : i32
      %dma_start3A_105 = arith.constant 0 : i32
      %dma_start3A_106 = tpu.memref_slice %arg4[%add3A, %dma_start3A_104, %dma_start3A_105] : memref<32x80x128xi32, #tpu.memory_space<hbm>> -> memref<1x16x128xi32, #tpu.memory_space<hbm>>
      %dma_start3A_107 = tpu.memref_squeeze %dma_start3A_106 : memref<1x16x128xi32, #tpu.memory_space<hbm>> -> memref<16x128xi32, #tpu.memory_space<hbm>>
      tpu.enqueue_dma source(%dma_start3A_107 : memref<16x128xi32, #tpu.memory_space<hbm>>) target(%arg8 : memref<16x128xi32, #tpu.memory_space<vmem>>) target_semaphore(%run_scoped3A : memref<!tpu.dma_semaphore, #tpu.memory_space<semaphore_mem>>)
      %dma_wait3A_108 = arith.constant 0 : i32
      %dma_wait3A_109 = arith.constant 0 : i32
      %dma_wait3A_110 = tpu.memref_slice %arg4[%add3A, %dma_wait3A_108, %dma_wait3A_109] : memref<32x80x128xi32, #tpu.memory_space<hbm>> -> memref<1x16x128xi32, #tpu.memory_space<hbm>>
      %dma_wait3A_111 = tpu.memref_squeeze %dma_wait3A_110 : memref<1x16x128xi32, #tpu.memory_space<hbm>> -> memref<16x128xi32, #tpu.memory_space<hbm>>
      %dma_wait3A_112 = arith.constant 0 : i32
      %dma_wait3A_113 = arith.constant 0 : i32
      %dma_wait3A_114 = tpu.memref_slice %arg4[%add3A, %dma_wait3A_112, %dma_wait3A_113] : memref<32x80x128xi32, #tpu.memory_space<hbm>> -> memref<1x16x128xi32, #tpu.memory_space<hbm>>
      %dma_wait3A_115 = tpu.memref_squeeze %dma_wait3A_114 : memref<1x16x128xi32, #tpu.memory_space<hbm>> -> memref<16x128xi32, #tpu.memory_space<hbm>>
      tpu.wait_dma2 semaphore(%run_scoped3A : memref<!tpu.dma_semaphore, #tpu.memory_space<semaphore_mem>>) src(%dma_wait3A_115 : memref<16x128xi32, #tpu.memory_space<hbm>>) dst(%arg8 : memref<16x128xi32, #tpu.memory_space<vmem>>)
      tpu.yield
    }) : () -> ()
    %dma_start3A = arith.constant 0 : i32
    %dma_start3A_3 = arith.constant 0 : i32
    %dma_start3A_4 = tpu.memref_slice %arg7[%dma_start3A, %dma_start3A_3] : memref<16x128xi32, #tpu.memory_space<vmem>> -> memref<1x128xi32, #tpu.memory_space<vmem>>
    %dma_start3A_5 = tpu.memref_squeeze %dma_start3A_4 : memref<1x128xi32, #tpu.memory_space<vmem>> -> memref<128xi32, #tpu.memory_space<vmem>>
    %dma_start3A_6 = arith.constant 0 : i32
    %dma_start3A_7 = arith.constant 0 : i32
    %dma_start3A_8 = tpu.memref_slice %arg2[%dma_start3A_6, %dma_start3A_7] : memref<10240x128xf32, #tpu.memory_space<hbm>> -> memref<10240x128xf32, #tpu.memory_space<hbm>>
    tpu.enqueue_indirect_dma source(%dma_start3A_8 : memref<10240x128xf32, #tpu.memory_space<hbm>>) target(%arg9 : memref<128x128xf32, #tpu.memory_space<vmem>>) offsets(%dma_start3A_5 : memref<128xi32, #tpu.memory_space<vmem>>) semaphore(%arg12 : memref<!tpu.dma_semaphore, #tpu.memory_space<semaphore_mem>>)
    %scan3A = arith.constant 0 : i32
    %scan3A_9 = arith.constant 8 : i32
    %scan3A_10 = arith.addi %scan3A, %scan3A_9 : i32
    %scan3A_11 = arith.constant 1 : i32
    scf.for %scan3A_100 = %scan3A to %scan3A_10 step %scan3A_11  : i32 {
      %mul3A_101 = arith.constant 2 : i32
      %mul3A_102 = arith.muli %scan3A_100, %mul3A_101 : i32
      %add3A_103 = arith.constant 0 : i32
      %add3A_104 = arith.addi %add3A_103, %mul3A_102 : i32
      %add3A_105 = arith.constant 1 : i32
      %add3A_106 = arith.addi %add3A_104, %add3A_105 : i32
      %dma_start3A_107 = arith.constant 0 : i32
      %dma_start3A_108 = tpu.memref_slice %arg7[%add3A_106, %dma_start3A_107] : memref<16x128xi32, #tpu.memory_space<vmem>> -> memref<1x128xi32, #tpu.memory_space<vmem>>
      %dma_start3A_109 = tpu.memref_squeeze %dma_start3A_108 : memref<1x128xi32, #tpu.memory_space<vmem>> -> memref<128xi32, #tpu.memory_space<vmem>>
      %dma_start3A_110 = arith.constant 0 : i32
      %dma_start3A_111 = arith.constant 0 : i32
      %dma_start3A_112 = tpu.memref_slice %arg2[%dma_start3A_110, %dma_start3A_111] : memref<10240x128xf32, #tpu.memory_space<hbm>> -> memref<10240x128xf32, #tpu.memory_space<hbm>>
      tpu.enqueue_indirect_dma source(%dma_start3A_112 : memref<10240x128xf32, #tpu.memory_space<hbm>>) target(%arg10 : memref<128x128xf32, #tpu.memory_space<vmem>>) offsets(%dma_start3A_109 : memref<128xi32, #tpu.memory_space<vmem>>) semaphore(%arg13 : memref<!tpu.dma_semaphore, #tpu.memory_space<semaphore_mem>>)
      %dma_wait3A_113 = arith.constant 0 : i32
      %dma_wait3A_114 = tpu.memref_slice %arg7[%add3A_104, %dma_wait3A_113] : memref<16x128xi32, #tpu.memory_space<vmem>> -> memref<1x128xi32, #tpu.memory_space<vmem>>
      %dma_wait3A_115 = tpu.memref_squeeze %dma_wait3A_114 : memref<1x128xi32, #tpu.memory_space<vmem>> -> memref<128xi32, #tpu.memory_space<vmem>>
      %dma_wait3A_116 = arith.constant 0 : i32
      %dma_wait3A_117 = arith.constant 0 : i32
      %dma_wait3A_118 = tpu.memref_slice %arg2[%dma_wait3A_116, %dma_wait3A_117] : memref<10240x128xf32, #tpu.memory_space<hbm>> -> memref<10240x128xf32, #tpu.memory_space<hbm>>
      tpu.wait_indirect_dma semaphore(%arg12 : memref<!tpu.dma_semaphore, #tpu.memory_space<semaphore_mem>>) src(%dma_wait3A_118 : memref<10240x128xf32, #tpu.memory_space<hbm>>) dst(%arg9 : memref<128x128xf32, #tpu.memory_space<vmem>>)
      "tpu.region"() ({
        %run_scoped3A = tpu.sem_alloc : memref<!tpu.dma_semaphore, #tpu.memory_space<semaphore_mem>>
        %dma_start3A_140 = arith.constant 0 : i32
        %dma_start3A_141 = tpu.memref_slice %arg8[%add3A_104, %dma_start3A_140] : memref<16x128xi32, #tpu.memory_space<vmem>> -> memref<1x128xi32, #tpu.memory_space<vmem>>
        %dma_start3A_142 = tpu.memref_squeeze %dma_start3A_141 : memref<1x128xi32, #tpu.memory_space<vmem>> -> memref<128xi32, #tpu.memory_space<vmem>>
        %dma_start3A_143 = arith.constant 0 : i32
        %dma_start3A_144 = arith.constant 0 : i32
        %dma_start3A_145 = tpu.memref_slice %arg11[%dma_start3A_143, %dma_start3A_144] : memref<10240x128xf32, #tpu.memory_space<vmem_shared>> -> memref<10240x128xf32, #tpu.memory_space<vmem_shared>>
        tpu.enqueue_indirect_dma source(%arg9 : memref<128x128xf32, #tpu.memory_space<vmem>>) target(%dma_start3A_145 : memref<10240x128xf32, #tpu.memory_space<vmem_shared>>) offsets(%dma_start3A_142 : memref<128xi32, #tpu.memory_space<vmem>>) semaphore(%run_scoped3A : memref<!tpu.dma_semaphore, #tpu.memory_space<semaphore_mem>>) {add = true}
        %dma_wait3A_146 = arith.constant 0 : i32
        %dma_wait3A_147 = tpu.memref_slice %arg8[%add3A_104, %dma_wait3A_146] : memref<16x128xi32, #tpu.memory_space<vmem>> -> memref<1x128xi32, #tpu.memory_space<vmem>>
        %dma_wait3A_148 = tpu.memref_squeeze %dma_wait3A_147 : memref<1x128xi32, #tpu.memory_space<vmem>> -> memref<128xi32, #tpu.memory_space<vmem>>
        %dma_wait3A_149 = arith.constant 0 : i32
        %dma_wait3A_150 = arith.constant 0 : i32
        %dma_wait3A_151 = tpu.memref_slice %arg11[%dma_wait3A_149, %dma_wait3A_150] : memref<10240x128xf32, #tpu.memory_space<vmem_shared>> -> memref<10240x128xf32, #tpu.memory_space<vmem_shared>>
        tpu.wait_indirect_dma semaphore(%run_scoped3A : memref<!tpu.dma_semaphore, #tpu.memory_space<semaphore_mem>>) src(%arg9 : memref<128x128xf32, #tpu.memory_space<vmem>>) dst(%dma_wait3A_151 : memref<10240x128xf32, #tpu.memory_space<vmem_shared>>)
        tpu.yield
      }) : () -> ()
      %add3A_119 = arith.constant 2 : i32
      %add3A_120 = arith.addi %add3A_104, %add3A_119 : i32
      %lt3A = arith.constant 16 : i32
      %lt3A_121 = arith.cmpi slt, %add3A_120, %lt3A : i32
      %add3A_122 = arith.constant 2 : i32
      %add3A_123 = arith.addi %add3A_104, %add3A_122 : i32
      %jit3A = arith.constant 0 : i32
      %select_n3A = arith.select %lt3A_121, %add3A_123, %jit3A : i32
      %dma_start3A_124 = arith.constant 0 : i32
      %dma_start3A_125 = tpu.memref_slice %arg7[%select_n3A, %dma_start3A_124] : memref<16x128xi32, #tpu.memory_space<vmem>> -> memref<1x128xi32, #tpu.memory_space<vmem>>
      %dma_start3A_126 = tpu.memref_squeeze %dma_start3A_125 : memref<1x128xi32, #tpu.memory_space<vmem>> -> memref<128xi32, #tpu.memory_space<vmem>>
      %dma_start3A_127 = arith.constant 0 : i32
      %dma_start3A_128 = arith.constant 0 : i32
      %dma_start3A_129 = tpu.memref_slice %arg2[%dma_start3A_127, %dma_start3A_128] : memref<10240x128xf32, #tpu.memory_space<hbm>> -> memref<10240x128xf32, #tpu.memory_space<hbm>>
      tpu.enqueue_indirect_dma source(%dma_start3A_129 : memref<10240x128xf32, #tpu.memory_space<hbm>>) target(%arg9 : memref<128x128xf32, #tpu.memory_space<vmem>>) offsets(%dma_start3A_126 : memref<128xi32, #tpu.memory_space<vmem>>) semaphore(%arg12 : memref<!tpu.dma_semaphore, #tpu.memory_space<semaphore_mem>>)
      %add3A_130 = arith.constant 1 : i32
      %add3A_131 = arith.addi %add3A_104, %add3A_130 : i32
      %dma_wait3A_132 = arith.constant 0 : i32
      %dma_wait3A_133 = tpu.memref_slice %arg7[%add3A_131, %dma_wait3A_132] : memref<16x128xi32, #tpu.memory_space<vmem>> -> memref<1x128xi32, #tpu.memory_space<vmem>>
      %dma_wait3A_134 = tpu.memref_squeeze %dma_wait3A_133 : memref<1x128xi32, #tpu.memory_space<vmem>> -> memref<128xi32, #tpu.memory_space<vmem>>
      %dma_wait3A_135 = arith.constant 0 : i32
      %dma_wait3A_136 = arith.constant 0 : i32
      %dma_wait3A_137 = tpu.memref_slice %arg2[%dma_wait3A_135, %dma_wait3A_136] : memref<10240x128xf32, #tpu.memory_space<hbm>> -> memref<10240x128xf32, #tpu.memory_space<hbm>>
      tpu.wait_indirect_dma semaphore(%arg13 : memref<!tpu.dma_semaphore, #tpu.memory_space<semaphore_mem>>) src(%dma_wait3A_137 : memref<10240x128xf32, #tpu.memory_space<hbm>>) dst(%arg10 : memref<128x128xf32, #tpu.memory_space<vmem>>)
      %add3A_138 = arith.constant 1 : i32
      %add3A_139 = arith.addi %add3A_104, %add3A_138 : i32
      "tpu.region"() ({
        %run_scoped3A = tpu.sem_alloc : memref<!tpu.dma_semaphore, #tpu.memory_space<semaphore_mem>>
        %dma_start3A_140 = arith.constant 0 : i32
        %dma_start3A_141 = tpu.memref_slice %arg8[%add3A_139, %dma_start3A_140] : memref<16x128xi32, #tpu.memory_space<vmem>> -> memref<1x128xi32, #tpu.memory_space<vmem>>
        %dma_start3A_142 = tpu.memref_squeeze %dma_start3A_141 : memref<1x128xi32, #tpu.memory_space<vmem>> -> memref<128xi32, #tpu.memory_space<vmem>>
        %dma_start3A_143 = arith.constant 0 : i32
        %dma_start3A_144 = arith.constant 0 : i32
        %dma_start3A_145 = tpu.memref_slice %arg11[%dma_start3A_143, %dma_start3A_144] : memref<10240x128xf32, #tpu.memory_space<vmem_shared>> -> memref<10240x128xf32, #tpu.memory_space<vmem_shared>>
        tpu.enqueue_indirect_dma source(%arg10 : memref<128x128xf32, #tpu.memory_space<vmem>>) target(%dma_start3A_145 : memref<10240x128xf32, #tpu.memory_space<vmem_shared>>) offsets(%dma_start3A_142 : memref<128xi32, #tpu.memory_space<vmem>>) semaphore(%run_scoped3A : memref<!tpu.dma_semaphore, #tpu.memory_space<semaphore_mem>>) {add = true}
        %dma_wait3A_146 = arith.constant 0 : i32
        %dma_wait3A_147 = tpu.memref_slice %arg8[%add3A_139, %dma_wait3A_146] : memref<16x128xi32, #tpu.memory_space<vmem>> -> memref<1x128xi32, #tpu.memory_space<vmem>>
        %dma_wait3A_148 = tpu.memref_squeeze %dma_wait3A_147 : memref<1x128xi32, #tpu.memory_space<vmem>> -> memref<128xi32, #tpu.memory_space<vmem>>
        %dma_wait3A_149 = arith.constant 0 : i32
        %dma_wait3A_150 = arith.constant 0 : i32
        %dma_wait3A_151 = tpu.memref_slice %arg11[%dma_wait3A_149, %dma_wait3A_150] : memref<10240x128xf32, #tpu.memory_space<vmem_shared>> -> memref<10240x128xf32, #tpu.memory_space<vmem_shared>>
        tpu.wait_indirect_dma semaphore(%run_scoped3A : memref<!tpu.dma_semaphore, #tpu.memory_space<semaphore_mem>>) src(%arg10 : memref<128x128xf32, #tpu.memory_space<vmem>>) dst(%dma_wait3A_151 : memref<10240x128xf32, #tpu.memory_space<vmem_shared>>)
        tpu.yield
      }) : () -> ()
    }
    %scan3A_12 = arith.constant 8 : i32
    %dma_wait3A = arith.constant 0 : i32
    %dma_wait3A_13 = arith.constant 0 : i32
    %dma_wait3A_14 = tpu.memref_slice %arg7[%dma_wait3A, %dma_wait3A_13] : memref<16x128xi32, #tpu.memory_space<vmem>> -> memref<1x128xi32, #tpu.memory_space<vmem>>
    %dma_wait3A_15 = tpu.memref_squeeze %dma_wait3A_14 : memref<1x128xi32, #tpu.memory_space<vmem>> -> memref<128xi32, #tpu.memory_space<vmem>>
    %dma_wait3A_16 = arith.constant 0 : i32
    %dma_wait3A_17 = arith.constant 0 : i32
    %dma_wait3A_18 = tpu.memref_slice %arg2[%dma_wait3A_16, %dma_wait3A_17] : memref<10240x128xf32, #tpu.memory_space<hbm>> -> memref<10240x128xf32, #tpu.memory_space<hbm>>
    tpu.wait_indirect_dma semaphore(%arg12 : memref<!tpu.dma_semaphore, #tpu.memory_space<semaphore_mem>>) src(%dma_wait3A_18 : memref<10240x128xf32, #tpu.memory_space<hbm>>) dst(%arg9 : memref<128x128xf32, #tpu.memory_space<vmem>>)
    "tpu.region"() ({
      %run_scoped3A = tpu.sem_alloc : memref<!tpu.dma_semaphore, #tpu.memory_space<semaphore_mem>>
      %dma_start3A_100 = arith.constant 16 : i32
      %dma_start3A_101 = arith.constant 0 : i32
      %dma_start3A_102 = tpu.memref_slice %arg3[%add3A, %dma_start3A_100, %dma_start3A_101] : memref<32x80x128xi32, #tpu.memory_space<hbm>> -> memref<1x16x128xi32, #tpu.memory_space<hbm>>
      %dma_start3A_103 = tpu.memref_squeeze %dma_start3A_102 : memref<1x16x128xi32, #tpu.memory_space<hbm>> -> memref<16x128xi32, #tpu.memory_space<hbm>>
      %dma_start3A_104 = arith.constant 16 : i32
      %dma_start3A_105 = arith.constant 0 : i32
      %dma_start3A_106 = tpu.memref_slice %arg3[%add3A, %dma_start3A_104, %dma_start3A_105] : memref<32x80x128xi32, #tpu.memory_space<hbm>> -> memref<1x16x128xi32, #tpu.memory_space<hbm>>
      %dma_start3A_107 = tpu.memref_squeeze %dma_start3A_106 : memref<1x16x128xi32, #tpu.memory_space<hbm>> -> memref<16x128xi32, #tpu.memory_space<hbm>>
      tpu.enqueue_dma source(%dma_start3A_107 : memref<16x128xi32, #tpu.memory_space<hbm>>) target(%arg7 : memref<16x128xi32, #tpu.memory_space<vmem>>) target_semaphore(%run_scoped3A : memref<!tpu.dma_semaphore, #tpu.memory_space<semaphore_mem>>)
      %dma_wait3A_108 = arith.constant 16 : i32
      %dma_wait3A_109 = arith.constant 0 : i32
      %dma_wait3A_110 = tpu.memref_slice %arg3[%add3A, %dma_wait3A_108, %dma_wait3A_109] : memref<32x80x128xi32, #tpu.memory_space<hbm>> -> memref<1x16x128xi32, #tpu.memory_space<hbm>>
      %dma_wait3A_111 = tpu.memref_squeeze %dma_wait3A_110 : memref<1x16x128xi32, #tpu.memory_space<hbm>> -> memref<16x128xi32, #tpu.memory_space<hbm>>
      %dma_wait3A_112 = arith.constant 16 : i32
      %dma_wait3A_113 = arith.constant 0 : i32
      %dma_wait3A_114 = tpu.memref_slice %arg3[%add3A, %dma_wait3A_112, %dma_wait3A_113] : memref<32x80x128xi32, #tpu.memory_space<hbm>> -> memref<1x16x128xi32, #tpu.memory_space<hbm>>
      %dma_wait3A_115 = tpu.memref_squeeze %dma_wait3A_114 : memref<1x16x128xi32, #tpu.memory_space<hbm>> -> memref<16x128xi32, #tpu.memory_space<hbm>>
      tpu.wait_dma2 semaphore(%run_scoped3A : memref<!tpu.dma_semaphore, #tpu.memory_space<semaphore_mem>>) src(%dma_wait3A_115 : memref<16x128xi32, #tpu.memory_space<hbm>>) dst(%arg7 : memref<16x128xi32, #tpu.memory_space<vmem>>)
      tpu.yield
    }) : () -> ()
    "tpu.region"() ({
      %run_scoped3A = tpu.sem_alloc : memref<!tpu.dma_semaphore, #tpu.memory_space<semaphore_mem>>
      %dma_start3A_100 = arith.constant 16 : i32
      %dma_start3A_101 = arith.constant 0 : i32
      %dma_start3A_102 = tpu.memref_slice %arg4[%add3A, %dma_start3A_100, %dma_start3A_101] : memref<32x80x128xi32, #tpu.memory_space<hbm>> -> memref<1x16x128xi32, #tpu.memory_space<hbm>>
      %dma_start3A_103 = tpu.memref_squeeze %dma_start3A_102 : memref<1x16x128xi32, #tpu.memory_space<hbm>> -> memref<16x128xi32, #tpu.memory_space<hbm>>
      %dma_start3A_104 = arith.constant 16 : i32
      %dma_start3A_105 = arith.constant 0 : i32
      %dma_start3A_106 = tpu.memref_slice %arg4[%add3A, %dma_start3A_104, %dma_start3A_105] : memref<32x80x128xi32, #tpu.memory_space<hbm>> -> memref<1x16x128xi32, #tpu.memory_space<hbm>>
      %dma_start3A_107 = tpu.memref_squeeze %dma_start3A_106 : memref<1x16x128xi32, #tpu.memory_space<hbm>> -> memref<16x128xi32, #tpu.memory_space<hbm>>
      tpu.enqueue_dma source(%dma_start3A_107 : memref<16x128xi32, #tpu.memory_space<hbm>>) target(%arg8 : memref<16x128xi32, #tpu.memory_space<vmem>>) target_semaphore(%run_scoped3A : memref<!tpu.dma_semaphore, #tpu.memory_space<semaphore_mem>>)
      %dma_wait3A_108 = arith.constant 16 : i32
      %dma_wait3A_109 = arith.constant 0 : i32
      %dma_wait3A_110 = tpu.memref_slice %arg4[%add3A, %dma_wait3A_108, %dma_wait3A_109] : memref<32x80x128xi32, #tpu.memory_space<hbm>> -> memref<1x16x128xi32, #tpu.memory_space<hbm>>
      %dma_wait3A_111 = tpu.memref_squeeze %dma_wait3A_110 : memref<1x16x128xi32, #tpu.memory_space<hbm>> -> memref<16x128xi32, #tpu.memory_space<hbm>>
      %dma_wait3A_112 = arith.constant 16 : i32
      %dma_wait3A_113 = arith.constant 0 : i32
      %dma_wait3A_114 = tpu.memref_slice %arg4[%add3A, %dma_wait3A_112, %dma_wait3A_113] : memref<32x80x128xi32, #tpu.memory_space<hbm>> -> memref<1x16x128xi32, #tpu.memory_space<hbm>>
      %dma_wait3A_115 = tpu.memref_squeeze %dma_wait3A_114 : memref<1x16x128xi32, #tpu.memory_space<hbm>> -> memref<16x128xi32, #tpu.memory_space<hbm>>
      tpu.wait_dma2 semaphore(%run_scoped3A : memref<!tpu.dma_semaphore, #tpu.memory_space<semaphore_mem>>) src(%dma_wait3A_115 : memref<16x128xi32, #tpu.memory_space<hbm>>) dst(%arg8 : memref<16x128xi32, #tpu.memory_space<vmem>>)
      tpu.yield
    }) : () -> ()
    %dma_start3A_19 = arith.constant 0 : i32
    %dma_start3A_20 = arith.constant 0 : i32
    %dma_start3A_21 = tpu.memref_slice %arg7[%dma_start3A_19, %dma_start3A_20] : memref<16x128xi32, #tpu.memory_space<vmem>> -> memref<1x128xi32, #tpu.memory_space<vmem>>
    %dma_start3A_22 = tpu.memref_squeeze %dma_start3A_21 : memref<1x128xi32, #tpu.memory_space<vmem>> -> memref<128xi32, #tpu.memory_space<vmem>>
    %dma_start3A_23 = arith.constant 0 : i32
    %dma_start3A_24 = arith.constant 0 : i32
    %dma_start3A_25 = tpu.memref_slice %arg2[%dma_start3A_23, %dma_start3A_24] : memref<10240x128xf32, #tpu.memory_space<hbm>> -> memref<10240x128xf32, #tpu.memory_space<hbm>>
    tpu.enqueue_indirect_dma source(%dma_start3A_25 : memref<10240x128xf32, #tpu.memory_space<hbm>>) target(%arg9 : memref<128x128xf32, #tpu.memory_space<vmem>>) offsets(%dma_start3A_22 : memref<128xi32, #tpu.memory_space<vmem>>) semaphore(%arg12 : memref<!tpu.dma_semaphore, #tpu.memory_space<semaphore_mem>>)
    %scan3A_26 = arith.constant 0 : i32
    %scan3A_27 = arith.constant 8 : i32
    %scan3A_28 = arith.addi %scan3A_26, %scan3A_27 : i32
    %scan3A_29 = arith.constant 1 : i32
    scf.for %scan3A_100 = %scan3A_26 to %scan3A_28 step %scan3A_29  : i32 {
      %mul3A_101 = arith.constant 2 : i32
      %mul3A_102 = arith.muli %scan3A_100, %mul3A_101 : i32
      %add3A_103 = arith.constant 0 : i32
      %add3A_104 = arith.addi %add3A_103, %mul3A_102 : i32
      %add3A_105 = arith.constant 1 : i32
      %add3A_106 = arith.addi %add3A_104, %add3A_105 : i32
      %dma_start3A_107 = arith.constant 0 : i32
      %dma_start3A_108 = tpu.memref_slice %arg7[%add3A_106, %dma_start3A_107] : memref<16x128xi32, #tpu.memory_space<vmem>> -> memref<1x128xi32, #tpu.memory_space<vmem>>
      %dma_start3A_109 = tpu.memref_squeeze %dma_start3A_108 : memref<1x128xi32, #tpu.memory_space<vmem>> -> memref<128xi32, #tpu.memory_space<vmem>>
      %dma_start3A_110 = arith.constant 0 : i32
      %dma_start3A_111 = arith.constant 0 : i32
      %dma_start3A_112 = tpu.memref_slice %arg2[%dma_start3A_110, %dma_start3A_111] : memref<10240x128xf32, #tpu.memory_space<hbm>> -> memref<10240x128xf32, #tpu.memory_space<hbm>>
      tpu.enqueue_indirect_dma source(%dma_start3A_112 : memref<10240x128xf32, #tpu.memory_space<hbm>>) target(%arg10 : memref<128x128xf32, #tpu.memory_space<vmem>>) offsets(%dma_start3A_109 : memref<128xi32, #tpu.memory_space<vmem>>) semaphore(%arg13 : memref<!tpu.dma_semaphore, #tpu.memory_space<semaphore_mem>>)
      %dma_wait3A_113 = arith.constant 0 : i32
      %dma_wait3A_114 = tpu.memref_slice %arg7[%add3A_104, %dma_wait3A_113] : memref<16x128xi32, #tpu.memory_space<vmem>> -> memref<1x128xi32, #tpu.memory_space<vmem>>
      %dma_wait3A_115 = tpu.memref_squeeze %dma_wait3A_114 : memref<1x128xi32, #tpu.memory_space<vmem>> -> memref<128xi32, #tpu.memory_space<vmem>>
      %dma_wait3A_116 = arith.constant 0 : i32
      %dma_wait3A_117 = arith.constant 0 : i32
      %dma_wait3A_118 = tpu.memref_slice %arg2[%dma_wait3A_116, %dma_wait3A_117] : memref<10240x128xf32, #tpu.memory_space<hbm>> -> memref<10240x128xf32, #tpu.memory_space<hbm>>
      tpu.wait_indirect_dma semaphore(%arg12 : memref<!tpu.dma_semaphore, #tpu.memory_space<semaphore_mem>>) src(%dma_wait3A_118 : memref<10240x128xf32, #tpu.memory_space<hbm>>) dst(%arg9 : memref<128x128xf32, #tpu.memory_space<vmem>>)
      "tpu.region"() ({
        %run_scoped3A = tpu.sem_alloc : memref<!tpu.dma_semaphore, #tpu.memory_space<semaphore_mem>>
        %dma_start3A_140 = arith.constant 0 : i32
        %dma_start3A_141 = tpu.memref_slice %arg8[%add3A_104, %dma_start3A_140] : memref<16x128xi32, #tpu.memory_space<vmem>> -> memref<1x128xi32, #tpu.memory_space<vmem>>
        %dma_start3A_142 = tpu.memref_squeeze %dma_start3A_141 : memref<1x128xi32, #tpu.memory_space<vmem>> -> memref<128xi32, #tpu.memory_space<vmem>>
        %dma_start3A_143 = arith.constant 0 : i32
        %dma_start3A_144 = arith.constant 0 : i32
        %dma_start3A_145 = tpu.memref_slice %arg11[%dma_start3A_143, %dma_start3A_144] : memref<10240x128xf32, #tpu.memory_space<vmem_shared>> -> memref<10240x128xf32, #tpu.memory_space<vmem_shared>>
        tpu.enqueue_indirect_dma source(%arg9 : memref<128x128xf32, #tpu.memory_space<vmem>>) target(%dma_start3A_145 : memref<10240x128xf32, #tpu.memory_space<vmem_shared>>) offsets(%dma_start3A_142 : memref<128xi32, #tpu.memory_space<vmem>>) semaphore(%run_scoped3A : memref<!tpu.dma_semaphore, #tpu.memory_space<semaphore_mem>>) {add = true}
        %dma_wait3A_146 = arith.constant 0 : i32
        %dma_wait3A_147 = tpu.memref_slice %arg8[%add3A_104, %dma_wait3A_146] : memref<16x128xi32, #tpu.memory_space<vmem>> -> memref<1x128xi32, #tpu.memory_space<vmem>>
        %dma_wait3A_148 = tpu.memref_squeeze %dma_wait3A_147 : memref<1x128xi32, #tpu.memory_space<vmem>> -> memref<128xi32, #tpu.memory_space<vmem>>
        %dma_wait3A_149 = arith.constant 0 : i32
        %dma_wait3A_150 = arith.constant 0 : i32
        %dma_wait3A_151 = tpu.memref_slice %arg11[%dma_wait3A_149, %dma_wait3A_150] : memref<10240x128xf32, #tpu.memory_space<vmem_shared>> -> memref<10240x128xf32, #tpu.memory_space<vmem_shared>>
        tpu.wait_indirect_dma semaphore(%run_scoped3A : memref<!tpu.dma_semaphore, #tpu.memory_space<semaphore_mem>>) src(%arg9 : memref<128x128xf32, #tpu.memory_space<vmem>>) dst(%dma_wait3A_151 : memref<10240x128xf32, #tpu.memory_space<vmem_shared>>)
        tpu.yield
      }) : () -> ()
      %add3A_119 = arith.constant 2 : i32
      %add3A_120 = arith.addi %add3A_104, %add3A_119 : i32
      %lt3A = arith.constant 16 : i32
      %lt3A_121 = arith.cmpi slt, %add3A_120, %lt3A : i32
      %add3A_122 = arith.constant 2 : i32
      %add3A_123 = arith.addi %add3A_104, %add3A_122 : i32
      %jit3A = arith.constant 0 : i32
      %select_n3A = arith.select %lt3A_121, %add3A_123, %jit3A : i32
      %dma_start3A_124 = arith.constant 0 : i32
      %dma_start3A_125 = tpu.memref_slice %arg7[%select_n3A, %dma_start3A_124] : memref<16x128xi32, #tpu.memory_space<vmem>> -> memref<1x128xi32, #tpu.memory_space<vmem>>
      %dma_start3A_126 = tpu.memref_squeeze %dma_start3A_125 : memref<1x128xi32, #tpu.memory_space<vmem>> -> memref<128xi32, #tpu.memory_space<vmem>>
      %dma_start3A_127 = arith.constant 0 : i32
      %dma_start3A_128 = arith.constant 0 : i32
      %dma_start3A_129 = tpu.memref_slice %arg2[%dma_start3A_127, %dma_start3A_128] : memref<10240x128xf32, #tpu.memory_space<hbm>> -> memref<10240x128xf32, #tpu.memory_space<hbm>>
      tpu.enqueue_indirect_dma source(%dma_start3A_129 : memref<10240x128xf32, #tpu.memory_space<hbm>>) target(%arg9 : memref<128x128xf32, #tpu.memory_space<vmem>>) offsets(%dma_start3A_126 : memref<128xi32, #tpu.memory_space<vmem>>) semaphore(%arg12 : memref<!tpu.dma_semaphore, #tpu.memory_space<semaphore_mem>>)
      %add3A_130 = arith.constant 1 : i32
      %add3A_131 = arith.addi %add3A_104, %add3A_130 : i32
      %dma_wait3A_132 = arith.constant 0 : i32
      %dma_wait3A_133 = tpu.memref_slice %arg7[%add3A_131, %dma_wait3A_132] : memref<16x128xi32, #tpu.memory_space<vmem>> -> memref<1x128xi32, #tpu.memory_space<vmem>>
      %dma_wait3A_134 = tpu.memref_squeeze %dma_wait3A_133 : memref<1x128xi32, #tpu.memory_space<vmem>> -> memref<128xi32, #tpu.memory_space<vmem>>
      %dma_wait3A_135 = arith.constant 0 : i32
      %dma_wait3A_136 = arith.constant 0 : i32
      %dma_wait3A_137 = tpu.memref_slice %arg2[%dma_wait3A_135, %dma_wait3A_136] : memref<10240x128xf32, #tpu.memory_space<hbm>> -> memref<10240x128xf32, #tpu.memory_space<hbm>>
      tpu.wait_indirect_dma semaphore(%arg13 : memref<!tpu.dma_semaphore, #tpu.memory_space<semaphore_mem>>) src(%dma_wait3A_137 : memref<10240x128xf32, #tpu.memory_space<hbm>>) dst(%arg10 : memref<128x128xf32, #tpu.memory_space<vmem>>)
      %add3A_138 = arith.constant 1 : i32
      %add3A_139 = arith.addi %add3A_104, %add3A_138 : i32
      "tpu.region"() ({
        %run_scoped3A = tpu.sem_alloc : memref<!tpu.dma_semaphore, #tpu.memory_space<semaphore_mem>>
        %dma_start3A_140 = arith.constant 0 : i32
        %dma_start3A_141 = tpu.memref_slice %arg8[%add3A_139, %dma_start3A_140] : memref<16x128xi32, #tpu.memory_space<vmem>> -> memref<1x128xi32, #tpu.memory_space<vmem>>
        %dma_start3A_142 = tpu.memref_squeeze %dma_start3A_141 : memref<1x128xi32, #tpu.memory_space<vmem>> -> memref<128xi32, #tpu.memory_space<vmem>>
        %dma_start3A_143 = arith.constant 0 : i32
        %dma_start3A_144 = arith.constant 0 : i32
        %dma_start3A_145 = tpu.memref_slice %arg11[%dma_start3A_143, %dma_start3A_144] : memref<10240x128xf32, #tpu.memory_space<vmem_shared>> -> memref<10240x128xf32, #tpu.memory_space<vmem_shared>>
        tpu.enqueue_indirect_dma source(%arg10 : memref<128x128xf32, #tpu.memory_space<vmem>>) target(%dma_start3A_145 : memref<10240x128xf32, #tpu.memory_space<vmem_shared>>) offsets(%dma_start3A_142 : memref<128xi32, #tpu.memory_space<vmem>>) semaphore(%run_scoped3A : memref<!tpu.dma_semaphore, #tpu.memory_space<semaphore_mem>>) {add = true}
        %dma_wait3A_146 = arith.constant 0 : i32
        %dma_wait3A_147 = tpu.memref_slice %arg8[%add3A_139, %dma_wait3A_146] : memref<16x128xi32, #tpu.memory_space<vmem>> -> memref<1x128xi32, #tpu.memory_space<vmem>>
        %dma_wait3A_148 = tpu.memref_squeeze %dma_wait3A_147 : memref<1x128xi32, #tpu.memory_space<vmem>> -> memref<128xi32, #tpu.memory_space<vmem>>
        %dma_wait3A_149 = arith.constant 0 : i32
        %dma_wait3A_150 = arith.constant 0 : i32
        %dma_wait3A_151 = tpu.memref_slice %arg11[%dma_wait3A_149, %dma_wait3A_150] : memref<10240x128xf32, #tpu.memory_space<vmem_shared>> -> memref<10240x128xf32, #tpu.memory_space<vmem_shared>>
        tpu.wait_indirect_dma semaphore(%run_scoped3A : memref<!tpu.dma_semaphore, #tpu.memory_space<semaphore_mem>>) src(%arg10 : memref<128x128xf32, #tpu.memory_space<vmem>>) dst(%dma_wait3A_151 : memref<10240x128xf32, #tpu.memory_space<vmem_shared>>)
        tpu.yield
      }) : () -> ()
    }
    %scan3A_30 = arith.constant 8 : i32
    %dma_wait3A_31 = arith.constant 0 : i32
    %dma_wait3A_32 = arith.constant 0 : i32
    %dma_wait3A_33 = tpu.memref_slice %arg7[%dma_wait3A_31, %dma_wait3A_32] : memref<16x128xi32, #tpu.memory_space<vmem>> -> memref<1x128xi32, #tpu.memory_space<vmem>>
    %dma_wait3A_34 = tpu.memref_squeeze %dma_wait3A_33 : memref<1x128xi32, #tpu.memory_space<vmem>> -> memref<128xi32, #tpu.memory_space<vmem>>
    %dma_wait3A_35 = arith.constant 0 : i32
    %dma_wait3A_36 = arith.constant 0 : i32
    %dma_wait3A_37 = tpu.memref_slice %arg2[%dma_wait3A_35, %dma_wait3A_36] : memref<10240x128xf32, #tpu.memory_space<hbm>> -> memref<10240x128xf32, #tpu.memory_space<hbm>>
    tpu.wait_indirect_dma semaphore(%arg12 : memref<!tpu.dma_semaphore, #tpu.memory_space<semaphore_mem>>) src(%dma_wait3A_37 : memref<10240x128xf32, #tpu.memory_space<hbm>>) dst(%arg9 : memref<128x128xf32, #tpu.memory_space<vmem>>)
    "tpu.region"() ({
      %run_scoped3A = tpu.sem_alloc : memref<!tpu.dma_semaphore, #tpu.memory_space<semaphore_mem>>
      %dma_start3A_100 = arith.constant 32 : i32
      %dma_start3A_101 = arith.constant 0 : i32
      %dma_start3A_102 = tpu.memref_slice %arg3[%add3A, %dma_start3A_100, %dma_start3A_101] : memref<32x80x128xi32, #tpu.memory_space<hbm>> -> memref<1x16x128xi32, #tpu.memory_space<hbm>>
      %dma_start3A_103 = tpu.memref_squeeze %dma_start3A_102 : memref<1x16x128xi32, #tpu.memory_space<hbm>> -> memref<16x128xi32, #tpu.memory_space<hbm>>
      %dma_start3A_104 = arith.constant 32 : i32
      %dma_start3A_105 = arith.constant 0 : i32
      %dma_start3A_106 = tpu.memref_slice %arg3[%add3A, %dma_start3A_104, %dma_start3A_105] : memref<32x80x128xi32, #tpu.memory_space<hbm>> -> memref<1x16x128xi32, #tpu.memory_space<hbm>>
      %dma_start3A_107 = tpu.memref_squeeze %dma_start3A_106 : memref<1x16x128xi32, #tpu.memory_space<hbm>> -> memref<16x128xi32, #tpu.memory_space<hbm>>
      tpu.enqueue_dma source(%dma_start3A_107 : memref<16x128xi32, #tpu.memory_space<hbm>>) target(%arg7 : memref<16x128xi32, #tpu.memory_space<vmem>>) target_semaphore(%run_scoped3A : memref<!tpu.dma_semaphore, #tpu.memory_space<semaphore_mem>>)
      %dma_wait3A_108 = arith.constant 32 : i32
      %dma_wait3A_109 = arith.constant 0 : i32
      %dma_wait3A_110 = tpu.memref_slice %arg3[%add3A, %dma_wait3A_108, %dma_wait3A_109] : memref<32x80x128xi32, #tpu.memory_space<hbm>> -> memref<1x16x128xi32, #tpu.memory_space<hbm>>
      %dma_wait3A_111 = tpu.memref_squeeze %dma_wait3A_110 : memref<1x16x128xi32, #tpu.memory_space<hbm>> -> memref<16x128xi32, #tpu.memory_space<hbm>>
      %dma_wait3A_112 = arith.constant 32 : i32
      %dma_wait3A_113 = arith.constant 0 : i32
      %dma_wait3A_114 = tpu.memref_slice %arg3[%add3A, %dma_wait3A_112, %dma_wait3A_113] : memref<32x80x128xi32, #tpu.memory_space<hbm>> -> memref<1x16x128xi32, #tpu.memory_space<hbm>>
      %dma_wait3A_115 = tpu.memref_squeeze %dma_wait3A_114 : memref<1x16x128xi32, #tpu.memory_space<hbm>> -> memref<16x128xi32, #tpu.memory_space<hbm>>
      tpu.wait_dma2 semaphore(%run_scoped3A : memref<!tpu.dma_semaphore, #tpu.memory_space<semaphore_mem>>) src(%dma_wait3A_115 : memref<16x128xi32, #tpu.memory_space<hbm>>) dst(%arg7 : memref<16x128xi32, #tpu.memory_space<vmem>>)
      tpu.yield
    }) : () -> ()
    "tpu.region"() ({
      %run_scoped3A = tpu.sem_alloc : memref<!tpu.dma_semaphore, #tpu.memory_space<semaphore_mem>>
      %dma_start3A_100 = arith.constant 32 : i32
      %dma_start3A_101 = arith.constant 0 : i32
      %dma_start3A_102 = tpu.memref_slice %arg4[%add3A, %dma_start3A_100, %dma_start3A_101] : memref<32x80x128xi32, #tpu.memory_space<hbm>> -> memref<1x16x128xi32, #tpu.memory_space<hbm>>
      %dma_start3A_103 = tpu.memref_squeeze %dma_start3A_102 : memref<1x16x128xi32, #tpu.memory_space<hbm>> -> memref<16x128xi32, #tpu.memory_space<hbm>>
      %dma_start3A_104 = arith.constant 32 : i32
      %dma_start3A_105 = arith.constant 0 : i32
      %dma_start3A_106 = tpu.memref_slice %arg4[%add3A, %dma_start3A_104, %dma_start3A_105] : memref<32x80x128xi32, #tpu.memory_space<hbm>> -> memref<1x16x128xi32, #tpu.memory_space<hbm>>
      %dma_start3A_107 = tpu.memref_squeeze %dma_start3A_106 : memref<1x16x128xi32, #tpu.memory_space<hbm>> -> memref<16x128xi32, #tpu.memory_space<hbm>>
      tpu.enqueue_dma source(%dma_start3A_107 : memref<16x128xi32, #tpu.memory_space<hbm>>) target(%arg8 : memref<16x128xi32, #tpu.memory_space<vmem>>) target_semaphore(%run_scoped3A : memref<!tpu.dma_semaphore, #tpu.memory_space<semaphore_mem>>)
      %dma_wait3A_108 = arith.constant 32 : i32
      %dma_wait3A_109 = arith.constant 0 : i32
      %dma_wait3A_110 = tpu.memref_slice %arg4[%add3A, %dma_wait3A_108, %dma_wait3A_109] : memref<32x80x128xi32, #tpu.memory_space<hbm>> -> memref<1x16x128xi32, #tpu.memory_space<hbm>>
      %dma_wait3A_111 = tpu.memref_squeeze %dma_wait3A_110 : memref<1x16x128xi32, #tpu.memory_space<hbm>> -> memref<16x128xi32, #tpu.memory_space<hbm>>
      %dma_wait3A_112 = arith.constant 32 : i32
      %dma_wait3A_113 = arith.constant 0 : i32
      %dma_wait3A_114 = tpu.memref_slice %arg4[%add3A, %dma_wait3A_112, %dma_wait3A_113] : memref<32x80x128xi32, #tpu.memory_space<hbm>> -> memref<1x16x128xi32, #tpu.memory_space<hbm>>
      %dma_wait3A_115 = tpu.memref_squeeze %dma_wait3A_114 : memref<1x16x128xi32, #tpu.memory_space<hbm>> -> memref<16x128xi32, #tpu.memory_space<hbm>>
      tpu.wait_dma2 semaphore(%run_scoped3A : memref<!tpu.dma_semaphore, #tpu.memory_space<semaphore_mem>>) src(%dma_wait3A_115 : memref<16x128xi32, #tpu.memory_space<hbm>>) dst(%arg8 : memref<16x128xi32, #tpu.memory_space<vmem>>)
      tpu.yield
    }) : () -> ()
    %dma_start3A_38 = arith.constant 0 : i32
    %dma_start3A_39 = arith.constant 0 : i32
    %dma_start3A_40 = tpu.memref_slice %arg7[%dma_start3A_38, %dma_start3A_39] : memref<16x128xi32, #tpu.memory_space<vmem>> -> memref<1x128xi32, #tpu.memory_space<vmem>>
    %dma_start3A_41 = tpu.memref_squeeze %dma_start3A_40 : memref<1x128xi32, #tpu.memory_space<vmem>> -> memref<128xi32, #tpu.memory_space<vmem>>
    %dma_start3A_42 = arith.constant 0 : i32
    %dma_start3A_43 = arith.constant 0 : i32
    %dma_start3A_44 = tpu.memref_slice %arg2[%dma_start3A_42, %dma_start3A_43] : memref<10240x128xf32, #tpu.memory_space<hbm>> -> memref<10240x128xf32, #tpu.memory_space<hbm>>
    tpu.enqueue_indirect_dma source(%dma_start3A_44 : memref<10240x128xf32, #tpu.memory_space<hbm>>) target(%arg9 : memref<128x128xf32, #tpu.memory_space<vmem>>) offsets(%dma_start3A_41 : memref<128xi32, #tpu.memory_space<vmem>>) semaphore(%arg12 : memref<!tpu.dma_semaphore, #tpu.memory_space<semaphore_mem>>)
    %scan3A_45 = arith.constant 0 : i32
    %scan3A_46 = arith.constant 8 : i32
    %scan3A_47 = arith.addi %scan3A_45, %scan3A_46 : i32
    %scan3A_48 = arith.constant 1 : i32
    scf.for %scan3A_100 = %scan3A_45 to %scan3A_47 step %scan3A_48  : i32 {
      %mul3A_101 = arith.constant 2 : i32
      %mul3A_102 = arith.muli %scan3A_100, %mul3A_101 : i32
      %add3A_103 = arith.constant 0 : i32
      %add3A_104 = arith.addi %add3A_103, %mul3A_102 : i32
      %add3A_105 = arith.constant 1 : i32
      %add3A_106 = arith.addi %add3A_104, %add3A_105 : i32
      %dma_start3A_107 = arith.constant 0 : i32
      %dma_start3A_108 = tpu.memref_slice %arg7[%add3A_106, %dma_start3A_107] : memref<16x128xi32, #tpu.memory_space<vmem>> -> memref<1x128xi32, #tpu.memory_space<vmem>>
      %dma_start3A_109 = tpu.memref_squeeze %dma_start3A_108 : memref<1x128xi32, #tpu.memory_space<vmem>> -> memref<128xi32, #tpu.memory_space<vmem>>
      %dma_start3A_110 = arith.constant 0 : i32
      %dma_start3A_111 = arith.constant 0 : i32
      %dma_start3A_112 = tpu.memref_slice %arg2[%dma_start3A_110, %dma_start3A_111] : memref<10240x128xf32, #tpu.memory_space<hbm>> -> memref<10240x128xf32, #tpu.memory_space<hbm>>
      tpu.enqueue_indirect_dma source(%dma_start3A_112 : memref<10240x128xf32, #tpu.memory_space<hbm>>) target(%arg10 : memref<128x128xf32, #tpu.memory_space<vmem>>) offsets(%dma_start3A_109 : memref<128xi32, #tpu.memory_space<vmem>>) semaphore(%arg13 : memref<!tpu.dma_semaphore, #tpu.memory_space<semaphore_mem>>)
      %dma_wait3A_113 = arith.constant 0 : i32
      %dma_wait3A_114 = tpu.memref_slice %arg7[%add3A_104, %dma_wait3A_113] : memref<16x128xi32, #tpu.memory_space<vmem>> -> memref<1x128xi32, #tpu.memory_space<vmem>>
      %dma_wait3A_115 = tpu.memref_squeeze %dma_wait3A_114 : memref<1x128xi32, #tpu.memory_space<vmem>> -> memref<128xi32, #tpu.memory_space<vmem>>
      %dma_wait3A_116 = arith.constant 0 : i32
      %dma_wait3A_117 = arith.constant 0 : i32
      %dma_wait3A_118 = tpu.memref_slice %arg2[%dma_wait3A_116, %dma_wait3A_117] : memref<10240x128xf32, #tpu.memory_space<hbm>> -> memref<10240x128xf32, #tpu.memory_space<hbm>>
      tpu.wait_indirect_dma semaphore(%arg12 : memref<!tpu.dma_semaphore, #tpu.memory_space<semaphore_mem>>) src(%dma_wait3A_118 : memref<10240x128xf32, #tpu.memory_space<hbm>>) dst(%arg9 : memref<128x128xf32, #tpu.memory_space<vmem>>)
      "tpu.region"() ({
        %run_scoped3A = tpu.sem_alloc : memref<!tpu.dma_semaphore, #tpu.memory_space<semaphore_mem>>
        %dma_start3A_140 = arith.constant 0 : i32
        %dma_start3A_141 = tpu.memref_slice %arg8[%add3A_104, %dma_start3A_140] : memref<16x128xi32, #tpu.memory_space<vmem>> -> memref<1x128xi32, #tpu.memory_space<vmem>>
        %dma_start3A_142 = tpu.memref_squeeze %dma_start3A_141 : memref<1x128xi32, #tpu.memory_space<vmem>> -> memref<128xi32, #tpu.memory_space<vmem>>
        %dma_start3A_143 = arith.constant 0 : i32
        %dma_start3A_144 = arith.constant 0 : i32
        %dma_start3A_145 = tpu.memref_slice %arg11[%dma_start3A_143, %dma_start3A_144] : memref<10240x128xf32, #tpu.memory_space<vmem_shared>> -> memref<10240x128xf32, #tpu.memory_space<vmem_shared>>
        tpu.enqueue_indirect_dma source(%arg9 : memref<128x128xf32, #tpu.memory_space<vmem>>) target(%dma_start3A_145 : memref<10240x128xf32, #tpu.memory_space<vmem_shared>>) offsets(%dma_start3A_142 : memref<128xi32, #tpu.memory_space<vmem>>) semaphore(%run_scoped3A : memref<!tpu.dma_semaphore, #tpu.memory_space<semaphore_mem>>) {add = true}
        %dma_wait3A_146 = arith.constant 0 : i32
        %dma_wait3A_147 = tpu.memref_slice %arg8[%add3A_104, %dma_wait3A_146] : memref<16x128xi32, #tpu.memory_space<vmem>> -> memref<1x128xi32, #tpu.memory_space<vmem>>
        %dma_wait3A_148 = tpu.memref_squeeze %dma_wait3A_147 : memref<1x128xi32, #tpu.memory_space<vmem>> -> memref<128xi32, #tpu.memory_space<vmem>>
        %dma_wait3A_149 = arith.constant 0 : i32
        %dma_wait3A_150 = arith.constant 0 : i32
        %dma_wait3A_151 = tpu.memref_slice %arg11[%dma_wait3A_149, %dma_wait3A_150] : memref<10240x128xf32, #tpu.memory_space<vmem_shared>> -> memref<10240x128xf32, #tpu.memory_space<vmem_shared>>
        tpu.wait_indirect_dma semaphore(%run_scoped3A : memref<!tpu.dma_semaphore, #tpu.memory_space<semaphore_mem>>) src(%arg9 : memref<128x128xf32, #tpu.memory_space<vmem>>) dst(%dma_wait3A_151 : memref<10240x128xf32, #tpu.memory_space<vmem_shared>>)
        tpu.yield
      }) : () -> ()
      %add3A_119 = arith.constant 2 : i32
      %add3A_120 = arith.addi %add3A_104, %add3A_119 : i32
      %lt3A = arith.constant 16 : i32
      %lt3A_121 = arith.cmpi slt, %add3A_120, %lt3A : i32
      %add3A_122 = arith.constant 2 : i32
      %add3A_123 = arith.addi %add3A_104, %add3A_122 : i32
      %jit3A = arith.constant 0 : i32
      %select_n3A = arith.select %lt3A_121, %add3A_123, %jit3A : i32
      %dma_start3A_124 = arith.constant 0 : i32
      %dma_start3A_125 = tpu.memref_slice %arg7[%select_n3A, %dma_start3A_124] : memref<16x128xi32, #tpu.memory_space<vmem>> -> memref<1x128xi32, #tpu.memory_space<vmem>>
      %dma_start3A_126 = tpu.memref_squeeze %dma_start3A_125 : memref<1x128xi32, #tpu.memory_space<vmem>> -> memref<128xi32, #tpu.memory_space<vmem>>
      %dma_start3A_127 = arith.constant 0 : i32
      %dma_start3A_128 = arith.constant 0 : i32
      %dma_start3A_129 = tpu.memref_slice %arg2[%dma_start3A_127, %dma_start3A_128] : memref<10240x128xf32, #tpu.memory_space<hbm>> -> memref<10240x128xf32, #tpu.memory_space<hbm>>
      tpu.enqueue_indirect_dma source(%dma_start3A_129 : memref<10240x128xf32, #tpu.memory_space<hbm>>) target(%arg9 : memref<128x128xf32, #tpu.memory_space<vmem>>) offsets(%dma_start3A_126 : memref<128xi32, #tpu.memory_space<vmem>>) semaphore(%arg12 : memref<!tpu.dma_semaphore, #tpu.memory_space<semaphore_mem>>)
      %add3A_130 = arith.constant 1 : i32
      %add3A_131 = arith.addi %add3A_104, %add3A_130 : i32
      %dma_wait3A_132 = arith.constant 0 : i32
      %dma_wait3A_133 = tpu.memref_slice %arg7[%add3A_131, %dma_wait3A_132] : memref<16x128xi32, #tpu.memory_space<vmem>> -> memref<1x128xi32, #tpu.memory_space<vmem>>
      %dma_wait3A_134 = tpu.memref_squeeze %dma_wait3A_133 : memref<1x128xi32, #tpu.memory_space<vmem>> -> memref<128xi32, #tpu.memory_space<vmem>>
      %dma_wait3A_135 = arith.constant 0 : i32
      %dma_wait3A_136 = arith.constant 0 : i32
      %dma_wait3A_137 = tpu.memref_slice %arg2[%dma_wait3A_135, %dma_wait3A_136] : memref<10240x128xf32, #tpu.memory_space<hbm>> -> memref<10240x128xf32, #tpu.memory_space<hbm>>
      tpu.wait_indirect_dma semaphore(%arg13 : memref<!tpu.dma_semaphore, #tpu.memory_space<semaphore_mem>>) src(%dma_wait3A_137 : memref<10240x128xf32, #tpu.memory_space<hbm>>) dst(%arg10 : memref<128x128xf32, #tpu.memory_space<vmem>>)
      %add3A_138 = arith.constant 1 : i32
      %add3A_139 = arith.addi %add3A_104, %add3A_138 : i32
      "tpu.region"() ({
        %run_scoped3A = tpu.sem_alloc : memref<!tpu.dma_semaphore, #tpu.memory_space<semaphore_mem>>
        %dma_start3A_140 = arith.constant 0 : i32
        %dma_start3A_141 = tpu.memref_slice %arg8[%add3A_139, %dma_start3A_140] : memref<16x128xi32, #tpu.memory_space<vmem>> -> memref<1x128xi32, #tpu.memory_space<vmem>>
        %dma_start3A_142 = tpu.memref_squeeze %dma_start3A_141 : memref<1x128xi32, #tpu.memory_space<vmem>> -> memref<128xi32, #tpu.memory_space<vmem>>
        %dma_start3A_143 = arith.constant 0 : i32
        %dma_start3A_144 = arith.constant 0 : i32
        %dma_start3A_145 = tpu.memref_slice %arg11[%dma_start3A_143, %dma_start3A_144] : memref<10240x128xf32, #tpu.memory_space<vmem_shared>> -> memref<10240x128xf32, #tpu.memory_space<vmem_shared>>
        tpu.enqueue_indirect_dma source(%arg10 : memref<128x128xf32, #tpu.memory_space<vmem>>) target(%dma_start3A_145 : memref<10240x128xf32, #tpu.memory_space<vmem_shared>>) offsets(%dma_start3A_142 : memref<128xi32, #tpu.memory_space<vmem>>) semaphore(%run_scoped3A : memref<!tpu.dma_semaphore, #tpu.memory_space<semaphore_mem>>) {add = true}
        %dma_wait3A_146 = arith.constant 0 : i32
        %dma_wait3A_147 = tpu.memref_slice %arg8[%add3A_139, %dma_wait3A_146] : memref<16x128xi32, #tpu.memory_space<vmem>> -> memref<1x128xi32, #tpu.memory_space<vmem>>
        %dma_wait3A_148 = tpu.memref_squeeze %dma_wait3A_147 : memref<1x128xi32, #tpu.memory_space<vmem>> -> memref<128xi32, #tpu.memory_space<vmem>>
        %dma_wait3A_149 = arith.constant 0 : i32
        %dma_wait3A_150 = arith.constant 0 : i32
        %dma_wait3A_151 = tpu.memref_slice %arg11[%dma_wait3A_149, %dma_wait3A_150] : memref<10240x128xf32, #tpu.memory_space<vmem_shared>> -> memref<10240x128xf32, #tpu.memory_space<vmem_shared>>
        tpu.wait_indirect_dma semaphore(%run_scoped3A : memref<!tpu.dma_semaphore, #tpu.memory_space<semaphore_mem>>) src(%arg10 : memref<128x128xf32, #tpu.memory_space<vmem>>) dst(%dma_wait3A_151 : memref<10240x128xf32, #tpu.memory_space<vmem_shared>>)
        tpu.yield
      }) : () -> ()
    }
    %scan3A_49 = arith.constant 8 : i32
    %dma_wait3A_50 = arith.constant 0 : i32
    %dma_wait3A_51 = arith.constant 0 : i32
    %dma_wait3A_52 = tpu.memref_slice %arg7[%dma_wait3A_50, %dma_wait3A_51] : memref<16x128xi32, #tpu.memory_space<vmem>> -> memref<1x128xi32, #tpu.memory_space<vmem>>
    %dma_wait3A_53 = tpu.memref_squeeze %dma_wait3A_52 : memref<1x128xi32, #tpu.memory_space<vmem>> -> memref<128xi32, #tpu.memory_space<vmem>>
    %dma_wait3A_54 = arith.constant 0 : i32
    %dma_wait3A_55 = arith.constant 0 : i32
    %dma_wait3A_56 = tpu.memref_slice %arg2[%dma_wait3A_54, %dma_wait3A_55] : memref<10240x128xf32, #tpu.memory_space<hbm>> -> memref<10240x128xf32, #tpu.memory_space<hbm>>
    tpu.wait_indirect_dma semaphore(%arg12 : memref<!tpu.dma_semaphore, #tpu.memory_space<semaphore_mem>>) src(%dma_wait3A_56 : memref<10240x128xf32, #tpu.memory_space<hbm>>) dst(%arg9 : memref<128x128xf32, #tpu.memory_space<vmem>>)
    "tpu.region"() ({
      %run_scoped3A = tpu.sem_alloc : memref<!tpu.dma_semaphore, #tpu.memory_space<semaphore_mem>>
      %dma_start3A_100 = arith.constant 48 : i32
      %dma_start3A_101 = arith.constant 0 : i32
      %dma_start3A_102 = tpu.memref_slice %arg3[%add3A, %dma_start3A_100, %dma_start3A_101] : memref<32x80x128xi32, #tpu.memory_space<hbm>> -> memref<1x16x128xi32, #tpu.memory_space<hbm>>
      %dma_start3A_103 = tpu.memref_squeeze %dma_start3A_102 : memref<1x16x128xi32, #tpu.memory_space<hbm>> -> memref<16x128xi32, #tpu.memory_space<hbm>>
      %dma_start3A_104 = arith.constant 48 : i32
      %dma_start3A_105 = arith.constant 0 : i32
      %dma_start3A_106 = tpu.memref_slice %arg3[%add3A, %dma_start3A_104, %dma_start3A_105] : memref<32x80x128xi32, #tpu.memory_space<hbm>> -> memref<1x16x128xi32, #tpu.memory_space<hbm>>
      %dma_start3A_107 = tpu.memref_squeeze %dma_start3A_106 : memref<1x16x128xi32, #tpu.memory_space<hbm>> -> memref<16x128xi32, #tpu.memory_space<hbm>>
      tpu.enqueue_dma source(%dma_start3A_107 : memref<16x128xi32, #tpu.memory_space<hbm>>) target(%arg7 : memref<16x128xi32, #tpu.memory_space<vmem>>) target_semaphore(%run_scoped3A : memref<!tpu.dma_semaphore, #tpu.memory_space<semaphore_mem>>)
      %dma_wait3A_108 = arith.constant 48 : i32
      %dma_wait3A_109 = arith.constant 0 : i32
      %dma_wait3A_110 = tpu.memref_slice %arg3[%add3A, %dma_wait3A_108, %dma_wait3A_109] : memref<32x80x128xi32, #tpu.memory_space<hbm>> -> memref<1x16x128xi32, #tpu.memory_space<hbm>>
      %dma_wait3A_111 = tpu.memref_squeeze %dma_wait3A_110 : memref<1x16x128xi32, #tpu.memory_space<hbm>> -> memref<16x128xi32, #tpu.memory_space<hbm>>
      %dma_wait3A_112 = arith.constant 48 : i32
      %dma_wait3A_113 = arith.constant 0 : i32
      %dma_wait3A_114 = tpu.memref_slice %arg3[%add3A, %dma_wait3A_112, %dma_wait3A_113] : memref<32x80x128xi32, #tpu.memory_space<hbm>> -> memref<1x16x128xi32, #tpu.memory_space<hbm>>
      %dma_wait3A_115 = tpu.memref_squeeze %dma_wait3A_114 : memref<1x16x128xi32, #tpu.memory_space<hbm>> -> memref<16x128xi32, #tpu.memory_space<hbm>>
      tpu.wait_dma2 semaphore(%run_scoped3A : memref<!tpu.dma_semaphore, #tpu.memory_space<semaphore_mem>>) src(%dma_wait3A_115 : memref<16x128xi32, #tpu.memory_space<hbm>>) dst(%arg7 : memref<16x128xi32, #tpu.memory_space<vmem>>)
      tpu.yield
    }) : () -> ()
    "tpu.region"() ({
      %run_scoped3A = tpu.sem_alloc : memref<!tpu.dma_semaphore, #tpu.memory_space<semaphore_mem>>
      %dma_start3A_100 = arith.constant 48 : i32
      %dma_start3A_101 = arith.constant 0 : i32
      %dma_start3A_102 = tpu.memref_slice %arg4[%add3A, %dma_start3A_100, %dma_start3A_101] : memref<32x80x128xi32, #tpu.memory_space<hbm>> -> memref<1x16x128xi32, #tpu.memory_space<hbm>>
      %dma_start3A_103 = tpu.memref_squeeze %dma_start3A_102 : memref<1x16x128xi32, #tpu.memory_space<hbm>> -> memref<16x128xi32, #tpu.memory_space<hbm>>
      %dma_start3A_104 = arith.constant 48 : i32
      %dma_start3A_105 = arith.constant 0 : i32
      %dma_start3A_106 = tpu.memref_slice %arg4[%add3A, %dma_start3A_104, %dma_start3A_105] : memref<32x80x128xi32, #tpu.memory_space<hbm>> -> memref<1x16x128xi32, #tpu.memory_space<hbm>>
      %dma_start3A_107 = tpu.memref_squeeze %dma_start3A_106 : memref<1x16x128xi32, #tpu.memory_space<hbm>> -> memref<16x128xi32, #tpu.memory_space<hbm>>
      tpu.enqueue_dma source(%dma_start3A_107 : memref<16x128xi32, #tpu.memory_space<hbm>>) target(%arg8 : memref<16x128xi32, #tpu.memory_space<vmem>>) target_semaphore(%run_scoped3A : memref<!tpu.dma_semaphore, #tpu.memory_space<semaphore_mem>>)
      %dma_wait3A_108 = arith.constant 48 : i32
      %dma_wait3A_109 = arith.constant 0 : i32
      %dma_wait3A_110 = tpu.memref_slice %arg4[%add3A, %dma_wait3A_108, %dma_wait3A_109] : memref<32x80x128xi32, #tpu.memory_space<hbm>> -> memref<1x16x128xi32, #tpu.memory_space<hbm>>
      %dma_wait3A_111 = tpu.memref_squeeze %dma_wait3A_110 : memref<1x16x128xi32, #tpu.memory_space<hbm>> -> memref<16x128xi32, #tpu.memory_space<hbm>>
      %dma_wait3A_112 = arith.constant 48 : i32
      %dma_wait3A_113 = arith.constant 0 : i32
      %dma_wait3A_114 = tpu.memref_slice %arg4[%add3A, %dma_wait3A_112, %dma_wait3A_113] : memref<32x80x128xi32, #tpu.memory_space<hbm>> -> memref<1x16x128xi32, #tpu.memory_space<hbm>>
      %dma_wait3A_115 = tpu.memref_squeeze %dma_wait3A_114 : memref<1x16x128xi32, #tpu.memory_space<hbm>> -> memref<16x128xi32, #tpu.memory_space<hbm>>
      tpu.wait_dma2 semaphore(%run_scoped3A : memref<!tpu.dma_semaphore, #tpu.memory_space<semaphore_mem>>) src(%dma_wait3A_115 : memref<16x128xi32, #tpu.memory_space<hbm>>) dst(%arg8 : memref<16x128xi32, #tpu.memory_space<vmem>>)
      tpu.yield
    }) : () -> ()
    %dma_start3A_57 = arith.constant 0 : i32
    %dma_start3A_58 = arith.constant 0 : i32
    %dma_start3A_59 = tpu.memref_slice %arg7[%dma_start3A_57, %dma_start3A_58] : memref<16x128xi32, #tpu.memory_space<vmem>> -> memref<1x128xi32, #tpu.memory_space<vmem>>
    %dma_start3A_60 = tpu.memref_squeeze %dma_start3A_59 : memref<1x128xi32, #tpu.memory_space<vmem>> -> memref<128xi32, #tpu.memory_space<vmem>>
    %dma_start3A_61 = arith.constant 0 : i32
    %dma_start3A_62 = arith.constant 0 : i32
    %dma_start3A_63 = tpu.memref_slice %arg2[%dma_start3A_61, %dma_start3A_62] : memref<10240x128xf32, #tpu.memory_space<hbm>> -> memref<10240x128xf32, #tpu.memory_space<hbm>>
    tpu.enqueue_indirect_dma source(%dma_start3A_63 : memref<10240x128xf32, #tpu.memory_space<hbm>>) target(%arg9 : memref<128x128xf32, #tpu.memory_space<vmem>>) offsets(%dma_start3A_60 : memref<128xi32, #tpu.memory_space<vmem>>) semaphore(%arg12 : memref<!tpu.dma_semaphore, #tpu.memory_space<semaphore_mem>>)
    %scan3A_64 = arith.constant 0 : i32
    %scan3A_65 = arith.constant 8 : i32
    %scan3A_66 = arith.addi %scan3A_64, %scan3A_65 : i32
    %scan3A_67 = arith.constant 1 : i32
    scf.for %scan3A_100 = %scan3A_64 to %scan3A_66 step %scan3A_67  : i32 {
      %mul3A_101 = arith.constant 2 : i32
      %mul3A_102 = arith.muli %scan3A_100, %mul3A_101 : i32
      %add3A_103 = arith.constant 0 : i32
      %add3A_104 = arith.addi %add3A_103, %mul3A_102 : i32
      %add3A_105 = arith.constant 1 : i32
      %add3A_106 = arith.addi %add3A_104, %add3A_105 : i32
      %dma_start3A_107 = arith.constant 0 : i32
      %dma_start3A_108 = tpu.memref_slice %arg7[%add3A_106, %dma_start3A_107] : memref<16x128xi32, #tpu.memory_space<vmem>> -> memref<1x128xi32, #tpu.memory_space<vmem>>
      %dma_start3A_109 = tpu.memref_squeeze %dma_start3A_108 : memref<1x128xi32, #tpu.memory_space<vmem>> -> memref<128xi32, #tpu.memory_space<vmem>>
      %dma_start3A_110 = arith.constant 0 : i32
      %dma_start3A_111 = arith.constant 0 : i32
      %dma_start3A_112 = tpu.memref_slice %arg2[%dma_start3A_110, %dma_start3A_111] : memref<10240x128xf32, #tpu.memory_space<hbm>> -> memref<10240x128xf32, #tpu.memory_space<hbm>>
      tpu.enqueue_indirect_dma source(%dma_start3A_112 : memref<10240x128xf32, #tpu.memory_space<hbm>>) target(%arg10 : memref<128x128xf32, #tpu.memory_space<vmem>>) offsets(%dma_start3A_109 : memref<128xi32, #tpu.memory_space<vmem>>) semaphore(%arg13 : memref<!tpu.dma_semaphore, #tpu.memory_space<semaphore_mem>>)
      %dma_wait3A_113 = arith.constant 0 : i32
      %dma_wait3A_114 = tpu.memref_slice %arg7[%add3A_104, %dma_wait3A_113] : memref<16x128xi32, #tpu.memory_space<vmem>> -> memref<1x128xi32, #tpu.memory_space<vmem>>
      %dma_wait3A_115 = tpu.memref_squeeze %dma_wait3A_114 : memref<1x128xi32, #tpu.memory_space<vmem>> -> memref<128xi32, #tpu.memory_space<vmem>>
      %dma_wait3A_116 = arith.constant 0 : i32
      %dma_wait3A_117 = arith.constant 0 : i32
      %dma_wait3A_118 = tpu.memref_slice %arg2[%dma_wait3A_116, %dma_wait3A_117] : memref<10240x128xf32, #tpu.memory_space<hbm>> -> memref<10240x128xf32, #tpu.memory_space<hbm>>
      tpu.wait_indirect_dma semaphore(%arg12 : memref<!tpu.dma_semaphore, #tpu.memory_space<semaphore_mem>>) src(%dma_wait3A_118 : memref<10240x128xf32, #tpu.memory_space<hbm>>) dst(%arg9 : memref<128x128xf32, #tpu.memory_space<vmem>>)
      "tpu.region"() ({
        %run_scoped3A = tpu.sem_alloc : memref<!tpu.dma_semaphore, #tpu.memory_space<semaphore_mem>>
        %dma_start3A_140 = arith.constant 0 : i32
        %dma_start3A_141 = tpu.memref_slice %arg8[%add3A_104, %dma_start3A_140] : memref<16x128xi32, #tpu.memory_space<vmem>> -> memref<1x128xi32, #tpu.memory_space<vmem>>
        %dma_start3A_142 = tpu.memref_squeeze %dma_start3A_141 : memref<1x128xi32, #tpu.memory_space<vmem>> -> memref<128xi32, #tpu.memory_space<vmem>>
        %dma_start3A_143 = arith.constant 0 : i32
        %dma_start3A_144 = arith.constant 0 : i32
        %dma_start3A_145 = tpu.memref_slice %arg11[%dma_start3A_143, %dma_start3A_144] : memref<10240x128xf32, #tpu.memory_space<vmem_shared>> -> memref<10240x128xf32, #tpu.memory_space<vmem_shared>>
        tpu.enqueue_indirect_dma source(%arg9 : memref<128x128xf32, #tpu.memory_space<vmem>>) target(%dma_start3A_145 : memref<10240x128xf32, #tpu.memory_space<vmem_shared>>) offsets(%dma_start3A_142 : memref<128xi32, #tpu.memory_space<vmem>>) semaphore(%run_scoped3A : memref<!tpu.dma_semaphore, #tpu.memory_space<semaphore_mem>>) {add = true}
        %dma_wait3A_146 = arith.constant 0 : i32
        %dma_wait3A_147 = tpu.memref_slice %arg8[%add3A_104, %dma_wait3A_146] : memref<16x128xi32, #tpu.memory_space<vmem>> -> memref<1x128xi32, #tpu.memory_space<vmem>>
        %dma_wait3A_148 = tpu.memref_squeeze %dma_wait3A_147 : memref<1x128xi32, #tpu.memory_space<vmem>> -> memref<128xi32, #tpu.memory_space<vmem>>
        %dma_wait3A_149 = arith.constant 0 : i32
        %dma_wait3A_150 = arith.constant 0 : i32
        %dma_wait3A_151 = tpu.memref_slice %arg11[%dma_wait3A_149, %dma_wait3A_150] : memref<10240x128xf32, #tpu.memory_space<vmem_shared>> -> memref<10240x128xf32, #tpu.memory_space<vmem_shared>>
        tpu.wait_indirect_dma semaphore(%run_scoped3A : memref<!tpu.dma_semaphore, #tpu.memory_space<semaphore_mem>>) src(%arg9 : memref<128x128xf32, #tpu.memory_space<vmem>>) dst(%dma_wait3A_151 : memref<10240x128xf32, #tpu.memory_space<vmem_shared>>)
        tpu.yield
      }) : () -> ()
      %add3A_119 = arith.constant 2 : i32
      %add3A_120 = arith.addi %add3A_104, %add3A_119 : i32
      %lt3A = arith.constant 16 : i32
      %lt3A_121 = arith.cmpi slt, %add3A_120, %lt3A : i32
      %add3A_122 = arith.constant 2 : i32
      %add3A_123 = arith.addi %add3A_104, %add3A_122 : i32
      %jit3A = arith.constant 0 : i32
      %select_n3A = arith.select %lt3A_121, %add3A_123, %jit3A : i32
      %dma_start3A_124 = arith.constant 0 : i32
      %dma_start3A_125 = tpu.memref_slice %arg7[%select_n3A, %dma_start3A_124] : memref<16x128xi32, #tpu.memory_space<vmem>> -> memref<1x128xi32, #tpu.memory_space<vmem>>
      %dma_start3A_126 = tpu.memref_squeeze %dma_start3A_125 : memref<1x128xi32, #tpu.memory_space<vmem>> -> memref<128xi32, #tpu.memory_space<vmem>>
      %dma_start3A_127 = arith.constant 0 : i32
      %dma_start3A_128 = arith.constant 0 : i32
      %dma_start3A_129 = tpu.memref_slice %arg2[%dma_start3A_127, %dma_start3A_128] : memref<10240x128xf32, #tpu.memory_space<hbm>> -> memref<10240x128xf32, #tpu.memory_space<hbm>>
      tpu.enqueue_indirect_dma source(%dma_start3A_129 : memref<10240x128xf32, #tpu.memory_space<hbm>>) target(%arg9 : memref<128x128xf32, #tpu.memory_space<vmem>>) offsets(%dma_start3A_126 : memref<128xi32, #tpu.memory_space<vmem>>) semaphore(%arg12 : memref<!tpu.dma_semaphore, #tpu.memory_space<semaphore_mem>>)
      %add3A_130 = arith.constant 1 : i32
      %add3A_131 = arith.addi %add3A_104, %add3A_130 : i32
      %dma_wait3A_132 = arith.constant 0 : i32
      %dma_wait3A_133 = tpu.memref_slice %arg7[%add3A_131, %dma_wait3A_132] : memref<16x128xi32, #tpu.memory_space<vmem>> -> memref<1x128xi32, #tpu.memory_space<vmem>>
      %dma_wait3A_134 = tpu.memref_squeeze %dma_wait3A_133 : memref<1x128xi32, #tpu.memory_space<vmem>> -> memref<128xi32, #tpu.memory_space<vmem>>
      %dma_wait3A_135 = arith.constant 0 : i32
      %dma_wait3A_136 = arith.constant 0 : i32
      %dma_wait3A_137 = tpu.memref_slice %arg2[%dma_wait3A_135, %dma_wait3A_136] : memref<10240x128xf32, #tpu.memory_space<hbm>> -> memref<10240x128xf32, #tpu.memory_space<hbm>>
      tpu.wait_indirect_dma semaphore(%arg13 : memref<!tpu.dma_semaphore, #tpu.memory_space<semaphore_mem>>) src(%dma_wait3A_137 : memref<10240x128xf32, #tpu.memory_space<hbm>>) dst(%arg10 : memref<128x128xf32, #tpu.memory_space<vmem>>)
      %add3A_138 = arith.constant 1 : i32
      %add3A_139 = arith.addi %add3A_104, %add3A_138 : i32
      "tpu.region"() ({
        %run_scoped3A = tpu.sem_alloc : memref<!tpu.dma_semaphore, #tpu.memory_space<semaphore_mem>>
        %dma_start3A_140 = arith.constant 0 : i32
        %dma_start3A_141 = tpu.memref_slice %arg8[%add3A_139, %dma_start3A_140] : memref<16x128xi32, #tpu.memory_space<vmem>> -> memref<1x128xi32, #tpu.memory_space<vmem>>
        %dma_start3A_142 = tpu.memref_squeeze %dma_start3A_141 : memref<1x128xi32, #tpu.memory_space<vmem>> -> memref<128xi32, #tpu.memory_space<vmem>>
        %dma_start3A_143 = arith.constant 0 : i32
        %dma_start3A_144 = arith.constant 0 : i32
        %dma_start3A_145 = tpu.memref_slice %arg11[%dma_start3A_143, %dma_start3A_144] : memref<10240x128xf32, #tpu.memory_space<vmem_shared>> -> memref<10240x128xf32, #tpu.memory_space<vmem_shared>>
        tpu.enqueue_indirect_dma source(%arg10 : memref<128x128xf32, #tpu.memory_space<vmem>>) target(%dma_start3A_145 : memref<10240x128xf32, #tpu.memory_space<vmem_shared>>) offsets(%dma_start3A_142 : memref<128xi32, #tpu.memory_space<vmem>>) semaphore(%run_scoped3A : memref<!tpu.dma_semaphore, #tpu.memory_space<semaphore_mem>>) {add = true}
        %dma_wait3A_146 = arith.constant 0 : i32
        %dma_wait3A_147 = tpu.memref_slice %arg8[%add3A_139, %dma_wait3A_146] : memref<16x128xi32, #tpu.memory_space<vmem>> -> memref<1x128xi32, #tpu.memory_space<vmem>>
        %dma_wait3A_148 = tpu.memref_squeeze %dma_wait3A_147 : memref<1x128xi32, #tpu.memory_space<vmem>> -> memref<128xi32, #tpu.memory_space<vmem>>
        %dma_wait3A_149 = arith.constant 0 : i32
        %dma_wait3A_150 = arith.constant 0 : i32
        %dma_wait3A_151 = tpu.memref_slice %arg11[%dma_wait3A_149, %dma_wait3A_150] : memref<10240x128xf32, #tpu.memory_space<vmem_shared>> -> memref<10240x128xf32, #tpu.memory_space<vmem_shared>>
        tpu.wait_indirect_dma semaphore(%run_scoped3A : memref<!tpu.dma_semaphore, #tpu.memory_space<semaphore_mem>>) src(%arg10 : memref<128x128xf32, #tpu.memory_space<vmem>>) dst(%dma_wait3A_151 : memref<10240x128xf32, #tpu.memory_space<vmem_shared>>)
        tpu.yield
      }) : () -> ()
    }
    %scan3A_68 = arith.constant 8 : i32
    %dma_wait3A_69 = arith.constant 0 : i32
    %dma_wait3A_70 = arith.constant 0 : i32
    %dma_wait3A_71 = tpu.memref_slice %arg7[%dma_wait3A_69, %dma_wait3A_70] : memref<16x128xi32, #tpu.memory_space<vmem>> -> memref<1x128xi32, #tpu.memory_space<vmem>>
    %dma_wait3A_72 = tpu.memref_squeeze %dma_wait3A_71 : memref<1x128xi32, #tpu.memory_space<vmem>> -> memref<128xi32, #tpu.memory_space<vmem>>
    %dma_wait3A_73 = arith.constant 0 : i32
    %dma_wait3A_74 = arith.constant 0 : i32
    %dma_wait3A_75 = tpu.memref_slice %arg2[%dma_wait3A_73, %dma_wait3A_74] : memref<10240x128xf32, #tpu.memory_space<hbm>> -> memref<10240x128xf32, #tpu.memory_space<hbm>>
    tpu.wait_indirect_dma semaphore(%arg12 : memref<!tpu.dma_semaphore, #tpu.memory_space<semaphore_mem>>) src(%dma_wait3A_75 : memref<10240x128xf32, #tpu.memory_space<hbm>>) dst(%arg9 : memref<128x128xf32, #tpu.memory_space<vmem>>)
    "tpu.region"() ({
      %run_scoped3A = tpu.sem_alloc : memref<!tpu.dma_semaphore, #tpu.memory_space<semaphore_mem>>
      %dma_start3A_100 = arith.constant 64 : i32
      %dma_start3A_101 = arith.constant 0 : i32
      %dma_start3A_102 = tpu.memref_slice %arg3[%add3A, %dma_start3A_100, %dma_start3A_101] : memref<32x80x128xi32, #tpu.memory_space<hbm>> -> memref<1x16x128xi32, #tpu.memory_space<hbm>>
      %dma_start3A_103 = tpu.memref_squeeze %dma_start3A_102 : memref<1x16x128xi32, #tpu.memory_space<hbm>> -> memref<16x128xi32, #tpu.memory_space<hbm>>
      %dma_start3A_104 = arith.constant 64 : i32
      %dma_start3A_105 = arith.constant 0 : i32
      %dma_start3A_106 = tpu.memref_slice %arg3[%add3A, %dma_start3A_104, %dma_start3A_105] : memref<32x80x128xi32, #tpu.memory_space<hbm>> -> memref<1x16x128xi32, #tpu.memory_space<hbm>>
      %dma_start3A_107 = tpu.memref_squeeze %dma_start3A_106 : memref<1x16x128xi32, #tpu.memory_space<hbm>> -> memref<16x128xi32, #tpu.memory_space<hbm>>
      tpu.enqueue_dma source(%dma_start3A_107 : memref<16x128xi32, #tpu.memory_space<hbm>>) target(%arg7 : memref<16x128xi32, #tpu.memory_space<vmem>>) target_semaphore(%run_scoped3A : memref<!tpu.dma_semaphore, #tpu.memory_space<semaphore_mem>>)
      %dma_wait3A_108 = arith.constant 64 : i32
      %dma_wait3A_109 = arith.constant 0 : i32
      %dma_wait3A_110 = tpu.memref_slice %arg3[%add3A, %dma_wait3A_108, %dma_wait3A_109] : memref<32x80x128xi32, #tpu.memory_space<hbm>> -> memref<1x16x128xi32, #tpu.memory_space<hbm>>
      %dma_wait3A_111 = tpu.memref_squeeze %dma_wait3A_110 : memref<1x16x128xi32, #tpu.memory_space<hbm>> -> memref<16x128xi32, #tpu.memory_space<hbm>>
      %dma_wait3A_112 = arith.constant 64 : i32
      %dma_wait3A_113 = arith.constant 0 : i32
      %dma_wait3A_114 = tpu.memref_slice %arg3[%add3A, %dma_wait3A_112, %dma_wait3A_113] : memref<32x80x128xi32, #tpu.memory_space<hbm>> -> memref<1x16x128xi32, #tpu.memory_space<hbm>>
      %dma_wait3A_115 = tpu.memref_squeeze %dma_wait3A_114 : memref<1x16x128xi32, #tpu.memory_space<hbm>> -> memref<16x128xi32, #tpu.memory_space<hbm>>
      tpu.wait_dma2 semaphore(%run_scoped3A : memref<!tpu.dma_semaphore, #tpu.memory_space<semaphore_mem>>) src(%dma_wait3A_115 : memref<16x128xi32, #tpu.memory_space<hbm>>) dst(%arg7 : memref<16x128xi32, #tpu.memory_space<vmem>>)
      tpu.yield
    }) : () -> ()
    "tpu.region"() ({
      %run_scoped3A = tpu.sem_alloc : memref<!tpu.dma_semaphore, #tpu.memory_space<semaphore_mem>>
      %dma_start3A_100 = arith.constant 64 : i32
      %dma_start3A_101 = arith.constant 0 : i32
      %dma_start3A_102 = tpu.memref_slice %arg4[%add3A, %dma_start3A_100, %dma_start3A_101] : memref<32x80x128xi32, #tpu.memory_space<hbm>> -> memref<1x16x128xi32, #tpu.memory_space<hbm>>
      %dma_start3A_103 = tpu.memref_squeeze %dma_start3A_102 : memref<1x16x128xi32, #tpu.memory_space<hbm>> -> memref<16x128xi32, #tpu.memory_space<hbm>>
      %dma_start3A_104 = arith.constant 64 : i32
      %dma_start3A_105 = arith.constant 0 : i32
      %dma_start3A_106 = tpu.memref_slice %arg4[%add3A, %dma_start3A_104, %dma_start3A_105] : memref<32x80x128xi32, #tpu.memory_space<hbm>> -> memref<1x16x128xi32, #tpu.memory_space<hbm>>
      %dma_start3A_107 = tpu.memref_squeeze %dma_start3A_106 : memref<1x16x128xi32, #tpu.memory_space<hbm>> -> memref<16x128xi32, #tpu.memory_space<hbm>>
      tpu.enqueue_dma source(%dma_start3A_107 : memref<16x128xi32, #tpu.memory_space<hbm>>) target(%arg8 : memref<16x128xi32, #tpu.memory_space<vmem>>) target_semaphore(%run_scoped3A : memref<!tpu.dma_semaphore, #tpu.memory_space<semaphore_mem>>)
      %dma_wait3A_108 = arith.constant 64 : i32
      %dma_wait3A_109 = arith.constant 0 : i32
      %dma_wait3A_110 = tpu.memref_slice %arg4[%add3A, %dma_wait3A_108, %dma_wait3A_109] : memref<32x80x128xi32, #tpu.memory_space<hbm>> -> memref<1x16x128xi32, #tpu.memory_space<hbm>>
      %dma_wait3A_111 = tpu.memref_squeeze %dma_wait3A_110 : memref<1x16x128xi32, #tpu.memory_space<hbm>> -> memref<16x128xi32, #tpu.memory_space<hbm>>
      %dma_wait3A_112 = arith.constant 64 : i32
      %dma_wait3A_113 = arith.constant 0 : i32
      %dma_wait3A_114 = tpu.memref_slice %arg4[%add3A, %dma_wait3A_112, %dma_wait3A_113] : memref<32x80x128xi32, #tpu.memory_space<hbm>> -> memref<1x16x128xi32, #tpu.memory_space<hbm>>
      %dma_wait3A_115 = tpu.memref_squeeze %dma_wait3A_114 : memref<1x16x128xi32, #tpu.memory_space<hbm>> -> memref<16x128xi32, #tpu.memory_space<hbm>>
      tpu.wait_dma2 semaphore(%run_scoped3A : memref<!tpu.dma_semaphore, #tpu.memory_space<semaphore_mem>>) src(%dma_wait3A_115 : memref<16x128xi32, #tpu.memory_space<hbm>>) dst(%arg8 : memref<16x128xi32, #tpu.memory_space<vmem>>)
      tpu.yield
    }) : () -> ()
    %dma_start3A_76 = arith.constant 0 : i32
    %dma_start3A_77 = arith.constant 0 : i32
    %dma_start3A_78 = tpu.memref_slice %arg7[%dma_start3A_76, %dma_start3A_77] : memref<16x128xi32, #tpu.memory_space<vmem>> -> memref<1x128xi32, #tpu.memory_space<vmem>>
    %dma_start3A_79 = tpu.memref_squeeze %dma_start3A_78 : memref<1x128xi32, #tpu.memory_space<vmem>> -> memref<128xi32, #tpu.memory_space<vmem>>
    %dma_start3A_80 = arith.constant 0 : i32
    %dma_start3A_81 = arith.constant 0 : i32
    %dma_start3A_82 = tpu.memref_slice %arg2[%dma_start3A_80, %dma_start3A_81] : memref<10240x128xf32, #tpu.memory_space<hbm>> -> memref<10240x128xf32, #tpu.memory_space<hbm>>
    tpu.enqueue_indirect_dma source(%dma_start3A_82 : memref<10240x128xf32, #tpu.memory_space<hbm>>) target(%arg9 : memref<128x128xf32, #tpu.memory_space<vmem>>) offsets(%dma_start3A_79 : memref<128xi32, #tpu.memory_space<vmem>>) semaphore(%arg12 : memref<!tpu.dma_semaphore, #tpu.memory_space<semaphore_mem>>)
    %scan3A_83 = arith.constant 0 : i32
    %scan3A_84 = arith.constant 8 : i32
    %scan3A_85 = arith.addi %scan3A_83, %scan3A_84 : i32
    %scan3A_86 = arith.constant 1 : i32
    scf.for %scan3A_100 = %scan3A_83 to %scan3A_85 step %scan3A_86  : i32 {
      %mul3A_101 = arith.constant 2 : i32
      %mul3A_102 = arith.muli %scan3A_100, %mul3A_101 : i32
      %add3A_103 = arith.constant 0 : i32
      %add3A_104 = arith.addi %add3A_103, %mul3A_102 : i32
      %add3A_105 = arith.constant 1 : i32
      %add3A_106 = arith.addi %add3A_104, %add3A_105 : i32
      %dma_start3A_107 = arith.constant 0 : i32
      %dma_start3A_108 = tpu.memref_slice %arg7[%add3A_106, %dma_start3A_107] : memref<16x128xi32, #tpu.memory_space<vmem>> -> memref<1x128xi32, #tpu.memory_space<vmem>>
      %dma_start3A_109 = tpu.memref_squeeze %dma_start3A_108 : memref<1x128xi32, #tpu.memory_space<vmem>> -> memref<128xi32, #tpu.memory_space<vmem>>
      %dma_start3A_110 = arith.constant 0 : i32
      %dma_start3A_111 = arith.constant 0 : i32
      %dma_start3A_112 = tpu.memref_slice %arg2[%dma_start3A_110, %dma_start3A_111] : memref<10240x128xf32, #tpu.memory_space<hbm>> -> memref<10240x128xf32, #tpu.memory_space<hbm>>
      tpu.enqueue_indirect_dma source(%dma_start3A_112 : memref<10240x128xf32, #tpu.memory_space<hbm>>) target(%arg10 : memref<128x128xf32, #tpu.memory_space<vmem>>) offsets(%dma_start3A_109 : memref<128xi32, #tpu.memory_space<vmem>>) semaphore(%arg13 : memref<!tpu.dma_semaphore, #tpu.memory_space<semaphore_mem>>)
      %dma_wait3A_113 = arith.constant 0 : i32
      %dma_wait3A_114 = tpu.memref_slice %arg7[%add3A_104, %dma_wait3A_113] : memref<16x128xi32, #tpu.memory_space<vmem>> -> memref<1x128xi32, #tpu.memory_space<vmem>>
      %dma_wait3A_115 = tpu.memref_squeeze %dma_wait3A_114 : memref<1x128xi32, #tpu.memory_space<vmem>> -> memref<128xi32, #tpu.memory_space<vmem>>
      %dma_wait3A_116 = arith.constant 0 : i32
      %dma_wait3A_117 = arith.constant 0 : i32
      %dma_wait3A_118 = tpu.memref_slice %arg2[%dma_wait3A_116, %dma_wait3A_117] : memref<10240x128xf32, #tpu.memory_space<hbm>> -> memref<10240x128xf32, #tpu.memory_space<hbm>>
      tpu.wait_indirect_dma semaphore(%arg12 : memref<!tpu.dma_semaphore, #tpu.memory_space<semaphore_mem>>) src(%dma_wait3A_118 : memref<10240x128xf32, #tpu.memory_space<hbm>>) dst(%arg9 : memref<128x128xf32, #tpu.memory_space<vmem>>)
      "tpu.region"() ({
        %run_scoped3A = tpu.sem_alloc : memref<!tpu.dma_semaphore, #tpu.memory_space<semaphore_mem>>
        %dma_start3A_140 = arith.constant 0 : i32
        %dma_start3A_141 = tpu.memref_slice %arg8[%add3A_104, %dma_start3A_140] : memref<16x128xi32, #tpu.memory_space<vmem>> -> memref<1x128xi32, #tpu.memory_space<vmem>>
        %dma_start3A_142 = tpu.memref_squeeze %dma_start3A_141 : memref<1x128xi32, #tpu.memory_space<vmem>> -> memref<128xi32, #tpu.memory_space<vmem>>
        %dma_start3A_143 = arith.constant 0 : i32
        %dma_start3A_144 = arith.constant 0 : i32
        %dma_start3A_145 = tpu.memref_slice %arg11[%dma_start3A_143, %dma_start3A_144] : memref<10240x128xf32, #tpu.memory_space<vmem_shared>> -> memref<10240x128xf32, #tpu.memory_space<vmem_shared>>
        tpu.enqueue_indirect_dma source(%arg9 : memref<128x128xf32, #tpu.memory_space<vmem>>) target(%dma_start3A_145 : memref<10240x128xf32, #tpu.memory_space<vmem_shared>>) offsets(%dma_start3A_142 : memref<128xi32, #tpu.memory_space<vmem>>) semaphore(%run_scoped3A : memref<!tpu.dma_semaphore, #tpu.memory_space<semaphore_mem>>) {add = true}
        %dma_wait3A_146 = arith.constant 0 : i32
        %dma_wait3A_147 = tpu.memref_slice %arg8[%add3A_104, %dma_wait3A_146] : memref<16x128xi32, #tpu.memory_space<vmem>> -> memref<1x128xi32, #tpu.memory_space<vmem>>
        %dma_wait3A_148 = tpu.memref_squeeze %dma_wait3A_147 : memref<1x128xi32, #tpu.memory_space<vmem>> -> memref<128xi32, #tpu.memory_space<vmem>>
        %dma_wait3A_149 = arith.constant 0 : i32
        %dma_wait3A_150 = arith.constant 0 : i32
        %dma_wait3A_151 = tpu.memref_slice %arg11[%dma_wait3A_149, %dma_wait3A_150] : memref<10240x128xf32, #tpu.memory_space<vmem_shared>> -> memref<10240x128xf32, #tpu.memory_space<vmem_shared>>
        tpu.wait_indirect_dma semaphore(%run_scoped3A : memref<!tpu.dma_semaphore, #tpu.memory_space<semaphore_mem>>) src(%arg9 : memref<128x128xf32, #tpu.memory_space<vmem>>) dst(%dma_wait3A_151 : memref<10240x128xf32, #tpu.memory_space<vmem_shared>>)
        tpu.yield
      }) : () -> ()
      %add3A_119 = arith.constant 2 : i32
      %add3A_120 = arith.addi %add3A_104, %add3A_119 : i32
      %lt3A = arith.constant 16 : i32
      %lt3A_121 = arith.cmpi slt, %add3A_120, %lt3A : i32
      %add3A_122 = arith.constant 2 : i32
      %add3A_123 = arith.addi %add3A_104, %add3A_122 : i32
      %jit3A = arith.constant 0 : i32
      %select_n3A = arith.select %lt3A_121, %add3A_123, %jit3A : i32
      %dma_start3A_124 = arith.constant 0 : i32
      %dma_start3A_125 = tpu.memref_slice %arg7[%select_n3A, %dma_start3A_124] : memref<16x128xi32, #tpu.memory_space<vmem>> -> memref<1x128xi32, #tpu.memory_space<vmem>>
      %dma_start3A_126 = tpu.memref_squeeze %dma_start3A_125 : memref<1x128xi32, #tpu.memory_space<vmem>> -> memref<128xi32, #tpu.memory_space<vmem>>
      %dma_start3A_127 = arith.constant 0 : i32
      %dma_start3A_128 = arith.constant 0 : i32
      %dma_start3A_129 = tpu.memref_slice %arg2[%dma_start3A_127, %dma_start3A_128] : memref<10240x128xf32, #tpu.memory_space<hbm>> -> memref<10240x128xf32, #tpu.memory_space<hbm>>
      tpu.enqueue_indirect_dma source(%dma_start3A_129 : memref<10240x128xf32, #tpu.memory_space<hbm>>) target(%arg9 : memref<128x128xf32, #tpu.memory_space<vmem>>) offsets(%dma_start3A_126 : memref<128xi32, #tpu.memory_space<vmem>>) semaphore(%arg12 : memref<!tpu.dma_semaphore, #tpu.memory_space<semaphore_mem>>)
      %add3A_130 = arith.constant 1 : i32
      %add3A_131 = arith.addi %add3A_104, %add3A_130 : i32
      %dma_wait3A_132 = arith.constant 0 : i32
      %dma_wait3A_133 = tpu.memref_slice %arg7[%add3A_131, %dma_wait3A_132] : memref<16x128xi32, #tpu.memory_space<vmem>> -> memref<1x128xi32, #tpu.memory_space<vmem>>
      %dma_wait3A_134 = tpu.memref_squeeze %dma_wait3A_133 : memref<1x128xi32, #tpu.memory_space<vmem>> -> memref<128xi32, #tpu.memory_space<vmem>>
      %dma_wait3A_135 = arith.constant 0 : i32
      %dma_wait3A_136 = arith.constant 0 : i32
      %dma_wait3A_137 = tpu.memref_slice %arg2[%dma_wait3A_135, %dma_wait3A_136] : memref<10240x128xf32, #tpu.memory_space<hbm>> -> memref<10240x128xf32, #tpu.memory_space<hbm>>
      tpu.wait_indirect_dma semaphore(%arg13 : memref<!tpu.dma_semaphore, #tpu.memory_space<semaphore_mem>>) src(%dma_wait3A_137 : memref<10240x128xf32, #tpu.memory_space<hbm>>) dst(%arg10 : memref<128x128xf32, #tpu.memory_space<vmem>>)
      %add3A_138 = arith.constant 1 : i32
      %add3A_139 = arith.addi %add3A_104, %add3A_138 : i32
      "tpu.region"() ({
        %run_scoped3A = tpu.sem_alloc : memref<!tpu.dma_semaphore, #tpu.memory_space<semaphore_mem>>
        %dma_start3A_140 = arith.constant 0 : i32
        %dma_start3A_141 = tpu.memref_slice %arg8[%add3A_139, %dma_start3A_140] : memref<16x128xi32, #tpu.memory_space<vmem>> -> memref<1x128xi32, #tpu.memory_space<vmem>>
        %dma_start3A_142 = tpu.memref_squeeze %dma_start3A_141 : memref<1x128xi32, #tpu.memory_space<vmem>> -> memref<128xi32, #tpu.memory_space<vmem>>
        %dma_start3A_143 = arith.constant 0 : i32
        %dma_start3A_144 = arith.constant 0 : i32
        %dma_start3A_145 = tpu.memref_slice %arg11[%dma_start3A_143, %dma_start3A_144] : memref<10240x128xf32, #tpu.memory_space<vmem_shared>> -> memref<10240x128xf32, #tpu.memory_space<vmem_shared>>
        tpu.enqueue_indirect_dma source(%arg10 : memref<128x128xf32, #tpu.memory_space<vmem>>) target(%dma_start3A_145 : memref<10240x128xf32, #tpu.memory_space<vmem_shared>>) offsets(%dma_start3A_142 : memref<128xi32, #tpu.memory_space<vmem>>) semaphore(%run_scoped3A : memref<!tpu.dma_semaphore, #tpu.memory_space<semaphore_mem>>) {add = true}
        %dma_wait3A_146 = arith.constant 0 : i32
        %dma_wait3A_147 = tpu.memref_slice %arg8[%add3A_139, %dma_wait3A_146] : memref<16x128xi32, #tpu.memory_space<vmem>> -> memref<1x128xi32, #tpu.memory_space<vmem>>
        %dma_wait3A_148 = tpu.memref_squeeze %dma_wait3A_147 : memref<1x128xi32, #tpu.memory_space<vmem>> -> memref<128xi32, #tpu.memory_space<vmem>>
        %dma_wait3A_149 = arith.constant 0 : i32
        %dma_wait3A_150 = arith.constant 0 : i32
        %dma_wait3A_151 = tpu.memref_slice %arg11[%dma_wait3A_149, %dma_wait3A_150] : memref<10240x128xf32, #tpu.memory_space<vmem_shared>> -> memref<10240x128xf32, #tpu.memory_space<vmem_shared>>
        tpu.wait_indirect_dma semaphore(%run_scoped3A : memref<!tpu.dma_semaphore, #tpu.memory_space<semaphore_mem>>) src(%arg10 : memref<128x128xf32, #tpu.memory_space<vmem>>) dst(%dma_wait3A_151 : memref<10240x128xf32, #tpu.memory_space<vmem_shared>>)
        tpu.yield
      }) : () -> ()
    }
    %scan3A_87 = arith.constant 8 : i32
    %dma_wait3A_88 = arith.constant 0 : i32
    %dma_wait3A_89 = arith.constant 0 : i32
    %dma_wait3A_90 = tpu.memref_slice %arg7[%dma_wait3A_88, %dma_wait3A_89] : memref<16x128xi32, #tpu.memory_space<vmem>> -> memref<1x128xi32, #tpu.memory_space<vmem>>
    %dma_wait3A_91 = tpu.memref_squeeze %dma_wait3A_90 : memref<1x128xi32, #tpu.memory_space<vmem>> -> memref<128xi32, #tpu.memory_space<vmem>>
    %dma_wait3A_92 = arith.constant 0 : i32
    %dma_wait3A_93 = arith.constant 0 : i32
    %dma_wait3A_94 = tpu.memref_slice %arg2[%dma_wait3A_92, %dma_wait3A_93] : memref<10240x128xf32, #tpu.memory_space<hbm>> -> memref<10240x128xf32, #tpu.memory_space<hbm>>
    tpu.wait_indirect_dma semaphore(%arg12 : memref<!tpu.dma_semaphore, #tpu.memory_space<semaphore_mem>>) src(%dma_wait3A_94 : memref<10240x128xf32, #tpu.memory_space<hbm>>) dst(%arg9 : memref<128x128xf32, #tpu.memory_space<vmem>>)
    %barrier3A_95 = arith.constant 0 : index
    tpu.barrier barrier_id(%barrier3A_95)
    %mul3A_96 = arith.constant 640 : i32
    %mul3A_97 = arith.muli %arg1, %mul3A_96 : i32
    %mul3A_98 = arith.constant 640 : i32
    %mul3A_99 = arith.muli %arg1, %mul3A_98 : i32
    "tpu.region"() ({
      %run_scoped3A = tpu.sem_alloc : memref<!tpu.dma_semaphore, #tpu.memory_space<semaphore_mem>>
      %dma_start3A_100 = arith.constant 0 : i32
      %dma_start3A_101 = tpu.memref_slice %arg6[%arg0, %mul3A_99, %dma_start3A_100] : memref<2x10240x128xf32, #tpu.memory_space<hbm>> -> memref<1x640x128xf32, #tpu.memory_space<hbm>>
      %dma_start3A_102 = tpu.memref_squeeze %dma_start3A_101 : memref<1x640x128xf32, #tpu.memory_space<hbm>> -> memref<640x128xf32, #tpu.memory_space<hbm>>
      %dma_start3A_103 = arith.constant 0 : i32
      %dma_start3A_104 = tpu.memref_slice %arg11[%mul3A_97, %dma_start3A_103] : memref<10240x128xf32, #tpu.memory_space<vmem_shared>> -> memref<640x128xf32, #tpu.memory_space<vmem_shared>>
      tpu.enqueue_dma source(%dma_start3A_104 : memref<640x128xf32, #tpu.memory_space<vmem_shared>>) target(%dma_start3A_102 : memref<640x128xf32, #tpu.memory_space<hbm>>) target_semaphore(%run_scoped3A : memref<!tpu.dma_semaphore, #tpu.memory_space<semaphore_mem>>)
      %dma_wait3A_105 = arith.constant 0 : i32
      %dma_wait3A_106 = tpu.memref_slice %arg6[%arg0, %mul3A_99, %dma_wait3A_105] : memref<2x10240x128xf32, #tpu.memory_space<hbm>> -> memref<1x640x128xf32, #tpu.memory_space<hbm>>
      %dma_wait3A_107 = tpu.memref_squeeze %dma_wait3A_106 : memref<1x640x128xf32, #tpu.memory_space<hbm>> -> memref<640x128xf32, #tpu.memory_space<hbm>>
      %dma_wait3A_108 = arith.constant 0 : i32
      %dma_wait3A_109 = tpu.memref_slice %arg11[%mul3A_97, %dma_wait3A_108] : memref<10240x128xf32, #tpu.memory_space<vmem_shared>> -> memref<640x128xf32, #tpu.memory_space<vmem_shared>>
      tpu.wait_dma2 semaphore(%run_scoped3A : memref<!tpu.dma_semaphore, #tpu.memory_space<semaphore_mem>>) src(%dma_wait3A_109 : memref<640x128xf32, #tpu.memory_space<vmem_shared>>) dst(%dma_wait3A_107 : memref<640x128xf32, #tpu.memory_space<hbm>>)
      tpu.yield
    }) : () -> ()
    return
  }
}

#map = affine_map<(d0, d1) -> (0, 0)>
#map1 = affine_map<(d0, d1) -> (0, 0, 0)>
module attributes {stable_mosaic.version = 14 : i64} {
  func.func @_prop_body(%arg0: i32, %arg1: i32, %arg2: memref<10240x128xf32, #tpu.memory_space<hbm>>, %arg3: memref<32x80x128xi32, #tpu.memory_space<hbm>>, %arg4: memref<32x80x128xi32, #tpu.memory_space<hbm>>, %arg5: memref<640x128xf32, #tpu.memory_space<hbm>>, %arg6: memref<2x10240x128xf32, #tpu.memory_space<hbm>>, %arg7: memref<16x128xi32, #tpu.memory_space<vmem>>, %arg8: memref<16x128xi32, #tpu.memory_space<vmem>>, %arg9: memref<128x128xf32, #tpu.memory_space<vmem>>, %arg10: memref<128x128xf32, #tpu.memory_space<vmem>>, %arg11: memref<10240x128xf32, #tpu.memory_space<vmem_shared>>, %arg12: memref<!tpu.dma_semaphore, #tpu.memory_space<semaphore_mem>>, %arg13: memref<!tpu.dma_semaphore, #tpu.memory_space<semaphore_mem>>) attributes {dimension_semantics = [#tpu.dimension_semantics<core_parallel>, #tpu.dimension_semantics<subcore_parallel>], iteration_bounds = array<i64: 2, 16>, scalar_prefetch = 0 : i64, scratch_operands = 7 : i64, tpu.core_type = #tpu.core_type<sc_vector_subcore>, window_params = [{transform_indices = #map}, {transform_indices = #map1}, {transform_indices = #map1}, {transform_indices = #map}, {transform_indices = #map1}]} {
    %mul3A = arith.constant 16 : i32
    %mul3A_0 = arith.muli %arg0, %mul3A : i32
    %add3A = arith.addi %mul3A_0, %arg1 : i32
    %mul3A_1 = arith.constant 640 : i32
    %mul3A_2 = arith.muli %arg1, %mul3A_1 : i32
    "tpu.region"() ({
      %run_scoped3A = tpu.sem_alloc : memref<!tpu.dma_semaphore, #tpu.memory_space<semaphore_mem>>
      %dma_start3A_100 = arith.constant 0 : i32
      %dma_start3A_101 = tpu.memref_slice %arg11[%mul3A_2, %dma_start3A_100] : memref<10240x128xf32, #tpu.memory_space<vmem_shared>> -> memref<640x128xf32, #tpu.memory_space<vmem_shared>>
      tpu.enqueue_dma source(%arg5 : memref<640x128xf32, #tpu.memory_space<hbm>>) target(%dma_start3A_101 : memref<640x128xf32, #tpu.memory_space<vmem_shared>>) target_semaphore(%run_scoped3A : memref<!tpu.dma_semaphore, #tpu.memory_space<semaphore_mem>>)
      %dma_wait3A_102 = arith.constant 0 : i32
      %dma_wait3A_103 = tpu.memref_slice %arg11[%mul3A_2, %dma_wait3A_102] : memref<10240x128xf32, #tpu.memory_space<vmem_shared>> -> memref<640x128xf32, #tpu.memory_space<vmem_shared>>
      tpu.wait_dma2 semaphore(%run_scoped3A : memref<!tpu.dma_semaphore, #tpu.memory_space<semaphore_mem>>) src(%arg5 : memref<640x128xf32, #tpu.memory_space<hbm>>) dst(%dma_wait3A_103 : memref<640x128xf32, #tpu.memory_space<vmem_shared>>)
      tpu.yield
    }) : () -> ()
    %barrier3A = arith.constant 0 : index
    tpu.barrier barrier_id(%barrier3A)
    "tpu.region"() ({
      %run_scoped3A = tpu.sem_alloc : memref<!tpu.dma_semaphore, #tpu.memory_space<semaphore_mem>>
      %dma_start3A_100 = arith.constant 0 : i32
      %dma_start3A_101 = arith.constant 0 : i32
      %dma_start3A_102 = tpu.memref_slice %arg3[%add3A, %dma_start3A_100, %dma_start3A_101] : memref<32x80x128xi32, #tpu.memory_space<hbm>> -> memref<1x16x128xi32, #tpu.memory_space<hbm>>
      %dma_start3A_103 = tpu.memref_squeeze %dma_start3A_102 : memref<1x16x128xi32, #tpu.memory_space<hbm>> -> memref<16x128xi32, #tpu.memory_space<hbm>>
      %dma_start3A_104 = arith.constant 0 : i32
      %dma_start3A_105 = arith.constant 0 : i32
      %dma_start3A_106 = tpu.memref_slice %arg3[%add3A, %dma_start3A_104, %dma_start3A_105] : memref<32x80x128xi32, #tpu.memory_space<hbm>> -> memref<1x16x128xi32, #tpu.memory_space<hbm>>
      %dma_start3A_107 = tpu.memref_squeeze %dma_start3A_106 : memref<1x16x128xi32, #tpu.memory_space<hbm>> -> memref<16x128xi32, #tpu.memory_space<hbm>>
      tpu.enqueue_dma source(%dma_start3A_107 : memref<16x128xi32, #tpu.memory_space<hbm>>) target(%arg7 : memref<16x128xi32, #tpu.memory_space<vmem>>) target_semaphore(%run_scoped3A : memref<!tpu.dma_semaphore, #tpu.memory_space<semaphore_mem>>)
      %dma_wait3A_108 = arith.constant 0 : i32
      %dma_wait3A_109 = arith.constant 0 : i32
      %dma_wait3A_110 = tpu.memref_slice %arg3[%add3A, %dma_wait3A_108, %dma_wait3A_109] : memref<32x80x128xi32, #tpu.memory_space<hbm>> -> memref<1x16x128xi32, #tpu.memory_space<hbm>>
      %dma_wait3A_111 = tpu.memref_squeeze %dma_wait3A_110 : memref<1x16x128xi32, #tpu.memory_space<hbm>> -> memref<16x128xi32, #tpu.memory_space<hbm>>
      %dma_wait3A_112 = arith.constant 0 : i32
      %dma_wait3A_113 = arith.constant 0 : i32
      %dma_wait3A_114 = tpu.memref_slice %arg3[%add3A, %dma_wait3A_112, %dma_wait3A_113] : memref<32x80x128xi32, #tpu.memory_space<hbm>> -> memref<1x16x128xi32, #tpu.memory_space<hbm>>
      %dma_wait3A_115 = tpu.memref_squeeze %dma_wait3A_114 : memref<1x16x128xi32, #tpu.memory_space<hbm>> -> memref<16x128xi32, #tpu.memory_space<hbm>>
      tpu.wait_dma2 semaphore(%run_scoped3A : memref<!tpu.dma_semaphore, #tpu.memory_space<semaphore_mem>>) src(%dma_wait3A_115 : memref<16x128xi32, #tpu.memory_space<hbm>>) dst(%arg7 : memref<16x128xi32, #tpu.memory_space<vmem>>)
      tpu.yield
    }) : () -> ()
    "tpu.region"() ({
      %run_scoped3A = tpu.sem_alloc : memref<!tpu.dma_semaphore, #tpu.memory_space<semaphore_mem>>
      %dma_start3A_100 = arith.constant 0 : i32
      %dma_start3A_101 = arith.constant 0 : i32
      %dma_start3A_102 = tpu.memref_slice %arg4[%add3A, %dma_start3A_100, %dma_start3A_101] : memref<32x80x128xi32, #tpu.memory_space<hbm>> -> memref<1x16x128xi32, #tpu.memory_space<hbm>>
      %dma_start3A_103 = tpu.memref_squeeze %dma_start3A_102 : memref<1x16x128xi32, #tpu.memory_space<hbm>> -> memref<16x128xi32, #tpu.memory_space<hbm>>
      %dma_start3A_104 = arith.constant 0 : i32
      %dma_start3A_105 = arith.constant 0 : i32
      %dma_start3A_106 = tpu.memref_slice %arg4[%add3A, %dma_start3A_104, %dma_start3A_105] : memref<32x80x128xi32, #tpu.memory_space<hbm>> -> memref<1x16x128xi32, #tpu.memory_space<hbm>>
      %dma_start3A_107 = tpu.memref_squeeze %dma_start3A_106 : memref<1x16x128xi32, #tpu.memory_space<hbm>> -> memref<16x128xi32, #tpu.memory_space<hbm>>
      tpu.enqueue_dma source(%dma_start3A_107 : memref<16x128xi32, #tpu.memory_space<hbm>>) target(%arg8 : memref<16x128xi32, #tpu.memory_space<vmem>>) target_semaphore(%run_scoped3A : memref<!tpu.dma_semaphore, #tpu.memory_space<semaphore_mem>>)
      %dma_wait3A_108 = arith.constant 0 : i32
      %dma_wait3A_109 = arith.constant 0 : i32
      %dma_wait3A_110 = tpu.memref_slice %arg4[%add3A, %dma_wait3A_108, %dma_wait3A_109] : memref<32x80x128xi32, #tpu.memory_space<hbm>> -> memref<1x16x128xi32, #tpu.memory_space<hbm>>
      %dma_wait3A_111 = tpu.memref_squeeze %dma_wait3A_110 : memref<1x16x128xi32, #tpu.memory_space<hbm>> -> memref<16x128xi32, #tpu.memory_space<hbm>>
      %dma_wait3A_112 = arith.constant 0 : i32
      %dma_wait3A_113 = arith.constant 0 : i32
      %dma_wait3A_114 = tpu.memref_slice %arg4[%add3A, %dma_wait3A_112, %dma_wait3A_113] : memref<32x80x128xi32, #tpu.memory_space<hbm>> -> memref<1x16x128xi32, #tpu.memory_space<hbm>>
      %dma_wait3A_115 = tpu.memref_squeeze %dma_wait3A_114 : memref<1x16x128xi32, #tpu.memory_space<hbm>> -> memref<16x128xi32, #tpu.memory_space<hbm>>
      tpu.wait_dma2 semaphore(%run_scoped3A : memref<!tpu.dma_semaphore, #tpu.memory_space<semaphore_mem>>) src(%dma_wait3A_115 : memref<16x128xi32, #tpu.memory_space<hbm>>) dst(%arg8 : memref<16x128xi32, #tpu.memory_space<vmem>>)
      tpu.yield
    }) : () -> ()
    %dma_start3A = arith.constant 0 : i32
    %dma_start3A_3 = arith.constant 0 : i32
    %dma_start3A_4 = tpu.memref_slice %arg7[%dma_start3A, %dma_start3A_3] : memref<16x128xi32, #tpu.memory_space<vmem>> -> memref<1x128xi32, #tpu.memory_space<vmem>>
    %dma_start3A_5 = tpu.memref_squeeze %dma_start3A_4 : memref<1x128xi32, #tpu.memory_space<vmem>> -> memref<128xi32, #tpu.memory_space<vmem>>
    %dma_start3A_6 = arith.constant 0 : i32
    %dma_start3A_7 = arith.constant 0 : i32
    %dma_start3A_8 = tpu.memref_slice %arg2[%dma_start3A_6, %dma_start3A_7] : memref<10240x128xf32, #tpu.memory_space<hbm>> -> memref<10240x128xf32, #tpu.memory_space<hbm>>
    tpu.enqueue_indirect_dma source(%dma_start3A_8 : memref<10240x128xf32, #tpu.memory_space<hbm>>) target(%arg9 : memref<128x128xf32, #tpu.memory_space<vmem>>) offsets(%dma_start3A_5 : memref<128xi32, #tpu.memory_space<vmem>>) semaphore(%arg12 : memref<!tpu.dma_semaphore, #tpu.memory_space<semaphore_mem>>)
    %scan3A = arith.constant 0 : i32
    %scan3A_9 = arith.constant 8 : i32
    %scan3A_10 = arith.addi %scan3A, %scan3A_9 : i32
    %scan3A_11 = arith.constant 1 : i32
    scf.for %scan3A_100 = %scan3A to %scan3A_10 step %scan3A_11  : i32 {
      %mul3A_101 = arith.constant 2 : i32
      %mul3A_102 = arith.muli %scan3A_100, %mul3A_101 : i32
      %add3A_103 = arith.constant 0 : i32
      %add3A_104 = arith.addi %add3A_103, %mul3A_102 : i32
      %add3A_105 = arith.constant 1 : i32
      %add3A_106 = arith.addi %add3A_104, %add3A_105 : i32
      %dma_start3A_107 = arith.constant 0 : i32
      %dma_start3A_108 = tpu.memref_slice %arg7[%add3A_106, %dma_start3A_107] : memref<16x128xi32, #tpu.memory_space<vmem>> -> memref<1x128xi32, #tpu.memory_space<vmem>>
      %dma_start3A_109 = tpu.memref_squeeze %dma_start3A_108 : memref<1x128xi32, #tpu.memory_space<vmem>> -> memref<128xi32, #tpu.memory_space<vmem>>
      %dma_start3A_110 = arith.constant 0 : i32
      %dma_start3A_111 = arith.constant 0 : i32
      %dma_start3A_112 = tpu.memref_slice %arg2[%dma_start3A_110, %dma_start3A_111] : memref<10240x128xf32, #tpu.memory_space<hbm>> -> memref<10240x128xf32, #tpu.memory_space<hbm>>
      tpu.enqueue_indirect_dma source(%dma_start3A_112 : memref<10240x128xf32, #tpu.memory_space<hbm>>) target(%arg10 : memref<128x128xf32, #tpu.memory_space<vmem>>) offsets(%dma_start3A_109 : memref<128xi32, #tpu.memory_space<vmem>>) semaphore(%arg13 : memref<!tpu.dma_semaphore, #tpu.memory_space<semaphore_mem>>)
      %dma_wait3A_113 = arith.constant 0 : i32
      %dma_wait3A_114 = tpu.memref_slice %arg7[%add3A_104, %dma_wait3A_113] : memref<16x128xi32, #tpu.memory_space<vmem>> -> memref<1x128xi32, #tpu.memory_space<vmem>>
      %dma_wait3A_115 = tpu.memref_squeeze %dma_wait3A_114 : memref<1x128xi32, #tpu.memory_space<vmem>> -> memref<128xi32, #tpu.memory_space<vmem>>
      %dma_wait3A_116 = arith.constant 0 : i32
      %dma_wait3A_117 = arith.constant 0 : i32
      %dma_wait3A_118 = tpu.memref_slice %arg2[%dma_wait3A_116, %dma_wait3A_117] : memref<10240x128xf32, #tpu.memory_space<hbm>> -> memref<10240x128xf32, #tpu.memory_space<hbm>>
      tpu.wait_indirect_dma semaphore(%arg12 : memref<!tpu.dma_semaphore, #tpu.memory_space<semaphore_mem>>) src(%dma_wait3A_118 : memref<10240x128xf32, #tpu.memory_space<hbm>>) dst(%arg9 : memref<128x128xf32, #tpu.memory_space<vmem>>)
      "tpu.region"() ({
        %run_scoped3A = tpu.sem_alloc : memref<!tpu.dma_semaphore, #tpu.memory_space<semaphore_mem>>
        %dma_start3A_140 = arith.constant 0 : i32
        %dma_start3A_141 = tpu.memref_slice %arg8[%add3A_104, %dma_start3A_140] : memref<16x128xi32, #tpu.memory_space<vmem>> -> memref<1x128xi32, #tpu.memory_space<vmem>>
        %dma_start3A_142 = tpu.memref_squeeze %dma_start3A_141 : memref<1x128xi32, #tpu.memory_space<vmem>> -> memref<128xi32, #tpu.memory_space<vmem>>
        %dma_start3A_143 = arith.constant 0 : i32
        %dma_start3A_144 = arith.constant 0 : i32
        %dma_start3A_145 = tpu.memref_slice %arg11[%dma_start3A_143, %dma_start3A_144] : memref<10240x128xf32, #tpu.memory_space<vmem_shared>> -> memref<10240x128xf32, #tpu.memory_space<vmem_shared>>
        tpu.enqueue_indirect_dma source(%arg9 : memref<128x128xf32, #tpu.memory_space<vmem>>) target(%dma_start3A_145 : memref<10240x128xf32, #tpu.memory_space<vmem_shared>>) offsets(%dma_start3A_142 : memref<128xi32, #tpu.memory_space<vmem>>) semaphore(%run_scoped3A : memref<!tpu.dma_semaphore, #tpu.memory_space<semaphore_mem>>) {add = true}
        %dma_wait3A_146 = arith.constant 0 : i32
        %dma_wait3A_147 = tpu.memref_slice %arg8[%add3A_104, %dma_wait3A_146] : memref<16x128xi32, #tpu.memory_space<vmem>> -> memref<1x128xi32, #tpu.memory_space<vmem>>
        %dma_wait3A_148 = tpu.memref_squeeze %dma_wait3A_147 : memref<1x128xi32, #tpu.memory_space<vmem>> -> memref<128xi32, #tpu.memory_space<vmem>>
        %dma_wait3A_149 = arith.constant 0 : i32
        %dma_wait3A_150 = arith.constant 0 : i32
        %dma_wait3A_151 = tpu.memref_slice %arg11[%dma_wait3A_149, %dma_wait3A_150] : memref<10240x128xf32, #tpu.memory_space<vmem_shared>> -> memref<10240x128xf32, #tpu.memory_space<vmem_shared>>
        tpu.wait_indirect_dma semaphore(%run_scoped3A : memref<!tpu.dma_semaphore, #tpu.memory_space<semaphore_mem>>) src(%arg9 : memref<128x128xf32, #tpu.memory_space<vmem>>) dst(%dma_wait3A_151 : memref<10240x128xf32, #tpu.memory_space<vmem_shared>>)
        tpu.yield
      }) : () -> ()
      %add3A_119 = arith.constant 2 : i32
      %add3A_120 = arith.addi %add3A_104, %add3A_119 : i32
      %lt3A = arith.constant 16 : i32
      %lt3A_121 = arith.cmpi slt, %add3A_120, %lt3A : i32
      %add3A_122 = arith.constant 2 : i32
      %add3A_123 = arith.addi %add3A_104, %add3A_122 : i32
      %jit3A = arith.constant 0 : i32
      %select_n3A = arith.select %lt3A_121, %add3A_123, %jit3A : i32
      %dma_start3A_124 = arith.constant 0 : i32
      %dma_start3A_125 = tpu.memref_slice %arg7[%select_n3A, %dma_start3A_124] : memref<16x128xi32, #tpu.memory_space<vmem>> -> memref<1x128xi32, #tpu.memory_space<vmem>>
      %dma_start3A_126 = tpu.memref_squeeze %dma_start3A_125 : memref<1x128xi32, #tpu.memory_space<vmem>> -> memref<128xi32, #tpu.memory_space<vmem>>
      %dma_start3A_127 = arith.constant 0 : i32
      %dma_start3A_128 = arith.constant 0 : i32
      %dma_start3A_129 = tpu.memref_slice %arg2[%dma_start3A_127, %dma_start3A_128] : memref<10240x128xf32, #tpu.memory_space<hbm>> -> memref<10240x128xf32, #tpu.memory_space<hbm>>
      tpu.enqueue_indirect_dma source(%dma_start3A_129 : memref<10240x128xf32, #tpu.memory_space<hbm>>) target(%arg9 : memref<128x128xf32, #tpu.memory_space<vmem>>) offsets(%dma_start3A_126 : memref<128xi32, #tpu.memory_space<vmem>>) semaphore(%arg12 : memref<!tpu.dma_semaphore, #tpu.memory_space<semaphore_mem>>)
      %add3A_130 = arith.constant 1 : i32
      %add3A_131 = arith.addi %add3A_104, %add3A_130 : i32
      %dma_wait3A_132 = arith.constant 0 : i32
      %dma_wait3A_133 = tpu.memref_slice %arg7[%add3A_131, %dma_wait3A_132] : memref<16x128xi32, #tpu.memory_space<vmem>> -> memref<1x128xi32, #tpu.memory_space<vmem>>
      %dma_wait3A_134 = tpu.memref_squeeze %dma_wait3A_133 : memref<1x128xi32, #tpu.memory_space<vmem>> -> memref<128xi32, #tpu.memory_space<vmem>>
      %dma_wait3A_135 = arith.constant 0 : i32
      %dma_wait3A_136 = arith.constant 0 : i32
      %dma_wait3A_137 = tpu.memref_slice %arg2[%dma_wait3A_135, %dma_wait3A_136] : memref<10240x128xf32, #tpu.memory_space<hbm>> -> memref<10240x128xf32, #tpu.memory_space<hbm>>
      tpu.wait_indirect_dma semaphore(%arg13 : memref<!tpu.dma_semaphore, #tpu.memory_space<semaphore_mem>>) src(%dma_wait3A_137 : memref<10240x128xf32, #tpu.memory_space<hbm>>) dst(%arg10 : memref<128x128xf32, #tpu.memory_space<vmem>>)
      %add3A_138 = arith.constant 1 : i32
      %add3A_139 = arith.addi %add3A_104, %add3A_138 : i32
      "tpu.region"() ({
        %run_scoped3A = tpu.sem_alloc : memref<!tpu.dma_semaphore, #tpu.memory_space<semaphore_mem>>
        %dma_start3A_140 = arith.constant 0 : i32
        %dma_start3A_141 = tpu.memref_slice %arg8[%add3A_139, %dma_start3A_140] : memref<16x128xi32, #tpu.memory_space<vmem>> -> memref<1x128xi32, #tpu.memory_space<vmem>>
        %dma_start3A_142 = tpu.memref_squeeze %dma_start3A_141 : memref<1x128xi32, #tpu.memory_space<vmem>> -> memref<128xi32, #tpu.memory_space<vmem>>
        %dma_start3A_143 = arith.constant 0 : i32
        %dma_start3A_144 = arith.constant 0 : i32
        %dma_start3A_145 = tpu.memref_slice %arg11[%dma_start3A_143, %dma_start3A_144] : memref<10240x128xf32, #tpu.memory_space<vmem_shared>> -> memref<10240x128xf32, #tpu.memory_space<vmem_shared>>
        tpu.enqueue_indirect_dma source(%arg10 : memref<128x128xf32, #tpu.memory_space<vmem>>) target(%dma_start3A_145 : memref<10240x128xf32, #tpu.memory_space<vmem_shared>>) offsets(%dma_start3A_142 : memref<128xi32, #tpu.memory_space<vmem>>) semaphore(%run_scoped3A : memref<!tpu.dma_semaphore, #tpu.memory_space<semaphore_mem>>) {add = true}
        %dma_wait3A_146 = arith.constant 0 : i32
        %dma_wait3A_147 = tpu.memref_slice %arg8[%add3A_139, %dma_wait3A_146] : memref<16x128xi32, #tpu.memory_space<vmem>> -> memref<1x128xi32, #tpu.memory_space<vmem>>
        %dma_wait3A_148 = tpu.memref_squeeze %dma_wait3A_147 : memref<1x128xi32, #tpu.memory_space<vmem>> -> memref<128xi32, #tpu.memory_space<vmem>>
        %dma_wait3A_149 = arith.constant 0 : i32
        %dma_wait3A_150 = arith.constant 0 : i32
        %dma_wait3A_151 = tpu.memref_slice %arg11[%dma_wait3A_149, %dma_wait3A_150] : memref<10240x128xf32, #tpu.memory_space<vmem_shared>> -> memref<10240x128xf32, #tpu.memory_space<vmem_shared>>
        tpu.wait_indirect_dma semaphore(%run_scoped3A : memref<!tpu.dma_semaphore, #tpu.memory_space<semaphore_mem>>) src(%arg10 : memref<128x128xf32, #tpu.memory_space<vmem>>) dst(%dma_wait3A_151 : memref<10240x128xf32, #tpu.memory_space<vmem_shared>>)
        tpu.yield
      }) : () -> ()
    }
    %scan3A_12 = arith.constant 8 : i32
    %dma_wait3A = arith.constant 0 : i32
    %dma_wait3A_13 = arith.constant 0 : i32
    %dma_wait3A_14 = tpu.memref_slice %arg7[%dma_wait3A, %dma_wait3A_13] : memref<16x128xi32, #tpu.memory_space<vmem>> -> memref<1x128xi32, #tpu.memory_space<vmem>>
    %dma_wait3A_15 = tpu.memref_squeeze %dma_wait3A_14 : memref<1x128xi32, #tpu.memory_space<vmem>> -> memref<128xi32, #tpu.memory_space<vmem>>
    %dma_wait3A_16 = arith.constant 0 : i32
    %dma_wait3A_17 = arith.constant 0 : i32
    %dma_wait3A_18 = tpu.memref_slice %arg2[%dma_wait3A_16, %dma_wait3A_17] : memref<10240x128xf32, #tpu.memory_space<hbm>> -> memref<10240x128xf32, #tpu.memory_space<hbm>>
    tpu.wait_indirect_dma semaphore(%arg12 : memref<!tpu.dma_semaphore, #tpu.memory_space<semaphore_mem>>) src(%dma_wait3A_18 : memref<10240x128xf32, #tpu.memory_space<hbm>>) dst(%arg9 : memref<128x128xf32, #tpu.memory_space<vmem>>)
    "tpu.region"() ({
      %run_scoped3A = tpu.sem_alloc : memref<!tpu.dma_semaphore, #tpu.memory_space<semaphore_mem>>
      %dma_start3A_100 = arith.constant 16 : i32
      %dma_start3A_101 = arith.constant 0 : i32
      %dma_start3A_102 = tpu.memref_slice %arg3[%add3A, %dma_start3A_100, %dma_start3A_101] : memref<32x80x128xi32, #tpu.memory_space<hbm>> -> memref<1x16x128xi32, #tpu.memory_space<hbm>>
      %dma_start3A_103 = tpu.memref_squeeze %dma_start3A_102 : memref<1x16x128xi32, #tpu.memory_space<hbm>> -> memref<16x128xi32, #tpu.memory_space<hbm>>
      %dma_start3A_104 = arith.constant 16 : i32
      %dma_start3A_105 = arith.constant 0 : i32
      %dma_start3A_106 = tpu.memref_slice %arg3[%add3A, %dma_start3A_104, %dma_start3A_105] : memref<32x80x128xi32, #tpu.memory_space<hbm>> -> memref<1x16x128xi32, #tpu.memory_space<hbm>>
      %dma_start3A_107 = tpu.memref_squeeze %dma_start3A_106 : memref<1x16x128xi32, #tpu.memory_space<hbm>> -> memref<16x128xi32, #tpu.memory_space<hbm>>
      tpu.enqueue_dma source(%dma_start3A_107 : memref<16x128xi32, #tpu.memory_space<hbm>>) target(%arg7 : memref<16x128xi32, #tpu.memory_space<vmem>>) target_semaphore(%run_scoped3A : memref<!tpu.dma_semaphore, #tpu.memory_space<semaphore_mem>>)
      %dma_wait3A_108 = arith.constant 16 : i32
      %dma_wait3A_109 = arith.constant 0 : i32
      %dma_wait3A_110 = tpu.memref_slice %arg3[%add3A, %dma_wait3A_108, %dma_wait3A_109] : memref<32x80x128xi32, #tpu.memory_space<hbm>> -> memref<1x16x128xi32, #tpu.memory_space<hbm>>
      %dma_wait3A_111 = tpu.memref_squeeze %dma_wait3A_110 : memref<1x16x128xi32, #tpu.memory_space<hbm>> -> memref<16x128xi32, #tpu.memory_space<hbm>>
      %dma_wait3A_112 = arith.constant 16 : i32
      %dma_wait3A_113 = arith.constant 0 : i32
      %dma_wait3A_114 = tpu.memref_slice %arg3[%add3A, %dma_wait3A_112, %dma_wait3A_113] : memref<32x80x128xi32, #tpu.memory_space<hbm>> -> memref<1x16x128xi32, #tpu.memory_space<hbm>>
      %dma_wait3A_115 = tpu.memref_squeeze %dma_wait3A_114 : memref<1x16x128xi32, #tpu.memory_space<hbm>> -> memref<16x128xi32, #tpu.memory_space<hbm>>
      tpu.wait_dma2 semaphore(%run_scoped3A : memref<!tpu.dma_semaphore, #tpu.memory_space<semaphore_mem>>) src(%dma_wait3A_115 : memref<16x128xi32, #tpu.memory_space<hbm>>) dst(%arg7 : memref<16x128xi32, #tpu.memory_space<vmem>>)
      tpu.yield
    }) : () -> ()
    "tpu.region"() ({
      %run_scoped3A = tpu.sem_alloc : memref<!tpu.dma_semaphore, #tpu.memory_space<semaphore_mem>>
      %dma_start3A_100 = arith.constant 16 : i32
      %dma_start3A_101 = arith.constant 0 : i32
      %dma_start3A_102 = tpu.memref_slice %arg4[%add3A, %dma_start3A_100, %dma_start3A_101] : memref<32x80x128xi32, #tpu.memory_space<hbm>> -> memref<1x16x128xi32, #tpu.memory_space<hbm>>
      %dma_start3A_103 = tpu.memref_squeeze %dma_start3A_102 : memref<1x16x128xi32, #tpu.memory_space<hbm>> -> memref<16x128xi32, #tpu.memory_space<hbm>>
      %dma_start3A_104 = arith.constant 16 : i32
      %dma_start3A_105 = arith.constant 0 : i32
      %dma_start3A_106 = tpu.memref_slice %arg4[%add3A, %dma_start3A_104, %dma_start3A_105] : memref<32x80x128xi32, #tpu.memory_space<hbm>> -> memref<1x16x128xi32, #tpu.memory_space<hbm>>
      %dma_start3A_107 = tpu.memref_squeeze %dma_start3A_106 : memref<1x16x128xi32, #tpu.memory_space<hbm>> -> memref<16x128xi32, #tpu.memory_space<hbm>>
      tpu.enqueue_dma source(%dma_start3A_107 : memref<16x128xi32, #tpu.memory_space<hbm>>) target(%arg8 : memref<16x128xi32, #tpu.memory_space<vmem>>) target_semaphore(%run_scoped3A : memref<!tpu.dma_semaphore, #tpu.memory_space<semaphore_mem>>)
      %dma_wait3A_108 = arith.constant 16 : i32
      %dma_wait3A_109 = arith.constant 0 : i32
      %dma_wait3A_110 = tpu.memref_slice %arg4[%add3A, %dma_wait3A_108, %dma_wait3A_109] : memref<32x80x128xi32, #tpu.memory_space<hbm>> -> memref<1x16x128xi32, #tpu.memory_space<hbm>>
      %dma_wait3A_111 = tpu.memref_squeeze %dma_wait3A_110 : memref<1x16x128xi32, #tpu.memory_space<hbm>> -> memref<16x128xi32, #tpu.memory_space<hbm>>
      %dma_wait3A_112 = arith.constant 16 : i32
      %dma_wait3A_113 = arith.constant 0 : i32
      %dma_wait3A_114 = tpu.memref_slice %arg4[%add3A, %dma_wait3A_112, %dma_wait3A_113] : memref<32x80x128xi32, #tpu.memory_space<hbm>> -> memref<1x16x128xi32, #tpu.memory_space<hbm>>
      %dma_wait3A_115 = tpu.memref_squeeze %dma_wait3A_114 : memref<1x16x128xi32, #tpu.memory_space<hbm>> -> memref<16x128xi32, #tpu.memory_space<hbm>>
      tpu.wait_dma2 semaphore(%run_scoped3A : memref<!tpu.dma_semaphore, #tpu.memory_space<semaphore_mem>>) src(%dma_wait3A_115 : memref<16x128xi32, #tpu.memory_space<hbm>>) dst(%arg8 : memref<16x128xi32, #tpu.memory_space<vmem>>)
      tpu.yield
    }) : () -> ()
    %dma_start3A_19 = arith.constant 0 : i32
    %dma_start3A_20 = arith.constant 0 : i32
    %dma_start3A_21 = tpu.memref_slice %arg7[%dma_start3A_19, %dma_start3A_20] : memref<16x128xi32, #tpu.memory_space<vmem>> -> memref<1x128xi32, #tpu.memory_space<vmem>>
    %dma_start3A_22 = tpu.memref_squeeze %dma_start3A_21 : memref<1x128xi32, #tpu.memory_space<vmem>> -> memref<128xi32, #tpu.memory_space<vmem>>
    %dma_start3A_23 = arith.constant 0 : i32
    %dma_start3A_24 = arith.constant 0 : i32
    %dma_start3A_25 = tpu.memref_slice %arg2[%dma_start3A_23, %dma_start3A_24] : memref<10240x128xf32, #tpu.memory_space<hbm>> -> memref<10240x128xf32, #tpu.memory_space<hbm>>
    tpu.enqueue_indirect_dma source(%dma_start3A_25 : memref<10240x128xf32, #tpu.memory_space<hbm>>) target(%arg9 : memref<128x128xf32, #tpu.memory_space<vmem>>) offsets(%dma_start3A_22 : memref<128xi32, #tpu.memory_space<vmem>>) semaphore(%arg12 : memref<!tpu.dma_semaphore, #tpu.memory_space<semaphore_mem>>)
    %scan3A_26 = arith.constant 0 : i32
    %scan3A_27 = arith.constant 8 : i32
    %scan3A_28 = arith.addi %scan3A_26, %scan3A_27 : i32
    %scan3A_29 = arith.constant 1 : i32
    scf.for %scan3A_100 = %scan3A_26 to %scan3A_28 step %scan3A_29  : i32 {
      %mul3A_101 = arith.constant 2 : i32
      %mul3A_102 = arith.muli %scan3A_100, %mul3A_101 : i32
      %add3A_103 = arith.constant 0 : i32
      %add3A_104 = arith.addi %add3A_103, %mul3A_102 : i32
      %add3A_105 = arith.constant 1 : i32
      %add3A_106 = arith.addi %add3A_104, %add3A_105 : i32
      %dma_start3A_107 = arith.constant 0 : i32
      %dma_start3A_108 = tpu.memref_slice %arg7[%add3A_106, %dma_start3A_107] : memref<16x128xi32, #tpu.memory_space<vmem>> -> memref<1x128xi32, #tpu.memory_space<vmem>>
      %dma_start3A_109 = tpu.memref_squeeze %dma_start3A_108 : memref<1x128xi32, #tpu.memory_space<vmem>> -> memref<128xi32, #tpu.memory_space<vmem>>
      %dma_start3A_110 = arith.constant 0 : i32
      %dma_start3A_111 = arith.constant 0 : i32
      %dma_start3A_112 = tpu.memref_slice %arg2[%dma_start3A_110, %dma_start3A_111] : memref<10240x128xf32, #tpu.memory_space<hbm>> -> memref<10240x128xf32, #tpu.memory_space<hbm>>
      tpu.enqueue_indirect_dma source(%dma_start3A_112 : memref<10240x128xf32, #tpu.memory_space<hbm>>) target(%arg10 : memref<128x128xf32, #tpu.memory_space<vmem>>) offsets(%dma_start3A_109 : memref<128xi32, #tpu.memory_space<vmem>>) semaphore(%arg13 : memref<!tpu.dma_semaphore, #tpu.memory_space<semaphore_mem>>)
      %dma_wait3A_113 = arith.constant 0 : i32
      %dma_wait3A_114 = tpu.memref_slice %arg7[%add3A_104, %dma_wait3A_113] : memref<16x128xi32, #tpu.memory_space<vmem>> -> memref<1x128xi32, #tpu.memory_space<vmem>>
      %dma_wait3A_115 = tpu.memref_squeeze %dma_wait3A_114 : memref<1x128xi32, #tpu.memory_space<vmem>> -> memref<128xi32, #tpu.memory_space<vmem>>
      %dma_wait3A_116 = arith.constant 0 : i32
      %dma_wait3A_117 = arith.constant 0 : i32
      %dma_wait3A_118 = tpu.memref_slice %arg2[%dma_wait3A_116, %dma_wait3A_117] : memref<10240x128xf32, #tpu.memory_space<hbm>> -> memref<10240x128xf32, #tpu.memory_space<hbm>>
      tpu.wait_indirect_dma semaphore(%arg12 : memref<!tpu.dma_semaphore, #tpu.memory_space<semaphore_mem>>) src(%dma_wait3A_118 : memref<10240x128xf32, #tpu.memory_space<hbm>>) dst(%arg9 : memref<128x128xf32, #tpu.memory_space<vmem>>)
      "tpu.region"() ({
        %run_scoped3A = tpu.sem_alloc : memref<!tpu.dma_semaphore, #tpu.memory_space<semaphore_mem>>
        %dma_start3A_140 = arith.constant 0 : i32
        %dma_start3A_141 = tpu.memref_slice %arg8[%add3A_104, %dma_start3A_140] : memref<16x128xi32, #tpu.memory_space<vmem>> -> memref<1x128xi32, #tpu.memory_space<vmem>>
        %dma_start3A_142 = tpu.memref_squeeze %dma_start3A_141 : memref<1x128xi32, #tpu.memory_space<vmem>> -> memref<128xi32, #tpu.memory_space<vmem>>
        %dma_start3A_143 = arith.constant 0 : i32
        %dma_start3A_144 = arith.constant 0 : i32
        %dma_start3A_145 = tpu.memref_slice %arg11[%dma_start3A_143, %dma_start3A_144] : memref<10240x128xf32, #tpu.memory_space<vmem_shared>> -> memref<10240x128xf32, #tpu.memory_space<vmem_shared>>
        tpu.enqueue_indirect_dma source(%arg9 : memref<128x128xf32, #tpu.memory_space<vmem>>) target(%dma_start3A_145 : memref<10240x128xf32, #tpu.memory_space<vmem_shared>>) offsets(%dma_start3A_142 : memref<128xi32, #tpu.memory_space<vmem>>) semaphore(%run_scoped3A : memref<!tpu.dma_semaphore, #tpu.memory_space<semaphore_mem>>) {add = true}
        %dma_wait3A_146 = arith.constant 0 : i32
        %dma_wait3A_147 = tpu.memref_slice %arg8[%add3A_104, %dma_wait3A_146] : memref<16x128xi32, #tpu.memory_space<vmem>> -> memref<1x128xi32, #tpu.memory_space<vmem>>
        %dma_wait3A_148 = tpu.memref_squeeze %dma_wait3A_147 : memref<1x128xi32, #tpu.memory_space<vmem>> -> memref<128xi32, #tpu.memory_space<vmem>>
        %dma_wait3A_149 = arith.constant 0 : i32
        %dma_wait3A_150 = arith.constant 0 : i32
        %dma_wait3A_151 = tpu.memref_slice %arg11[%dma_wait3A_149, %dma_wait3A_150] : memref<10240x128xf32, #tpu.memory_space<vmem_shared>> -> memref<10240x128xf32, #tpu.memory_space<vmem_shared>>
        tpu.wait_indirect_dma semaphore(%run_scoped3A : memref<!tpu.dma_semaphore, #tpu.memory_space<semaphore_mem>>) src(%arg9 : memref<128x128xf32, #tpu.memory_space<vmem>>) dst(%dma_wait3A_151 : memref<10240x128xf32, #tpu.memory_space<vmem_shared>>)
        tpu.yield
      }) : () -> ()
      %add3A_119 = arith.constant 2 : i32
      %add3A_120 = arith.addi %add3A_104, %add3A_119 : i32
      %lt3A = arith.constant 16 : i32
      %lt3A_121 = arith.cmpi slt, %add3A_120, %lt3A : i32
      %add3A_122 = arith.constant 2 : i32
      %add3A_123 = arith.addi %add3A_104, %add3A_122 : i32
      %jit3A = arith.constant 0 : i32
      %select_n3A = arith.select %lt3A_121, %add3A_123, %jit3A : i32
      %dma_start3A_124 = arith.constant 0 : i32
      %dma_start3A_125 = tpu.memref_slice %arg7[%select_n3A, %dma_start3A_124] : memref<16x128xi32, #tpu.memory_space<vmem>> -> memref<1x128xi32, #tpu.memory_space<vmem>>
      %dma_start3A_126 = tpu.memref_squeeze %dma_start3A_125 : memref<1x128xi32, #tpu.memory_space<vmem>> -> memref<128xi32, #tpu.memory_space<vmem>>
      %dma_start3A_127 = arith.constant 0 : i32
      %dma_start3A_128 = arith.constant 0 : i32
      %dma_start3A_129 = tpu.memref_slice %arg2[%dma_start3A_127, %dma_start3A_128] : memref<10240x128xf32, #tpu.memory_space<hbm>> -> memref<10240x128xf32, #tpu.memory_space<hbm>>
      tpu.enqueue_indirect_dma source(%dma_start3A_129 : memref<10240x128xf32, #tpu.memory_space<hbm>>) target(%arg9 : memref<128x128xf32, #tpu.memory_space<vmem>>) offsets(%dma_start3A_126 : memref<128xi32, #tpu.memory_space<vmem>>) semaphore(%arg12 : memref<!tpu.dma_semaphore, #tpu.memory_space<semaphore_mem>>)
      %add3A_130 = arith.constant 1 : i32
      %add3A_131 = arith.addi %add3A_104, %add3A_130 : i32
      %dma_wait3A_132 = arith.constant 0 : i32
      %dma_wait3A_133 = tpu.memref_slice %arg7[%add3A_131, %dma_wait3A_132] : memref<16x128xi32, #tpu.memory_space<vmem>> -> memref<1x128xi32, #tpu.memory_space<vmem>>
      %dma_wait3A_134 = tpu.memref_squeeze %dma_wait3A_133 : memref<1x128xi32, #tpu.memory_space<vmem>> -> memref<128xi32, #tpu.memory_space<vmem>>
      %dma_wait3A_135 = arith.constant 0 : i32
      %dma_wait3A_136 = arith.constant 0 : i32
      %dma_wait3A_137 = tpu.memref_slice %arg2[%dma_wait3A_135, %dma_wait3A_136] : memref<10240x128xf32, #tpu.memory_space<hbm>> -> memref<10240x128xf32, #tpu.memory_space<hbm>>
      tpu.wait_indirect_dma semaphore(%arg13 : memref<!tpu.dma_semaphore, #tpu.memory_space<semaphore_mem>>) src(%dma_wait3A_137 : memref<10240x128xf32, #tpu.memory_space<hbm>>) dst(%arg10 : memref<128x128xf32, #tpu.memory_space<vmem>>)
      %add3A_138 = arith.constant 1 : i32
      %add3A_139 = arith.addi %add3A_104, %add3A_138 : i32
      "tpu.region"() ({
        %run_scoped3A = tpu.sem_alloc : memref<!tpu.dma_semaphore, #tpu.memory_space<semaphore_mem>>
        %dma_start3A_140 = arith.constant 0 : i32
        %dma_start3A_141 = tpu.memref_slice %arg8[%add3A_139, %dma_start3A_140] : memref<16x128xi32, #tpu.memory_space<vmem>> -> memref<1x128xi32, #tpu.memory_space<vmem>>
        %dma_start3A_142 = tpu.memref_squeeze %dma_start3A_141 : memref<1x128xi32, #tpu.memory_space<vmem>> -> memref<128xi32, #tpu.memory_space<vmem>>
        %dma_start3A_143 = arith.constant 0 : i32
        %dma_start3A_144 = arith.constant 0 : i32
        %dma_start3A_145 = tpu.memref_slice %arg11[%dma_start3A_143, %dma_start3A_144] : memref<10240x128xf32, #tpu.memory_space<vmem_shared>> -> memref<10240x128xf32, #tpu.memory_space<vmem_shared>>
        tpu.enqueue_indirect_dma source(%arg10 : memref<128x128xf32, #tpu.memory_space<vmem>>) target(%dma_start3A_145 : memref<10240x128xf32, #tpu.memory_space<vmem_shared>>) offsets(%dma_start3A_142 : memref<128xi32, #tpu.memory_space<vmem>>) semaphore(%run_scoped3A : memref<!tpu.dma_semaphore, #tpu.memory_space<semaphore_mem>>) {add = true}
        %dma_wait3A_146 = arith.constant 0 : i32
        %dma_wait3A_147 = tpu.memref_slice %arg8[%add3A_139, %dma_wait3A_146] : memref<16x128xi32, #tpu.memory_space<vmem>> -> memref<1x128xi32, #tpu.memory_space<vmem>>
        %dma_wait3A_148 = tpu.memref_squeeze %dma_wait3A_147 : memref<1x128xi32, #tpu.memory_space<vmem>> -> memref<128xi32, #tpu.memory_space<vmem>>
        %dma_wait3A_149 = arith.constant 0 : i32
        %dma_wait3A_150 = arith.constant 0 : i32
        %dma_wait3A_151 = tpu.memref_slice %arg11[%dma_wait3A_149, %dma_wait3A_150] : memref<10240x128xf32, #tpu.memory_space<vmem_shared>> -> memref<10240x128xf32, #tpu.memory_space<vmem_shared>>
        tpu.wait_indirect_dma semaphore(%run_scoped3A : memref<!tpu.dma_semaphore, #tpu.memory_space<semaphore_mem>>) src(%arg10 : memref<128x128xf32, #tpu.memory_space<vmem>>) dst(%dma_wait3A_151 : memref<10240x128xf32, #tpu.memory_space<vmem_shared>>)
        tpu.yield
      }) : () -> ()
    }
    %scan3A_30 = arith.constant 8 : i32
    %dma_wait3A_31 = arith.constant 0 : i32
    %dma_wait3A_32 = arith.constant 0 : i32
    %dma_wait3A_33 = tpu.memref_slice %arg7[%dma_wait3A_31, %dma_wait3A_32] : memref<16x128xi32, #tpu.memory_space<vmem>> -> memref<1x128xi32, #tpu.memory_space<vmem>>
    %dma_wait3A_34 = tpu.memref_squeeze %dma_wait3A_33 : memref<1x128xi32, #tpu.memory_space<vmem>> -> memref<128xi32, #tpu.memory_space<vmem>>
    %dma_wait3A_35 = arith.constant 0 : i32
    %dma_wait3A_36 = arith.constant 0 : i32
    %dma_wait3A_37 = tpu.memref_slice %arg2[%dma_wait3A_35, %dma_wait3A_36] : memref<10240x128xf32, #tpu.memory_space<hbm>> -> memref<10240x128xf32, #tpu.memory_space<hbm>>
    tpu.wait_indirect_dma semaphore(%arg12 : memref<!tpu.dma_semaphore, #tpu.memory_space<semaphore_mem>>) src(%dma_wait3A_37 : memref<10240x128xf32, #tpu.memory_space<hbm>>) dst(%arg9 : memref<128x128xf32, #tpu.memory_space<vmem>>)
    "tpu.region"() ({
      %run_scoped3A = tpu.sem_alloc : memref<!tpu.dma_semaphore, #tpu.memory_space<semaphore_mem>>
      %dma_start3A_100 = arith.constant 32 : i32
      %dma_start3A_101 = arith.constant 0 : i32
      %dma_start3A_102 = tpu.memref_slice %arg3[%add3A, %dma_start3A_100, %dma_start3A_101] : memref<32x80x128xi32, #tpu.memory_space<hbm>> -> memref<1x16x128xi32, #tpu.memory_space<hbm>>
      %dma_start3A_103 = tpu.memref_squeeze %dma_start3A_102 : memref<1x16x128xi32, #tpu.memory_space<hbm>> -> memref<16x128xi32, #tpu.memory_space<hbm>>
      %dma_start3A_104 = arith.constant 32 : i32
      %dma_start3A_105 = arith.constant 0 : i32
      %dma_start3A_106 = tpu.memref_slice %arg3[%add3A, %dma_start3A_104, %dma_start3A_105] : memref<32x80x128xi32, #tpu.memory_space<hbm>> -> memref<1x16x128xi32, #tpu.memory_space<hbm>>
      %dma_start3A_107 = tpu.memref_squeeze %dma_start3A_106 : memref<1x16x128xi32, #tpu.memory_space<hbm>> -> memref<16x128xi32, #tpu.memory_space<hbm>>
      tpu.enqueue_dma source(%dma_start3A_107 : memref<16x128xi32, #tpu.memory_space<hbm>>) target(%arg7 : memref<16x128xi32, #tpu.memory_space<vmem>>) target_semaphore(%run_scoped3A : memref<!tpu.dma_semaphore, #tpu.memory_space<semaphore_mem>>)
      %dma_wait3A_108 = arith.constant 32 : i32
      %dma_wait3A_109 = arith.constant 0 : i32
      %dma_wait3A_110 = tpu.memref_slice %arg3[%add3A, %dma_wait3A_108, %dma_wait3A_109] : memref<32x80x128xi32, #tpu.memory_space<hbm>> -> memref<1x16x128xi32, #tpu.memory_space<hbm>>
      %dma_wait3A_111 = tpu.memref_squeeze %dma_wait3A_110 : memref<1x16x128xi32, #tpu.memory_space<hbm>> -> memref<16x128xi32, #tpu.memory_space<hbm>>
      %dma_wait3A_112 = arith.constant 32 : i32
      %dma_wait3A_113 = arith.constant 0 : i32
      %dma_wait3A_114 = tpu.memref_slice %arg3[%add3A, %dma_wait3A_112, %dma_wait3A_113] : memref<32x80x128xi32, #tpu.memory_space<hbm>> -> memref<1x16x128xi32, #tpu.memory_space<hbm>>
      %dma_wait3A_115 = tpu.memref_squeeze %dma_wait3A_114 : memref<1x16x128xi32, #tpu.memory_space<hbm>> -> memref<16x128xi32, #tpu.memory_space<hbm>>
      tpu.wait_dma2 semaphore(%run_scoped3A : memref<!tpu.dma_semaphore, #tpu.memory_space<semaphore_mem>>) src(%dma_wait3A_115 : memref<16x128xi32, #tpu.memory_space<hbm>>) dst(%arg7 : memref<16x128xi32, #tpu.memory_space<vmem>>)
      tpu.yield
    }) : () -> ()
    "tpu.region"() ({
      %run_scoped3A = tpu.sem_alloc : memref<!tpu.dma_semaphore, #tpu.memory_space<semaphore_mem>>
      %dma_start3A_100 = arith.constant 32 : i32
      %dma_start3A_101 = arith.constant 0 : i32
      %dma_start3A_102 = tpu.memref_slice %arg4[%add3A, %dma_start3A_100, %dma_start3A_101] : memref<32x80x128xi32, #tpu.memory_space<hbm>> -> memref<1x16x128xi32, #tpu.memory_space<hbm>>
      %dma_start3A_103 = tpu.memref_squeeze %dma_start3A_102 : memref<1x16x128xi32, #tpu.memory_space<hbm>> -> memref<16x128xi32, #tpu.memory_space<hbm>>
      %dma_start3A_104 = arith.constant 32 : i32
      %dma_start3A_105 = arith.constant 0 : i32
      %dma_start3A_106 = tpu.memref_slice %arg4[%add3A, %dma_start3A_104, %dma_start3A_105] : memref<32x80x128xi32, #tpu.memory_space<hbm>> -> memref<1x16x128xi32, #tpu.memory_space<hbm>>
      %dma_start3A_107 = tpu.memref_squeeze %dma_start3A_106 : memref<1x16x128xi32, #tpu.memory_space<hbm>> -> memref<16x128xi32, #tpu.memory_space<hbm>>
      tpu.enqueue_dma source(%dma_start3A_107 : memref<16x128xi32, #tpu.memory_space<hbm>>) target(%arg8 : memref<16x128xi32, #tpu.memory_space<vmem>>) target_semaphore(%run_scoped3A : memref<!tpu.dma_semaphore, #tpu.memory_space<semaphore_mem>>)
      %dma_wait3A_108 = arith.constant 32 : i32
      %dma_wait3A_109 = arith.constant 0 : i32
      %dma_wait3A_110 = tpu.memref_slice %arg4[%add3A, %dma_wait3A_108, %dma_wait3A_109] : memref<32x80x128xi32, #tpu.memory_space<hbm>> -> memref<1x16x128xi32, #tpu.memory_space<hbm>>
      %dma_wait3A_111 = tpu.memref_squeeze %dma_wait3A_110 : memref<1x16x128xi32, #tpu.memory_space<hbm>> -> memref<16x128xi32, #tpu.memory_space<hbm>>
      %dma_wait3A_112 = arith.constant 32 : i32
      %dma_wait3A_113 = arith.constant 0 : i32
      %dma_wait3A_114 = tpu.memref_slice %arg4[%add3A, %dma_wait3A_112, %dma_wait3A_113] : memref<32x80x128xi32, #tpu.memory_space<hbm>> -> memref<1x16x128xi32, #tpu.memory_space<hbm>>
      %dma_wait3A_115 = tpu.memref_squeeze %dma_wait3A_114 : memref<1x16x128xi32, #tpu.memory_space<hbm>> -> memref<16x128xi32, #tpu.memory_space<hbm>>
      tpu.wait_dma2 semaphore(%run_scoped3A : memref<!tpu.dma_semaphore, #tpu.memory_space<semaphore_mem>>) src(%dma_wait3A_115 : memref<16x128xi32, #tpu.memory_space<hbm>>) dst(%arg8 : memref<16x128xi32, #tpu.memory_space<vmem>>)
      tpu.yield
    }) : () -> ()
    %dma_start3A_38 = arith.constant 0 : i32
    %dma_start3A_39 = arith.constant 0 : i32
    %dma_start3A_40 = tpu.memref_slice %arg7[%dma_start3A_38, %dma_start3A_39] : memref<16x128xi32, #tpu.memory_space<vmem>> -> memref<1x128xi32, #tpu.memory_space<vmem>>
    %dma_start3A_41 = tpu.memref_squeeze %dma_start3A_40 : memref<1x128xi32, #tpu.memory_space<vmem>> -> memref<128xi32, #tpu.memory_space<vmem>>
    %dma_start3A_42 = arith.constant 0 : i32
    %dma_start3A_43 = arith.constant 0 : i32
    %dma_start3A_44 = tpu.memref_slice %arg2[%dma_start3A_42, %dma_start3A_43] : memref<10240x128xf32, #tpu.memory_space<hbm>> -> memref<10240x128xf32, #tpu.memory_space<hbm>>
    tpu.enqueue_indirect_dma source(%dma_start3A_44 : memref<10240x128xf32, #tpu.memory_space<hbm>>) target(%arg9 : memref<128x128xf32, #tpu.memory_space<vmem>>) offsets(%dma_start3A_41 : memref<128xi32, #tpu.memory_space<vmem>>) semaphore(%arg12 : memref<!tpu.dma_semaphore, #tpu.memory_space<semaphore_mem>>)
    %scan3A_45 = arith.constant 0 : i32
    %scan3A_46 = arith.constant 8 : i32
    %scan3A_47 = arith.addi %scan3A_45, %scan3A_46 : i32
    %scan3A_48 = arith.constant 1 : i32
    scf.for %scan3A_100 = %scan3A_45 to %scan3A_47 step %scan3A_48  : i32 {
      %mul3A_101 = arith.constant 2 : i32
      %mul3A_102 = arith.muli %scan3A_100, %mul3A_101 : i32
      %add3A_103 = arith.constant 0 : i32
      %add3A_104 = arith.addi %add3A_103, %mul3A_102 : i32
      %add3A_105 = arith.constant 1 : i32
      %add3A_106 = arith.addi %add3A_104, %add3A_105 : i32
      %dma_start3A_107 = arith.constant 0 : i32
      %dma_start3A_108 = tpu.memref_slice %arg7[%add3A_106, %dma_start3A_107] : memref<16x128xi32, #tpu.memory_space<vmem>> -> memref<1x128xi32, #tpu.memory_space<vmem>>
      %dma_start3A_109 = tpu.memref_squeeze %dma_start3A_108 : memref<1x128xi32, #tpu.memory_space<vmem>> -> memref<128xi32, #tpu.memory_space<vmem>>
      %dma_start3A_110 = arith.constant 0 : i32
      %dma_start3A_111 = arith.constant 0 : i32
      %dma_start3A_112 = tpu.memref_slice %arg2[%dma_start3A_110, %dma_start3A_111] : memref<10240x128xf32, #tpu.memory_space<hbm>> -> memref<10240x128xf32, #tpu.memory_space<hbm>>
      tpu.enqueue_indirect_dma source(%dma_start3A_112 : memref<10240x128xf32, #tpu.memory_space<hbm>>) target(%arg10 : memref<128x128xf32, #tpu.memory_space<vmem>>) offsets(%dma_start3A_109 : memref<128xi32, #tpu.memory_space<vmem>>) semaphore(%arg13 : memref<!tpu.dma_semaphore, #tpu.memory_space<semaphore_mem>>)
      %dma_wait3A_113 = arith.constant 0 : i32
      %dma_wait3A_114 = tpu.memref_slice %arg7[%add3A_104, %dma_wait3A_113] : memref<16x128xi32, #tpu.memory_space<vmem>> -> memref<1x128xi32, #tpu.memory_space<vmem>>
      %dma_wait3A_115 = tpu.memref_squeeze %dma_wait3A_114 : memref<1x128xi32, #tpu.memory_space<vmem>> -> memref<128xi32, #tpu.memory_space<vmem>>
      %dma_wait3A_116 = arith.constant 0 : i32
      %dma_wait3A_117 = arith.constant 0 : i32
      %dma_wait3A_118 = tpu.memref_slice %arg2[%dma_wait3A_116, %dma_wait3A_117] : memref<10240x128xf32, #tpu.memory_space<hbm>> -> memref<10240x128xf32, #tpu.memory_space<hbm>>
      tpu.wait_indirect_dma semaphore(%arg12 : memref<!tpu.dma_semaphore, #tpu.memory_space<semaphore_mem>>) src(%dma_wait3A_118 : memref<10240x128xf32, #tpu.memory_space<hbm>>) dst(%arg9 : memref<128x128xf32, #tpu.memory_space<vmem>>)
      "tpu.region"() ({
        %run_scoped3A = tpu.sem_alloc : memref<!tpu.dma_semaphore, #tpu.memory_space<semaphore_mem>>
        %dma_start3A_140 = arith.constant 0 : i32
        %dma_start3A_141 = tpu.memref_slice %arg8[%add3A_104, %dma_start3A_140] : memref<16x128xi32, #tpu.memory_space<vmem>> -> memref<1x128xi32, #tpu.memory_space<vmem>>
        %dma_start3A_142 = tpu.memref_squeeze %dma_start3A_141 : memref<1x128xi32, #tpu.memory_space<vmem>> -> memref<128xi32, #tpu.memory_space<vmem>>
        %dma_start3A_143 = arith.constant 0 : i32
        %dma_start3A_144 = arith.constant 0 : i32
        %dma_start3A_145 = tpu.memref_slice %arg11[%dma_start3A_143, %dma_start3A_144] : memref<10240x128xf32, #tpu.memory_space<vmem_shared>> -> memref<10240x128xf32, #tpu.memory_space<vmem_shared>>
        tpu.enqueue_indirect_dma source(%arg9 : memref<128x128xf32, #tpu.memory_space<vmem>>) target(%dma_start3A_145 : memref<10240x128xf32, #tpu.memory_space<vmem_shared>>) offsets(%dma_start3A_142 : memref<128xi32, #tpu.memory_space<vmem>>) semaphore(%run_scoped3A : memref<!tpu.dma_semaphore, #tpu.memory_space<semaphore_mem>>) {add = true}
        %dma_wait3A_146 = arith.constant 0 : i32
        %dma_wait3A_147 = tpu.memref_slice %arg8[%add3A_104, %dma_wait3A_146] : memref<16x128xi32, #tpu.memory_space<vmem>> -> memref<1x128xi32, #tpu.memory_space<vmem>>
        %dma_wait3A_148 = tpu.memref_squeeze %dma_wait3A_147 : memref<1x128xi32, #tpu.memory_space<vmem>> -> memref<128xi32, #tpu.memory_space<vmem>>
        %dma_wait3A_149 = arith.constant 0 : i32
        %dma_wait3A_150 = arith.constant 0 : i32
        %dma_wait3A_151 = tpu.memref_slice %arg11[%dma_wait3A_149, %dma_wait3A_150] : memref<10240x128xf32, #tpu.memory_space<vmem_shared>> -> memref<10240x128xf32, #tpu.memory_space<vmem_shared>>
        tpu.wait_indirect_dma semaphore(%run_scoped3A : memref<!tpu.dma_semaphore, #tpu.memory_space<semaphore_mem>>) src(%arg9 : memref<128x128xf32, #tpu.memory_space<vmem>>) dst(%dma_wait3A_151 : memref<10240x128xf32, #tpu.memory_space<vmem_shared>>)
        tpu.yield
      }) : () -> ()
      %add3A_119 = arith.constant 2 : i32
      %add3A_120 = arith.addi %add3A_104, %add3A_119 : i32
      %lt3A = arith.constant 16 : i32
      %lt3A_121 = arith.cmpi slt, %add3A_120, %lt3A : i32
      %add3A_122 = arith.constant 2 : i32
      %add3A_123 = arith.addi %add3A_104, %add3A_122 : i32
      %jit3A = arith.constant 0 : i32
      %select_n3A = arith.select %lt3A_121, %add3A_123, %jit3A : i32
      %dma_start3A_124 = arith.constant 0 : i32
      %dma_start3A_125 = tpu.memref_slice %arg7[%select_n3A, %dma_start3A_124] : memref<16x128xi32, #tpu.memory_space<vmem>> -> memref<1x128xi32, #tpu.memory_space<vmem>>
      %dma_start3A_126 = tpu.memref_squeeze %dma_start3A_125 : memref<1x128xi32, #tpu.memory_space<vmem>> -> memref<128xi32, #tpu.memory_space<vmem>>
      %dma_start3A_127 = arith.constant 0 : i32
      %dma_start3A_128 = arith.constant 0 : i32
      %dma_start3A_129 = tpu.memref_slice %arg2[%dma_start3A_127, %dma_start3A_128] : memref<10240x128xf32, #tpu.memory_space<hbm>> -> memref<10240x128xf32, #tpu.memory_space<hbm>>
      tpu.enqueue_indirect_dma source(%dma_start3A_129 : memref<10240x128xf32, #tpu.memory_space<hbm>>) target(%arg9 : memref<128x128xf32, #tpu.memory_space<vmem>>) offsets(%dma_start3A_126 : memref<128xi32, #tpu.memory_space<vmem>>) semaphore(%arg12 : memref<!tpu.dma_semaphore, #tpu.memory_space<semaphore_mem>>)
      %add3A_130 = arith.constant 1 : i32
      %add3A_131 = arith.addi %add3A_104, %add3A_130 : i32
      %dma_wait3A_132 = arith.constant 0 : i32
      %dma_wait3A_133 = tpu.memref_slice %arg7[%add3A_131, %dma_wait3A_132] : memref<16x128xi32, #tpu.memory_space<vmem>> -> memref<1x128xi32, #tpu.memory_space<vmem>>
      %dma_wait3A_134 = tpu.memref_squeeze %dma_wait3A_133 : memref<1x128xi32, #tpu.memory_space<vmem>> -> memref<128xi32, #tpu.memory_space<vmem>>
      %dma_wait3A_135 = arith.constant 0 : i32
      %dma_wait3A_136 = arith.constant 0 : i32
      %dma_wait3A_137 = tpu.memref_slice %arg2[%dma_wait3A_135, %dma_wait3A_136] : memref<10240x128xf32, #tpu.memory_space<hbm>> -> memref<10240x128xf32, #tpu.memory_space<hbm>>
      tpu.wait_indirect_dma semaphore(%arg13 : memref<!tpu.dma_semaphore, #tpu.memory_space<semaphore_mem>>) src(%dma_wait3A_137 : memref<10240x128xf32, #tpu.memory_space<hbm>>) dst(%arg10 : memref<128x128xf32, #tpu.memory_space<vmem>>)
      %add3A_138 = arith.constant 1 : i32
      %add3A_139 = arith.addi %add3A_104, %add3A_138 : i32
      "tpu.region"() ({
        %run_scoped3A = tpu.sem_alloc : memref<!tpu.dma_semaphore, #tpu.memory_space<semaphore_mem>>
        %dma_start3A_140 = arith.constant 0 : i32
        %dma_start3A_141 = tpu.memref_slice %arg8[%add3A_139, %dma_start3A_140] : memref<16x128xi32, #tpu.memory_space<vmem>> -> memref<1x128xi32, #tpu.memory_space<vmem>>
        %dma_start3A_142 = tpu.memref_squeeze %dma_start3A_141 : memref<1x128xi32, #tpu.memory_space<vmem>> -> memref<128xi32, #tpu.memory_space<vmem>>
        %dma_start3A_143 = arith.constant 0 : i32
        %dma_start3A_144 = arith.constant 0 : i32
        %dma_start3A_145 = tpu.memref_slice %arg11[%dma_start3A_143, %dma_start3A_144] : memref<10240x128xf32, #tpu.memory_space<vmem_shared>> -> memref<10240x128xf32, #tpu.memory_space<vmem_shared>>
        tpu.enqueue_indirect_dma source(%arg10 : memref<128x128xf32, #tpu.memory_space<vmem>>) target(%dma_start3A_145 : memref<10240x128xf32, #tpu.memory_space<vmem_shared>>) offsets(%dma_start3A_142 : memref<128xi32, #tpu.memory_space<vmem>>) semaphore(%run_scoped3A : memref<!tpu.dma_semaphore, #tpu.memory_space<semaphore_mem>>) {add = true}
        %dma_wait3A_146 = arith.constant 0 : i32
        %dma_wait3A_147 = tpu.memref_slice %arg8[%add3A_139, %dma_wait3A_146] : memref<16x128xi32, #tpu.memory_space<vmem>> -> memref<1x128xi32, #tpu.memory_space<vmem>>
        %dma_wait3A_148 = tpu.memref_squeeze %dma_wait3A_147 : memref<1x128xi32, #tpu.memory_space<vmem>> -> memref<128xi32, #tpu.memory_space<vmem>>
        %dma_wait3A_149 = arith.constant 0 : i32
        %dma_wait3A_150 = arith.constant 0 : i32
        %dma_wait3A_151 = tpu.memref_slice %arg11[%dma_wait3A_149, %dma_wait3A_150] : memref<10240x128xf32, #tpu.memory_space<vmem_shared>> -> memref<10240x128xf32, #tpu.memory_space<vmem_shared>>
        tpu.wait_indirect_dma semaphore(%run_scoped3A : memref<!tpu.dma_semaphore, #tpu.memory_space<semaphore_mem>>) src(%arg10 : memref<128x128xf32, #tpu.memory_space<vmem>>) dst(%dma_wait3A_151 : memref<10240x128xf32, #tpu.memory_space<vmem_shared>>)
        tpu.yield
      }) : () -> ()
    }
    %scan3A_49 = arith.constant 8 : i32
    %dma_wait3A_50 = arith.constant 0 : i32
    %dma_wait3A_51 = arith.constant 0 : i32
    %dma_wait3A_52 = tpu.memref_slice %arg7[%dma_wait3A_50, %dma_wait3A_51] : memref<16x128xi32, #tpu.memory_space<vmem>> -> memref<1x128xi32, #tpu.memory_space<vmem>>
    %dma_wait3A_53 = tpu.memref_squeeze %dma_wait3A_52 : memref<1x128xi32, #tpu.memory_space<vmem>> -> memref<128xi32, #tpu.memory_space<vmem>>
    %dma_wait3A_54 = arith.constant 0 : i32
    %dma_wait3A_55 = arith.constant 0 : i32
    %dma_wait3A_56 = tpu.memref_slice %arg2[%dma_wait3A_54, %dma_wait3A_55] : memref<10240x128xf32, #tpu.memory_space<hbm>> -> memref<10240x128xf32, #tpu.memory_space<hbm>>
    tpu.wait_indirect_dma semaphore(%arg12 : memref<!tpu.dma_semaphore, #tpu.memory_space<semaphore_mem>>) src(%dma_wait3A_56 : memref<10240x128xf32, #tpu.memory_space<hbm>>) dst(%arg9 : memref<128x128xf32, #tpu.memory_space<vmem>>)
    "tpu.region"() ({
      %run_scoped3A = tpu.sem_alloc : memref<!tpu.dma_semaphore, #tpu.memory_space<semaphore_mem>>
      %dma_start3A_100 = arith.constant 48 : i32
      %dma_start3A_101 = arith.constant 0 : i32
      %dma_start3A_102 = tpu.memref_slice %arg3[%add3A, %dma_start3A_100, %dma_start3A_101] : memref<32x80x128xi32, #tpu.memory_space<hbm>> -> memref<1x16x128xi32, #tpu.memory_space<hbm>>
      %dma_start3A_103 = tpu.memref_squeeze %dma_start3A_102 : memref<1x16x128xi32, #tpu.memory_space<hbm>> -> memref<16x128xi32, #tpu.memory_space<hbm>>
      %dma_start3A_104 = arith.constant 48 : i32
      %dma_start3A_105 = arith.constant 0 : i32
      %dma_start3A_106 = tpu.memref_slice %arg3[%add3A, %dma_start3A_104, %dma_start3A_105] : memref<32x80x128xi32, #tpu.memory_space<hbm>> -> memref<1x16x128xi32, #tpu.memory_space<hbm>>
      %dma_start3A_107 = tpu.memref_squeeze %dma_start3A_106 : memref<1x16x128xi32, #tpu.memory_space<hbm>> -> memref<16x128xi32, #tpu.memory_space<hbm>>
      tpu.enqueue_dma source(%dma_start3A_107 : memref<16x128xi32, #tpu.memory_space<hbm>>) target(%arg7 : memref<16x128xi32, #tpu.memory_space<vmem>>) target_semaphore(%run_scoped3A : memref<!tpu.dma_semaphore, #tpu.memory_space<semaphore_mem>>)
      %dma_wait3A_108 = arith.constant 48 : i32
      %dma_wait3A_109 = arith.constant 0 : i32
      %dma_wait3A_110 = tpu.memref_slice %arg3[%add3A, %dma_wait3A_108, %dma_wait3A_109] : memref<32x80x128xi32, #tpu.memory_space<hbm>> -> memref<1x16x128xi32, #tpu.memory_space<hbm>>
      %dma_wait3A_111 = tpu.memref_squeeze %dma_wait3A_110 : memref<1x16x128xi32, #tpu.memory_space<hbm>> -> memref<16x128xi32, #tpu.memory_space<hbm>>
      %dma_wait3A_112 = arith.constant 48 : i32
      %dma_wait3A_113 = arith.constant 0 : i32
      %dma_wait3A_114 = tpu.memref_slice %arg3[%add3A, %dma_wait3A_112, %dma_wait3A_113] : memref<32x80x128xi32, #tpu.memory_space<hbm>> -> memref<1x16x128xi32, #tpu.memory_space<hbm>>
      %dma_wait3A_115 = tpu.memref_squeeze %dma_wait3A_114 : memref<1x16x128xi32, #tpu.memory_space<hbm>> -> memref<16x128xi32, #tpu.memory_space<hbm>>
      tpu.wait_dma2 semaphore(%run_scoped3A : memref<!tpu.dma_semaphore, #tpu.memory_space<semaphore_mem>>) src(%dma_wait3A_115 : memref<16x128xi32, #tpu.memory_space<hbm>>) dst(%arg7 : memref<16x128xi32, #tpu.memory_space<vmem>>)
      tpu.yield
    }) : () -> ()
    "tpu.region"() ({
      %run_scoped3A = tpu.sem_alloc : memref<!tpu.dma_semaphore, #tpu.memory_space<semaphore_mem>>
      %dma_start3A_100 = arith.constant 48 : i32
      %dma_start3A_101 = arith.constant 0 : i32
      %dma_start3A_102 = tpu.memref_slice %arg4[%add3A, %dma_start3A_100, %dma_start3A_101] : memref<32x80x128xi32, #tpu.memory_space<hbm>> -> memref<1x16x128xi32, #tpu.memory_space<hbm>>
      %dma_start3A_103 = tpu.memref_squeeze %dma_start3A_102 : memref<1x16x128xi32, #tpu.memory_space<hbm>> -> memref<16x128xi32, #tpu.memory_space<hbm>>
      %dma_start3A_104 = arith.constant 48 : i32
      %dma_start3A_105 = arith.constant 0 : i32
      %dma_start3A_106 = tpu.memref_slice %arg4[%add3A, %dma_start3A_104, %dma_start3A_105] : memref<32x80x128xi32, #tpu.memory_space<hbm>> -> memref<1x16x128xi32, #tpu.memory_space<hbm>>
      %dma_start3A_107 = tpu.memref_squeeze %dma_start3A_106 : memref<1x16x128xi32, #tpu.memory_space<hbm>> -> memref<16x128xi32, #tpu.memory_space<hbm>>
      tpu.enqueue_dma source(%dma_start3A_107 : memref<16x128xi32, #tpu.memory_space<hbm>>) target(%arg8 : memref<16x128xi32, #tpu.memory_space<vmem>>) target_semaphore(%run_scoped3A : memref<!tpu.dma_semaphore, #tpu.memory_space<semaphore_mem>>)
      %dma_wait3A_108 = arith.constant 48 : i32
      %dma_wait3A_109 = arith.constant 0 : i32
      %dma_wait3A_110 = tpu.memref_slice %arg4[%add3A, %dma_wait3A_108, %dma_wait3A_109] : memref<32x80x128xi32, #tpu.memory_space<hbm>> -> memref<1x16x128xi32, #tpu.memory_space<hbm>>
      %dma_wait3A_111 = tpu.memref_squeeze %dma_wait3A_110 : memref<1x16x128xi32, #tpu.memory_space<hbm>> -> memref<16x128xi32, #tpu.memory_space<hbm>>
      %dma_wait3A_112 = arith.constant 48 : i32
      %dma_wait3A_113 = arith.constant 0 : i32
      %dma_wait3A_114 = tpu.memref_slice %arg4[%add3A, %dma_wait3A_112, %dma_wait3A_113] : memref<32x80x128xi32, #tpu.memory_space<hbm>> -> memref<1x16x128xi32, #tpu.memory_space<hbm>>
      %dma_wait3A_115 = tpu.memref_squeeze %dma_wait3A_114 : memref<1x16x128xi32, #tpu.memory_space<hbm>> -> memref<16x128xi32, #tpu.memory_space<hbm>>
      tpu.wait_dma2 semaphore(%run_scoped3A : memref<!tpu.dma_semaphore, #tpu.memory_space<semaphore_mem>>) src(%dma_wait3A_115 : memref<16x128xi32, #tpu.memory_space<hbm>>) dst(%arg8 : memref<16x128xi32, #tpu.memory_space<vmem>>)
      tpu.yield
    }) : () -> ()
    %dma_start3A_57 = arith.constant 0 : i32
    %dma_start3A_58 = arith.constant 0 : i32
    %dma_start3A_59 = tpu.memref_slice %arg7[%dma_start3A_57, %dma_start3A_58] : memref<16x128xi32, #tpu.memory_space<vmem>> -> memref<1x128xi32, #tpu.memory_space<vmem>>
    %dma_start3A_60 = tpu.memref_squeeze %dma_start3A_59 : memref<1x128xi32, #tpu.memory_space<vmem>> -> memref<128xi32, #tpu.memory_space<vmem>>
    %dma_start3A_61 = arith.constant 0 : i32
    %dma_start3A_62 = arith.constant 0 : i32
    %dma_start3A_63 = tpu.memref_slice %arg2[%dma_start3A_61, %dma_start3A_62] : memref<10240x128xf32, #tpu.memory_space<hbm>> -> memref<10240x128xf32, #tpu.memory_space<hbm>>
    tpu.enqueue_indirect_dma source(%dma_start3A_63 : memref<10240x128xf32, #tpu.memory_space<hbm>>) target(%arg9 : memref<128x128xf32, #tpu.memory_space<vmem>>) offsets(%dma_start3A_60 : memref<128xi32, #tpu.memory_space<vmem>>) semaphore(%arg12 : memref<!tpu.dma_semaphore, #tpu.memory_space<semaphore_mem>>)
    %scan3A_64 = arith.constant 0 : i32
    %scan3A_65 = arith.constant 8 : i32
    %scan3A_66 = arith.addi %scan3A_64, %scan3A_65 : i32
    %scan3A_67 = arith.constant 1 : i32
    scf.for %scan3A_100 = %scan3A_64 to %scan3A_66 step %scan3A_67  : i32 {
      %mul3A_101 = arith.constant 2 : i32
      %mul3A_102 = arith.muli %scan3A_100, %mul3A_101 : i32
      %add3A_103 = arith.constant 0 : i32
      %add3A_104 = arith.addi %add3A_103, %mul3A_102 : i32
      %add3A_105 = arith.constant 1 : i32
      %add3A_106 = arith.addi %add3A_104, %add3A_105 : i32
      %dma_start3A_107 = arith.constant 0 : i32
      %dma_start3A_108 = tpu.memref_slice %arg7[%add3A_106, %dma_start3A_107] : memref<16x128xi32, #tpu.memory_space<vmem>> -> memref<1x128xi32, #tpu.memory_space<vmem>>
      %dma_start3A_109 = tpu.memref_squeeze %dma_start3A_108 : memref<1x128xi32, #tpu.memory_space<vmem>> -> memref<128xi32, #tpu.memory_space<vmem>>
      %dma_start3A_110 = arith.constant 0 : i32
      %dma_start3A_111 = arith.constant 0 : i32
      %dma_start3A_112 = tpu.memref_slice %arg2[%dma_start3A_110, %dma_start3A_111] : memref<10240x128xf32, #tpu.memory_space<hbm>> -> memref<10240x128xf32, #tpu.memory_space<hbm>>
      tpu.enqueue_indirect_dma source(%dma_start3A_112 : memref<10240x128xf32, #tpu.memory_space<hbm>>) target(%arg10 : memref<128x128xf32, #tpu.memory_space<vmem>>) offsets(%dma_start3A_109 : memref<128xi32, #tpu.memory_space<vmem>>) semaphore(%arg13 : memref<!tpu.dma_semaphore, #tpu.memory_space<semaphore_mem>>)
      %dma_wait3A_113 = arith.constant 0 : i32
      %dma_wait3A_114 = tpu.memref_slice %arg7[%add3A_104, %dma_wait3A_113] : memref<16x128xi32, #tpu.memory_space<vmem>> -> memref<1x128xi32, #tpu.memory_space<vmem>>
      %dma_wait3A_115 = tpu.memref_squeeze %dma_wait3A_114 : memref<1x128xi32, #tpu.memory_space<vmem>> -> memref<128xi32, #tpu.memory_space<vmem>>
      %dma_wait3A_116 = arith.constant 0 : i32
      %dma_wait3A_117 = arith.constant 0 : i32
      %dma_wait3A_118 = tpu.memref_slice %arg2[%dma_wait3A_116, %dma_wait3A_117] : memref<10240x128xf32, #tpu.memory_space<hbm>> -> memref<10240x128xf32, #tpu.memory_space<hbm>>
      tpu.wait_indirect_dma semaphore(%arg12 : memref<!tpu.dma_semaphore, #tpu.memory_space<semaphore_mem>>) src(%dma_wait3A_118 : memref<10240x128xf32, #tpu.memory_space<hbm>>) dst(%arg9 : memref<128x128xf32, #tpu.memory_space<vmem>>)
      "tpu.region"() ({
        %run_scoped3A = tpu.sem_alloc : memref<!tpu.dma_semaphore, #tpu.memory_space<semaphore_mem>>
        %dma_start3A_140 = arith.constant 0 : i32
        %dma_start3A_141 = tpu.memref_slice %arg8[%add3A_104, %dma_start3A_140] : memref<16x128xi32, #tpu.memory_space<vmem>> -> memref<1x128xi32, #tpu.memory_space<vmem>>
        %dma_start3A_142 = tpu.memref_squeeze %dma_start3A_141 : memref<1x128xi32, #tpu.memory_space<vmem>> -> memref<128xi32, #tpu.memory_space<vmem>>
        %dma_start3A_143 = arith.constant 0 : i32
        %dma_start3A_144 = arith.constant 0 : i32
        %dma_start3A_145 = tpu.memref_slice %arg11[%dma_start3A_143, %dma_start3A_144] : memref<10240x128xf32, #tpu.memory_space<vmem_shared>> -> memref<10240x128xf32, #tpu.memory_space<vmem_shared>>
        tpu.enqueue_indirect_dma source(%arg9 : memref<128x128xf32, #tpu.memory_space<vmem>>) target(%dma_start3A_145 : memref<10240x128xf32, #tpu.memory_space<vmem_shared>>) offsets(%dma_start3A_142 : memref<128xi32, #tpu.memory_space<vmem>>) semaphore(%run_scoped3A : memref<!tpu.dma_semaphore, #tpu.memory_space<semaphore_mem>>) {add = true}
        %dma_wait3A_146 = arith.constant 0 : i32
        %dma_wait3A_147 = tpu.memref_slice %arg8[%add3A_104, %dma_wait3A_146] : memref<16x128xi32, #tpu.memory_space<vmem>> -> memref<1x128xi32, #tpu.memory_space<vmem>>
        %dma_wait3A_148 = tpu.memref_squeeze %dma_wait3A_147 : memref<1x128xi32, #tpu.memory_space<vmem>> -> memref<128xi32, #tpu.memory_space<vmem>>
        %dma_wait3A_149 = arith.constant 0 : i32
        %dma_wait3A_150 = arith.constant 0 : i32
        %dma_wait3A_151 = tpu.memref_slice %arg11[%dma_wait3A_149, %dma_wait3A_150] : memref<10240x128xf32, #tpu.memory_space<vmem_shared>> -> memref<10240x128xf32, #tpu.memory_space<vmem_shared>>
        tpu.wait_indirect_dma semaphore(%run_scoped3A : memref<!tpu.dma_semaphore, #tpu.memory_space<semaphore_mem>>) src(%arg9 : memref<128x128xf32, #tpu.memory_space<vmem>>) dst(%dma_wait3A_151 : memref<10240x128xf32, #tpu.memory_space<vmem_shared>>)
        tpu.yield
      }) : () -> ()
      %add3A_119 = arith.constant 2 : i32
      %add3A_120 = arith.addi %add3A_104, %add3A_119 : i32
      %lt3A = arith.constant 16 : i32
      %lt3A_121 = arith.cmpi slt, %add3A_120, %lt3A : i32
      %add3A_122 = arith.constant 2 : i32
      %add3A_123 = arith.addi %add3A_104, %add3A_122 : i32
      %jit3A = arith.constant 0 : i32
      %select_n3A = arith.select %lt3A_121, %add3A_123, %jit3A : i32
      %dma_start3A_124 = arith.constant 0 : i32
      %dma_start3A_125 = tpu.memref_slice %arg7[%select_n3A, %dma_start3A_124] : memref<16x128xi32, #tpu.memory_space<vmem>> -> memref<1x128xi32, #tpu.memory_space<vmem>>
      %dma_start3A_126 = tpu.memref_squeeze %dma_start3A_125 : memref<1x128xi32, #tpu.memory_space<vmem>> -> memref<128xi32, #tpu.memory_space<vmem>>
      %dma_start3A_127 = arith.constant 0 : i32
      %dma_start3A_128 = arith.constant 0 : i32
      %dma_start3A_129 = tpu.memref_slice %arg2[%dma_start3A_127, %dma_start3A_128] : memref<10240x128xf32, #tpu.memory_space<hbm>> -> memref<10240x128xf32, #tpu.memory_space<hbm>>
      tpu.enqueue_indirect_dma source(%dma_start3A_129 : memref<10240x128xf32, #tpu.memory_space<hbm>>) target(%arg9 : memref<128x128xf32, #tpu.memory_space<vmem>>) offsets(%dma_start3A_126 : memref<128xi32, #tpu.memory_space<vmem>>) semaphore(%arg12 : memref<!tpu.dma_semaphore, #tpu.memory_space<semaphore_mem>>)
      %add3A_130 = arith.constant 1 : i32
      %add3A_131 = arith.addi %add3A_104, %add3A_130 : i32
      %dma_wait3A_132 = arith.constant 0 : i32
      %dma_wait3A_133 = tpu.memref_slice %arg7[%add3A_131, %dma_wait3A_132] : memref<16x128xi32, #tpu.memory_space<vmem>> -> memref<1x128xi32, #tpu.memory_space<vmem>>
      %dma_wait3A_134 = tpu.memref_squeeze %dma_wait3A_133 : memref<1x128xi32, #tpu.memory_space<vmem>> -> memref<128xi32, #tpu.memory_space<vmem>>
      %dma_wait3A_135 = arith.constant 0 : i32
      %dma_wait3A_136 = arith.constant 0 : i32
      %dma_wait3A_137 = tpu.memref_slice %arg2[%dma_wait3A_135, %dma_wait3A_136] : memref<10240x128xf32, #tpu.memory_space<hbm>> -> memref<10240x128xf32, #tpu.memory_space<hbm>>
      tpu.wait_indirect_dma semaphore(%arg13 : memref<!tpu.dma_semaphore, #tpu.memory_space<semaphore_mem>>) src(%dma_wait3A_137 : memref<10240x128xf32, #tpu.memory_space<hbm>>) dst(%arg10 : memref<128x128xf32, #tpu.memory_space<vmem>>)
      %add3A_138 = arith.constant 1 : i32
      %add3A_139 = arith.addi %add3A_104, %add3A_138 : i32
      "tpu.region"() ({
        %run_scoped3A = tpu.sem_alloc : memref<!tpu.dma_semaphore, #tpu.memory_space<semaphore_mem>>
        %dma_start3A_140 = arith.constant 0 : i32
        %dma_start3A_141 = tpu.memref_slice %arg8[%add3A_139, %dma_start3A_140] : memref<16x128xi32, #tpu.memory_space<vmem>> -> memref<1x128xi32, #tpu.memory_space<vmem>>
        %dma_start3A_142 = tpu.memref_squeeze %dma_start3A_141 : memref<1x128xi32, #tpu.memory_space<vmem>> -> memref<128xi32, #tpu.memory_space<vmem>>
        %dma_start3A_143 = arith.constant 0 : i32
        %dma_start3A_144 = arith.constant 0 : i32
        %dma_start3A_145 = tpu.memref_slice %arg11[%dma_start3A_143, %dma_start3A_144] : memref<10240x128xf32, #tpu.memory_space<vmem_shared>> -> memref<10240x128xf32, #tpu.memory_space<vmem_shared>>
        tpu.enqueue_indirect_dma source(%arg10 : memref<128x128xf32, #tpu.memory_space<vmem>>) target(%dma_start3A_145 : memref<10240x128xf32, #tpu.memory_space<vmem_shared>>) offsets(%dma_start3A_142 : memref<128xi32, #tpu.memory_space<vmem>>) semaphore(%run_scoped3A : memref<!tpu.dma_semaphore, #tpu.memory_space<semaphore_mem>>) {add = true}
        %dma_wait3A_146 = arith.constant 0 : i32
        %dma_wait3A_147 = tpu.memref_slice %arg8[%add3A_139, %dma_wait3A_146] : memref<16x128xi32, #tpu.memory_space<vmem>> -> memref<1x128xi32, #tpu.memory_space<vmem>>
        %dma_wait3A_148 = tpu.memref_squeeze %dma_wait3A_147 : memref<1x128xi32, #tpu.memory_space<vmem>> -> memref<128xi32, #tpu.memory_space<vmem>>
        %dma_wait3A_149 = arith.constant 0 : i32
        %dma_wait3A_150 = arith.constant 0 : i32
        %dma_wait3A_151 = tpu.memref_slice %arg11[%dma_wait3A_149, %dma_wait3A_150] : memref<10240x128xf32, #tpu.memory_space<vmem_shared>> -> memref<10240x128xf32, #tpu.memory_space<vmem_shared>>
        tpu.wait_indirect_dma semaphore(%run_scoped3A : memref<!tpu.dma_semaphore, #tpu.memory_space<semaphore_mem>>) src(%arg10 : memref<128x128xf32, #tpu.memory_space<vmem>>) dst(%dma_wait3A_151 : memref<10240x128xf32, #tpu.memory_space<vmem_shared>>)
        tpu.yield
      }) : () -> ()
    }
    %scan3A_68 = arith.constant 8 : i32
    %dma_wait3A_69 = arith.constant 0 : i32
    %dma_wait3A_70 = arith.constant 0 : i32
    %dma_wait3A_71 = tpu.memref_slice %arg7[%dma_wait3A_69, %dma_wait3A_70] : memref<16x128xi32, #tpu.memory_space<vmem>> -> memref<1x128xi32, #tpu.memory_space<vmem>>
    %dma_wait3A_72 = tpu.memref_squeeze %dma_wait3A_71 : memref<1x128xi32, #tpu.memory_space<vmem>> -> memref<128xi32, #tpu.memory_space<vmem>>
    %dma_wait3A_73 = arith.constant 0 : i32
    %dma_wait3A_74 = arith.constant 0 : i32
    %dma_wait3A_75 = tpu.memref_slice %arg2[%dma_wait3A_73, %dma_wait3A_74] : memref<10240x128xf32, #tpu.memory_space<hbm>> -> memref<10240x128xf32, #tpu.memory_space<hbm>>
    tpu.wait_indirect_dma semaphore(%arg12 : memref<!tpu.dma_semaphore, #tpu.memory_space<semaphore_mem>>) src(%dma_wait3A_75 : memref<10240x128xf32, #tpu.memory_space<hbm>>) dst(%arg9 : memref<128x128xf32, #tpu.memory_space<vmem>>)
    "tpu.region"() ({
      %run_scoped3A = tpu.sem_alloc : memref<!tpu.dma_semaphore, #tpu.memory_space<semaphore_mem>>
      %dma_start3A_100 = arith.constant 64 : i32
      %dma_start3A_101 = arith.constant 0 : i32
      %dma_start3A_102 = tpu.memref_slice %arg3[%add3A, %dma_start3A_100, %dma_start3A_101] : memref<32x80x128xi32, #tpu.memory_space<hbm>> -> memref<1x16x128xi32, #tpu.memory_space<hbm>>
      %dma_start3A_103 = tpu.memref_squeeze %dma_start3A_102 : memref<1x16x128xi32, #tpu.memory_space<hbm>> -> memref<16x128xi32, #tpu.memory_space<hbm>>
      %dma_start3A_104 = arith.constant 64 : i32
      %dma_start3A_105 = arith.constant 0 : i32
      %dma_start3A_106 = tpu.memref_slice %arg3[%add3A, %dma_start3A_104, %dma_start3A_105] : memref<32x80x128xi32, #tpu.memory_space<hbm>> -> memref<1x16x128xi32, #tpu.memory_space<hbm>>
      %dma_start3A_107 = tpu.memref_squeeze %dma_start3A_106 : memref<1x16x128xi32, #tpu.memory_space<hbm>> -> memref<16x128xi32, #tpu.memory_space<hbm>>
      tpu.enqueue_dma source(%dma_start3A_107 : memref<16x128xi32, #tpu.memory_space<hbm>>) target(%arg7 : memref<16x128xi32, #tpu.memory_space<vmem>>) target_semaphore(%run_scoped3A : memref<!tpu.dma_semaphore, #tpu.memory_space<semaphore_mem>>)
      %dma_wait3A_108 = arith.constant 64 : i32
      %dma_wait3A_109 = arith.constant 0 : i32
      %dma_wait3A_110 = tpu.memref_slice %arg3[%add3A, %dma_wait3A_108, %dma_wait3A_109] : memref<32x80x128xi32, #tpu.memory_space<hbm>> -> memref<1x16x128xi32, #tpu.memory_space<hbm>>
      %dma_wait3A_111 = tpu.memref_squeeze %dma_wait3A_110 : memref<1x16x128xi32, #tpu.memory_space<hbm>> -> memref<16x128xi32, #tpu.memory_space<hbm>>
      %dma_wait3A_112 = arith.constant 64 : i32
      %dma_wait3A_113 = arith.constant 0 : i32
      %dma_wait3A_114 = tpu.memref_slice %arg3[%add3A, %dma_wait3A_112, %dma_wait3A_113] : memref<32x80x128xi32, #tpu.memory_space<hbm>> -> memref<1x16x128xi32, #tpu.memory_space<hbm>>
      %dma_wait3A_115 = tpu.memref_squeeze %dma_wait3A_114 : memref<1x16x128xi32, #tpu.memory_space<hbm>> -> memref<16x128xi32, #tpu.memory_space<hbm>>
      tpu.wait_dma2 semaphore(%run_scoped3A : memref<!tpu.dma_semaphore, #tpu.memory_space<semaphore_mem>>) src(%dma_wait3A_115 : memref<16x128xi32, #tpu.memory_space<hbm>>) dst(%arg7 : memref<16x128xi32, #tpu.memory_space<vmem>>)
      tpu.yield
    }) : () -> ()
    "tpu.region"() ({
      %run_scoped3A = tpu.sem_alloc : memref<!tpu.dma_semaphore, #tpu.memory_space<semaphore_mem>>
      %dma_start3A_100 = arith.constant 64 : i32
      %dma_start3A_101 = arith.constant 0 : i32
      %dma_start3A_102 = tpu.memref_slice %arg4[%add3A, %dma_start3A_100, %dma_start3A_101] : memref<32x80x128xi32, #tpu.memory_space<hbm>> -> memref<1x16x128xi32, #tpu.memory_space<hbm>>
      %dma_start3A_103 = tpu.memref_squeeze %dma_start3A_102 : memref<1x16x128xi32, #tpu.memory_space<hbm>> -> memref<16x128xi32, #tpu.memory_space<hbm>>
      %dma_start3A_104 = arith.constant 64 : i32
      %dma_start3A_105 = arith.constant 0 : i32
      %dma_start3A_106 = tpu.memref_slice %arg4[%add3A, %dma_start3A_104, %dma_start3A_105] : memref<32x80x128xi32, #tpu.memory_space<hbm>> -> memref<1x16x128xi32, #tpu.memory_space<hbm>>
      %dma_start3A_107 = tpu.memref_squeeze %dma_start3A_106 : memref<1x16x128xi32, #tpu.memory_space<hbm>> -> memref<16x128xi32, #tpu.memory_space<hbm>>
      tpu.enqueue_dma source(%dma_start3A_107 : memref<16x128xi32, #tpu.memory_space<hbm>>) target(%arg8 : memref<16x128xi32, #tpu.memory_space<vmem>>) target_semaphore(%run_scoped3A : memref<!tpu.dma_semaphore, #tpu.memory_space<semaphore_mem>>)
      %dma_wait3A_108 = arith.constant 64 : i32
      %dma_wait3A_109 = arith.constant 0 : i32
      %dma_wait3A_110 = tpu.memref_slice %arg4[%add3A, %dma_wait3A_108, %dma_wait3A_109] : memref<32x80x128xi32, #tpu.memory_space<hbm>> -> memref<1x16x128xi32, #tpu.memory_space<hbm>>
      %dma_wait3A_111 = tpu.memref_squeeze %dma_wait3A_110 : memref<1x16x128xi32, #tpu.memory_space<hbm>> -> memref<16x128xi32, #tpu.memory_space<hbm>>
      %dma_wait3A_112 = arith.constant 64 : i32
      %dma_wait3A_113 = arith.constant 0 : i32
      %dma_wait3A_114 = tpu.memref_slice %arg4[%add3A, %dma_wait3A_112, %dma_wait3A_113] : memref<32x80x128xi32, #tpu.memory_space<hbm>> -> memref<1x16x128xi32, #tpu.memory_space<hbm>>
      %dma_wait3A_115 = tpu.memref_squeeze %dma_wait3A_114 : memref<1x16x128xi32, #tpu.memory_space<hbm>> -> memref<16x128xi32, #tpu.memory_space<hbm>>
      tpu.wait_dma2 semaphore(%run_scoped3A : memref<!tpu.dma_semaphore, #tpu.memory_space<semaphore_mem>>) src(%dma_wait3A_115 : memref<16x128xi32, #tpu.memory_space<hbm>>) dst(%arg8 : memref<16x128xi32, #tpu.memory_space<vmem>>)
      tpu.yield
    }) : () -> ()
    %dma_start3A_76 = arith.constant 0 : i32
    %dma_start3A_77 = arith.constant 0 : i32
    %dma_start3A_78 = tpu.memref_slice %arg7[%dma_start3A_76, %dma_start3A_77] : memref<16x128xi32, #tpu.memory_space<vmem>> -> memref<1x128xi32, #tpu.memory_space<vmem>>
    %dma_start3A_79 = tpu.memref_squeeze %dma_start3A_78 : memref<1x128xi32, #tpu.memory_space<vmem>> -> memref<128xi32, #tpu.memory_space<vmem>>
    %dma_start3A_80 = arith.constant 0 : i32
    %dma_start3A_81 = arith.constant 0 : i32
    %dma_start3A_82 = tpu.memref_slice %arg2[%dma_start3A_80, %dma_start3A_81] : memref<10240x128xf32, #tpu.memory_space<hbm>> -> memref<10240x128xf32, #tpu.memory_space<hbm>>
    tpu.enqueue_indirect_dma source(%dma_start3A_82 : memref<10240x128xf32, #tpu.memory_space<hbm>>) target(%arg9 : memref<128x128xf32, #tpu.memory_space<vmem>>) offsets(%dma_start3A_79 : memref<128xi32, #tpu.memory_space<vmem>>) semaphore(%arg12 : memref<!tpu.dma_semaphore, #tpu.memory_space<semaphore_mem>>)
    %scan3A_83 = arith.constant 0 : i32
    %scan3A_84 = arith.constant 8 : i32
    %scan3A_85 = arith.addi %scan3A_83, %scan3A_84 : i32
    %scan3A_86 = arith.constant 1 : i32
    scf.for %scan3A_100 = %scan3A_83 to %scan3A_85 step %scan3A_86  : i32 {
      %mul3A_101 = arith.constant 2 : i32
      %mul3A_102 = arith.muli %scan3A_100, %mul3A_101 : i32
      %add3A_103 = arith.constant 0 : i32
      %add3A_104 = arith.addi %add3A_103, %mul3A_102 : i32
      %add3A_105 = arith.constant 1 : i32
      %add3A_106 = arith.addi %add3A_104, %add3A_105 : i32
      %dma_start3A_107 = arith.constant 0 : i32
      %dma_start3A_108 = tpu.memref_slice %arg7[%add3A_106, %dma_start3A_107] : memref<16x128xi32, #tpu.memory_space<vmem>> -> memref<1x128xi32, #tpu.memory_space<vmem>>
      %dma_start3A_109 = tpu.memref_squeeze %dma_start3A_108 : memref<1x128xi32, #tpu.memory_space<vmem>> -> memref<128xi32, #tpu.memory_space<vmem>>
      %dma_start3A_110 = arith.constant 0 : i32
      %dma_start3A_111 = arith.constant 0 : i32
      %dma_start3A_112 = tpu.memref_slice %arg2[%dma_start3A_110, %dma_start3A_111] : memref<10240x128xf32, #tpu.memory_space<hbm>> -> memref<10240x128xf32, #tpu.memory_space<hbm>>
      tpu.enqueue_indirect_dma source(%dma_start3A_112 : memref<10240x128xf32, #tpu.memory_space<hbm>>) target(%arg10 : memref<128x128xf32, #tpu.memory_space<vmem>>) offsets(%dma_start3A_109 : memref<128xi32, #tpu.memory_space<vmem>>) semaphore(%arg13 : memref<!tpu.dma_semaphore, #tpu.memory_space<semaphore_mem>>)
      %dma_wait3A_113 = arith.constant 0 : i32
      %dma_wait3A_114 = tpu.memref_slice %arg7[%add3A_104, %dma_wait3A_113] : memref<16x128xi32, #tpu.memory_space<vmem>> -> memref<1x128xi32, #tpu.memory_space<vmem>>
      %dma_wait3A_115 = tpu.memref_squeeze %dma_wait3A_114 : memref<1x128xi32, #tpu.memory_space<vmem>> -> memref<128xi32, #tpu.memory_space<vmem>>
      %dma_wait3A_116 = arith.constant 0 : i32
      %dma_wait3A_117 = arith.constant 0 : i32
      %dma_wait3A_118 = tpu.memref_slice %arg2[%dma_wait3A_116, %dma_wait3A_117] : memref<10240x128xf32, #tpu.memory_space<hbm>> -> memref<10240x128xf32, #tpu.memory_space<hbm>>
      tpu.wait_indirect_dma semaphore(%arg12 : memref<!tpu.dma_semaphore, #tpu.memory_space<semaphore_mem>>) src(%dma_wait3A_118 : memref<10240x128xf32, #tpu.memory_space<hbm>>) dst(%arg9 : memref<128x128xf32, #tpu.memory_space<vmem>>)
      "tpu.region"() ({
        %run_scoped3A = tpu.sem_alloc : memref<!tpu.dma_semaphore, #tpu.memory_space<semaphore_mem>>
        %dma_start3A_140 = arith.constant 0 : i32
        %dma_start3A_141 = tpu.memref_slice %arg8[%add3A_104, %dma_start3A_140] : memref<16x128xi32, #tpu.memory_space<vmem>> -> memref<1x128xi32, #tpu.memory_space<vmem>>
        %dma_start3A_142 = tpu.memref_squeeze %dma_start3A_141 : memref<1x128xi32, #tpu.memory_space<vmem>> -> memref<128xi32, #tpu.memory_space<vmem>>
        %dma_start3A_143 = arith.constant 0 : i32
        %dma_start3A_144 = arith.constant 0 : i32
        %dma_start3A_145 = tpu.memref_slice %arg11[%dma_start3A_143, %dma_start3A_144] : memref<10240x128xf32, #tpu.memory_space<vmem_shared>> -> memref<10240x128xf32, #tpu.memory_space<vmem_shared>>
        tpu.enqueue_indirect_dma source(%arg9 : memref<128x128xf32, #tpu.memory_space<vmem>>) target(%dma_start3A_145 : memref<10240x128xf32, #tpu.memory_space<vmem_shared>>) offsets(%dma_start3A_142 : memref<128xi32, #tpu.memory_space<vmem>>) semaphore(%run_scoped3A : memref<!tpu.dma_semaphore, #tpu.memory_space<semaphore_mem>>) {add = true}
        %dma_wait3A_146 = arith.constant 0 : i32
        %dma_wait3A_147 = tpu.memref_slice %arg8[%add3A_104, %dma_wait3A_146] : memref<16x128xi32, #tpu.memory_space<vmem>> -> memref<1x128xi32, #tpu.memory_space<vmem>>
        %dma_wait3A_148 = tpu.memref_squeeze %dma_wait3A_147 : memref<1x128xi32, #tpu.memory_space<vmem>> -> memref<128xi32, #tpu.memory_space<vmem>>
        %dma_wait3A_149 = arith.constant 0 : i32
        %dma_wait3A_150 = arith.constant 0 : i32
        %dma_wait3A_151 = tpu.memref_slice %arg11[%dma_wait3A_149, %dma_wait3A_150] : memref<10240x128xf32, #tpu.memory_space<vmem_shared>> -> memref<10240x128xf32, #tpu.memory_space<vmem_shared>>
        tpu.wait_indirect_dma semaphore(%run_scoped3A : memref<!tpu.dma_semaphore, #tpu.memory_space<semaphore_mem>>) src(%arg9 : memref<128x128xf32, #tpu.memory_space<vmem>>) dst(%dma_wait3A_151 : memref<10240x128xf32, #tpu.memory_space<vmem_shared>>)
        tpu.yield
      }) : () -> ()
      %add3A_119 = arith.constant 2 : i32
      %add3A_120 = arith.addi %add3A_104, %add3A_119 : i32
      %lt3A = arith.constant 16 : i32
      %lt3A_121 = arith.cmpi slt, %add3A_120, %lt3A : i32
      %add3A_122 = arith.constant 2 : i32
      %add3A_123 = arith.addi %add3A_104, %add3A_122 : i32
      %jit3A = arith.constant 0 : i32
      %select_n3A = arith.select %lt3A_121, %add3A_123, %jit3A : i32
      %dma_start3A_124 = arith.constant 0 : i32
      %dma_start3A_125 = tpu.memref_slice %arg7[%select_n3A, %dma_start3A_124] : memref<16x128xi32, #tpu.memory_space<vmem>> -> memref<1x128xi32, #tpu.memory_space<vmem>>
      %dma_start3A_126 = tpu.memref_squeeze %dma_start3A_125 : memref<1x128xi32, #tpu.memory_space<vmem>> -> memref<128xi32, #tpu.memory_space<vmem>>
      %dma_start3A_127 = arith.constant 0 : i32
      %dma_start3A_128 = arith.constant 0 : i32
      %dma_start3A_129 = tpu.memref_slice %arg2[%dma_start3A_127, %dma_start3A_128] : memref<10240x128xf32, #tpu.memory_space<hbm>> -> memref<10240x128xf32, #tpu.memory_space<hbm>>
      tpu.enqueue_indirect_dma source(%dma_start3A_129 : memref<10240x128xf32, #tpu.memory_space<hbm>>) target(%arg9 : memref<128x128xf32, #tpu.memory_space<vmem>>) offsets(%dma_start3A_126 : memref<128xi32, #tpu.memory_space<vmem>>) semaphore(%arg12 : memref<!tpu.dma_semaphore, #tpu.memory_space<semaphore_mem>>)
      %add3A_130 = arith.constant 1 : i32
      %add3A_131 = arith.addi %add3A_104, %add3A_130 : i32
      %dma_wait3A_132 = arith.constant 0 : i32
      %dma_wait3A_133 = tpu.memref_slice %arg7[%add3A_131, %dma_wait3A_132] : memref<16x128xi32, #tpu.memory_space<vmem>> -> memref<1x128xi32, #tpu.memory_space<vmem>>
      %dma_wait3A_134 = tpu.memref_squeeze %dma_wait3A_133 : memref<1x128xi32, #tpu.memory_space<vmem>> -> memref<128xi32, #tpu.memory_space<vmem>>
      %dma_wait3A_135 = arith.constant 0 : i32
      %dma_wait3A_136 = arith.constant 0 : i32
      %dma_wait3A_137 = tpu.memref_slice %arg2[%dma_wait3A_135, %dma_wait3A_136] : memref<10240x128xf32, #tpu.memory_space<hbm>> -> memref<10240x128xf32, #tpu.memory_space<hbm>>
      tpu.wait_indirect_dma semaphore(%arg13 : memref<!tpu.dma_semaphore, #tpu.memory_space<semaphore_mem>>) src(%dma_wait3A_137 : memref<10240x128xf32, #tpu.memory_space<hbm>>) dst(%arg10 : memref<128x128xf32, #tpu.memory_space<vmem>>)
      %add3A_138 = arith.constant 1 : i32
      %add3A_139 = arith.addi %add3A_104, %add3A_138 : i32
      "tpu.region"() ({
        %run_scoped3A = tpu.sem_alloc : memref<!tpu.dma_semaphore, #tpu.memory_space<semaphore_mem>>
        %dma_start3A_140 = arith.constant 0 : i32
        %dma_start3A_141 = tpu.memref_slice %arg8[%add3A_139, %dma_start3A_140] : memref<16x128xi32, #tpu.memory_space<vmem>> -> memref<1x128xi32, #tpu.memory_space<vmem>>
        %dma_start3A_142 = tpu.memref_squeeze %dma_start3A_141 : memref<1x128xi32, #tpu.memory_space<vmem>> -> memref<128xi32, #tpu.memory_space<vmem>>
        %dma_start3A_143 = arith.constant 0 : i32
        %dma_start3A_144 = arith.constant 0 : i32
        %dma_start3A_145 = tpu.memref_slice %arg11[%dma_start3A_143, %dma_start3A_144] : memref<10240x128xf32, #tpu.memory_space<vmem_shared>> -> memref<10240x128xf32, #tpu.memory_space<vmem_shared>>
        tpu.enqueue_indirect_dma source(%arg10 : memref<128x128xf32, #tpu.memory_space<vmem>>) target(%dma_start3A_145 : memref<10240x128xf32, #tpu.memory_space<vmem_shared>>) offsets(%dma_start3A_142 : memref<128xi32, #tpu.memory_space<vmem>>) semaphore(%run_scoped3A : memref<!tpu.dma_semaphore, #tpu.memory_space<semaphore_mem>>) {add = true}
        %dma_wait3A_146 = arith.constant 0 : i32
        %dma_wait3A_147 = tpu.memref_slice %arg8[%add3A_139, %dma_wait3A_146] : memref<16x128xi32, #tpu.memory_space<vmem>> -> memref<1x128xi32, #tpu.memory_space<vmem>>
        %dma_wait3A_148 = tpu.memref_squeeze %dma_wait3A_147 : memref<1x128xi32, #tpu.memory_space<vmem>> -> memref<128xi32, #tpu.memory_space<vmem>>
        %dma_wait3A_149 = arith.constant 0 : i32
        %dma_wait3A_150 = arith.constant 0 : i32
        %dma_wait3A_151 = tpu.memref_slice %arg11[%dma_wait3A_149, %dma_wait3A_150] : memref<10240x128xf32, #tpu.memory_space<vmem_shared>> -> memref<10240x128xf32, #tpu.memory_space<vmem_shared>>
        tpu.wait_indirect_dma semaphore(%run_scoped3A : memref<!tpu.dma_semaphore, #tpu.memory_space<semaphore_mem>>) src(%arg10 : memref<128x128xf32, #tpu.memory_space<vmem>>) dst(%dma_wait3A_151 : memref<10240x128xf32, #tpu.memory_space<vmem_shared>>)
        tpu.yield
      }) : () -> ()
    }
    %scan3A_87 = arith.constant 8 : i32
    %dma_wait3A_88 = arith.constant 0 : i32
    %dma_wait3A_89 = arith.constant 0 : i32
    %dma_wait3A_90 = tpu.memref_slice %arg7[%dma_wait3A_88, %dma_wait3A_89] : memref<16x128xi32, #tpu.memory_space<vmem>> -> memref<1x128xi32, #tpu.memory_space<vmem>>
    %dma_wait3A_91 = tpu.memref_squeeze %dma_wait3A_90 : memref<1x128xi32, #tpu.memory_space<vmem>> -> memref<128xi32, #tpu.memory_space<vmem>>
    %dma_wait3A_92 = arith.constant 0 : i32
    %dma_wait3A_93 = arith.constant 0 : i32
    %dma_wait3A_94 = tpu.memref_slice %arg2[%dma_wait3A_92, %dma_wait3A_93] : memref<10240x128xf32, #tpu.memory_space<hbm>> -> memref<10240x128xf32, #tpu.memory_space<hbm>>
    tpu.wait_indirect_dma semaphore(%arg12 : memref<!tpu.dma_semaphore, #tpu.memory_space<semaphore_mem>>) src(%dma_wait3A_94 : memref<10240x128xf32, #tpu.memory_space<hbm>>) dst(%arg9 : memref<128x128xf32, #tpu.memory_space<vmem>>)
    %barrier3A_95 = arith.constant 0 : index
    tpu.barrier barrier_id(%barrier3A_95)
    %mul3A_96 = arith.constant 640 : i32
    %mul3A_97 = arith.muli %arg1, %mul3A_96 : i32
    %mul3A_98 = arith.constant 640 : i32
    %mul3A_99 = arith.muli %arg1, %mul3A_98 : i32
    "tpu.region"() ({
      %run_scoped3A = tpu.sem_alloc : memref<!tpu.dma_semaphore, #tpu.memory_space<semaphore_mem>>
      %dma_start3A_100 = arith.constant 0 : i32
      %dma_start3A_101 = tpu.memref_slice %arg6[%arg0, %mul3A_99, %dma_start3A_100] : memref<2x10240x128xf32, #tpu.memory_space<hbm>> -> memref<1x640x128xf32, #tpu.memory_space<hbm>>
      %dma_start3A_102 = tpu.memref_squeeze %dma_start3A_101 : memref<1x640x128xf32, #tpu.memory_space<hbm>> -> memref<640x128xf32, #tpu.memory_space<hbm>>
      %dma_start3A_103 = arith.constant 0 : i32
      %dma_start3A_104 = tpu.memref_slice %arg11[%mul3A_97, %dma_start3A_103] : memref<10240x128xf32, #tpu.memory_space<vmem_shared>> -> memref<640x128xf32, #tpu.memory_space<vmem_shared>>
      tpu.enqueue_dma source(%dma_start3A_104 : memref<640x128xf32, #tpu.memory_space<vmem_shared>>) target(%dma_start3A_102 : memref<640x128xf32, #tpu.memory_space<hbm>>) target_semaphore(%run_scoped3A : memref<!tpu.dma_semaphore, #tpu.memory_space<semaphore_mem>>)
      %dma_wait3A_105 = arith.constant 0 : i32
      %dma_wait3A_106 = tpu.memref_slice %arg6[%arg0, %mul3A_99, %dma_wait3A_105] : memref<2x10240x128xf32, #tpu.memory_space<hbm>> -> memref<1x640x128xf32, #tpu.memory_space<hbm>>
      %dma_wait3A_107 = tpu.memref_squeeze %dma_wait3A_106 : memref<1x640x128xf32, #tpu.memory_space<hbm>> -> memref<640x128xf32, #tpu.memory_space<hbm>>
      %dma_wait3A_108 = arith.constant 0 : i32
      %dma_wait3A_109 = tpu.memref_slice %arg11[%mul3A_97, %dma_wait3A_108] : memref<10240x128xf32, #tpu.memory_space<vmem_shared>> -> memref<640x128xf32, #tpu.memory_space<vmem_shared>>
      tpu.wait_dma2 semaphore(%run_scoped3A : memref<!tpu.dma_semaphore, #tpu.memory_space<semaphore_mem>>) src(%dma_wait3A_109 : memref<640x128xf32, #tpu.memory_space<vmem_shared>>) dst(%dma_wait3A_107 : memref<640x128xf32, #tpu.memory_space<hbm>>)
      tpu.yield
    }) : () -> ()
    return
  }
}

module attributes {stable_mosaic.version = 14 : i64} {
  func.func @_tc_a_body(%arg0: i32, %arg1: memref<1280x128xf32, #tpu.memory_space<vmem>>, %arg2: memref<128x128xf32, #tpu.memory_space<vmem>>, %arg3: memref<1280x16xf32, #tpu.memory_space<vmem>>, %arg4: memref<1280x16xf32, #tpu.memory_space<vmem>>, %arg5: memref<1280x128xf32, #tpu.memory_space<vmem>>) attributes {dimension_semantics = [#tpu.dimension_semantics<arbitrary>], iteration_bounds = array<i64: 8>, scalar_prefetch = 0 : i64, scratch_operands = 0 : i64, tpu.core_type = #tpu.core_type<tc>, window_params = [{transform_indices = @transform_0, window_bounds = array<i64: 1280, 128>}, {pipeline_mode = #tpu.pipeline_mode<synchronous>, transform_indices = @transform_1, window_bounds = array<i64: 128, 128>}, {transform_indices = @transform_2, window_bounds = array<i64: 1280, 16>}, {transform_indices = @transform_3, window_bounds = array<i64: 1280, 16>}, {transform_indices = @transform_4, window_bounds = array<i64: 1280, 128>}]} {
    %get3A = arith.constant 0 : index
    %get3A_0 = arith.constant 0 : index
    %get3A_1 = vector.load %arg1[%get3A, %get3A_0] : memref<1280x128xf32, #tpu.memory_space<vmem>>, vector<1280x128xf32>
    %get3A_2 = arith.constant 0 : index
    %get3A_3 = arith.constant 0 : index
    %get3A_4 = vector.load %arg2[%get3A_2, %get3A_3] : memref<128x128xf32, #tpu.memory_space<vmem>>, vector<128x128xf32>
    %dot_general3A = arith.constant dense<0.000000e+00> : vector<1280x128xf32>
    %dot_general3A_5 = tpu.matmul %get3A_1, %get3A_4, %dot_general3A {dimension_numbers = #tpu.dot_dimension_numbers<[1], [0], [0], [1], [0, 0, 1, 1], [], []>, transpose_lhs_hint = false} : vector<1280x128xf32>, vector<128x128xf32>, vector<1280x128xf32> -> vector<1280x128xf32>
    %get3A_6 = arith.constant 0 : index
    %get3A_7 = arith.constant 0 : index
    %get3A_8 = vector.load %arg3[%get3A_6, %get3A_7] : memref<1280x16xf32, #tpu.memory_space<vmem>>, vector<1280x16xf32>
    %get3A_9 = arith.constant 0 : index
    %get3A_10 = arith.constant 0 : index
    %get3A_11 = vector.load %arg4[%get3A_9, %get3A_10] : memref<1280x16xf32, #tpu.memory_space<vmem>>, vector<1280x16xf32>
    %slice3A = vector.extract_strided_slice %get3A_8 {offsets = [0, 0], sizes = [1280, 1], strides = [1, 1]} : vector<1280x16xf32> to vector<1280x1xf32>
    %slice3A_12 = vector.extract_strided_slice %get3A_11 {offsets = [0, 0], sizes = [1280, 1], strides = [1, 1]} : vector<1280x16xf32> to vector<1280x1xf32>
    %add3A = arith.addf %slice3A, %slice3A_12 : vector<1280x1xf32>
    %add3A_13 = arith.constant 1.000000e+00 : f32
    %add3A_14 = vector.broadcast %add3A_13 : f32 to vector<1280x1xf32>
    %add3A_15 = arith.addf %add3A, %add3A_14 : vector<1280x1xf32>
    %max3A = arith.constant 1.000000e+00 : f32
    %max3A_16 = vector.broadcast %max3A : f32 to vector<1280x1xf32>
    %max3A_17 = arith.maximumf %add3A_15, %max3A_16 : vector<1280x1xf32>
    %rsqrt3A = math.rsqrt %max3A_17 : vector<1280x1xf32>
    %mul3A = vector.broadcast %rsqrt3A : vector<1280x1xf32> to vector<1280x128xf32>
    %mul3A_18 = arith.mulf %dot_general3A_5, %mul3A : vector<1280x128xf32>
    %swap3A = arith.constant 0 : index
    %swap3A_19 = arith.constant 0 : index
    %swap3A_20 = vector.load %arg5[%swap3A, %swap3A_19] : memref<1280x128xf32, #tpu.memory_space<vmem>>, vector<1280x128xf32>
    tpu.vector_store %arg5[%swap3A, %swap3A_19], %mul3A_18 {strides = array<i32>} : memref<1280x128xf32, #tpu.memory_space<vmem>>, vector<1280x128xf32>,
    return
  }
  func.func @transform_0(%arg0: i32) -> (i32, i32) {
    %c0_i32 = arith.constant 0 : i32
    %c0_i32_0 = arith.constant 0 : i32
    return %arg0, %c0_i32 : i32, i32
  }
  func.func @transform_1(%arg0: i32) -> (i32, i32) {
    %c0_i32 = arith.constant 0 : i32
    %c0_i32_0 = arith.constant 0 : i32
    %c0_i32_1 = arith.constant 0 : i32
    return %c0_i32, %c0_i32_0 : i32, i32
  }
  func.func @transform_2(%arg0: i32) -> (i32, i32) {
    %c0_i32 = arith.constant 0 : i32
    %c0_i32_0 = arith.constant 0 : i32
    return %arg0, %c0_i32 : i32, i32
  }
  func.func @transform_3(%arg0: i32) -> (i32, i32) {
    %c0_i32 = arith.constant 0 : i32
    %c0_i32_0 = arith.constant 0 : i32
    return %arg0, %c0_i32 : i32, i32
  }
  func.func @transform_4(%arg0: i32) -> (i32, i32) {
    %c0_i32 = arith.constant 0 : i32
    %c0_i32_0 = arith.constant 0 : i32
    return %arg0, %c0_i32 : i32, i32
  }
}

module attributes {stable_mosaic.version = 14 : i64} {
  func.func @_tc_b_body(%arg0: i32, %arg1: memref<1280x128xf32, #tpu.memory_space<vmem>>, %arg2: memref<1280x128xf32, #tpu.memory_space<vmem>>, %arg3: memref<1280x128xf32, #tpu.memory_space<vmem>>, %arg4: memref<1280x16xf32, #tpu.memory_space<vmem>>, %arg5: memref<1280x16xf32, #tpu.memory_space<vmem>>, %arg6: memref<1x128xf32, #tpu.memory_space<vmem>>, %arg7: memref<128x128xf32, #tpu.memory_space<vmem>>, %arg8: memref<1280x128xf32, #tpu.memory_space<vmem>>) attributes {dimension_semantics = [#tpu.dimension_semantics<arbitrary>], iteration_bounds = array<i64: 8>, scalar_prefetch = 0 : i64, scratch_operands = 0 : i64, tpu.core_type = #tpu.core_type<tc>, window_params = [{transform_indices = @transform_0, window_bounds = array<i64: 1280, 128>}, {transform_indices = @transform_1, window_bounds = array<i64: 1280, 128>}, {transform_indices = @transform_2, window_bounds = array<i64: 1280, 128>}, {transform_indices = @transform_3, window_bounds = array<i64: 1280, 16>}, {transform_indices = @transform_4, window_bounds = array<i64: 1280, 16>}, {pipeline_mode = #tpu.pipeline_mode<synchronous>, transform_indices = @transform_5, window_bounds = array<i64: 1, 128>}, {pipeline_mode = #tpu.pipeline_mode<synchronous>, transform_indices = @transform_6, window_bounds = array<i64: 128, 128>}, {transform_indices = @transform_7, window_bounds = array<i64: 1280, 128>}]} {
    %get3A = arith.constant 0 : index
    %get3A_0 = arith.constant 0 : index
    %get3A_1 = vector.load %arg4[%get3A, %get3A_0] : memref<1280x16xf32, #tpu.memory_space<vmem>>, vector<1280x16xf32>
    %get3A_2 = arith.constant 0 : index
    %get3A_3 = arith.constant 0 : index
    %get3A_4 = vector.load %arg5[%get3A_2, %get3A_3] : memref<1280x16xf32, #tpu.memory_space<vmem>>, vector<1280x16xf32>
    %slice3A = vector.extract_strided_slice %get3A_1 {offsets = [0, 0], sizes = [1280, 1], strides = [1, 1]} : vector<1280x16xf32> to vector<1280x1xf32>
    %slice3A_5 = vector.extract_strided_slice %get3A_4 {offsets = [0, 0], sizes = [1280, 1], strides = [1, 1]} : vector<1280x16xf32> to vector<1280x1xf32>
    %add3A = arith.addf %slice3A, %slice3A_5 : vector<1280x1xf32>
    %add3A_6 = arith.constant 1.000000e+00 : f32
    %add3A_7 = vector.broadcast %add3A_6 : f32 to vector<1280x1xf32>
    %add3A_8 = arith.addf %add3A, %add3A_7 : vector<1280x1xf32>
    %max3A = arith.constant 1.000000e+00 : f32
    %max3A_9 = vector.broadcast %max3A : f32 to vector<1280x1xf32>
    %max3A_10 = arith.maximumf %add3A_8, %max3A_9 : vector<1280x1xf32>
    %rsqrt3A = math.rsqrt %max3A_10 : vector<1280x1xf32>
    %get3A_11 = arith.constant 0 : index
    %get3A_12 = arith.constant 0 : index
    %get3A_13 = vector.load %arg1[%get3A_11, %get3A_12] : memref<1280x128xf32, #tpu.memory_space<vmem>>, vector<1280x128xf32>
    %get3A_14 = arith.constant 0 : index
    %get3A_15 = arith.constant 0 : index
    %get3A_16 = vector.load %arg2[%get3A_14, %get3A_15] : memref<1280x128xf32, #tpu.memory_space<vmem>>, vector<1280x128xf32>
    %add3A_17 = arith.addf %get3A_13, %get3A_16 : vector<1280x128xf32>
    %get3A_18 = arith.constant 0 : index
    %get3A_19 = arith.constant 0 : index
    %get3A_20 = vector.load %arg3[%get3A_18, %get3A_19] : memref<1280x128xf32, #tpu.memory_space<vmem>>, vector<1280x128xf32>
    %add3A_21 = arith.addf %add3A_17, %get3A_20 : vector<1280x128xf32>
    %mul3A = vector.broadcast %rsqrt3A : vector<1280x1xf32> to vector<1280x128xf32>
    %mul3A_22 = arith.mulf %mul3A, %add3A_21 : vector<1280x128xf32>
    %get3A_23 = arith.constant 0 : index
    %get3A_24 = arith.constant 0 : index
    %get3A_25 = vector.load %arg6[%get3A_23, %get3A_24] : memref<1x128xf32, #tpu.memory_space<vmem>>, vector<1x128xf32>
    %add3A_26 = vector.broadcast %get3A_25 : vector<1x128xf32> to vector<1280x128xf32>
    %add3A_27 = arith.addf %mul3A_22, %add3A_26 : vector<1280x128xf32>
    %max3A_28 = arith.constant 0.000000e+00 : f32
    %max3A_29 = vector.broadcast %max3A_28 : f32 to vector<1280x128xf32>
    %max3A_30 = arith.maximumf %add3A_27, %max3A_29 : vector<1280x128xf32>
    %get3A_31 = arith.constant 0 : index
    %get3A_32 = arith.constant 0 : index
    %get3A_33 = vector.load %arg7[%get3A_31, %get3A_32] : memref<128x128xf32, #tpu.memory_space<vmem>>, vector<128x128xf32>
    %dot_general3A = arith.constant dense<0.000000e+00> : vector<1280x128xf32>
    %dot_general3A_34 = tpu.matmul %max3A_30, %get3A_33, %dot_general3A {dimension_numbers = #tpu.dot_dimension_numbers<[1], [0], [0], [1], [0, 0, 1, 1], [], []>, transpose_lhs_hint = false} : vector<1280x128xf32>, vector<128x128xf32>, vector<1280x128xf32> -> vector<1280x128xf32>
    %mul3A_35 = vector.broadcast %rsqrt3A : vector<1280x1xf32> to vector<1280x128xf32>
    %mul3A_36 = arith.mulf %dot_general3A_34, %mul3A_35 : vector<1280x128xf32>
    %swap3A = arith.constant 0 : index
    %swap3A_37 = arith.constant 0 : index
    %swap3A_38 = vector.load %arg8[%swap3A, %swap3A_37] : memref<1280x128xf32, #tpu.memory_space<vmem>>, vector<1280x128xf32>
    tpu.vector_store %arg8[%swap3A, %swap3A_37], %mul3A_36 {strides = array<i32>} : memref<1280x128xf32, #tpu.memory_space<vmem>>, vector<1280x128xf32>,
    return
  }
  func.func @transform_0(%arg0: i32) -> (i32, i32) {
    %c0_i32 = arith.constant 0 : i32
    %c0_i32_0 = arith.constant 0 : i32
    return %arg0, %c0_i32 : i32, i32
  }
  func.func @transform_1(%arg0: i32) -> (i32, i32) {
    %c0_i32 = arith.constant 0 : i32
    %c0_i32_0 = arith.constant 0 : i32
    return %arg0, %c0_i32 : i32, i32
  }
  func.func @transform_2(%arg0: i32) -> (i32, i32) {
    %c0_i32 = arith.constant 0 : i32
    %c0_i32_0 = arith.constant 0 : i32
    return %arg0, %c0_i32 : i32, i32
  }
  func.func @transform_3(%arg0: i32) -> (i32, i32) {
    %c0_i32 = arith.constant 0 : i32
    %c0_i32_0 = arith.constant 0 : i32
    return %arg0, %c0_i32 : i32, i32
  }
  func.func @transform_4(%arg0: i32) -> (i32, i32) {
    %c0_i32 = arith.constant 0 : i32
    %c0_i32_0 = arith.constant 0 : i32
    return %arg0, %c0_i32 : i32, i32
  }
  func.func @transform_5(%arg0: i32) -> (i32, i32) {
    %c0_i32 = arith.constant 0 : i32
    %c0_i32_0 = arith.constant 0 : i32
    %c0_i32_1 = arith.constant 0 : i32
    return %c0_i32, %c0_i32_0 : i32, i32
  }
  func.func @transform_6(%arg0: i32) -> (i32, i32) {
    %c0_i32 = arith.constant 0 : i32
    %c0_i32_0 = arith.constant 0 : i32
    %c0_i32_1 = arith.constant 0 : i32
    return %c0_i32, %c0_i32_0 : i32, i32
  }
  func.func @transform_7(%arg0: i32) -> (i32, i32) {
    %c0_i32 = arith.constant 0 : i32
    %c0_i32_0 = arith.constant 0 : i32
    return %arg0, %c0_i32 : i32, i32
  }
}

module attributes {stable_mosaic.version = 14 : i64} {
  func.func @_tc_c_body(%arg0: i32, %arg1: memref<1024x128xf32, #tpu.memory_space<vmem>>, %arg2: memref<1024x128xf32, #tpu.memory_space<vmem>>, %arg3: memref<1024x128xf32, #tpu.memory_space<vmem>>, %arg4: memref<1024x16xf32, #tpu.memory_space<vmem>>, %arg5: memref<1024x16xf32, #tpu.memory_space<vmem>>, %arg6: memref<1x128xf32, #tpu.memory_space<vmem>>, %arg7: memref<1024x1xi32, #tpu.memory_space<vmem>>, %arg8: memref<1x1024xi32, #tpu.memory_space<vmem>>, %arg9: memref<384x128xf32, #tpu.memory_space<vmem>>, %arg10: memref<1x128xf32, #tpu.memory_space<vmem>>, %arg11: memref<64x384xf32, #tpu.memory_space<vmem>>, %arg12: memref<64x128xf32, #tpu.memory_space<vmem>>, %arg13: memref<64x128xf32, #tpu.memory_space<vmem>>, %arg14: memref<64x128xf32, #tpu.memory_space<vmem>>, %arg15: memref<64x128xf32, #tpu.memory_space<vmem>>) attributes {dimension_semantics = [#tpu.dimension_semantics<arbitrary>], iteration_bounds = array<i64: 10>, scalar_prefetch = 0 : i64, scratch_operands = 3 : i64, tpu.core_type = #tpu.core_type<tc>, window_params = [{transform_indices = @transform_0, window_bounds = array<i64: 1024, 128>}, {transform_indices = @transform_1, window_bounds = array<i64: 1024, 128>}, {transform_indices = @transform_2, window_bounds = array<i64: 1024, 128>}, {transform_indices = @transform_3, window_bounds = array<i64: 1024, 16>}, {transform_indices = @transform_4, window_bounds = array<i64: 1024, 16>}, {pipeline_mode = #tpu.pipeline_mode<synchronous>, transform_indices = @transform_5, window_bounds = array<i64: 1, 128>}, {transform_indices = @transform_6, window_bounds = array<i64: 1024, 1>}, {transform_indices = @transform_7, window_bounds = array<i64: 1, 1024>}, {pipeline_mode = #tpu.pipeline_mode<synchronous>, transform_indices = @transform_8, window_bounds = array<i64: 384, 128>}, {pipeline_mode = #tpu.pipeline_mode<synchronous>, transform_indices = @transform_9, window_bounds = array<i64: 1, 128>}, {pipeline_mode = #tpu.pipeline_mode<synchronous>, transform_indices = @transform_10, window_bounds = array<i64: 64, 384>}, {pipeline_mode = #tpu.pipeline_mode<synchronous>, transform_indices = @transform_11, window_bounds = array<i64: 64, 128>}]} {
    %eq3A = arith.constant 0 : i32
    %eq3A_0 = arith.cmpi eq, %arg0, %eq3A : i32
    %convert_element_type3A = arith.extui %eq3A_0 : i1 to i32
    %cond3A = arith.constant 0 : i32
    %cond3A_1 = arith.cmpi ne, %convert_element_type3A, %cond3A : i32
    scf.if %cond3A_1 {
      %broadcast_in_dim3A_92 = arith.constant 0.000000e+00 : f32
      %broadcast_in_dim3A_93 = vector.broadcast %broadcast_in_dim3A_92 : f32 to vector<64x128xf32>
      %swap3A_94 = arith.constant 0 : index
      %swap3A_95 = arith.constant 0 : index
      %swap3A_96 = vector.load %arg13[%swap3A_94, %swap3A_95] : memref<64x128xf32, #tpu.memory_space<vmem>>, vector<64x128xf32>
      tpu.vector_store %arg13[%swap3A_94, %swap3A_95], %broadcast_in_dim3A_93 {strides = array<i32>} : memref<64x128xf32, #tpu.memory_space<vmem>>, vector<64x128xf32>,
      %broadcast_in_dim3A_97 = arith.constant 0.000000e+00 : f32
      %broadcast_in_dim3A_98 = vector.broadcast %broadcast_in_dim3A_97 : f32 to vector<64x128xf32>
      %swap3A_99 = arith.constant 0 : index
      %swap3A_100 = arith.constant 0 : index
      %swap3A_101 = vector.load %arg14[%swap3A_99, %swap3A_100] : memref<64x128xf32, #tpu.memory_space<vmem>>, vector<64x128xf32>
      tpu.vector_store %arg14[%swap3A_99, %swap3A_100], %broadcast_in_dim3A_98 {strides = array<i32>} : memref<64x128xf32, #tpu.memory_space<vmem>>, vector<64x128xf32>,
      %broadcast_in_dim3A_102 = arith.constant -1.000000e+30 : f32
      %broadcast_in_dim3A_103 = vector.broadcast %broadcast_in_dim3A_102 : f32 to vector<64x128xf32>
      %swap3A_104 = arith.constant 0 : index
      %swap3A_105 = arith.constant 0 : index
      %swap3A_106 = vector.load %arg15[%swap3A_104, %swap3A_105] : memref<64x128xf32, #tpu.memory_space<vmem>>, vector<64x128xf32>
      tpu.vector_store %arg15[%swap3A_104, %swap3A_105], %broadcast_in_dim3A_103 {strides = array<i32>} : memref<64x128xf32, #tpu.memory_space<vmem>>, vector<64x128xf32>,
    } else {
    }
    %get3A = arith.constant 0 : index
    %get3A_2 = arith.constant 0 : index
    %get3A_3 = vector.load %arg4[%get3A, %get3A_2] : memref<1024x16xf32, #tpu.memory_space<vmem>>, vector<1024x16xf32>
    %get3A_4 = arith.constant 0 : index
    %get3A_5 = arith.constant 0 : index
    %get3A_6 = vector.load %arg5[%get3A_4, %get3A_5] : memref<1024x16xf32, #tpu.memory_space<vmem>>, vector<1024x16xf32>
    %slice3A = vector.extract_strided_slice %get3A_3 {offsets = [0, 0], sizes = [1024, 1], strides = [1, 1]} : vector<1024x16xf32> to vector<1024x1xf32>
    %slice3A_7 = vector.extract_strided_slice %get3A_6 {offsets = [0, 0], sizes = [1024, 1], strides = [1, 1]} : vector<1024x16xf32> to vector<1024x1xf32>
    %add3A = arith.addf %slice3A, %slice3A_7 : vector<1024x1xf32>
    %add3A_8 = arith.constant 1.000000e+00 : f32
    %add3A_9 = vector.broadcast %add3A_8 : f32 to vector<1024x1xf32>
    %add3A_10 = arith.addf %add3A, %add3A_9 : vector<1024x1xf32>
    %max3A = arith.constant 1.000000e+00 : f32
    %max3A_11 = vector.broadcast %max3A : f32 to vector<1024x1xf32>
    %max3A_12 = arith.maximumf %add3A_10, %max3A_11 : vector<1024x1xf32>
    %rsqrt3A = math.rsqrt %max3A_12 : vector<1024x1xf32>
    %get3A_13 = arith.constant 0 : index
    %get3A_14 = arith.constant 0 : index
    %get3A_15 = vector.load %arg1[%get3A_13, %get3A_14] : memref<1024x128xf32, #tpu.memory_space<vmem>>, vector<1024x128xf32>
    %get3A_16 = arith.constant 0 : index
    %get3A_17 = arith.constant 0 : index
    %get3A_18 = vector.load %arg2[%get3A_16, %get3A_17] : memref<1024x128xf32, #tpu.memory_space<vmem>>, vector<1024x128xf32>
    %add3A_19 = arith.addf %get3A_15, %get3A_18 : vector<1024x128xf32>
    %get3A_20 = arith.constant 0 : index
    %get3A_21 = arith.constant 0 : index
    %get3A_22 = vector.load %arg3[%get3A_20, %get3A_21] : memref<1024x128xf32, #tpu.memory_space<vmem>>, vector<1024x128xf32>
    %add3A_23 = arith.addf %add3A_19, %get3A_22 : vector<1024x128xf32>
    %mul3A = vector.broadcast %rsqrt3A : vector<1024x1xf32> to vector<1024x128xf32>
    %mul3A_24 = arith.mulf %mul3A, %add3A_23 : vector<1024x128xf32>
    %get3A_25 = arith.constant 0 : index
    %get3A_26 = arith.constant 0 : index
    %get3A_27 = vector.load %arg6[%get3A_25, %get3A_26] : memref<1x128xf32, #tpu.memory_space<vmem>>, vector<1x128xf32>
    %add3A_28 = vector.broadcast %get3A_27 : vector<1x128xf32> to vector<1024x128xf32>
    %add3A_29 = arith.addf %mul3A_24, %add3A_28 : vector<1024x128xf32>
    %max3A_30 = arith.constant 0.000000e+00 : f32
    %max3A_31 = vector.broadcast %max3A_30 : f32 to vector<1024x128xf32>
    %max3A_32 = arith.maximumf %add3A_29, %max3A_31 : vector<1024x128xf32>
    %get3A_33 = arith.constant 0 : index
    %get3A_34 = arith.constant 0 : index
    %get3A_35 = vector.load %arg8[%get3A_33, %get3A_34] : memref<1x1024xi32, #tpu.memory_space<vmem>>, vector<1x1024xi32>
    %iota3A = tpu.iota {dimensions = array<i32: 0>} : vector<64x1xi32>
    %eq3A_36 = vector.broadcast %iota3A : vector<64x1xi32> to vector<64x1024xi32>
    %eq3A_37 = vector.broadcast %get3A_35 : vector<1x1024xi32> to vector<64x1024xi32>
    %eq3A_38 = arith.cmpi eq, %eq3A_36, %eq3A_37 : vector<64x1024xi32>
    %convert_element_type3A_39 = arith.extui %eq3A_38 : vector<64x1024xi1> to vector<64x1024xi32>
    %convert_element_type3A_40 = arith.sitofp %convert_element_type3A_39 : vector<64x1024xi32> to vector<64x1024xf32>
    %get3A_41 = arith.constant 0 : index
    %get3A_42 = arith.constant 0 : index
    %get3A_43 = vector.load %arg13[%get3A_41, %get3A_42] : memref<64x128xf32, #tpu.memory_space<vmem>>, vector<64x128xf32>
    %dot_general3A = arith.constant dense<0.000000e+00> : vector<64x128xf32>
    %dot_general3A_44 = tpu.matmul %convert_element_type3A_40, %max3A_32, %dot_general3A {dimension_numbers = #tpu.dot_dimension_numbers<[1], [0], [0], [1], [0, 0, 1, 1], [], []>, transpose_lhs_hint = false} : vector<64x1024xf32>, vector<1024x128xf32>, vector<64x128xf32> -> vector<64x128xf32>
    %add3A_45 = arith.addf %get3A_43, %dot_general3A_44 : vector<64x128xf32>
    %swap3A = arith.constant 0 : index
    %swap3A_46 = arith.constant 0 : index
    %swap3A_47 = vector.load %arg13[%swap3A, %swap3A_46] : memref<64x128xf32, #tpu.memory_space<vmem>>, vector<64x128xf32>
    tpu.vector_store %arg13[%swap3A, %swap3A_46], %add3A_45 {strides = array<i32>} : memref<64x128xf32, #tpu.memory_space<vmem>>, vector<64x128xf32>,
    %get3A_48 = arith.constant 0 : index
    %get3A_49 = arith.constant 0 : index
    %get3A_50 = vector.load %arg14[%get3A_48, %get3A_49] : memref<64x128xf32, #tpu.memory_space<vmem>>, vector<64x128xf32>
    %broadcast_in_dim3A = arith.constant 1.000000e+00 : f32
    %broadcast_in_dim3A_51 = vector.broadcast %broadcast_in_dim3A : f32 to vector<1024x128xf32>
    %dot_general3A_52 = arith.constant dense<0.000000e+00> : vector<64x128xf32>
    %dot_general3A_53 = tpu.matmul %convert_element_type3A_40, %broadcast_in_dim3A_51, %dot_general3A_52 {dimension_numbers = #tpu.dot_dimension_numbers<[1], [0], [0], [1], [0, 0, 1, 1], [], []>, transpose_lhs_hint = false} : vector<64x1024xf32>, vector<1024x128xf32>, vector<64x128xf32> -> vector<64x128xf32>
    %add3A_54 = arith.addf %get3A_50, %dot_general3A_53 : vector<64x128xf32>
    %swap3A_55 = arith.constant 0 : index
    %swap3A_56 = arith.constant 0 : index
    %swap3A_57 = vector.load %arg14[%swap3A_55, %swap3A_56] : memref<64x128xf32, #tpu.memory_space<vmem>>, vector<64x128xf32>
    tpu.vector_store %arg14[%swap3A_55, %swap3A_56], %add3A_54 {strides = array<i32>} : memref<64x128xf32, #tpu.memory_space<vmem>>, vector<64x128xf32>,
    %get3A_58 = arith.constant 0 : index
    %get3A_59 = arith.constant 0 : index
    %get3A_60 = vector.load %arg7[%get3A_58, %get3A_59] : memref<1024x1xi32, #tpu.memory_space<vmem>>, vector<1024x1xi32>
    %get3A_61 = arith.constant 0 : index
    %get3A_62 = arith.constant 0 : index
    %get3A_63 = vector.load %arg7[%get3A_61, %get3A_62] : memref<1024x1xi32, #tpu.memory_space<vmem>>, vector<1x1xi32>
    %get3A_64 = vector.extract %get3A_63[0, 0] : i32 from vector<1x1xi32>
    %get3A_65 = arith.constant 1023 : index
    %get3A_66 = arith.constant 0 : index
    %get3A_67 = vector.load %arg7[%get3A_65, %get3A_66] : memref<1024x1xi32, #tpu.memory_space<vmem>>, vector<1x1xi32>
    %get3A_68 = vector.extract %get3A_67[0, 0] : i32 from vector<1x1xi32>
    %min3A = arith.constant 63 : i32
    %min3A_69 = arith.minsi %get3A_68, %min3A : i32
    %add3A_70 = arith.constant 1 : i32
    %add3A_71 = arith.addi %min3A_69, %add3A_70 : i32
    %get3A_72 = arith.constant 0 : index
    %get3A_73 = arith.constant 0 : index
    %get3A_74 = vector.load %arg15[%get3A_72, %get3A_73] : memref<64x128xf32, #tpu.memory_space<vmem>>, vector<64x128xf32>
    %while3A = arith.subi %add3A_71, %get3A_64 : i32
    %while3A_75 = arith.addi %get3A_64, %while3A : i32
    %while3A_76 = arith.constant 1 : i32
    %while3A_77 = arith.divsi %while3A, %while3A_76 : i32
    %while3A_78 = arith.muli %while3A_77, %while3A_76 : i32
    %while3A_79 = arith.addi %get3A_64, %while3A_78 : i32
    %while3A_80 = arith.constant 1 : i32
    %while3A_81 = scf.for %while3A_92 = %get3A_64 to %while3A_79 step %while3A_80 iter_args(%while3A_93 = %get3A_74) -> (vector<64x128xf32>)  : i32 {
      %eq3A_94 = vector.broadcast %while3A_92 : i32 to vector<1024x1xi32>
      %eq3A_95 = arith.cmpi eq, %get3A_60, %eq3A_94 : vector<1024x1xi32>
      %jit3A = arith.constant -1.000000e+30 : f32
      %broadcast_in_dim3A_96 = vector.shape_cast %eq3A_95 : vector<1024x1xi1> to vector<1024x1xi1>
      %broadcast_in_dim3A_97 = vector.broadcast %broadcast_in_dim3A_96 : vector<1024x1xi1> to vector<1024x128xi1>
      %broadcast_in_dim3A_98 = vector.broadcast %jit3A : f32 to vector<1024x128xf32>
      %select_n3A = arith.select %broadcast_in_dim3A_97, %max3A_32, %broadcast_in_dim3A_98 : vector<1024x128xi1>, vector<1024x128xf32>
      %reduce_max3A = arith.constant dense<0xFF800000> : vector<128xf32>
      %reduce_max3A_99 = vector.multi_reduction <maximumf>, %select_n3A, %reduce_max3A [0] : vector<1024x128xf32> to vector<128xf32>
      %broadcast_in_dim3A_100 = vector.shape_cast %reduce_max3A_99 : vector<128xf32> to vector<1x128xf32>
      %eq3A_101 = vector.broadcast %while3A_92 : i32 to vector<64x1xi32>
      %eq3A_102 = arith.cmpi eq, %iota3A, %eq3A_101 : vector<64x1xi32>
      %max3A_103 = vector.broadcast %broadcast_in_dim3A_100 : vector<1x128xf32> to vector<64x128xf32>
      %max3A_104 = arith.maximumf %while3A_93, %max3A_103 : vector<64x128xf32>
      %broadcast_in_dim3A_105 = vector.shape_cast %eq3A_102 : vector<64x1xi1> to vector<64x1xi1>
      %broadcast_in_dim3A_106 = vector.broadcast %broadcast_in_dim3A_105 : vector<64x1xi1> to vector<64x128xi1>
      %select_n3A_107 = arith.select %broadcast_in_dim3A_106, %max3A_104, %while3A_93 : vector<64x128xi1>, vector<64x128xf32>
      scf.yield %select_n3A_107 : vector<64x128xf32>
    }
    %while3A_82 = arith.constant 1 : i32
    %while3A_83 = scf.for %while3A_92 = %while3A_79 to %while3A_75 step %while3A_82 iter_args(%while3A_93 = %while3A_81) -> (vector<64x128xf32>)  : i32 {
      %eq3A_94 = vector.broadcast %while3A_92 : i32 to vector<1024x1xi32>
      %eq3A_95 = arith.cmpi eq, %get3A_60, %eq3A_94 : vector<1024x1xi32>
      %jit3A = arith.constant -1.000000e+30 : f32
      %broadcast_in_dim3A_96 = vector.shape_cast %eq3A_95 : vector<1024x1xi1> to vector<1024x1xi1>
      %broadcast_in_dim3A_97 = vector.broadcast %broadcast_in_dim3A_96 : vector<1024x1xi1> to vector<1024x128xi1>
      %broadcast_in_dim3A_98 = vector.broadcast %jit3A : f32 to vector<1024x128xf32>
      %select_n3A = arith.select %broadcast_in_dim3A_97, %max3A_32, %broadcast_in_dim3A_98 : vector<1024x128xi1>, vector<1024x128xf32>
      %reduce_max3A = arith.constant dense<0xFF800000> : vector<128xf32>
      %reduce_max3A_99 = vector.multi_reduction <maximumf>, %select_n3A, %reduce_max3A [0] : vector<1024x128xf32> to vector<128xf32>
      %broadcast_in_dim3A_100 = vector.shape_cast %reduce_max3A_99 : vector<128xf32> to vector<1x128xf32>
      %eq3A_101 = vector.broadcast %while3A_92 : i32 to vector<64x1xi32>
      %eq3A_102 = arith.cmpi eq, %iota3A, %eq3A_101 : vector<64x1xi32>
      %max3A_103 = vector.broadcast %broadcast_in_dim3A_100 : vector<1x128xf32> to vector<64x128xf32>
      %max3A_104 = arith.maximumf %while3A_93, %max3A_103 : vector<64x128xf32>
      %broadcast_in_dim3A_105 = vector.shape_cast %eq3A_102 : vector<64x1xi1> to vector<64x1xi1>
      %broadcast_in_dim3A_106 = vector.broadcast %broadcast_in_dim3A_105 : vector<64x1xi1> to vector<64x128xi1>
      %select_n3A_107 = arith.select %broadcast_in_dim3A_106, %max3A_104, %while3A_93 : vector<64x128xi1>, vector<64x128xf32>
      scf.yield %select_n3A_107 : vector<64x128xf32>
    }
    %swap3A_84 = arith.constant 0 : index
    %swap3A_85 = arith.constant 0 : index
    %swap3A_86 = vector.load %arg15[%swap3A_84, %swap3A_85] : memref<64x128xf32, #tpu.memory_space<vmem>>, vector<64x128xf32>
    tpu.vector_store %arg15[%swap3A_84, %swap3A_85], %while3A_83 {strides = array<i32>} : memref<64x128xf32, #tpu.memory_space<vmem>>, vector<64x128xf32>,
    %eq3A_87 = arith.constant 9 : i32
    %eq3A_88 = arith.cmpi eq, %arg0, %eq3A_87 : i32
    %convert_element_type3A_89 = arith.extui %eq3A_88 : i1 to i32
    %cond3A_90 = arith.constant 0 : i32
    %cond3A_91 = arith.cmpi ne, %convert_element_type3A_89, %cond3A_90 : i32
    scf.if %cond3A_91 {
      %get3A_92 = arith.constant 0 : index
      %get3A_93 = arith.constant 0 : index
      %get3A_94 = vector.load %arg13[%get3A_92, %get3A_93] : memref<64x128xf32, #tpu.memory_space<vmem>>, vector<64x128xf32>
      %get3A_95 = arith.constant 0 : index
      %get3A_96 = arith.constant 0 : index
      %get3A_97 = vector.load %arg14[%get3A_95, %get3A_96] : memref<64x128xf32, #tpu.memory_space<vmem>>, vector<64x128xf32>
      %max3A_98 = arith.constant 1.000000e+00 : f32
      %max3A_99 = vector.broadcast %max3A_98 : f32 to vector<64x128xf32>
      %max3A_100 = arith.maximumf %get3A_97, %max3A_99 : vector<64x128xf32>
      %div3A = arith.divf %get3A_94, %max3A_100 : vector<64x128xf32>
      %get3A_101 = arith.constant 0 : index
      %get3A_102 = arith.constant 0 : index
      %get3A_103 = vector.load %arg15[%get3A_101, %get3A_102] : memref<64x128xf32, #tpu.memory_space<vmem>>, vector<64x128xf32>
      %concatenate3A = tpu.concatenate %get3A_94, %div3A, %get3A_103 in 1 : vector<64x128xf32>, vector<64x128xf32>, vector<64x128xf32> -> vector<64x384xf32>
      %swap3A_104 = arith.constant 0 : index
      %swap3A_105 = arith.constant 0 : index
      %swap3A_106 = vector.load %arg11[%swap3A_104, %swap3A_105] : memref<64x384xf32, #tpu.memory_space<vmem>>, vector<64x384xf32>
      tpu.vector_store %arg11[%swap3A_104, %swap3A_105], %concatenate3A {strides = array<i32>} : memref<64x384xf32, #tpu.memory_space<vmem>>, vector<64x384xf32>,
      %get3A_107 = arith.constant 0 : index
      %get3A_108 = arith.constant 0 : index
      %get3A_109 = vector.load %arg9[%get3A_107, %get3A_108] : memref<384x128xf32, #tpu.memory_space<vmem>>, vector<384x128xf32>
      %dot_general3A_110 = arith.constant dense<0.000000e+00> : vector<64x128xf32>
      %dot_general3A_111 = tpu.matmul %concatenate3A, %get3A_109, %dot_general3A_110 {dimension_numbers = #tpu.dot_dimension_numbers<[1], [0], [0], [1], [0, 0, 1, 1], [], []>, transpose_lhs_hint = false} : vector<64x384xf32>, vector<384x128xf32>, vector<64x128xf32> -> vector<64x128xf32>
      %get3A_112 = arith.constant 0 : index
      %get3A_113 = arith.constant 0 : index
      %get3A_114 = vector.load %arg10[%get3A_112, %get3A_113] : memref<1x128xf32, #tpu.memory_space<vmem>>, vector<1x128xf32>
      %add3A_115 = vector.broadcast %get3A_114 : vector<1x128xf32> to vector<64x128xf32>
      %add3A_116 = arith.addf %dot_general3A_111, %add3A_115 : vector<64x128xf32>
      %swap3A_117 = arith.constant 0 : index
      %swap3A_118 = arith.constant 0 : index
      %swap3A_119 = vector.load %arg12[%swap3A_117, %swap3A_118] : memref<64x128xf32, #tpu.memory_space<vmem>>, vector<64x128xf32>
      tpu.vector_store %arg12[%swap3A_117, %swap3A_118], %add3A_116 {strides = array<i32>} : memref<64x128xf32, #tpu.memory_space<vmem>>, vector<64x128xf32>,
    } else {
    }
    return
  }
  func.func @transform_0(%arg0: i32) -> (i32, i32) {
    %c0_i32 = arith.constant 0 : i32
    %c0_i32_0 = arith.constant 0 : i32
    return %arg0, %c0_i32 : i32, i32
  }
  func.func @transform_1(%arg0: i32) -> (i32, i32) {
    %c0_i32 = arith.constant 0 : i32
    %c0_i32_0 = arith.constant 0 : i32
    return %arg0, %c0_i32 : i32, i32
  }
  func.func @transform_2(%arg0: i32) -> (i32, i32) {
    %c0_i32 = arith.constant 0 : i32
    %c0_i32_0 = arith.constant 0 : i32
    return %arg0, %c0_i32 : i32, i32
  }
  func.func @transform_3(%arg0: i32) -> (i32, i32) {
    %c0_i32 = arith.constant 0 : i32
    %c0_i32_0 = arith.constant 0 : i32
    return %arg0, %c0_i32 : i32, i32
  }
  func.func @transform_4(%arg0: i32) -> (i32, i32) {
    %c0_i32 = arith.constant 0 : i32
    %c0_i32_0 = arith.constant 0 : i32
    return %arg0, %c0_i32 : i32, i32
  }
  func.func @transform_5(%arg0: i32) -> (i32, i32) {
    %c0_i32 = arith.constant 0 : i32
    %c0_i32_0 = arith.constant 0 : i32
    %c0_i32_1 = arith.constant 0 : i32
    return %c0_i32, %c0_i32_0 : i32, i32
  }
  func.func @transform_6(%arg0: i32) -> (i32, i32) {
    %c0_i32 = arith.constant 0 : i32
    %c0_i32_0 = arith.constant 0 : i32
    return %arg0, %c0_i32 : i32, i32
  }
  func.func @transform_7(%arg0: i32) -> (i32, i32) {
    %c0_i32 = arith.constant 0 : i32
    %c0_i32_0 = arith.constant 0 : i32
    return %c0_i32, %arg0 : i32, i32
  }
  func.func @transform_8(%arg0: i32) -> (i32, i32) {
    %c0_i32 = arith.constant 0 : i32
    %c0_i32_0 = arith.constant 0 : i32
    %c0_i32_1 = arith.constant 0 : i32
    return %c0_i32, %c0_i32_0 : i32, i32
  }
  func.func @transform_9(%arg0: i32) -> (i32, i32) {
    %c0_i32 = arith.constant 0 : i32
    %c0_i32_0 = arith.constant 0 : i32
    %c0_i32_1 = arith.constant 0 : i32
    return %c0_i32, %c0_i32_0 : i32, i32
  }
  func.func @transform_10(%arg0: i32) -> (i32, i32) {
    %c0_i32 = arith.constant 0 : i32
    %c0_i32_0 = arith.constant 0 : i32
    %c0_i32_1 = arith.constant 0 : i32
    return %c0_i32, %c0_i32_0 : i32, i32
  }
  func.func @transform_11(%arg0: i32) -> (i32, i32) {
    %c0_i32 = arith.constant 0 : i32
    %c0_i32_0 = arith.constant 0 : i32
    %c0_i32_1 = arith.constant 0 : i32
    return %c0_i32, %c0_i32_0 : i32, i32
  }
}

</mosaic_0001>

<sc_bundles>
// kernel: kernel.11.cloned.1.call-start
scs
__scs_entry_jumppad:
0x0: {  	(pc) =	sbr.rel $0x88, $3  }
0x1: {  	(tag) =	ssettag $0x0;
	lr =	simm.s32 $0x1  }
0x2: {  	[smem:$0x3F98] =	sst lr;
	_ =	strace $0xD0000000  }
0x3: {  	_ = 	snop  }
0x4: {  	_ = 	snop  }
0x5: {  	_ = 	snop  }
0x6: {  	_ = 	snop  }
0x7: {  	_ = 	snop  }
__scs_overlays_trampoline_lowered:
0x8: {  	[smem:$0x3FA7] =	sst s0  }
0x9: {  	[smem:$0x3FA8] =	sst s1  }
0xa: {  	[smem:$0x3FA9] =	sst s2  }
0xb: {  	[smem:$0x3FAA] =	sst s3  }
0xc: {  	[smem:$0x3FAB] =	sst s4  }
0xd: {  	[smem:$0x3FAC] =	sst s5  }
0xe: {  	[smem:$0x3FAD] =	sst s6  }
0xf: {  	[smem:$0x3FAE] =	sst s7  }
0x10: {  	[smem:$0x3FAF] =	sst s8  }
0x11: {  	[smem:$0x3FB0] =	sst s9;
	s0 =	simm.s32 @!p0 $0x0  }
0x12: {  	s1 =	sld [smem:$0x3F96];
	s0 =	simm.s32 @p0 $0x1  }
0x13: {  	[smem:$0x3FB1] =	sst s0;
	s0 =	simm.s32 @!p1 $0x0  }
0x14: {  	s2 =	sld [smem:$0x3F95];
	s0 =	simm.s32 @p1 $0x1  }
0x15: {  	[smem:$0x3FB2] =	sst s0;
	s0 =	simm.s32 @!p2 $0x0  }
0x16: {  	s3 =	sld [smem:$0x3FDB];
	s0 =	simm.s32 @p2 $0x1  }
0x17: {  	s4 =	simm.s32 $0x1BF5;
	[smem:$0x3FB4] =	sst s0  }
0x18: {  	s0 =	sld [smem:$0x3F97];
	_ =	swait.ge [sflag:s4], $0x0  }
0x19: {  	s7 =	sld [smem:$0x3F98]  }
0x1a: {  	s8 =	sadd.s32 $0xFFFFE003, lr  }
0x1b: {  	s9 =	sadd.s32 $0xFFFFFEF7, lr;
	s5 =	simm.s32 $0xFFFFFFFF;
	p2 =	slt.u32 s8, $0xFFFFF086  }
0x1c: {  	p1 =	slt.u32 s9, $0xF7A;
	s5 =	simm.s32 @!p2 $0x0  }
0x1d: {  	s5 =	simm.s32 @p1 $0x1;
	p0 =	seq.s32 s7, s2  }
0x1e: {  	s7 =	smul.u32 @!p0 $0xF7A, s2;
	p2 =	seq.s32 @!p0 s5, $0x0  }
0x1f: {  	s9 =	smul.u32 $0xF7A, s1;
	s8 =	simm.s32 @!p0 $0x1BF5;
	p2 =	por !p2, p0  }
0x20: {  	[sflag:s8] =	ssyncset.s32 @!p0 $0xFFFFF086;
	s6 =	sadd.s32 @!p0 s3, s7;
	s7 =	simm.s32 @!p0 $0x108  }
0x21: {  	s3 =	sadd.s32 s3, s9;
	s6 =	sadd.s32 @!p0 $0x88, s6;
	s7 =	simm.s32 @p2 $0x1082  }
0x22: {  	[simem:s7], [sflag:s8] =	dma.local @!p0 [hbm:s6], $0xF7A  }
0x23: {  	s9 =	sor.u32 $0xD0000000, s2;
	s6 =	simm.s32 $0x108;
	_ =	swait.ge @!p0 [sflag:s8], $0x0  }
0x24: {  	s3 =	sadd.s32 $0x88, s3;
	s6 =	simm.s32 @!p1 $0x1082;
	[sflag:s4] =	ssyncset.s32 $0xFFFFF086  }
0x25: {  	[simem:s6], [sflag:s4] =	dma.local [hbm:s3], $0xF7A  }
0x26: {  	[smem:$0x3F98] =	sst s1;
	(tag) =	ssettag s2;
	_ =	strace s9  }
0x27: {  	s1 =	sld [smem:$0x3FA8]  }
0x28: {  	s2 =	sld [smem:$0x3FA9]  }
0x29: {  	s4 =	sld [smem:$0x3FAB]  }
0x2a: {  	p0 =	seq.s32 s5, $0x0;
	s5 =	sld [smem:$0x3FAC]  }
0x2b: {  	s6 =	sld [smem:$0x3FAD]  }
0x2c: {  	s7 =	sld [smem:$0x3FAE]  }
0x2d: {  	s3 =	simm.s32 $0x108;
	s8 =	sld [smem:$0x3FAF]  }
0x2e: {  	s3 =	simm.s32 @!p0 $0x1082;
	s9 =	sld [smem:$0x3FB0]  }
0x2f: {  	lr =	sadd.s32 s0, s3;
	s0 =	sld [smem:$0x3FA7]  }
0x30: {  	s3 =	sld [smem:$0x3FAA]  }
0x31: {  	[smem:$0x3FB3] =	sst s10  }
0x32: {  	s10 =	sld [smem:$0x3FB1];
	_ =	sdelay $0x3  }
0x33: {  	p0 =	seq.s32 s10, $0x1;
	s10 =	sld [smem:$0x3FB3];
	_ =	sdelay $0x3  }
0x34: {  	[smem:$0x3FB3] =	sst s10  }
0x35: {  	s10 =	sld [smem:$0x3FB2];
	_ =	sdelay $0x3  }
0x36: {  	p1 =	seq.s32 s10, $0x1;
	s10 =	sld [smem:$0x3FB3];
	_ =	sdelay $0x3  }
0x37: {  	[smem:$0x3FB3] =	sst s10  }
0x38: {  	s10 =	sld [smem:$0x3FB4]  }
0x39: {  	_ = 	snop;
	(pc) =	sbr.ind lr, $3  }
0x3a: {  	_ = 	snop  }
0x3b: {  	_ = 	snop  }
0x3c: {  	p2 =	seq.s32 s10, $0x1;
	s10 =	sld [smem:$0x3FB3]  }
0x3d: {  	_ =	shalt  }
0x3e: {  	_ =	shalt  }
0x3f: {  	_ =	shalt  }
0x40: {  	_ =	shalt  }
0x41: {  	_ =	shalt  }
0x42: {  	_ =	shalt  }
0x43: {  	_ =	shalt  }
0x44: {  	_ =	shalt  }
0x45: {  	_ =	shalt  }
0x46: {  	_ =	shalt  }
0x47: {  	_ =	shalt  }
0x48: {  	_ =	shalt  }
0x49: {  	_ =	shalt  }
0x4a: {  	_ =	shalt  }
0x4b: {  	_ =	shalt  }
0x4c: {  	_ =	shalt  }
0x4d: {  	_ =	shalt  }
0x4e: {  	_ =	shalt  }
0x4f: {  	_ =	shalt  }
0x50: {  	_ =	shalt  }
0x51: {  	_ =	shalt  }
0x52: {  	_ =	shalt  }
0x53: {  	_ =	shalt  }
0x54: {  	_ =	shalt  }
0x55: {  	_ =	shalt  }
0x56: {  	_ =	shalt  }
0x57: {  	_ =	shalt  }
0x58: {  	_ =	shalt  }
0x59: {  	_ =	shalt  }
0x5a: {  	_ =	shalt  }
0x5b: {  	_ =	shalt  }
0x5c: {  	_ =	shalt  }
0x5d: {  	_ =	shalt  }
0x5e: {  	_ =	shalt  }
0x5f: {  	_ =	shalt  }
0x60: {  	_ =	shalt  }
0x61: {  	_ =	shalt  }
0x62: {  	_ =	shalt  }
0x63: {  	_ =	shalt  }
0x64: {  	_ =	shalt  }
0x65: {  	_ =	shalt  }
0x66: {  	_ =	shalt  }
0x67: {  	_ =	shalt  }
0x68: {  	_ =	shalt  }
0x69: {  	_ =	shalt  }
0x6a: {  	_ =	shalt  }
0x6b: {  	_ =	shalt  }
0x6c: {  	_ =	shalt  }
0x6d: {  	_ =	shalt  }
0x6e: {  	_ =	shalt  }
0x6f: {  	_ =	shalt  }
0x70: {  	_ =	shalt  }
0x71: {  	_ =	shalt  }
0x72: {  	_ =	shalt  }
0x73: {  	_ =	shalt  }
0x74: {  	_ =	shalt  }
0x75: {  	_ =	shalt  }
0x76: {  	_ =	shalt  }
0x77: {  	_ =	shalt  }
0x78: {  	_ =	shalt  }
0x79: {  	_ =	shalt  }
0x7a: {  	_ =	shalt  }
0x7b: {  	_ =	shalt  }
0x7c: {  	_ =	shalt  }
0x7d: {  	_ =	shalt  }
0x7e: {  	_ =	shalt  }
0x7f: {  	_ =	shalt  }
0x80: {  	_ =	shalt  }
0x81: {  	_ =	shalt  }
0x82: {  	_ =	shalt  }
0x83: {  	_ =	shalt  }
0x84: {  	_ =	shalt  }
0x85: {  	_ =	shalt  }
0x86: {  	_ =	shalt  }
0x87: {  	_ =	shalt  }
.Lfunc_end0:
.L_simem_size_0:
called_computation.1_lowered:
.L_overlay_start_0:
0x88: {  	s2 =	sld [smem:$0x3FD9]  }
0x89: {  	s3 =	sld [smem:$0x3FFE];
	_ =	sdelay $0x1  }
0x8a: {  	s1 =	srdreg.scid  }
0x8b: {  	s0 =	sand.u32 $0x1, s1  }
0x8c: {  	s16 =	sshll.u32 s0, $0xA;
	s2 =	sadd.s32 s3, s2  }
0x8d: {  	s2 =	sadd.s32 s2, s16  }
0x8e: {  	[smem:$0x3FBF] =	sst s2  }
0x8f: {  	_ = 	snop  }
0x90: {  	(tm) =	ssettm $0x1  }
0x91: {  	s17 =	sld [smem:$0x3FFB];
	_ =	sdelay $0x3  }
0x92: {  	_ =	strace s17  }
0x93: {  	s2 =	sld [smem:$0x3FFC];
	_ =	sdelay $0x3  }
0x94: {  	_ =	strace s2  }
0x95: {  	s2 =	sld [smem:$0x3FFD];
	_ =	sdelay $0x3  }
0x96: {  	_ =	strace s2  }
0x97: {  	_ =	strace $0x8FFFFFFF  }
0x98: {  	s18 =	sld [smem:$0x3FDB];
	_ =	sdelay $0x1  }
0x99: {  	s19 =	simm.s32 $_scs_section_size  }
0x9a: {  	s4 =	simm.s32 $_size__tile_overlayer_lowered;
	s5 =	simm.s32 $_tile_overlayer_lowered  }
0x9b: {  	s22 =	simm.s32 $0x1BFF;
	s21 =	sshll.u32 s5, $0x1;
	s2 =	sadd.s32 s19, s18  }
0x9c: {  	s6 =	simm.s32 $0x0;
	s20 =	sshll.u32 s4, $0x1;
	s4 =	sadd.s32 s21, s2  }
0x9d: {  	[timem:s6], [sflag:s22] =	dma.local [hbm:s4], s20  }
0x9e: {  	_ =	swait.ge [sflag:s22], s20  }
0x9f: {  	s3 =	ssub.s32 $0x0, s20;
	[sflag:s22] =	ssyncset.done $0x0  }
0xa0: {  	[sflag:s22] =	ssyncadd.s32 s3;
	_ =	sdelay $0x1  }
0xa1: {  	s23 =	simm.s32 $0x1B8B  }
0xa2: {  	_ =	swait.ge [sflag:s23], $0x1  }
0xa3: {  	[sflag:s23] =	ssyncset.done $0x0  }
0xa4: {  	s25 =	simm.s32 $0x1B8E;
	s24 =	sld [smem:$0x3FFE];
	[sflag:s23] =	ssyncadd.s32 $0xFFFFFFFF  }
0xa5: {  	s26 =	simm.s32 $execute0_lowered;
	[smem:$0x3FD2] =	sst s25  }
0xa6: {  	s4 =	sshll.u32 s26, $0x1;
	_ =	strace $0x80000049;
	[dreg:$0x1] =	wrdreg $0xFFFFFFFF  }
0xa7: {  	s28 =	simm.s32 $_size_execute0_lowered;
	s2 =	sadd.s32 s2, s4;
	[dreg:$0x0] =	wrdreg $0x0  }
0xa8: {  	s4 =	sshll.u32 s28, $0x1;
	[dreg:$0x2] =	wrdreg s2  }
0xa9: {  	[dreg:$0x3] =	wrdreg s4  }
0xaa: {  	[dreg:$0x4] =	wrdreg $0xC0  }
0xab: {  	_ =	task [dreg:s6], $0x5FFFF  }
0xac: {  	[dreg:$0x1] =	wrdreg $0xFFFFFFFF  }
0xad: {  	[dreg:$0x0] =	wrdreg $0x60  }
0xae: {  	[dreg:$0x2] =	wrdreg s24  }
0xaf: {  	[dreg:$0x3] =	wrdreg $0x90000  }
0xb0: {  	[dreg:$0x4] =	wrdreg $0x9  }
0xb1: {  	_ =	task.clear_ibuf [dreg:s6], $0x5FFFF;
	_ =	strace $0x90000049  }
0xb2: {  	s29 =	simm.s32 $0x9;
	_ =	strace $0x8000004B  }
0xb3: {  	_ =	swait.ge [sflag:s29], $0x1  }
0xb4: {  	[sflag:s29] =	ssyncadd.s32 $0xFFFFFFFF  }
0xb5: {  	_ =	strace $0x9000004B  }
0xb6: {  	_ =	sfence  }
0xb7: {  	s30 =	sld [smem:$0x0];
	_ =	sdelay $0x2  }
0xb8: {  	s31 =	sshll.u32 s1, $0xD;
	s1 =	sshrl.u32 s1, $0x2  }
0xb9: {  	s3 =	sand.u32 $0x4000, s31;
	s1 =	sadd.s32 s1, s30  }
0xba: {  	s0 =	sor.u32 s3, s0;
	s1 =	sshll.u32 s1, $0x11  }
0xbb: {  	s0 =	sor.u32 s1, s0  }
0xbc: {  	s0 =	sadd.s32 $0x8F2B, s0  }
0xbd: {  	[sflag:s0] =	ssyncadd.remote.s32 $0x1  }
0xbe: {  	_ =	sfence.sel $0xFFFF  }
0xbf: {  	[dreg:$0x0] =	wrdreg $0xFFFFFFFF;
	(pc) =	sbr.abs _section_cstart, $3  }
0xc0: {  	[dreg:$0x1] =	wrdreg $0xFFFFFFFF  }
0xc1: {  	_ =	task.clear_ibuf [dreg:s6], $0x2FFFF;
	_ =	strace $0x9FFFFFFF  }
0xc2: {  	(tm) =	ssettm $0x7FFFFFFF  }
0xc3: {  	_ =	shalt  }
tec
execute0_lowered:
.L_overlay_start_1:
0x0: {  	(tag) =	ssettag $0x1  }
0x1: {  	s0 =	rddreg [dreg:$0x0]  }
0x2: {  	s1 =	srdreg.scid;
	s2 =	rddreg [dreg:$0x1];
	s13 =	simm.s32 $0x0  }
0x3: {  	s10 =	stileid.u32;
	s6 =	sand.u32 $0x1, s1;
	[smem:$0x7FF] =	sst s13  }
0x4: {  	s4 =	sadd.s32 $0xE400, s0;
	s5 =	sadd.s32 $0x4400, s0;
	s19 =	smul.u32 $0x50000, s10  }
0x5: {  	s3 =	sadd.s32 $0x18400, s0;
	s1 =	sshll.u32 s6, $0x4;
	s7 =	smul.u32 $0x140000, s6  }
0x6: {  	[dreg:$0x11] =	wrdreg s6;
	s6 =	smul.u32 $0x14000, s10;
	s1 =	sor.u32 s10, s1  }
0x7: {  	_ =	strace $0x8000004A;
	s22 =	sshrl.u32 s19, $0x2;
	s1 =	smul.u32 $0x2800, s1  }
0x8: {  	[dreg:$0x3] =	wrdreg s3;
	s3 =	sadd.s32 s6, s7;
	s23 =	sadd.s32 s22, s2  }
0x9: {  	s25 =	rddreg [dreg:$0x3];
	s28 =	sshrl.u32 s23, $0x3;
	s1 =	sshrl.u32 s1, $0x3  }
0xa: {  	s3 =	sshrl.u32 s3, $0x3;
	[dreg:$0x10] =	wrdreg s28;
	s8 =	sadd.s32 s4, s1  }
0xb: {  	s3 =	sadd.s32 s3, s0;
	s11 =	sadd.s32 s5, s1;
	[dreg:$0x4] =	wrdreg s8  }
0xc: {  	s9 =	sadd.s32 $0x100, s1;
	s26 =	sadd.s32 $0x92C00, s3;
	[dreg:$0x5] =	wrdreg s11  }
0xd: {  	s12 =	sadd.s32 s4, s9;
	[dreg:$0xe] =	wrdreg s26  }
0xe: {  	s15 =	sadd.s32 $0x200, s1;
	s14 =	sadd.s32 s5, s9;
	[dreg:$0x6] =	wrdreg s12  }
0xf: {  	s16 =	sadd.s32 s4, s15;
	[dreg:$0x7] =	wrdreg s14  }
0x10: {  	s18 =	sadd.s32 $0x300, s1;
	s17 =	sadd.s32 s5, s15;
	[dreg:$0x8] =	wrdreg s16  }
0x11: {  	s20 =	sadd.s32 s4, s18;
	[dreg:$0x9] =	wrdreg s17  }
0x12: {  	s1 =	sadd.s32 $0x400, s1;
	s21 =	sadd.s32 s5, s18;
	[dreg:$0xa] =	wrdreg s20  }
0x13: {  	s4 =	sadd.s32 s4, s1;
	[dreg:$0xb] =	wrdreg s21  }
0x14: {  	s24 =	sshll.u32 s10, $0x6;
	s1 =	sadd.s32 s5, s1;
	[dreg:$0xc] =	wrdreg s4  }
0x15: {  	s4 =	sor.u32 $0x1C03, s24;
	[dreg:$0xd] =	wrdreg s1  }
0x16: {  	s5 =	simm.s32 $0x3;
	[dreg:$0xf] =	wrdreg s4  }
0x17: {  	[spmem:s28], [sflag:s4] =	dma.local [hbm:s25], $0x2800  }
0x18: {  	_ =	swait.ge [sflag:s5], $0x2800  }
0x19: {  	[sflag:s5] =	ssyncset.done $0x0  }
0x1a: {  	[sflag:s5] =	ssyncadd.s32 $0xFFFFD800  }
0x1b: {  	[bflag:$0x0] =	sbarrier.arrive $0xFFFF  }
0x1c: {  	s29 =	rddreg [dreg:$0x4]  }
0x1d: {  	[tilespmem:s13], [sflag:$0x3] =	stream.linear.gather [hbm4b:s29+s13], $0x800, $0x38;
	[tilespmem:$0x1D000] =	vst v63  }
0x1e: {  	_ =	swait.ge [sflag:s5], $0x800  }
0x1f: {  	[sflag:s5] =	ssyncset.done $0x0  }
0x20: {  	s31 =	simm.s32 $0x800;
	s30 =	rddreg [dreg:$0x5];
	[sflag:s5] =	ssyncadd.s32 $0xFFFFF800  }
0x21: {  	[tilespmem:s31], [sflag:$0x3] =	stream.linear.gather [hbm4b:s30+s13], $0x800, $0x38;
	[tilespmem:$0x1D000] =	vst v63  }
0x22: {  	_ =	swait.ge [sflag:s5], $0x800  }
0x23: {  	s10 =	simm.s32 $0x1000;
	[sflag:s5] =	ssyncset.done $0x0  }
0x24: {  	s8 =	sadd.s32 $0x6AC00, s0;
	s9 =	simm.s32 $0x80;
	[sflag:s5] =	ssyncadd.s32 $0xFFFFF800  }
0x25: {  	[tilespmem:s10], [sflag:$0x1] =	stream.indirect.gather [hbm4b:s8+s9], $0x80, s13, s9, $0xb8;
	[tilespmem:$0x1D000] =	vst v63  }
0x26: {  	s11 =	simm.s32 $0x5000;
	s12 =	simm.s32 $0x1  }
0x27: {  	[tilespmem:s11], [sflag:$0x2] =	stream.indirect.gather [hbm4b:s8+s9], $0x80, s9, s9, $0xb8;
	[tilespmem:$0x1D000] =	vst v63  }
0x28: {  	_ =	swait.ge [sflag:s12], $0x4000  }
0x29: {  	[sflag:s12] =	ssyncset.done $0x0  }
0x2a: {  	[sflag:s12] =	ssyncadd.s32 $0xFFFFC000  }
0x2b: {  	[spmem:s2] =	stream.indirect.scatter.add.f32 [tilespmem:s10], [sflag:$0x3], $0x80, s31, s9, $0xb8;
	[tilespmem:$0x1D000] =	vst v63  }
0x2c: {  	_ =	swait.ge [sflag:s5], $0x4000  }
0x2d: {  	[sflag:s5] =	ssyncset.done $0x0  }
0x2e: {  	s3 =	simm.s32 $0x100;
	s14 =	simm.s32 $0x2;
	[sflag:s5] =	ssyncadd.s32 $0xFFFFC000  }
0x2f: {  	[tilespmem:s10], [sflag:$0x1] =	stream.indirect.gather [hbm4b:s8+s9], $0x80, s3, s9, $0xb8;
	[tilespmem:$0x1D000] =	vst v63  }
0x30: {  	_ =	swait.ge [sflag:s14], $0x4000  }
0x31: {  	[sflag:s14] =	ssyncset.done $0x0  }
0x32: {  	s4 =	simm.s32 $0x880;
	[sflag:s14] =	ssyncadd.s32 $0xFFFFC000  }
0x33: {  	[spmem:s2] =	stream.indirect.scatter.add.f32 [tilespmem:s11], [sflag:$0x3], $0x80, s4, s9, $0xb8;
	[tilespmem:$0x1D000] =	vst v63  }
0x34: {  	_ =	swait.ge [sflag:s5], $0x4000  }
0x35: {  	[sflag:s5] =	ssyncset.done $0x0  }
0x36: {  	s6 =	simm.s32 $0x180;
	[sflag:s5] =	ssyncadd.s32 $0xFFFFC000  }
0x37: {  	[tilespmem:s11], [sflag:$0x2] =	stream.indirect.gather [hbm4b:s8+s9], $0x80, s6, s9, $0xb8;
	[tilespmem:$0x1D000] =	vst v63  }
0x38: {  	_ =	swait.ge [sflag:s12], $0x4000  }
0x39: {  	[sflag:s12] =	ssyncset.done $0x0  }
0x3a: {  	s7 =	simm.s32 $0x900;
	[sflag:s12] =	ssyncadd.s32 $0xFFFFC000  }
0x3b: {  	[spmem:s2] =	stream.indirect.scatter.add.f32 [tilespmem:s10], [sflag:$0x3], $0x80, s7, s9, $0xb8;
	[tilespmem:$0x1D000] =	vst v63  }
0x3c: {  	_ =	swait.ge [sflag:s5], $0x4000  }
0x3d: {  	[sflag:s5] =	ssyncset.done $0x0  }
0x3e: {  	s15 =	simm.s32 $0x200;
	[sflag:s5] =	ssyncadd.s32 $0xFFFFC000  }
0x3f: {  	[tilespmem:s10], [sflag:$0x1] =	stream.indirect.gather [hbm4b:s8+s9], $0x80, s15, s9, $0xb8;
	[tilespmem:$0x1D000] =	vst v63  }
0x40: {  	_ =	swait.ge [sflag:s14], $0x4000  }
0x41: {  	[sflag:s14] =	ssyncset.done $0x0  }
0x42: {  	s16 =	simm.s32 $0x980;
	[sflag:s14] =	ssyncadd.s32 $0xFFFFC000  }
0x43: {  	[spmem:s2] =	stream.indirect.scatter.add.f32 [tilespmem:s11], [sflag:$0x3], $0x80, s16, s9, $0xb8;
	[tilespmem:$0x1D000] =	vst v63  }
0x44: {  	_ =	swait.ge [sflag:s5], $0x4000  }
0x45: {  	[sflag:s5] =	ssyncset.done $0x0  }
0x46: {  	s17 =	simm.s32 $0x280;
	[sflag:s5] =	ssyncadd.s32 $0xFFFFC000  }
0x47: {  	[tilespmem:s11], [sflag:$0x2] =	stream.indirect.gather [hbm4b:s8+s9], $0x80, s17, s9, $0xb8;
	[tilespmem:$0x1D000] =	vst v63  }
0x48: {  	_ =	swait.ge [sflag:s12], $0x4000  }
0x49: {  	[sflag:s12] =	ssyncset.done $0x0  }
0x4a: {  	s18 =	simm.s32 $0xA00;
	[sflag:s12] =	ssyncadd.s32 $0xFFFFC000  }
0x4b: {  	[spmem:s2] =	stream.indirect.scatter.add.f32 [tilespmem:s10], [sflag:$0x3], $0x80, s18, s9, $0xb8;
	[tilespmem:$0x1D000] =	vst v63  }
0x4c: {  	_ =	swait.ge [sflag:s5], $0x4000  }
0x4d: {  	[sflag:s5] =	ssyncset.done $0x0  }
0x4e: {  	s19 =	simm.s32 $0x300;
	[sflag:s5] =	ssyncadd.s32 $0xFFFFC000  }
0x4f: {  	[tilespmem:s10], [sflag:$0x1] =	stream.indirect.gather [hbm4b:s8+s9], $0x80, s19, s9, $0xb8;
	[tilespmem:$0x1D000] =	vst v63  }
0x50: {  	_ =	swait.ge [sflag:s14], $0x4000  }
0x51: {  	[sflag:s14] =	ssyncset.done $0x0  }
0x52: {  	s20 =	simm.s32 $0xA80;
	[sflag:s14] =	ssyncadd.s32 $0xFFFFC000  }
0x53: {  	[spmem:s2] =	stream.indirect.scatter.add.f32 [tilespmem:s11], [sflag:$0x3], $0x80, s20, s9, $0xb8;
	[tilespmem:$0x1D000] =	vst v63  }
0x54: {  	_ =	swait.ge [sflag:s5], $0x4000  }
0x55: {  	[sflag:s5] =	ssyncset.done $0x0  }
0x56: {  	s21 =	simm.s32 $0x380;
	[sflag:s5] =	ssyncadd.s32 $0xFFFFC000  }
0x57: {  	[tilespmem:s11], [sflag:$0x2] =	stream.indirect.gather [hbm4b:s8+s9], $0x80, s21, s9, $0xb8;
	[tilespmem:$0x1D000] =	vst v63  }
0x58: {  	_ =	swait.ge [sflag:s12], $0x4000  }
0x59: {  	[sflag:s12] =	ssyncset.done $0x0  }
0x5a: {  	s22 =	simm.s32 $0xB00;
	[sflag:s12] =	ssyncadd.s32 $0xFFFFC000  }
0x5b: {  	[spmem:s2] =	stream.indirect.scatter.add.f32 [tilespmem:s10], [sflag:$0x3], $0x80, s22, s9, $0xb8;
	[tilespmem:$0x1D000] =	vst v63  }
0x5c: {  	_ =	swait.ge [sflag:s5], $0x4000  }
0x5d: {  	[sflag:s5] =	ssyncset.done $0x0  }
0x5e: {  	s23 =	simm.s32 $0x400;
	[sflag:s5] =	ssyncadd.s32 $0xFFFFC000  }
0x5f: {  	[tilespmem:s10], [sflag:$0x1] =	stream.indirect.gather [hbm4b:s8+s9], $0x80, s23, s9, $0xb8;
	[tilespmem:$0x1D000] =	vst v63  }
0x60: {  	_ =	swait.ge [sflag:s14], $0x4000  }
0x61: {  	[sflag:s14] =	ssyncset.done $0x0  }
0x62: {  	s24 =	simm.s32 $0xB80;
	[sflag:s14] =	ssyncadd.s32 $0xFFFFC000  }
0x63: {  	[spmem:s2] =	stream.indirect.scatter.add.f32 [tilespmem:s11], [sflag:$0x3], $0x80, s24, s9, $0xb8;
	[tilespmem:$0x1D000] =	vst v63  }
0x64: {  	_ =	swait.ge [sflag:s5], $0x4000  }
0x65: {  	[sflag:s5] =	ssyncset.done $0x0  }
0x66: {  	s25 =	simm.s32 $0x480;
	[sflag:s5] =	ssyncadd.s32 $0xFFFFC000  }
0x67: {  	[tilespmem:s11], [sflag:$0x2] =	stream.indirect.gather [hbm4b:s8+s9], $0x80, s25, s9, $0xb8;
	[tilespmem:$0x1D000] =	vst v63  }
0x68: {  	_ =	swait.ge [sflag:s12], $0x4000  }
0x69: {  	[sflag:s12] =	ssyncset.done $0x0  }
0x6a: {  	s26 =	simm.s32 $0xC00;
	[sflag:s12] =	ssyncadd.s32 $0xFFFFC000  }
0x6b: {  	[spmem:s2] =	stream.indirect.scatter.add.f32 [tilespmem:s10], [sflag:$0x3], $0x80, s26, s9, $0xb8;
	[tilespmem:$0x1D000] =	vst v63  }
0x6c: {  	_ =	swait.ge [sflag:s5], $0x4000  }
0x6d: {  	[sflag:s5] =	ssyncset.done $0x0  }
0x6e: {  	s28 =	simm.s32 $0x500;
	[sflag:s5] =	ssyncadd.s32 $0xFFFFC000  }
0x6f: {  	[tilespmem:s10], [sflag:$0x1] =	stream.indirect.gather [hbm4b:s8+s9], $0x80, s28, s9, $0xb8;
	[tilespmem:$0x1D000] =	vst v63  }
0x70: {  	_ =	swait.ge [sflag:s14], $0x4000  }
0x71: {  	[sflag:s14] =	ssyncset.done $0x0  }
0x72: {  	s29 =	simm.s32 $0xC80;
	[sflag:s14] =	ssyncadd.s32 $0xFFFFC000  }
0x73: {  	[spmem:s2] =	stream.indirect.scatter.add.f32 [tilespmem:s11], [sflag:$0x3], $0x80, s29, s9, $0xb8;
	[tilespmem:$0x1D000] =	vst v63  }
0x74: {  	_ =	swait.ge [sflag:s5], $0x4000  }
0x75: {  	[sflag:s5] =	ssyncset.done $0x0  }
0x76: {  	s30 =	simm.s32 $0x580;
	[sflag:s5] =	ssyncadd.s32 $0xFFFFC000  }
0x77: {  	[tilespmem:s11], [sflag:$0x2] =	stream.indirect.gather [hbm4b:s8+s9], $0x80, s30, s9, $0xb8;
	[tilespmem:$0x1D000] =	vst v63  }
0x78: {  	_ =	swait.ge [sflag:s12], $0x4000  }
0x79: {  	[sflag:s12] =	ssyncset.done $0x0  }
0x7a: {  	s31 =	simm.s32 $0xD00;
	[sflag:s12] =	ssyncadd.s32 $0xFFFFC000  }
0x7b: {  	[spmem:s2] =	stream.indirect.scatter.add.f32 [tilespmem:s10], [sflag:$0x3], $0x80, s31, s9, $0xb8;
	[tilespmem:$0x1D000] =	vst v63  }
0x7c: {  	_ =	swait.ge [sflag:s5], $0x4000  }
0x7d: {  	[sflag:s5] =	ssyncset.done $0x0  }
0x7e: {  	s1 =	simm.s32 $0x600;
	[sflag:s5] =	ssyncadd.s32 $0xFFFFC000  }
0x7f: {  	[tilespmem:s10], [sflag:$0x1] =	stream.indirect.gather [hbm4b:s8+s9], $0x80, s1, s9, $0xb8;
	[tilespmem:$0x1D000] =	vst v63  }
0x80: {  	_ =	swait.ge [sflag:s14], $0x4000  }
0x81: {  	[sflag:s14] =	ssyncset.done $0x0  }
0x82: {  	s3 =	simm.s32 $0xD80;
	[sflag:s14] =	ssyncadd.s32 $0xFFFFC000  }
0x83: {  	[spmem:s2] =	stream.indirect.scatter.add.f32 [tilespmem:s11], [sflag:$0x3], $0x80, s3, s9, $0xb8;
	[tilespmem:$0x1D000] =	vst v63  }
0x84: {  	_ =	swait.ge [sflag:s5], $0x4000  }
0x85: {  	[sflag:s5] =	ssyncset.done $0x0  }
0x86: {  	s4 =	simm.s32 $0x680;
	[sflag:s5] =	ssyncadd.s32 $0xFFFFC000  }
0x87: {  	[tilespmem:s11], [sflag:$0x2] =	stream.indirect.gather [hbm4b:s8+s9], $0x80, s4, s9, $0xb8;
	[tilespmem:$0x1D000] =	vst v63  }
0x88: {  	_ =	swait.ge [sflag:s12], $0x4000  }
0x89: {  	[sflag:s12] =	ssyncset.done $0x0  }
0x8a: {  	s6 =	simm.s32 $0xE00;
	[sflag:s12] =	ssyncadd.s32 $0xFFFFC000  }
0x8b: {  	[spmem:s2] =	stream.indirect.scatter.add.f32 [tilespmem:s10], [sflag:$0x3], $0x80, s6, s9, $0xb8;
	[tilespmem:$0x1D000] =	vst v63  }
0x8c: {  	_ =	swait.ge [sflag:s5], $0x4000  }
0x8d: {  	[sflag:s5] =	ssyncset.done $0x0  }
0x8e: {  	s7 =	simm.s32 $0x700;
	[sflag:s5] =	ssyncadd.s32 $0xFFFFC000  }
0x8f: {  	[tilespmem:s10], [sflag:$0x1] =	stream.indirect.gather [hbm4b:s8+s9], $0x80, s7, s9, $0xb8;
	[tilespmem:$0x1D000] =	vst v63  }
0x90: {  	_ =	swait.ge [sflag:s14], $0x4000  }
0x91: {  	[sflag:s14] =	ssyncset.done $0x0  }
0x92: {  	s15 =	simm.s32 $0xE80;
	[sflag:s14] =	ssyncadd.s32 $0xFFFFC000  }
0x93: {  	[spmem:s2] =	stream.indirect.scatter.add.f32 [tilespmem:s11], [sflag:$0x3], $0x80, s15, s9, $0xb8;
	[tilespmem:$0x1D000] =	vst v63  }
0x94: {  	_ =	swait.ge [sflag:s5], $0x4000  }
0x95: {  	[sflag:s5] =	ssyncset.done $0x0  }
0x96: {  	s16 =	simm.s32 $0x780;
	[sflag:s5] =	ssyncadd.s32 $0xFFFFC000  }
0x97: {  	[tilespmem:s11], [sflag:$0x2] =	stream.indirect.gather [hbm4b:s8+s9], $0x80, s16, s9, $0xb8;
	[tilespmem:$0x1D000] =	vst v63  }
0x98: {  	_ =	swait.ge [sflag:s12], $0x4000  }
0x99: {  	[sflag:s12] =	ssyncset.done $0x0  }
0x9a: {  	s17 =	simm.s32 $0xF00;
	[sflag:s12] =	ssyncadd.s32 $0xFFFFC000  }
0x9b: {  	[spmem:s2] =	stream.indirect.scatter.add.f32 [tilespmem:s10], [sflag:$0x3], $0x80, s17, s9, $0xb8;
	[tilespmem:$0x1D000] =	vst v63  }
0x9c: {  	_ =	swait.ge [sflag:s5], $0x4000  }
0x9d: {  	[sflag:s5] =	ssyncset.done $0x0  }
0x9e: {  	[sflag:s5] =	ssyncadd.s32 $0xFFFFC000  }
0x9f: {  	[tilespmem:s10], [sflag:$0x1] =	stream.indirect.gather [hbm4b:s8+s9], $0x80, s13, s9, $0xb8;
	[tilespmem:$0x1D000] =	vst v63  }
0xa0: {  	_ =	swait.ge [sflag:s14], $0x4000  }
0xa1: {  	[sflag:s14] =	ssyncset.done $0x0  }
0xa2: {  	s18 =	simm.s32 $0xF80;
	[sflag:s14] =	ssyncadd.s32 $0xFFFFC000  }
0xa3: {  	[spmem:s2] =	stream.indirect.scatter.add.f32 [tilespmem:s11], [sflag:$0x3], $0x80, s18, s9, $0xb8;
	[tilespmem:$0x1D000] =	vst v63  }
0xa4: {  	_ =	swait.ge [sflag:s5], $0x4000  }
0xa5: {  	[sflag:s5] =	ssyncset.done $0x0  }
0xa6: {  	[sflag:s5] =	ssyncadd.s32 $0xFFFFC000  }
0xa7: {  	_ =	swait.ge [sflag:s12], $0x4000  }
0xa8: {  	[sflag:s12] =	ssyncset.done $0x0  }
0xa9: {  	s22 =	rddreg [dreg:$0x6];
	[sflag:s12] =	ssyncadd.s32 $0xFFFFC000  }
0xaa: {  	[tilespmem:s13], [sflag:$0x3] =	stream.linear.gather [hbm4b:s22+s13], $0x800, $0x38;
	[tilespmem:$0x1D000] =	vst v63  }
0xab: {  	_ =	swait.ge [sflag:s5], $0x800  }
0xac: {  	[sflag:s5] =	ssyncset.done $0x0  }
0xad: {  	s20 =	simm.s32 $0x800;
	s19 =	rddreg [dreg:$0x7];
	[sflag:s5] =	ssyncadd.s32 $0xFFFFF800  }
0xae: {  	[tilespmem:s20], [sflag:$0x3] =	stream.linear.gather [hbm4b:s19+s13], $0x800, $0x38;
	[tilespmem:$0x1D000] =	vst v63  }
0xaf: {  	_ =	swait.ge [sflag:s5], $0x800  }
0xb0: {  	[sflag:s5] =	ssyncset.done $0x0  }
0xb1: {  	[sflag:s5] =	ssyncadd.s32 $0xFFFFF800  }
0xb2: {  	[tilespmem:s10], [sflag:$0x1] =	stream.indirect.gather [hbm4b:s8+s9], $0x80, s13, s9, $0xb8;
	[tilespmem:$0x1D000] =	vst v63  }
0xb3: {  	_ = 	snop  }
0xb4: {  	[tilespmem:s11], [sflag:$0x2] =	stream.indirect.gather [hbm4b:s8+s9], $0x80, s9, s9, $0xb8;
	[tilespmem:$0x1D000] =	vst v63  }
0xb5: {  	_ =	swait.ge [sflag:s12], $0x4000  }
0xb6: {  	[sflag:s12] =	ssyncset.done $0x0  }
0xb7: {  	[sflag:s12] =	ssyncadd.s32 $0xFFFFC000  }
0xb8: {  	[spmem:s2] =	stream.indirect.scatter.add.f32 [tilespmem:s10], [sflag:$0x3], $0x80, s20, s9, $0xb8;
	[tilespmem:$0x1D000] =	vst v63  }
0xb9: {  	_ =	swait.ge [sflag:s5], $0x4000  }
0xba: {  	[sflag:s5] =	ssyncset.done $0x0  }
0xbb: {  	s21 =	simm.s32 $0x100;
	[sflag:s5] =	ssyncadd.s32 $0xFFFFC000  }
0xbc: {  	[tilespmem:s10], [sflag:$0x1] =	stream.indirect.gather [hbm4b:s8+s9], $0x80, s21, s9, $0xb8;
	[tilespmem:$0x1D000] =	vst v63  }
0xbd: {  	_ =	swait.ge [sflag:s14], $0x4000  }
0xbe: {  	[sflag:s14] =	ssyncset.done $0x0  }
0xbf: {  	s1 =	simm.s32 $0x880;
	[sflag:s14] =	ssyncadd.s32 $0xFFFFC000  }
0xc0: {  	[spmem:s2] =	stream.indirect.scatter.add.f32 [tilespmem:s11], [sflag:$0x3], $0x80, s1, s9, $0xb8;
	[tilespmem:$0x1D000] =	vst v63  }
0xc1: {  	_ =	swait.ge [sflag:s5], $0x4000  }
0xc2: {  	[sflag:s5] =	ssyncset.done $0x0  }
0xc3: {  	s3 =	simm.s32 $0x180;
	[sflag:s5] =	ssyncadd.s32 $0xFFFFC000  }
0xc4: {  	[tilespmem:s11], [sflag:$0x2] =	stream.indirect.gather [hbm4b:s8+s9], $0x80, s3, s9, $0xb8;
	[tilespmem:$0x1D000] =	vst v63  }
0xc5: {  	_ =	swait.ge [sflag:s12], $0x4000  }
0xc6: {  	[sflag:s12] =	ssyncset.done $0x0  }
0xc7: {  	s4 =	simm.s32 $0x900;
	[sflag:s12] =	ssyncadd.s32 $0xFFFFC000  }
0xc8: {  	[spmem:s2] =	stream.indirect.scatter.add.f32 [tilespmem:s10], [sflag:$0x3], $0x80, s4, s9, $0xb8;
	[tilespmem:$0x1D000] =	vst v63  }
0xc9: {  	_ =	swait.ge [sflag:s5], $0x4000  }
0xca: {  	[sflag:s5] =	ssyncset.done $0x0  }
0xcb: {  	s6 =	simm.s32 $0x200;
	[sflag:s5] =	ssyncadd.s32 $0xFFFFC000  }
0xcc: {  	[tilespmem:s10], [sflag:$0x1] =	stream.indirect.gather [hbm4b:s8+s9], $0x80, s6, s9, $0xb8;
	[tilespmem:$0x1D000] =	vst v63  }
0xcd: {  	_ =	swait.ge [sflag:s14], $0x4000  }
0xce: {  	[sflag:s14] =	ssyncset.done $0x0  }
0xcf: {  	s7 =	simm.s32 $0x980;
	[sflag:s14] =	ssyncadd.s32 $0xFFFFC000  }
0xd0: {  	[spmem:s2] =	stream.indirect.scatter.add.f32 [tilespmem:s11], [sflag:$0x3], $0x80, s7, s9, $0xb8;
	[tilespmem:$0x1D000] =	vst v63  }
0xd1: {  	_ =	swait.ge [sflag:s5], $0x4000  }
0xd2: {  	[sflag:s5] =	ssyncset.done $0x0  }
0xd3: {  	s15 =	simm.s32 $0x280;
	[sflag:s5] =	ssyncadd.s32 $0xFFFFC000  }
0xd4: {  	[tilespmem:s11], [sflag:$0x2] =	stream.indirect.gather [hbm4b:s8+s9], $0x80, s15, s9, $0xb8;
	[tilespmem:$0x1D000] =	vst v63  }
0xd5: {  	_ =	swait.ge [sflag:s12], $0x4000  }
0xd6: {  	[sflag:s12] =	ssyncset.done $0x0  }
0xd7: {  	s16 =	simm.s32 $0xA00;
	[sflag:s12] =	ssyncadd.s32 $0xFFFFC000  }
0xd8: {  	[spmem:s2] =	stream.indirect.scatter.add.f32 [tilespmem:s10], [sflag:$0x3], $0x80, s16, s9, $0xb8;
	[tilespmem:$0x1D000] =	vst v63  }
0xd9: {  	_ =	swait.ge [sflag:s5], $0x4000  }
0xda: {  	[sflag:s5] =	ssyncset.done $0x0  }
0xdb: {  	s17 =	simm.s32 $0x300;
	[sflag:s5] =	ssyncadd.s32 $0xFFFFC000  }
0xdc: {  	[tilespmem:s10], [sflag:$0x1] =	stream.indirect.gather [hbm4b:s8+s9], $0x80, s17, s9, $0xb8;
	[tilespmem:$0x1D000] =	vst v63  }
0xdd: {  	_ =	swait.ge [sflag:s14], $0x4000  }
0xde: {  	[sflag:s14] =	ssyncset.done $0x0  }
0xdf: {  	s18 =	simm.s32 $0xA80;
	[sflag:s14] =	ssyncadd.s32 $0xFFFFC000  }
0xe0: {  	[spmem:s2] =	stream.indirect.scatter.add.f32 [tilespmem:s11], [sflag:$0x3], $0x80, s18, s9, $0xb8;
	[tilespmem:$0x1D000] =	vst v63  }
0xe1: {  	_ =	swait.ge [sflag:s5], $0x4000  }
0xe2: {  	[sflag:s5] =	ssyncset.done $0x0  }
0xe3: {  	s19 =	simm.s32 $0x380;
	[sflag:s5] =	ssyncadd.s32 $0xFFFFC000  }
0xe4: {  	[tilespmem:s11], [sflag:$0x2] =	stream.indirect.gather [hbm4b:s8+s9], $0x80, s19, s9, $0xb8;
	[tilespmem:$0x1D000] =	vst v63  }
0xe5: {  	_ =	swait.ge [sflag:s12], $0x4000  }
0xe6: {  	[sflag:s12] =	ssyncset.done $0x0  }
0xe7: {  	s20 =	simm.s32 $0xB00;
	[sflag:s12] =	ssyncadd.s32 $0xFFFFC000  }
0xe8: {  	[spmem:s2] =	stream.indirect.scatter.add.f32 [tilespmem:s10], [sflag:$0x3], $0x80, s20, s9, $0xb8;
	[tilespmem:$0x1D000] =	vst v63  }
0xe9: {  	_ =	swait.ge [sflag:s5], $0x4000  }
0xea: {  	[sflag:s5] =	ssyncset.done $0x0  }
0xeb: {  	s21 =	simm.s32 $0x400;
	[sflag:s5] =	ssyncadd.s32 $0xFFFFC000  }
0xec: {  	[tilespmem:s10], [sflag:$0x1] =	stream.indirect.gather [hbm4b:s8+s9], $0x80, s21, s9, $0xb8;
	[tilespmem:$0x1D000] =	vst v63  }
0xed: {  	_ =	swait.ge [sflag:s14], $0x4000  }
0xee: {  	[sflag:s14] =	ssyncset.done $0x0  }
0xef: {  	s23 =	simm.s32 $0xB80;
	[sflag:s14] =	ssyncadd.s32 $0xFFFFC000  }
0xf0: {  	[spmem:s2] =	stream.indirect.scatter.add.f32 [tilespmem:s11], [sflag:$0x3], $0x80, s23, s9, $0xb8;
	[tilespmem:$0x1D000] =	vst v63  }
0xf1: {  	_ =	swait.ge [sflag:s5], $0x4000  }
0xf2: {  	[sflag:s5] =	ssyncset.done $0x0  }
0xf3: {  	s24 =	simm.s32 $0x480;
	[sflag:s5] =	ssyncadd.s32 $0xFFFFC000  }
0xf4: {  	[tilespmem:s11], [sflag:$0x2] =	stream.indirect.gather [hbm4b:s8+s9], $0x80, s24, s9, $0xb8;
	[tilespmem:$0x1D000] =	vst v63  }
0xf5: {  	_ =	swait.ge [sflag:s12], $0x4000  }
0xf6: {  	[sflag:s12] =	ssyncset.done $0x0  }
0xf7: {  	s25 =	simm.s32 $0xC00;
	[sflag:s12] =	ssyncadd.s32 $0xFFFFC000  }
0xf8: {  	[spmem:s2] =	stream.indirect.scatter.add.f32 [tilespmem:s10], [sflag:$0x3], $0x80, s25, s9, $0xb8;
	[tilespmem:$0x1D000] =	vst v63  }
0xf9: {  	_ =	swait.ge [sflag:s5], $0x4000  }
0xfa: {  	[sflag:s5] =	ssyncset.done $0x0  }
0xfb: {  	s26 =	simm.s32 $0x500;
	[sflag:s5] =	ssyncadd.s32 $0xFFFFC000  }
0xfc: {  	[tilespmem:s10], [sflag:$0x1] =	stream.indirect.gather [hbm4b:s8+s9], $0x80, s26, s9, $0xb8;
	[tilespmem:$0x1D000] =	vst v63  }
0xfd: {  	_ =	swait.ge [sflag:s14], $0x4000  }
0xfe: {  	[sflag:s14] =	ssyncset.done $0x0  }
0xff: {  	s28 =	simm.s32 $0xC80;
	[sflag:s14] =	ssyncadd.s32 $0xFFFFC000  }
0x100: {  	[spmem:s2] =	stream.indirect.scatter.add.f32 [tilespmem:s11], [sflag:$0x3], $0x80, s28, s9, $0xb8;
	[tilespmem:$0x1D000] =	vst v63  }
0x101: {  	_ =	swait.ge [sflag:s5], $0x4000  }
0x102: {  	[sflag:s5] =	ssyncset.done $0x0  }
0x103: {  	s29 =	simm.s32 $0x580;
	[sflag:s5] =	ssyncadd.s32 $0xFFFFC000  }
0x104: {  	[tilespmem:s11], [sflag:$0x2] =	stream.indirect.gather [hbm4b:s8+s9], $0x80, s29, s9, $0xb8;
	[tilespmem:$0x1D000] =	vst v63  }
0x105: {  	_ =	swait.ge [sflag:s12], $0x4000  }
0x106: {  	[sflag:s12] =	ssyncset.done $0x0  }
0x107: {  	s30 =	simm.s32 $0xD00;
	[sflag:s12] =	ssyncadd.s32 $0xFFFFC000  }
0x108: {  	[spmem:s2] =	stream.indirect.scatter.add.f32 [tilespmem:s10], [sflag:$0x3], $0x80, s30, s9, $0xb8;
	[tilespmem:$0x1D000] =	vst v63  }
0x109: {  	_ =	swait.ge [sflag:s5], $0x4000  }
0x10a: {  	[sflag:s5] =	ssyncset.done $0x0  }
0x10b: {  	s31 =	simm.s32 $0x600;
	[sflag:s5] =	ssyncadd.s32 $0xFFFFC000  }
0x10c: {  	[tilespmem:s10], [sflag:$0x1] =	stream.indirect.gather [hbm4b:s8+s9], $0x80, s31, s9, $0xb8;
	[tilespmem:$0x1D000] =	vst v63  }
0x10d: {  	_ =	swait.ge [sflag:s14], $0x4000  }
0x10e: {  	[sflag:s14] =	ssyncset.done $0x0  }
0x10f: {  	s22 =	simm.s32 $0xD80;
	[sflag:s14] =	ssyncadd.s32 $0xFFFFC000  }
0x110: {  	[spmem:s2] =	stream.indirect.scatter.add.f32 [tilespmem:s11], [sflag:$0x3], $0x80, s22, s9, $0xb8;
	[tilespmem:$0x1D000] =	vst v63  }
0x111: {  	_ =	swait.ge [sflag:s5], $0x4000  }
0x112: {  	[sflag:s5] =	ssyncset.done $0x0  }
0x113: {  	s22 =	simm.s32 $0x680;
	[sflag:s5] =	ssyncadd.s32 $0xFFFFC000  }
0x114: {  	[tilespmem:s11], [sflag:$0x2] =	stream.indirect.gather [hbm4b:s8+s9], $0x80, s22, s9, $0xb8;
	[tilespmem:$0x1D000] =	vst v63  }
0x115: {  	_ =	swait.ge [sflag:s12], $0x4000  }
0x116: {  	[sflag:s12] =	ssyncset.done $0x0  }
0x117: {  	s22 =	simm.s32 $0xE00;
	[sflag:s12] =	ssyncadd.s32 $0xFFFFC000  }
0x118: {  	[spmem:s2] =	stream.indirect.scatter.add.f32 [tilespmem:s10], [sflag:$0x3], $0x80, s22, s9, $0xb8;
	[tilespmem:$0x1D000] =	vst v63  }
0x119: {  	_ =	swait.ge [sflag:s5], $0x4000  }
0x11a: {  	[sflag:s5] =	ssyncset.done $0x0  }
0x11b: {  	s22 =	simm.s32 $0x700;
	[sflag:s5] =	ssyncadd.s32 $0xFFFFC000  }
0x11c: {  	[tilespmem:s10], [sflag:$0x1] =	stream.indirect.gather [hbm4b:s8+s9], $0x80, s22, s9, $0xb8;
	[tilespmem:$0x1D000] =	vst v63  }
0x11d: {  	_ =	swait.ge [sflag:s14], $0x4000  }
0x11e: {  	[sflag:s14] =	ssyncset.done $0x0  }
0x11f: {  	s22 =	simm.s32 $0xE80;
	[sflag:s14] =	ssyncadd.s32 $0xFFFFC000  }
0x120: {  	[spmem:s2] =	stream.indirect.scatter.add.f32 [tilespmem:s11], [sflag:$0x3], $0x80, s22, s9, $0xb8;
	[tilespmem:$0x1D000] =	vst v63  }
0x121: {  	_ =	swait.ge [sflag:s5], $0x4000  }
0x122: {  	[sflag:s5] =	ssyncset.done $0x0  }
0x123: {  	s22 =	simm.s32 $0x780;
	[sflag:s5] =	ssyncadd.s32 $0xFFFFC000  }
0x124: {  	[tilespmem:s11], [sflag:$0x2] =	stream.indirect.gather [hbm4b:s8+s9], $0x80, s22, s9, $0xb8;
	[tilespmem:$0x1D000] =	vst v63  }
0x125: {  	_ =	swait.ge [sflag:s12], $0x4000  }
0x126: {  	[sflag:s12] =	ssyncset.done $0x0  }
0x127: {  	s22 =	simm.s32 $0xF00;
	[sflag:s12] =	ssyncadd.s32 $0xFFFFC000  }
0x128: {  	[spmem:s2] =	stream.indirect.scatter.add.f32 [tilespmem:s10], [sflag:$0x3], $0x80, s22, s9, $0xb8;
	[tilespmem:$0x1D000] =	vst v63  }
0x129: {  	_ =	swait.ge [sflag:s5], $0x4000  }
0x12a: {  	[sflag:s5] =	ssyncset.done $0x0  }
0x12b: {  	[sflag:s5] =	ssyncadd.s32 $0xFFFFC000  }
0x12c: {  	[tilespmem:s10], [sflag:$0x1] =	stream.indirect.gather [hbm4b:s8+s9], $0x80, s13, s9, $0xb8;
	[tilespmem:$0x1D000] =	vst v63  }
0x12d: {  	_ =	swait.ge [sflag:s14], $0x4000  }
0x12e: {  	[sflag:s14] =	ssyncset.done $0x0  }
0x12f: {  	s22 =	simm.s32 $0xF80;
	[sflag:s14] =	ssyncadd.s32 $0xFFFFC000  }
0x130: {  	[spmem:s2] =	stream.indirect.scatter.add.f32 [tilespmem:s11], [sflag:$0x3], $0x80, s22, s9, $0xb8;
	[tilespmem:$0x1D000] =	vst v63  }
0x131: {  	_ =	swait.ge [sflag:s5], $0x4000  }
0x132: {  	[sflag:s5] =	ssyncset.done $0x0  }
0x133: {  	[sflag:s5] =	ssyncadd.s32 $0xFFFFC000  }
0x134: {  	_ =	swait.ge [sflag:s12], $0x4000  }
0x135: {  	[sflag:s12] =	ssyncset.done $0x0  }
0x136: {  	s22 =	rddreg [dreg:$0x8];
	[sflag:s12] =	ssyncadd.s32 $0xFFFFC000  }
0x137: {  	[tilespmem:s13], [sflag:$0x3] =	stream.linear.gather [hbm4b:s22+s13], $0x800, $0x38;
	[tilespmem:$0x1D000] =	vst v63  }
0x138: {  	_ =	swait.ge [sflag:s5], $0x800  }
0x139: {  	[sflag:s5] =	ssyncset.done $0x0  }
0x13a: {  	s0 =	simm.s32 $0x800;
	s22 =	rddreg [dreg:$0x9];
	[sflag:s5] =	ssyncadd.s32 $0xFFFFF800  }
0x13b: {  	[tilespmem:s0], [sflag:$0x3] =	stream.linear.gather [hbm4b:s22+s13], $0x800, $0x38;
	[tilespmem:$0x1D000] =	vst v63  }
0x13c: {  	_ =	swait.ge [sflag:s5], $0x800  }
0x13d: {  	[sflag:s5] =	ssyncset.done $0x0  }
0x13e: {  	[sflag:s5] =	ssyncadd.s32 $0xFFFFF800  }
0x13f: {  	[tilespmem:s10], [sflag:$0x1] =	stream.indirect.gather [hbm4b:s8+s9], $0x80, s13, s9, $0xb8;
	[tilespmem:$0x1D000] =	vst v63  }
0x140: {  	_ = 	snop  }
0x141: {  	[tilespmem:s11], [sflag:$0x2] =	stream.indirect.gather [hbm4b:s8+s9], $0x80, s9, s9, $0xb8;
	[tilespmem:$0x1D000] =	vst v63  }
0x142: {  	_ =	swait.ge [sflag:s12], $0x4000  }
0x143: {  	[sflag:s12] =	ssyncset.done $0x0  }
0x144: {  	[sflag:s12] =	ssyncadd.s32 $0xFFFFC000  }
0x145: {  	[spmem:s2] =	stream.indirect.scatter.add.f32 [tilespmem:s10], [sflag:$0x3], $0x80, s0, s9, $0xb8;
	[tilespmem:$0x1D000] =	vst v63  }
0x146: {  	_ =	swait.ge [sflag:s5], $0x4000  }
0x147: {  	[sflag:s5] =	ssyncset.done $0x0  }
0x148: {  	s22 =	simm.s32 $0x100;
	[sflag:s5] =	ssyncadd.s32 $0xFFFFC000  }
0x149: {  	[tilespmem:s10], [sflag:$0x1] =	stream.indirect.gather [hbm4b:s8+s9], $0x80, s22, s9, $0xb8;
	[tilespmem:$0x1D000] =	vst v63  }
0x14a: {  	_ =	swait.ge [sflag:s14], $0x4000  }
0x14b: {  	[sflag:s14] =	ssyncset.done $0x0  }
0x14c: {  	[sflag:s14] =	ssyncadd.s32 $0xFFFFC000  }
0x14d: {  	[spmem:s2] =	stream.indirect.scatter.add.f32 [tilespmem:s11], [sflag:$0x3], $0x80, s1, s9, $0xb8;
	[tilespmem:$0x1D000] =	vst v63  }
0x14e: {  	_ =	swait.ge [sflag:s5], $0x4000  }
0x14f: {  	[sflag:s5] =	ssyncset.done $0x0  }
0x150: {  	[sflag:s5] =	ssyncadd.s32 $0xFFFFC000  }
0x151: {  	[tilespmem:s11], [sflag:$0x2] =	stream.indirect.gather [hbm4b:s8+s9], $0x80, s3, s9, $0xb8;
	[tilespmem:$0x1D000] =	vst v63  }
0x152: {  	_ =	swait.ge [sflag:s12], $0x4000  }
0x153: {  	[sflag:s12] =	ssyncset.done $0x0  }
0x154: {  	[sflag:s12] =	ssyncadd.s32 $0xFFFFC000  }
0x155: {  	[spmem:s2] =	stream.indirect.scatter.add.f32 [tilespmem:s10], [sflag:$0x3], $0x80, s4, s9, $0xb8;
	[tilespmem:$0x1D000] =	vst v63  }
0x156: {  	_ =	swait.ge [sflag:s5], $0x4000  }
0x157: {  	[sflag:s5] =	ssyncset.done $0x0  }
0x158: {  	[sflag:s5] =	ssyncadd.s32 $0xFFFFC000  }
0x159: {  	[tilespmem:s10], [sflag:$0x1] =	stream.indirect.gather [hbm4b:s8+s9], $0x80, s6, s9, $0xb8;
	[tilespmem:$0x1D000] =	vst v63  }
0x15a: {  	_ =	swait.ge [sflag:s14], $0x4000  }
0x15b: {  	[sflag:s14] =	ssyncset.done $0x0  }
0x15c: {  	[sflag:s14] =	ssyncadd.s32 $0xFFFFC000  }
0x15d: {  	[spmem:s2] =	stream.indirect.scatter.add.f32 [tilespmem:s11], [sflag:$0x3], $0x80, s7, s9, $0xb8;
	[tilespmem:$0x1D000] =	vst v63  }
0x15e: {  	_ =	swait.ge [sflag:s5], $0x4000  }
0x15f: {  	[sflag:s5] =	ssyncset.done $0x0  }
0x160: {  	[sflag:s5] =	ssyncadd.s32 $0xFFFFC000  }
0x161: {  	[tilespmem:s11], [sflag:$0x2] =	stream.indirect.gather [hbm4b:s8+s9], $0x80, s15, s9, $0xb8;
	[tilespmem:$0x1D000] =	vst v63  }
0x162: {  	_ =	swait.ge [sflag:s12], $0x4000  }
0x163: {  	[sflag:s12] =	ssyncset.done $0x0  }
0x164: {  	[sflag:s12] =	ssyncadd.s32 $0xFFFFC000  }
0x165: {  	[spmem:s2] =	stream.indirect.scatter.add.f32 [tilespmem:s10], [sflag:$0x3], $0x80, s16, s9, $0xb8;
	[tilespmem:$0x1D000] =	vst v63  }
0x166: {  	_ =	swait.ge [sflag:s5], $0x4000  }
0x167: {  	[sflag:s5] =	ssyncset.done $0x0  }
0x168: {  	[sflag:s5] =	ssyncadd.s32 $0xFFFFC000  }
0x169: {  	[tilespmem:s10], [sflag:$0x1] =	stream.indirect.gather [hbm4b:s8+s9], $0x80, s17, s9, $0xb8;
	[tilespmem:$0x1D000] =	vst v63  }
0x16a: {  	_ =	swait.ge [sflag:s14], $0x4000  }
0x16b: {  	[sflag:s14] =	ssyncset.done $0x0  }
0x16c: {  	[sflag:s14] =	ssyncadd.s32 $0xFFFFC000  }
0x16d: {  	[spmem:s2] =	stream.indirect.scatter.add.f32 [tilespmem:s11], [sflag:$0x3], $0x80, s18, s9, $0xb8;
	[tilespmem:$0x1D000] =	vst v63  }
0x16e: {  	_ =	swait.ge [sflag:s5], $0x4000  }
0x16f: {  	[sflag:s5] =	ssyncset.done $0x0  }
0x170: {  	[sflag:s5] =	ssyncadd.s32 $0xFFFFC000  }
0x171: {  	[tilespmem:s11], [sflag:$0x2] =	stream.indirect.gather [hbm4b:s8+s9], $0x80, s19, s9, $0xb8;
	[tilespmem:$0x1D000] =	vst v63  }
0x172: {  	_ =	swait.ge [sflag:s12], $0x4000  }
0x173: {  	[sflag:s12] =	ssyncset.done $0x0  }
0x174: {  	[sflag:s12] =	ssyncadd.s32 $0xFFFFC000  }
0x175: {  	[spmem:s2] =	stream.indirect.scatter.add.f32 [tilespmem:s10], [sflag:$0x3], $0x80, s20, s9, $0xb8;
	[tilespmem:$0x1D000] =	vst v63  }
0x176: {  	_ =	swait.ge [sflag:s5], $0x4000  }
0x177: {  	[sflag:s5] =	ssyncset.done $0x0  }
0x178: {  	[sflag:s5] =	ssyncadd.s32 $0xFFFFC000  }
0x179: {  	[tilespmem:s10], [sflag:$0x1] =	stream.indirect.gather [hbm4b:s8+s9], $0x80, s21, s9, $0xb8;
	[tilespmem:$0x1D000] =	vst v63  }
0x17a: {  	_ =	swait.ge [sflag:s14], $0x4000  }
0x17b: {  	[sflag:s14] =	ssyncset.done $0x0  }
0x17c: {  	[sflag:s14] =	ssyncadd.s32 $0xFFFFC000  }
0x17d: {  	[spmem:s2] =	stream.indirect.scatter.add.f32 [tilespmem:s11], [sflag:$0x3], $0x80, s23, s9, $0xb8;
	[tilespmem:$0x1D000] =	vst v63  }
0x17e: {  	_ =	swait.ge [sflag:s5], $0x4000  }
0x17f: {  	[sflag:s5] =	ssyncset.done $0x0  }
0x180: {  	[sflag:s5] =	ssyncadd.s32 $0xFFFFC000  }
0x181: {  	[tilespmem:s11], [sflag:$0x2] =	stream.indirect.gather [hbm4b:s8+s9], $0x80, s24, s9, $0xb8;
	[tilespmem:$0x1D000] =	vst v63  }
0x182: {  	_ =	swait.ge [sflag:s12], $0x4000  }
0x183: {  	[sflag:s12] =	ssyncset.done $0x0  }
0x184: {  	[sflag:s12] =	ssyncadd.s32 $0xFFFFC000  }
0x185: {  	[spmem:s2] =	stream.indirect.scatter.add.f32 [tilespmem:s10], [sflag:$0x3], $0x80, s25, s9, $0xb8;
	[tilespmem:$0x1D000] =	vst v63  }
0x186: {  	_ =	swait.ge [sflag:s5], $0x4000  }
0x187: {  	[sflag:s5] =	ssyncset.done $0x0  }
0x188: {  	[sflag:s5] =	ssyncadd.s32 $0xFFFFC000  }
0x189: {  	[tilespmem:s10], [sflag:$0x1] =	stream.indirect.gather [hbm4b:s8+s9], $0x80, s26, s9, $0xb8;
	[tilespmem:$0x1D000] =	vst v63  }
0x18a: {  	_ =	swait.ge [sflag:s14], $0x4000  }
0x18b: {  	[sflag:s14] =	ssyncset.done $0x0  }
0x18c: {  	[sflag:s14] =	ssyncadd.s32 $0xFFFFC000  }
0x18d: {  	[spmem:s2] =	stream.indirect.scatter.add.f32 [tilespmem:s11], [sflag:$0x3], $0x80, s28, s9, $0xb8;
	[tilespmem:$0x1D000] =	vst v63  }
0x18e: {  	_ =	swait.ge [sflag:s5], $0x4000  }
0x18f: {  	[sflag:s5] =	ssyncset.done $0x0  }
0x190: {  	[sflag:s5] =	ssyncadd.s32 $0xFFFFC000  }
0x191: {  	[tilespmem:s11], [sflag:$0x2] =	stream.indirect.gather [hbm4b:s8+s9], $0x80, s29, s9, $0xb8;
	[tilespmem:$0x1D000] =	vst v63  }
0x192: {  	_ =	swait.ge [sflag:s12], $0x4000  }
0x193: {  	[sflag:s12] =	ssyncset.done $0x0  }
0x194: {  	[sflag:s12] =	ssyncadd.s32 $0xFFFFC000  }
0x195: {  	[spmem:s2] =	stream.indirect.scatter.add.f32 [tilespmem:s10], [sflag:$0x3], $0x80, s30, s9, $0xb8;
	[tilespmem:$0x1D000] =	vst v63  }
0x196: {  	_ =	swait.ge [sflag:s5], $0x4000  }
0x197: {  	[sflag:s5] =	ssyncset.done $0x0  }
0x198: {  	[sflag:s5] =	ssyncadd.s32 $0xFFFFC000  }
0x199: {  	[tilespmem:s10], [sflag:$0x1] =	stream.indirect.gather [hbm4b:s8+s9], $0x80, s31, s9, $0xb8;
	[tilespmem:$0x1D000] =	vst v63  }
0x19a: {  	_ =	swait.ge [sflag:s14], $0x4000  }
0x19b: {  	[sflag:s14] =	ssyncset.done $0x0  }
0x19c: {  	s24 =	simm.s32 $0xD80;
	[sflag:s14] =	ssyncadd.s32 $0xFFFFC000  }
0x19d: {  	[spmem:s2] =	stream.indirect.scatter.add.f32 [tilespmem:s11], [sflag:$0x3], $0x80, s24, s9, $0xb8;
	[tilespmem:$0x1D000] =	vst v63  }
0x19e: {  	_ =	swait.ge [sflag:s5], $0x4000  }
0x19f: {  	[sflag:s5] =	ssyncset.done $0x0  }
0x1a0: {  	s25 =	simm.s32 $0x680;
	[sflag:s5] =	ssyncadd.s32 $0xFFFFC000  }
0x1a1: {  	[tilespmem:s11], [sflag:$0x2] =	stream.indirect.gather [hbm4b:s8+s9], $0x80, s25, s9, $0xb8;
	[tilespmem:$0x1D000] =	vst v63  }
0x1a2: {  	_ =	swait.ge [sflag:s12], $0x4000  }
0x1a3: {  	[sflag:s12] =	ssyncset.done $0x0  }
0x1a4: {  	s26 =	simm.s32 $0xE00;
	[sflag:s12] =	ssyncadd.s32 $0xFFFFC000  }
0x1a5: {  	[spmem:s2] =	stream.indirect.scatter.add.f32 [tilespmem:s10], [sflag:$0x3], $0x80, s26, s9, $0xb8;
	[tilespmem:$0x1D000] =	vst v63  }
0x1a6: {  	_ =	swait.ge [sflag:s5], $0x4000  }
0x1a7: {  	[sflag:s5] =	ssyncset.done $0x0  }
0x1a8: {  	s28 =	simm.s32 $0x700;
	[sflag:s5] =	ssyncadd.s32 $0xFFFFC000  }
0x1a9: {  	[tilespmem:s10], [sflag:$0x1] =	stream.indirect.gather [hbm4b:s8+s9], $0x80, s28, s9, $0xb8;
	[tilespmem:$0x1D000] =	vst v63  }
0x1aa: {  	_ =	swait.ge [sflag:s14], $0x4000  }
0x1ab: {  	[sflag:s14] =	ssyncset.done $0x0  }
0x1ac: {  	s29 =	simm.s32 $0xE80;
	[sflag:s14] =	ssyncadd.s32 $0xFFFFC000  }
0x1ad: {  	[spmem:s2] =	stream.indirect.scatter.add.f32 [tilespmem:s11], [sflag:$0x3], $0x80, s29, s9, $0xb8;
	[tilespmem:$0x1D000] =	vst v63  }
0x1ae: {  	_ =	swait.ge [sflag:s5], $0x4000  }
0x1af: {  	[sflag:s5] =	ssyncset.done $0x0  }
0x1b0: {  	s30 =	simm.s32 $0x780;
	[sflag:s5] =	ssyncadd.s32 $0xFFFFC000  }
0x1b1: {  	[tilespmem:s11], [sflag:$0x2] =	stream.indirect.gather [hbm4b:s8+s9], $0x80, s30, s9, $0xb8;
	[tilespmem:$0x1D000] =	vst v63  }
0x1b2: {  	_ =	swait.ge [sflag:s12], $0x4000  }
0x1b3: {  	[sflag:s12] =	ssyncset.done $0x0  }
0x1b4: {  	s31 =	simm.s32 $0xF00;
	[sflag:s12] =	ssyncadd.s32 $0xFFFFC000  }
0x1b5: {  	[spmem:s2] =	stream.indirect.scatter.add.f32 [tilespmem:s10], [sflag:$0x3], $0x80, s31, s9, $0xb8;
	[tilespmem:$0x1D000] =	vst v63  }
0x1b6: {  	_ =	swait.ge [sflag:s5], $0x4000  }
0x1b7: {  	[sflag:s5] =	ssyncset.done $0x0  }
0x1b8: {  	[sflag:s5] =	ssyncadd.s32 $0xFFFFC000  }
0x1b9: {  	[tilespmem:s10], [sflag:$0x1] =	stream.indirect.gather [hbm4b:s8+s9], $0x80, s13, s9, $0xb8;
	[tilespmem:$0x1D000] =	vst v63  }
0x1ba: {  	_ =	swait.ge [sflag:s14], $0x4000  }
0x1bb: {  	[sflag:s14] =	ssyncset.done $0x0  }
0x1bc: {  	s1 =	simm.s32 $0xF80;
	[sflag:s14] =	ssyncadd.s32 $0xFFFFC000  }
0x1bd: {  	[spmem:s2] =	stream.indirect.scatter.add.f32 [tilespmem:s11], [sflag:$0x3], $0x80, s1, s9, $0xb8;
	[tilespmem:$0x1D000] =	vst v63  }
0x1be: {  	_ =	swait.ge [sflag:s5], $0x4000  }
0x1bf: {  	[sflag:s5] =	ssyncset.done $0x0  }
0x1c0: {  	[sflag:s5] =	ssyncadd.s32 $0xFFFFC000  }
0x1c1: {  	_ =	swait.ge [sflag:s12], $0x4000  }
0x1c2: {  	[sflag:s12] =	ssyncset.done $0x0  }
0x1c3: {  	s3 =	rddreg [dreg:$0xa];
	[sflag:s12] =	ssyncadd.s32 $0xFFFFC000  }
0x1c4: {  	[tilespmem:s13], [sflag:$0x3] =	stream.linear.gather [hbm4b:s3+s13], $0x800, $0x38;
	[tilespmem:$0x1D000] =	vst v63  }
0x1c5: {  	_ =	swait.ge [sflag:s5], $0x800  }
0x1c6: {  	[sflag:s5] =	ssyncset.done $0x0  }
0x1c7: {  	s6 =	simm.s32 $0x800;
	s4 =	rddreg [dreg:$0xb];
	[sflag:s5] =	ssyncadd.s32 $0xFFFFF800  }
0x1c8: {  	[tilespmem:s6], [sflag:$0x3] =	stream.linear.gather [hbm4b:s4+s13], $0x800, $0x38;
	[tilespmem:$0x1D000] =	vst v63  }
0x1c9: {  	_ =	swait.ge [sflag:s5], $0x800  }
0x1ca: {  	[sflag:s5] =	ssyncset.done $0x0  }
0x1cb: {  	[sflag:s5] =	ssyncadd.s32 $0xFFFFF800  }
0x1cc: {  	[tilespmem:s10], [sflag:$0x1] =	stream.indirect.gather [hbm4b:s8+s9], $0x80, s13, s9, $0xb8;
	[tilespmem:$0x1D000] =	vst v63  }
0x1cd: {  	_ = 	snop  }
0x1ce: {  	[tilespmem:s11], [sflag:$0x2] =	stream.indirect.gather [hbm4b:s8+s9], $0x80, s9, s9, $0xb8;
	[tilespmem:$0x1D000] =	vst v63  }
0x1cf: {  	_ =	swait.ge [sflag:s12], $0x4000  }
0x1d0: {  	[sflag:s12] =	ssyncset.done $0x0  }
0x1d1: {  	[sflag:s12] =	ssyncadd.s32 $0xFFFFC000  }
0x1d2: {  	[spmem:s2] =	stream.indirect.scatter.add.f32 [tilespmem:s10], [sflag:$0x3], $0x80, s6, s9, $0xb8;
	[tilespmem:$0x1D000] =	vst v63  }
0x1d3: {  	_ =	swait.ge [sflag:s5], $0x4000  }
0x1d4: {  	[sflag:s5] =	ssyncset.done $0x0  }
0x1d5: {  	s7 =	simm.s32 $0x100;
	[sflag:s5] =	ssyncadd.s32 $0xFFFFC000  }
0x1d6: {  	[tilespmem:s10], [sflag:$0x1] =	stream.indirect.gather [hbm4b:s8+s9], $0x80, s7, s9, $0xb8;
	[tilespmem:$0x1D000] =	vst v63  }
0x1d7: {  	_ =	swait.ge [sflag:s14], $0x4000  }
0x1d8: {  	[sflag:s14] =	ssyncset.done $0x0  }
0x1d9: {  	s1 =	simm.s32 $0x880;
	[sflag:s14] =	ssyncadd.s32 $0xFFFFC000  }
0x1da: {  	[spmem:s2] =	stream.indirect.scatter.add.f32 [tilespmem:s11], [sflag:$0x3], $0x80, s1, s9, $0xb8;
	[tilespmem:$0x1D000] =	vst v63  }
0x1db: {  	_ =	swait.ge [sflag:s5], $0x4000  }
0x1dc: {  	[sflag:s5] =	ssyncset.done $0x0  }
0x1dd: {  	s15 =	simm.s32 $0x180;
	[sflag:s5] =	ssyncadd.s32 $0xFFFFC000  }
0x1de: {  	[tilespmem:s11], [sflag:$0x2] =	stream.indirect.gather [hbm4b:s8+s9], $0x80, s15, s9, $0xb8;
	[tilespmem:$0x1D000] =	vst v63  }
0x1df: {  	_ =	swait.ge [sflag:s12], $0x4000  }
0x1e0: {  	[sflag:s12] =	ssyncset.done $0x0  }
0x1e1: {  	s3 =	simm.s32 $0x900;
	[sflag:s12] =	ssyncadd.s32 $0xFFFFC000  }
0x1e2: {  	[spmem:s2] =	stream.indirect.scatter.add.f32 [tilespmem:s10], [sflag:$0x3], $0x80, s3, s9, $0xb8;
	[tilespmem:$0x1D000] =	vst v63  }
0x1e3: {  	_ =	swait.ge [sflag:s5], $0x4000  }
0x1e4: {  	[sflag:s5] =	ssyncset.done $0x0  }
0x1e5: {  	s16 =	simm.s32 $0x200;
	[sflag:s5] =	ssyncadd.s32 $0xFFFFC000  }
0x1e6: {  	[tilespmem:s10], [sflag:$0x1] =	stream.indirect.gather [hbm4b:s8+s9], $0x80, s16, s9, $0xb8;
	[tilespmem:$0x1D000] =	vst v63  }
0x1e7: {  	_ =	swait.ge [sflag:s14], $0x4000  }
0x1e8: {  	[sflag:s14] =	ssyncset.done $0x0  }
0x1e9: {  	s4 =	simm.s32 $0x980;
	[sflag:s14] =	ssyncadd.s32 $0xFFFFC000  }
0x1ea: {  	[spmem:s2] =	stream.indirect.scatter.add.f32 [tilespmem:s11], [sflag:$0x3], $0x80, s4, s9, $0xb8;
	[tilespmem:$0x1D000] =	vst v63  }
0x1eb: {  	_ =	swait.ge [sflag:s5], $0x4000  }
0x1ec: {  	[sflag:s5] =	ssyncset.done $0x0  }
0x1ed: {  	s18 =	simm.s32 $0x280;
	[sflag:s5] =	ssyncadd.s32 $0xFFFFC000  }
0x1ee: {  	[tilespmem:s11], [sflag:$0x2] =	stream.indirect.gather [hbm4b:s8+s9], $0x80, s18, s9, $0xb8;
	[tilespmem:$0x1D000] =	vst v63  }
0x1ef: {  	_ =	swait.ge [sflag:s12], $0x4000  }
0x1f0: {  	[sflag:s12] =	ssyncset.done $0x0  }
0x1f1: {  	s6 =	simm.s32 $0xA00;
	[sflag:s12] =	ssyncadd.s32 $0xFFFFC000  }
0x1f2: {  	[spmem:s2] =	stream.indirect.scatter.add.f32 [tilespmem:s10], [sflag:$0x3], $0x80, s6, s9, $0xb8;
	[tilespmem:$0x1D000] =	vst v63  }
0x1f3: {  	_ =	swait.ge [sflag:s5], $0x4000  }
0x1f4: {  	[sflag:s5] =	ssyncset.done $0x0  }
0x1f5: {  	s20 =	simm.s32 $0x300;
	[sflag:s5] =	ssyncadd.s32 $0xFFFFC000  }
0x1f6: {  	[tilespmem:s10], [sflag:$0x1] =	stream.indirect.gather [hbm4b:s8+s9], $0x80, s20, s9, $0xb8;
	[tilespmem:$0x1D000] =	vst v63  }
0x1f7: {  	_ =	swait.ge [sflag:s14], $0x4000  }
0x1f8: {  	[sflag:s14] =	ssyncset.done $0x0  }
0x1f9: {  	s7 =	simm.s32 $0xA80;
	[sflag:s14] =	ssyncadd.s32 $0xFFFFC000  }
0x1fa: {  	[spmem:s2] =	stream.indirect.scatter.add.f32 [tilespmem:s11], [sflag:$0x3], $0x80, s7, s9, $0xb8;
	[tilespmem:$0x1D000] =	vst v63  }
0x1fb: {  	_ =	swait.ge [sflag:s5], $0x4000  }
0x1fc: {  	[sflag:s5] =	ssyncset.done $0x0  }
0x1fd: {  	s22 =	simm.s32 $0x380;
	[sflag:s5] =	ssyncadd.s32 $0xFFFFC000  }
0x1fe: {  	[tilespmem:s11], [sflag:$0x2] =	stream.indirect.gather [hbm4b:s8+s9], $0x80, s22, s9, $0xb8;
	[tilespmem:$0x1D000] =	vst v63  }
0x1ff: {  	_ =	swait.ge [sflag:s12], $0x4000  }
0x200: {  	[sflag:s12] =	ssyncset.done $0x0  }
0x201: {  	s15 =	simm.s32 $0xB00;
	[sflag:s12] =	ssyncadd.s32 $0xFFFFC000  }
0x202: {  	[spmem:s2] =	stream.indirect.scatter.add.f32 [tilespmem:s10], [sflag:$0x3], $0x80, s15, s9, $0xb8;
	[tilespmem:$0x1D000] =	vst v63  }
0x203: {  	_ =	swait.ge [sflag:s5], $0x4000  }
0x204: {  	[sflag:s5] =	ssyncset.done $0x0  }
0x205: {  	s23 =	simm.s32 $0x400;
	[sflag:s5] =	ssyncadd.s32 $0xFFFFC000  }
0x206: {  	[tilespmem:s10], [sflag:$0x1] =	stream.indirect.gather [hbm4b:s8+s9], $0x80, s23, s9, $0xb8;
	[tilespmem:$0x1D000] =	vst v63  }
0x207: {  	_ =	swait.ge [sflag:s14], $0x4000  }
0x208: {  	[sflag:s14] =	ssyncset.done $0x0  }
0x209: {  	s24 =	simm.s32 $0xB80;
	[sflag:s14] =	ssyncadd.s32 $0xFFFFC000  }
0x20a: {  	[spmem:s2] =	stream.indirect.scatter.add.f32 [tilespmem:s11], [sflag:$0x3], $0x80, s24, s9, $0xb8;
	[tilespmem:$0x1D000] =	vst v63  }
0x20b: {  	_ =	swait.ge [sflag:s5], $0x4000  }
0x20c: {  	[sflag:s5] =	ssyncset.done $0x0  }
0x20d: {  	s25 =	simm.s32 $0x480;
	[sflag:s5] =	ssyncadd.s32 $0xFFFFC000  }
0x20e: {  	[tilespmem:s11], [sflag:$0x2] =	stream.indirect.gather [hbm4b:s8+s9], $0x80, s25, s9, $0xb8;
	[tilespmem:$0x1D000] =	vst v63  }
0x20f: {  	_ =	swait.ge [sflag:s12], $0x4000  }
0x210: {  	[sflag:s12] =	ssyncset.done $0x0  }
0x211: {  	s26 =	simm.s32 $0xC00;
	[sflag:s12] =	ssyncadd.s32 $0xFFFFC000  }
0x212: {  	[spmem:s2] =	stream.indirect.scatter.add.f32 [tilespmem:s10], [sflag:$0x3], $0x80, s26, s9, $0xb8;
	[tilespmem:$0x1D000] =	vst v63  }
0x213: {  	_ =	swait.ge [sflag:s5], $0x4000  }
0x214: {  	[sflag:s5] =	ssyncset.done $0x0  }
0x215: {  	s28 =	simm.s32 $0x500;
	[sflag:s5] =	ssyncadd.s32 $0xFFFFC000  }
0x216: {  	[tilespmem:s10], [sflag:$0x1] =	stream.indirect.gather [hbm4b:s8+s9], $0x80, s28, s9, $0xb8;
	[tilespmem:$0x1D000] =	vst v63  }
0x217: {  	_ =	swait.ge [sflag:s14], $0x4000  }
0x218: {  	[sflag:s14] =	ssyncset.done $0x0  }
0x219: {  	s29 =	simm.s32 $0xC80;
	[sflag:s14] =	ssyncadd.s32 $0xFFFFC000  }
0x21a: {  	[spmem:s2] =	stream.indirect.scatter.add.f32 [tilespmem:s11], [sflag:$0x3], $0x80, s29, s9, $0xb8;
	[tilespmem:$0x1D000] =	vst v63  }
0x21b: {  	_ =	swait.ge [sflag:s5], $0x4000  }
0x21c: {  	[sflag:s5] =	ssyncset.done $0x0  }
0x21d: {  	s30 =	simm.s32 $0x580;
	[sflag:s5] =	ssyncadd.s32 $0xFFFFC000  }
0x21e: {  	[tilespmem:s11], [sflag:$0x2] =	stream.indirect.gather [hbm4b:s8+s9], $0x80, s30, s9, $0xb8;
	[tilespmem:$0x1D000] =	vst v63  }
0x21f: {  	_ =	swait.ge [sflag:s12], $0x4000  }
0x220: {  	[sflag:s12] =	ssyncset.done $0x0  }
0x221: {  	s31 =	simm.s32 $0xD00;
	[sflag:s12] =	ssyncadd.s32 $0xFFFFC000  }
0x222: {  	[spmem:s2] =	stream.indirect.scatter.add.f32 [tilespmem:s10], [sflag:$0x3], $0x80, s31, s9, $0xb8;
	[tilespmem:$0x1D000] =	vst v63  }
0x223: {  	_ =	swait.ge [sflag:s5], $0x4000  }
0x224: {  	[sflag:s5] =	ssyncset.done $0x0  }
0x225: {  	s22 =	simm.s32 $0x600;
	[sflag:s5] =	ssyncadd.s32 $0xFFFFC000  }
0x226: {  	[tilespmem:s10], [sflag:$0x1] =	stream.indirect.gather [hbm4b:s8+s9], $0x80, s22, s9, $0xb8;
	[tilespmem:$0x1D000] =	vst v63  }
0x227: {  	_ =	swait.ge [sflag:s14], $0x4000  }
0x228: {  	[sflag:s14] =	ssyncset.done $0x0  }
0x229: {  	s22 =	simm.s32 $0xD80;
	[sflag:s14] =	ssyncadd.s32 $0xFFFFC000  }
0x22a: {  	[spmem:s2] =	stream.indirect.scatter.add.f32 [tilespmem:s11], [sflag:$0x3], $0x80, s22, s9, $0xb8;
	[tilespmem:$0x1D000] =	vst v63  }
0x22b: {  	_ =	swait.ge [sflag:s5], $0x4000  }
0x22c: {  	[sflag:s5] =	ssyncset.done $0x0  }
0x22d: {  	s22 =	simm.s32 $0x680;
	[sflag:s5] =	ssyncadd.s32 $0xFFFFC000  }
0x22e: {  	[tilespmem:s11], [sflag:$0x2] =	stream.indirect.gather [hbm4b:s8+s9], $0x80, s22, s9, $0xb8;
	[tilespmem:$0x1D000] =	vst v63  }
0x22f: {  	_ =	swait.ge [sflag:s12], $0x4000  }
0x230: {  	[sflag:s12] =	ssyncset.done $0x0  }
0x231: {  	s22 =	simm.s32 $0xE00;
	[sflag:s12] =	ssyncadd.s32 $0xFFFFC000  }
0x232: {  	[spmem:s2] =	stream.indirect.scatter.add.f32 [tilespmem:s10], [sflag:$0x3], $0x80, s22, s9, $0xb8;
	[tilespmem:$0x1D000] =	vst v63  }
0x233: {  	_ =	swait.ge [sflag:s5], $0x4000  }
0x234: {  	[sflag:s5] =	ssyncset.done $0x0  }
0x235: {  	s22 =	simm.s32 $0x700;
	[sflag:s5] =	ssyncadd.s32 $0xFFFFC000  }
0x236: {  	[tilespmem:s10], [sflag:$0x1] =	stream.indirect.gather [hbm4b:s8+s9], $0x80, s22, s9, $0xb8;
	[tilespmem:$0x1D000] =	vst v63  }
0x237: {  	_ =	swait.ge [sflag:s14], $0x4000  }
0x238: {  	[sflag:s14] =	ssyncset.done $0x0  }
0x239: {  	s22 =	simm.s32 $0xE80;
	[sflag:s14] =	ssyncadd.s32 $0xFFFFC000  }
0x23a: {  	[spmem:s2] =	stream.indirect.scatter.add.f32 [tilespmem:s11], [sflag:$0x3], $0x80, s22, s9, $0xb8;
	[tilespmem:$0x1D000] =	vst v63  }
0x23b: {  	_ =	swait.ge [sflag:s5], $0x4000  }
0x23c: {  	[sflag:s5] =	ssyncset.done $0x0  }
0x23d: {  	s22 =	simm.s32 $0x780;
	[sflag:s5] =	ssyncadd.s32 $0xFFFFC000  }
0x23e: {  	[tilespmem:s11], [sflag:$0x2] =	stream.indirect.gather [hbm4b:s8+s9], $0x80, s22, s9, $0xb8;
	[tilespmem:$0x1D000] =	vst v63  }
0x23f: {  	_ =	swait.ge [sflag:s12], $0x4000  }
0x240: {  	[sflag:s12] =	ssyncset.done $0x0  }
0x241: {  	s22 =	simm.s32 $0xF00;
	[sflag:s12] =	ssyncadd.s32 $0xFFFFC000  }
0x242: {  	[spmem:s2] =	stream.indirect.scatter.add.f32 [tilespmem:s10], [sflag:$0x3], $0x80, s22, s9, $0xb8;
	[tilespmem:$0x1D000] =	vst v63  }
0x243: {  	_ =	swait.ge [sflag:s5], $0x4000  }
0x244: {  	[sflag:s5] =	ssyncset.done $0x0  }
0x245: {  	[sflag:s5] =	ssyncadd.s32 $0xFFFFC000  }
0x246: {  	[tilespmem:s10], [sflag:$0x1] =	stream.indirect.gather [hbm4b:s8+s9], $0x80, s13, s9, $0xb8;
	[tilespmem:$0x1D000] =	vst v63  }
0x247: {  	_ =	swait.ge [sflag:s14], $0x4000  }
0x248: {  	[sflag:s14] =	ssyncset.done $0x0  }
0x249: {  	s22 =	simm.s32 $0xF80;
	[sflag:s14] =	ssyncadd.s32 $0xFFFFC000  }
0x24a: {  	[spmem:s2] =	stream.indirect.scatter.add.f32 [tilespmem:s11], [sflag:$0x3], $0x80, s22, s9, $0xb8;
	[tilespmem:$0x1D000] =	vst v63  }
0x24b: {  	_ =	swait.ge [sflag:s5], $0x4000  }
0x24c: {  	[sflag:s5] =	ssyncset.done $0x0  }
0x24d: {  	[sflag:s5] =	ssyncadd.s32 $0xFFFFC000  }
0x24e: {  	_ =	swait.ge [sflag:s12], $0x4000  }
0x24f: {  	[sflag:s12] =	ssyncset.done $0x0  }
0x250: {  	s22 =	rddreg [dreg:$0xc];
	[sflag:s12] =	ssyncadd.s32 $0xFFFFC000  }
0x251: {  	[tilespmem:s13], [sflag:$0x3] =	stream.linear.gather [hbm4b:s22+s13], $0x800, $0x38;
	[tilespmem:$0x1D000] =	vst v63  }
0x252: {  	_ =	swait.ge [sflag:s5], $0x800  }
0x253: {  	[sflag:s5] =	ssyncset.done $0x0  }
0x254: {  	s0 =	simm.s32 $0x800;
	s22 =	rddreg [dreg:$0xd];
	[sflag:s5] =	ssyncadd.s32 $0xFFFFF800  }
0x255: {  	[tilespmem:s0], [sflag:$0x3] =	stream.linear.gather [hbm4b:s22+s13], $0x800, $0x38;
	[tilespmem:$0x1D000] =	vst v63  }
0x256: {  	_ =	swait.ge [sflag:s5], $0x800  }
0x257: {  	[sflag:s5] =	ssyncset.done $0x0  }
0x258: {  	[sflag:s5] =	ssyncadd.s32 $0xFFFFF800  }
0x259: {  	[tilespmem:s10], [sflag:$0x1] =	stream.indirect.gather [hbm4b:s8+s9], $0x80, s13, s9, $0xb8;
	[tilespmem:$0x1D000] =	vst v63  }
0x25a: {  	_ = 	snop  }
0x25b: {  	[tilespmem:s11], [sflag:$0x2] =	stream.indirect.gather [hbm4b:s8+s9], $0x80, s9, s9, $0xb8;
	[tilespmem:$0x1D000] =	vst v63  }
0x25c: {  	_ =	swait.ge [sflag:s12], $0x4000  }
0x25d: {  	[sflag:s12] =	ssyncset.done $0x0  }
0x25e: {  	[sflag:s12] =	ssyncadd.s32 $0xFFFFC000  }
0x25f: {  	[spmem:s2] =	stream.indirect.scatter.add.f32 [tilespmem:s10], [sflag:$0x3], $0x80, s0, s9, $0xb8;
	[tilespmem:$0x1D000] =	vst v63  }
0x260: {  	_ =	swait.ge [sflag:s5], $0x4000  }
0x261: {  	[sflag:s5] =	ssyncset.done $0x0  }
0x262: {  	s17 =	simm.s32 $0x100;
	[sflag:s5] =	ssyncadd.s32 $0xFFFFC000  }
0x263: {  	[tilespmem:s10], [sflag:$0x1] =	stream.indirect.gather [hbm4b:s8+s9], $0x80, s17, s9, $0xb8;
	[tilespmem:$0x1D000] =	vst v63  }
0x264: {  	_ =	swait.ge [sflag:s14], $0x4000  }
0x265: {  	[sflag:s14] =	ssyncset.done $0x0  }
0x266: {  	[sflag:s14] =	ssyncadd.s32 $0xFFFFC000  }
0x267: {  	[spmem:s2] =	stream.indirect.scatter.add.f32 [tilespmem:s11], [sflag:$0x3], $0x80, s1, s9, $0xb8;
	[tilespmem:$0x1D000] =	vst v63  }
0x268: {  	_ =	swait.ge [sflag:s5], $0x4000  }
0x269: {  	[sflag:s5] =	ssyncset.done $0x0  }
0x26a: {  	s21 =	simm.s32 $0x180;
	[sflag:s5] =	ssyncadd.s32 $0xFFFFC000  }
0x26b: {  	[tilespmem:s11], [sflag:$0x2] =	stream.indirect.gather [hbm4b:s8+s9], $0x80, s21, s9, $0xb8;
	[tilespmem:$0x1D000] =	vst v63  }
0x26c: {  	_ =	swait.ge [sflag:s12], $0x4000  }
0x26d: {  	[sflag:s12] =	ssyncset.done $0x0  }
0x26e: {  	[sflag:s12] =	ssyncadd.s32 $0xFFFFC000  }
0x26f: {  	[spmem:s2] =	stream.indirect.scatter.add.f32 [tilespmem:s10], [sflag:$0x3], $0x80, s3, s9, $0xb8;
	[tilespmem:$0x1D000] =	vst v63  }
0x270: {  	_ =	swait.ge [sflag:s5], $0x4000  }
0x271: {  	[sflag:s5] =	ssyncset.done $0x0  }
0x272: {  	s19 =	simm.s32 $0x200;
	[sflag:s5] =	ssyncadd.s32 $0xFFFFC000  }
0x273: {  	[tilespmem:s10], [sflag:$0x1] =	stream.indirect.gather [hbm4b:s8+s9], $0x80, s19, s9, $0xb8;
	[tilespmem:$0x1D000] =	vst v63  }
0x274: {  	_ =	swait.ge [sflag:s14], $0x4000  }
0x275: {  	[sflag:s14] =	ssyncset.done $0x0  }
0x276: {  	[sflag:s14] =	ssyncadd.s32 $0xFFFFC000  }
0x277: {  	[spmem:s2] =	stream.indirect.scatter.add.f32 [tilespmem:s11], [sflag:$0x3], $0x80, s4, s9, $0xb8;
	[tilespmem:$0x1D000] =	vst v63  }
0x278: {  	_ =	swait.ge [sflag:s5], $0x4000  }
0x279: {  	[sflag:s5] =	ssyncset.done $0x0  }
0x27a: {  	s16 =	simm.s32 $0x280;
	[sflag:s5] =	ssyncadd.s32 $0xFFFFC000  }
0x27b: {  	[tilespmem:s11], [sflag:$0x2] =	stream.indirect.gather [hbm4b:s8+s9], $0x80, s16, s9, $0xb8;
	[tilespmem:$0x1D000] =	vst v63  }
0x27c: {  	_ =	swait.ge [sflag:s12], $0x4000  }
0x27d: {  	[sflag:s12] =	ssyncset.done $0x0  }
0x27e: {  	[sflag:s12] =	ssyncadd.s32 $0xFFFFC000  }
0x27f: {  	[spmem:s2] =	stream.indirect.scatter.add.f32 [tilespmem:s10], [sflag:$0x3], $0x80, s6, s9, $0xb8;
	[tilespmem:$0x1D000] =	vst v63  }
0x280: {  	_ =	swait.ge [sflag:s5], $0x4000  }
0x281: {  	[sflag:s5] =	ssyncset.done $0x0  }
0x282: {  	s18 =	simm.s32 $0x300;
	[sflag:s5] =	ssyncadd.s32 $0xFFFFC000  }
0x283: {  	[tilespmem:s10], [sflag:$0x1] =	stream.indirect.gather [hbm4b:s8+s9], $0x80, s18, s9, $0xb8;
	[tilespmem:$0x1D000] =	vst v63  }
0x284: {  	_ =	swait.ge [sflag:s14], $0x4000  }
0x285: {  	[sflag:s14] =	ssyncset.done $0x0  }
0x286: {  	[sflag:s14] =	ssyncadd.s32 $0xFFFFC000  }
0x287: {  	[spmem:s2] =	stream.indirect.scatter.add.f32 [tilespmem:s11], [sflag:$0x3], $0x80, s7, s9, $0xb8;
	[tilespmem:$0x1D000] =	vst v63  }
0x288: {  	_ =	swait.ge [sflag:s5], $0x4000  }
0x289: {  	[sflag:s5] =	ssyncset.done $0x0  }
0x28a: {  	s20 =	simm.s32 $0x380;
	[sflag:s5] =	ssyncadd.s32 $0xFFFFC000  }
0x28b: {  	[tilespmem:s11], [sflag:$0x2] =	stream.indirect.gather [hbm4b:s8+s9], $0x80, s20, s9, $0xb8;
	[tilespmem:$0x1D000] =	vst v63  }
0x28c: {  	_ =	swait.ge [sflag:s12], $0x4000  }
0x28d: {  	[sflag:s12] =	ssyncset.done $0x0  }
0x28e: {  	[sflag:s12] =	ssyncadd.s32 $0xFFFFC000  }
0x28f: {  	[spmem:s2] =	stream.indirect.scatter.add.f32 [tilespmem:s10], [sflag:$0x3], $0x80, s15, s9, $0xb8;
	[tilespmem:$0x1D000] =	vst v63  }
0x290: {  	_ =	swait.ge [sflag:s5], $0x4000  }
0x291: {  	[sflag:s5] =	ssyncset.done $0x0  }
0x292: {  	s23 =	simm.s32 $0x400;
	[sflag:s5] =	ssyncadd.s32 $0xFFFFC000  }
0x293: {  	[tilespmem:s10], [sflag:$0x1] =	stream.indirect.gather [hbm4b:s8+s9], $0x80, s23, s9, $0xb8;
	[tilespmem:$0x1D000] =	vst v63  }
0x294: {  	_ =	swait.ge [sflag:s14], $0x4000  }
0x295: {  	[sflag:s14] =	ssyncset.done $0x0  }
0x296: {  	s24 =	simm.s32 $0xB80;
	[sflag:s14] =	ssyncadd.s32 $0xFFFFC000  }
0x297: {  	[spmem:s2] =	stream.indirect.scatter.add.f32 [tilespmem:s11], [sflag:$0x3], $0x80, s24, s9, $0xb8;
	[tilespmem:$0x1D000] =	vst v63  }
0x298: {  	_ =	swait.ge [sflag:s5], $0x4000  }
0x299: {  	[sflag:s5] =	ssyncset.done $0x0  }
0x29a: {  	s25 =	simm.s32 $0x480;
	[sflag:s5] =	ssyncadd.s32 $0xFFFFC000  }
0x29b: {  	[tilespmem:s11], [sflag:$0x2] =	stream.indirect.gather [hbm4b:s8+s9], $0x80, s25, s9, $0xb8;
	[tilespmem:$0x1D000] =	vst v63  }
0x29c: {  	_ =	swait.ge [sflag:s12], $0x4000  }
0x29d: {  	[sflag:s12] =	ssyncset.done $0x0  }
0x29e: {  	s26 =	simm.s32 $0xC00;
	[sflag:s12] =	ssyncadd.s32 $0xFFFFC000  }
0x29f: {  	[spmem:s2] =	stream.indirect.scatter.add.f32 [tilespmem:s10], [sflag:$0x3], $0x80, s26, s9, $0xb8;
	[tilespmem:$0x1D000] =	vst v63  }
0x2a0: {  	_ =	swait.ge [sflag:s5], $0x4000  }
0x2a1: {  	[sflag:s5] =	ssyncset.done $0x0  }
0x2a2: {  	s28 =	simm.s32 $0x500;
	[sflag:s5] =	ssyncadd.s32 $0xFFFFC000  }
0x2a3: {  	[tilespmem:s10], [sflag:$0x1] =	stream.indirect.gather [hbm4b:s8+s9], $0x80, s28, s9, $0xb8;
	[tilespmem:$0x1D000] =	vst v63  }
0x2a4: {  	_ =	swait.ge [sflag:s14], $0x4000  }
0x2a5: {  	[sflag:s14] =	ssyncset.done $0x0  }
0x2a6: {  	s29 =	simm.s32 $0xC80;
	[sflag:s14] =	ssyncadd.s32 $0xFFFFC000  }
0x2a7: {  	[spmem:s2] =	stream.indirect.scatter.add.f32 [tilespmem:s11], [sflag:$0x3], $0x80, s29, s9, $0xb8;
	[tilespmem:$0x1D000] =	vst v63  }
0x2a8: {  	_ =	swait.ge [sflag:s5], $0x4000  }
0x2a9: {  	[sflag:s5] =	ssyncset.done $0x0  }
0x2aa: {  	s30 =	simm.s32 $0x580;
	[sflag:s5] =	ssyncadd.s32 $0xFFFFC000  }
0x2ab: {  	[tilespmem:s11], [sflag:$0x2] =	stream.indirect.gather [hbm4b:s8+s9], $0x80, s30, s9, $0xb8;
	[tilespmem:$0x1D000] =	vst v63  }
0x2ac: {  	_ =	swait.ge [sflag:s12], $0x4000  }
0x2ad: {  	[sflag:s12] =	ssyncset.done $0x0  }
0x2ae: {  	s31 =	simm.s32 $0xD00;
	[sflag:s12] =	ssyncadd.s32 $0xFFFFC000  }
0x2af: {  	[spmem:s2] =	stream.indirect.scatter.add.f32 [tilespmem:s10], [sflag:$0x3], $0x80, s31, s9, $0xb8;
	[tilespmem:$0x1D000] =	vst v63  }
0x2b0: {  	_ =	swait.ge [sflag:s5], $0x4000  }
0x2b1: {  	[sflag:s5] =	ssyncset.done $0x0  }
0x2b2: {  	s17 =	simm.s32 $0x600;
	[sflag:s5] =	ssyncadd.s32 $0xFFFFC000  }
0x2b3: {  	[tilespmem:s10], [sflag:$0x1] =	stream.indirect.gather [hbm4b:s8+s9], $0x80, s17, s9, $0xb8;
	[tilespmem:$0x1D000] =	vst v63  }
0x2b4: {  	_ =	swait.ge [sflag:s14], $0x4000  }
0x2b5: {  	[sflag:s14] =	ssyncset.done $0x0  }
0x2b6: {  	s18 =	simm.s32 $0xD80;
	[sflag:s14] =	ssyncadd.s32 $0xFFFFC000  }
0x2b7: {  	[spmem:s2] =	stream.indirect.scatter.add.f32 [tilespmem:s11], [sflag:$0x3], $0x80, s18, s9, $0xb8;
	[tilespmem:$0x1D000] =	vst v63  }
0x2b8: {  	_ =	swait.ge [sflag:s5], $0x4000  }
0x2b9: {  	[sflag:s5] =	ssyncset.done $0x0  }
0x2ba: {  	s19 =	simm.s32 $0x680;
	[sflag:s5] =	ssyncadd.s32 $0xFFFFC000  }
0x2bb: {  	[tilespmem:s11], [sflag:$0x2] =	stream.indirect.gather [hbm4b:s8+s9], $0x80, s19, s9, $0xb8;
	[tilespmem:$0x1D000] =	vst v63  }
0x2bc: {  	_ =	swait.ge [sflag:s12], $0x4000  }
0x2bd: {  	[sflag:s12] =	ssyncset.done $0x0  }
0x2be: {  	s20 =	simm.s32 $0xE00;
	[sflag:s12] =	ssyncadd.s32 $0xFFFFC000  }
0x2bf: {  	[spmem:s2] =	stream.indirect.scatter.add.f32 [tilespmem:s10], [sflag:$0x3], $0x80, s20, s9, $0xb8;
	[tilespmem:$0x1D000] =	vst v63  }
0x2c0: {  	_ =	swait.ge [sflag:s5], $0x4000  }
0x2c1: {  	[sflag:s5] =	ssyncset.done $0x0  }
0x2c2: {  	s21 =	simm.s32 $0x700;
	[sflag:s5] =	ssyncadd.s32 $0xFFFFC000  }
0x2c3: {  	[tilespmem:s10], [sflag:$0x1] =	stream.indirect.gather [hbm4b:s8+s9], $0x80, s21, s9, $0xb8;
	[tilespmem:$0x1D000] =	vst v63  }
0x2c4: {  	_ =	swait.ge [sflag:s14], $0x4000  }
0x2c5: {  	[sflag:s14] =	ssyncset.done $0x0  }
0x2c6: {  	s22 =	simm.s32 $0xE80;
	[sflag:s14] =	ssyncadd.s32 $0xFFFFC000  }
0x2c7: {  	[spmem:s2] =	stream.indirect.scatter.add.f32 [tilespmem:s11], [sflag:$0x3], $0x80, s22, s9, $0xb8;
	[tilespmem:$0x1D000] =	vst v63  }
0x2c8: {  	_ =	swait.ge [sflag:s5], $0x4000  }
0x2c9: {  	[sflag:s5] =	ssyncset.done $0x0  }
0x2ca: {  	s23 =	simm.s32 $0x780;
	[sflag:s5] =	ssyncadd.s32 $0xFFFFC000  }
0x2cb: {  	[tilespmem:s11], [sflag:$0x2] =	stream.indirect.gather [hbm4b:s8+s9], $0x80, s23, s9, $0xb8;
	[tilespmem:$0x1D000] =	vst v63  }
0x2cc: {  	_ =	swait.ge [sflag:s12], $0x4000  }
0x2cd: {  	[sflag:s12] =	ssyncset.done $0x0  }
0x2ce: {  	s24 =	simm.s32 $0xF00;
	[sflag:s12] =	ssyncadd.s32 $0xFFFFC000  }
0x2cf: {  	[spmem:s2] =	stream.indirect.scatter.add.f32 [tilespmem:s10], [sflag:$0x3], $0x80, s24, s9, $0xb8;
	[tilespmem:$0x1D000] =	vst v63  }
0x2d0: {  	_ =	swait.ge [sflag:s5], $0x4000  }
0x2d1: {  	[sflag:s5] =	ssyncset.done $0x0  }
0x2d2: {  	[sflag:s5] =	ssyncadd.s32 $0xFFFFC000  }
0x2d3: {  	[tilespmem:s10], [sflag:$0x1] =	stream.indirect.gather [hbm4b:s8+s9], $0x80, s13, s9, $0xb8;
	[tilespmem:$0x1D000] =	vst v63  }
0x2d4: {  	_ =	swait.ge [sflag:s14], $0x4000  }
0x2d5: {  	[sflag:s14] =	ssyncset.done $0x0  }
0x2d6: {  	s25 =	simm.s32 $0xF80;
	[sflag:s14] =	ssyncadd.s32 $0xFFFFC000  }
0x2d7: {  	[spmem:s2] =	stream.indirect.scatter.add.f32 [tilespmem:s11], [sflag:$0x3], $0x80, s25, s9, $0xb8;
	[tilespmem:$0x1D000] =	vst v63  }
0x2d8: {  	_ =	swait.ge [sflag:s5], $0x4000  }
0x2d9: {  	[sflag:s5] =	ssyncset.done $0x0  }
0x2da: {  	[sflag:s5] =	ssyncadd.s32 $0xFFFFC000  }
0x2db: {  	_ =	swait.ge [sflag:s12], $0x4000  }
0x2dc: {  	[sflag:s12] =	ssyncset.done $0x0  }
0x2dd: {  	[sflag:s12] =	ssyncadd.s32 $0xFFFFC000  }
0x2de: {  	[bflag:$0x0] =	sbarrier.arrive $0xFFFF  }
0x2df: {  	s26 =	rddreg [dreg:$0x11]  }
0x2e0: {  	s0 =	ssub.s32 $0x2, s26  }
0x2e1: {  	s29 =	sshrl.u32 s0, $0x1  }
0x2e2: {  	s22 =	ssub.s32 s0, s29  }
0x2e3: {  	s22 =	smax.u32 s22, $0x1  }
0x2e4: {  	p0 =	sne.s32 s22, $0x1  }
.Ltmp0:
0x2e5: {  	s28 =	rddreg [dreg:$0xe];
	(pc) =	sbr.rel @!p0 .LBB2_2-.Ltmp0, $4  }
0x2e6: {  	s30 =	rddreg [dreg:$0xf]  }
0x2e7: {  	s31 =	rddreg [dreg:$0x10]  }
0x2e8: {  	[hbm:s28], [sflag:s30] =	dma.local [spmem:s31], $0x2800  }
0x2e9: {  	_ =	swait.ge [sflag:s5], $0x2800;
	s22 =	sadd.s32 $0xFFFFFFFF, s22  }
.LBB2_1:
0x2ea: {  	s23 =	rddreg [dreg:$0x3]  }
0x2eb: {  	[sflag:s5] =	ssyncset.done $0x0;
	s0 =	rddreg [dreg:$0xf]  }
0x2ec: {  	s1 =	rddreg [dreg:$0x10];
	[sflag:s5] =	ssyncadd.s32 $0xFFFFD800  }
0x2ed: {  	[spmem:s1], [sflag:s0] =	dma.local [hbm:s23], $0x2800  }
0x2ee: {  	_ =	swait.ge [sflag:s5], $0x2800  }
0x2ef: {  	[sflag:s5] =	ssyncset.done $0x0  }
0x2f0: {  	[sflag:s5] =	ssyncadd.s32 $0xFFFFD800  }
0x2f1: {  	[bflag:$0x0] =	sbarrier.arrive $0xFFFF  }
0x2f2: {  	s25 =	rddreg [dreg:$0x4]  }
0x2f3: {  	[tilespmem:s13], [sflag:$0x3] =	stream.linear.gather [hbm4b:s25+s13], $0x800, $0x38;
	[tilespmem:$0x1D000] =	vst v63  }
0x2f4: {  	_ =	swait.ge [sflag:s5], $0x800  }
0x2f5: {  	[sflag:s5] =	ssyncset.done $0x0  }
0x2f6: {  	s0 =	simm.s32 $0x800;
	s26 =	rddreg [dreg:$0x5];
	[sflag:s5] =	ssyncadd.s32 $0xFFFFF800  }
0x2f7: {  	[tilespmem:s0], [sflag:$0x3] =	stream.linear.gather [hbm4b:s26+s13], $0x800, $0x38;
	[tilespmem:$0x1D000] =	vst v63  }
0x2f8: {  	_ =	swait.ge [sflag:s5], $0x800  }
0x2f9: {  	[sflag:s5] =	ssyncset.done $0x0  }
0x2fa: {  	[sflag:s5] =	ssyncadd.s32 $0xFFFFF800  }
0x2fb: {  	[tilespmem:s10], [sflag:$0x1] =	stream.indirect.gather [hbm4b:s8+s9], $0x80, s13, s9, $0xb8;
	[tilespmem:$0x1D000] =	vst v63  }
0x2fc: {  	_ = 	snop  }
0x2fd: {  	[tilespmem:s11], [sflag:$0x2] =	stream.indirect.gather [hbm4b:s8+s9], $0x80, s9, s9, $0xb8;
	[tilespmem:$0x1D000] =	vst v63  }
0x2fe: {  	_ =	swait.ge [sflag:s12], $0x4000  }
0x2ff: {  	[sflag:s12] =	ssyncset.done $0x0  }
0x300: {  	[sflag:s12] =	ssyncadd.s32 $0xFFFFC000  }
0x301: {  	[spmem:s2] =	stream.indirect.scatter.add.f32 [tilespmem:s10], [sflag:$0x3], $0x80, s0, s9, $0xb8;
	[tilespmem:$0x1D000] =	vst v63  }
0x302: {  	_ =	swait.ge [sflag:s5], $0x4000  }
0x303: {  	[sflag:s5] =	ssyncset.done $0x0  }
0x304: {  	s28 =	simm.s32 $0x100;
	[sflag:s5] =	ssyncadd.s32 $0xFFFFC000  }
0x305: {  	[tilespmem:s10], [sflag:$0x1] =	stream.indirect.gather [hbm4b:s8+s9], $0x80, s28, s9, $0xb8;
	[tilespmem:$0x1D000] =	vst v63  }
0x306: {  	_ =	swait.ge [sflag:s14], $0x4000  }
0x307: {  	[sflag:s14] =	ssyncset.done $0x0  }
0x308: {  	s29 =	simm.s32 $0x880;
	[sflag:s14] =	ssyncadd.s32 $0xFFFFC000  }
0x309: {  	[spmem:s2] =	stream.indirect.scatter.add.f32 [tilespmem:s11], [sflag:$0x3], $0x80, s29, s9, $0xb8;
	[tilespmem:$0x1D000] =	vst v63  }
0x30a: {  	_ =	swait.ge [sflag:s5], $0x4000  }
0x30b: {  	[sflag:s5] =	ssyncset.done $0x0  }
0x30c: {  	s30 =	simm.s32 $0x180;
	[sflag:s5] =	ssyncadd.s32 $0xFFFFC000  }
0x30d: {  	[tilespmem:s11], [sflag:$0x2] =	stream.indirect.gather [hbm4b:s8+s9], $0x80, s30, s9, $0xb8;
	[tilespmem:$0x1D000] =	vst v63  }
0x30e: {  	_ =	swait.ge [sflag:s12], $0x4000  }
0x30f: {  	[sflag:s12] =	ssyncset.done $0x0  }
0x310: {  	s31 =	simm.s32 $0x900;
	[sflag:s12] =	ssyncadd.s32 $0xFFFFC000  }
0x311: {  	[spmem:s2] =	stream.indirect.scatter.add.f32 [tilespmem:s10], [sflag:$0x3], $0x80, s31, s9, $0xb8;
	[tilespmem:$0x1D000] =	vst v63  }
0x312: {  	_ =	swait.ge [sflag:s5], $0x4000  }
0x313: {  	[sflag:s5] =	ssyncset.done $0x0  }
0x314: {  	s3 =	simm.s32 $0x200;
	[sflag:s5] =	ssyncadd.s32 $0xFFFFC000  }
0x315: {  	[tilespmem:s10], [sflag:$0x1] =	stream.indirect.gather [hbm4b:s8+s9], $0x80, s3, s9, $0xb8;
	[tilespmem:$0x1D000] =	vst v63  }
0x316: {  	_ =	swait.ge [sflag:s14], $0x4000  }
0x317: {  	[sflag:s14] =	ssyncset.done $0x0  }
0x318: {  	s4 =	simm.s32 $0x980;
	[sflag:s14] =	ssyncadd.s32 $0xFFFFC000  }
0x319: {  	[spmem:s2] =	stream.indirect.scatter.add.f32 [tilespmem:s11], [sflag:$0x3], $0x80, s4, s9, $0xb8;
	[tilespmem:$0x1D000] =	vst v63  }
0x31a: {  	_ =	swait.ge [sflag:s5], $0x4000  }
0x31b: {  	[sflag:s5] =	ssyncset.done $0x0  }
0x31c: {  	s4 =	simm.s32 $0x280;
	[sflag:s5] =	ssyncadd.s32 $0xFFFFC000  }
0x31d: {  	[tilespmem:s11], [sflag:$0x2] =	stream.indirect.gather [hbm4b:s8+s9], $0x80, s4, s9, $0xb8;
	[tilespmem:$0x1D000] =	vst v63  }
0x31e: {  	_ =	swait.ge [sflag:s12], $0x4000  }
0x31f: {  	[sflag:s12] =	ssyncset.done $0x0  }
0x320: {  	s7 =	simm.s32 $0xA00;
	[sflag:s12] =	ssyncadd.s32 $0xFFFFC000  }
0x321: {  	[spmem:s2] =	stream.indirect.scatter.add.f32 [tilespmem:s10], [sflag:$0x3], $0x80, s7, s9, $0xb8;
	[tilespmem:$0x1D000] =	vst v63  }
0x322: {  	_ =	swait.ge [sflag:s5], $0x4000  }
0x323: {  	[sflag:s5] =	ssyncset.done $0x0  }
0x324: {  	s15 =	simm.s32 $0x300;
	[sflag:s5] =	ssyncadd.s32 $0xFFFFC000  }
0x325: {  	[tilespmem:s10], [sflag:$0x1] =	stream.indirect.gather [hbm4b:s8+s9], $0x80, s15, s9, $0xb8;
	[tilespmem:$0x1D000] =	vst v63  }
0x326: {  	_ =	swait.ge [sflag:s14], $0x4000  }
0x327: {  	[sflag:s14] =	ssyncset.done $0x0  }
0x328: {  	s16 =	simm.s32 $0xA80;
	[sflag:s14] =	ssyncadd.s32 $0xFFFFC000  }
0x329: {  	[spmem:s2] =	stream.indirect.scatter.add.f32 [tilespmem:s11], [sflag:$0x3], $0x80, s16, s9, $0xb8;
	[tilespmem:$0x1D000] =	vst v63  }
0x32a: {  	_ =	swait.ge [sflag:s5], $0x4000  }
0x32b: {  	[sflag:s5] =	ssyncset.done $0x0  }
0x32c: {  	s17 =	simm.s32 $0x380;
	[sflag:s5] =	ssyncadd.s32 $0xFFFFC000  }
0x32d: {  	[tilespmem:s11], [sflag:$0x2] =	stream.indirect.gather [hbm4b:s8+s9], $0x80, s17, s9, $0xb8;
	[tilespmem:$0x1D000] =	vst v63  }
0x32e: {  	_ =	swait.ge [sflag:s12], $0x4000  }
0x32f: {  	[sflag:s12] =	ssyncset.done $0x0  }
0x330: {  	s18 =	simm.s32 $0xB00;
	[sflag:s12] =	ssyncadd.s32 $0xFFFFC000  }
0x331: {  	[spmem:s2] =	stream.indirect.scatter.add.f32 [tilespmem:s10], [sflag:$0x3], $0x80, s18, s9, $0xb8;
	[tilespmem:$0x1D000] =	vst v63  }
0x332: {  	_ =	swait.ge [sflag:s5], $0x4000  }
0x333: {  	[sflag:s5] =	ssyncset.done $0x0  }
0x334: {  	s19 =	simm.s32 $0x400;
	[sflag:s5] =	ssyncadd.s32 $0xFFFFC000  }
0x335: {  	[tilespmem:s10], [sflag:$0x1] =	stream.indirect.gather [hbm4b:s8+s9], $0x80, s19, s9, $0xb8;
	[tilespmem:$0x1D000] =	vst v63  }
0x336: {  	_ =	swait.ge [sflag:s14], $0x4000  }
0x337: {  	[sflag:s14] =	ssyncset.done $0x0  }
0x338: {  	s23 =	simm.s32 $0xB80;
	[sflag:s14] =	ssyncadd.s32 $0xFFFFC000  }
0x339: {  	[spmem:s2] =	stream.indirect.scatter.add.f32 [tilespmem:s11], [sflag:$0x3], $0x80, s23, s9, $0xb8;
	[tilespmem:$0x1D000] =	vst v63  }
0x33a: {  	_ =	swait.ge [sflag:s5], $0x4000  }
0x33b: {  	[sflag:s5] =	ssyncset.done $0x0  }
0x33c: {  	s28 =	simm.s32 $0x480;
	[sflag:s5] =	ssyncadd.s32 $0xFFFFC000  }
0x33d: {  	[tilespmem:s11], [sflag:$0x2] =	stream.indirect.gather [hbm4b:s8+s9], $0x80, s28, s9, $0xb8;
	[tilespmem:$0x1D000] =	vst v63  }
0x33e: {  	_ =	swait.ge [sflag:s12], $0x4000  }
0x33f: {  	[sflag:s12] =	ssyncset.done $0x0  }
0x340: {  	s3 =	simm.s32 $0xC00;
	[sflag:s12] =	ssyncadd.s32 $0xFFFFC000  }
0x341: {  	[spmem:s2] =	stream.indirect.scatter.add.f32 [tilespmem:s10], [sflag:$0x3], $0x80, s3, s9, $0xb8;
	[tilespmem:$0x1D000] =	vst v63  }
0x342: {  	_ =	swait.ge [sflag:s5], $0x4000  }
0x343: {  	[sflag:s5] =	ssyncset.done $0x0  }
0x344: {  	s29 =	simm.s32 $0x500;
	[sflag:s5] =	ssyncadd.s32 $0xFFFFC000  }
0x345: {  	[tilespmem:s10], [sflag:$0x1] =	stream.indirect.gather [hbm4b:s8+s9], $0x80, s29, s9, $0xb8;
	[tilespmem:$0x1D000] =	vst v63  }
0x346: {  	_ =	swait.ge [sflag:s14], $0x4000  }
0x347: {  	[sflag:s14] =	ssyncset.done $0x0  }
0x348: {  	s30 =	simm.s32 $0xC80;
	[sflag:s14] =	ssyncadd.s32 $0xFFFFC000  }
0x349: {  	[spmem:s2] =	stream.indirect.scatter.add.f32 [tilespmem:s11], [sflag:$0x3], $0x80, s30, s9, $0xb8;
	[tilespmem:$0x1D000] =	vst v63  }
0x34a: {  	_ =	swait.ge [sflag:s5], $0x4000  }
0x34b: {  	[sflag:s5] =	ssyncset.done $0x0  }
0x34c: {  	s31 =	simm.s32 $0x580;
	[sflag:s5] =	ssyncadd.s32 $0xFFFFC000  }
0x34d: {  	[tilespmem:s11], [sflag:$0x2] =	stream.indirect.gather [hbm4b:s8+s9], $0x80, s31, s9, $0xb8;
	[tilespmem:$0x1D000] =	vst v63  }
0x34e: {  	_ =	swait.ge [sflag:s12], $0x4000  }
0x34f: {  	[sflag:s12] =	ssyncset.done $0x0  }
0x350: {  	s4 =	simm.s32 $0xD00;
	[sflag:s12] =	ssyncadd.s32 $0xFFFFC000  }
0x351: {  	[spmem:s2] =	stream.indirect.scatter.add.f32 [tilespmem:s10], [sflag:$0x3], $0x80, s4, s9, $0xb8;
	[tilespmem:$0x1D000] =	vst v63  }
0x352: {  	_ =	swait.ge [sflag:s5], $0x4000  }
0x353: {  	[sflag:s5] =	ssyncset.done $0x0  }
0x354: {  	s7 =	simm.s32 $0x600;
	[sflag:s5] =	ssyncadd.s32 $0xFFFFC000  }
0x355: {  	[tilespmem:s10], [sflag:$0x1] =	stream.indirect.gather [hbm4b:s8+s9], $0x80, s7, s9, $0xb8;
	[tilespmem:$0x1D000] =	vst v63  }
0x356: {  	_ =	swait.ge [sflag:s14], $0x4000  }
0x357: {  	[sflag:s14] =	ssyncset.done $0x0  }
0x358: {  	s15 =	simm.s32 $0xD80;
	[sflag:s14] =	ssyncadd.s32 $0xFFFFC000  }
0x359: {  	[spmem:s2] =	stream.indirect.scatter.add.f32 [tilespmem:s11], [sflag:$0x3], $0x80, s15, s9, $0xb8;
	[tilespmem:$0x1D000] =	vst v63  }
0x35a: {  	_ =	swait.ge [sflag:s5], $0x4000  }
0x35b: {  	[sflag:s5] =	ssyncset.done $0x0  }
0x35c: {  	s16 =	simm.s32 $0x680;
	[sflag:s5] =	ssyncadd.s32 $0xFFFFC000  }
0x35d: {  	[tilespmem:s11], [sflag:$0x2] =	stream.indirect.gather [hbm4b:s8+s9], $0x80, s16, s9, $0xb8;
	[tilespmem:$0x1D000] =	vst v63  }
0x35e: {  	_ =	swait.ge [sflag:s12], $0x4000  }
0x35f: {  	[sflag:s12] =	ssyncset.done $0x0  }
0x360: {  	s17 =	simm.s32 $0xE00;
	[sflag:s12] =	ssyncadd.s32 $0xFFFFC000  }
0x361: {  	[spmem:s2] =	stream.indirect.scatter.add.f32 [tilespmem:s10], [sflag:$0x3], $0x80, s17, s9, $0xb8;
	[tilespmem:$0x1D000] =	vst v63  }
0x362: {  	_ =	swait.ge [sflag:s5], $0x4000  }
0x363: {  	[sflag:s5] =	ssyncset.done $0x0  }
0x364: {  	s18 =	simm.s32 $0x700;
	[sflag:s5] =	ssyncadd.s32 $0xFFFFC000  }
0x365: {  	[tilespmem:s10], [sflag:$0x1] =	stream.indirect.gather [hbm4b:s8+s9], $0x80, s18, s9, $0xb8;
	[tilespmem:$0x1D000] =	vst v63  }
0x366: {  	_ =	swait.ge [sflag:s14], $0x4000  }
0x367: {  	[sflag:s14] =	ssyncset.done $0x0  }
0x368: {  	s19 =	simm.s32 $0xE80;
	[sflag:s14] =	ssyncadd.s32 $0xFFFFC000  }
0x369: {  	[spmem:s2] =	stream.indirect.scatter.add.f32 [tilespmem:s11], [sflag:$0x3], $0x80, s19, s9, $0xb8;
	[tilespmem:$0x1D000] =	vst v63  }
0x36a: {  	_ =	swait.ge [sflag:s5], $0x4000  }
0x36b: {  	[sflag:s5] =	ssyncset.done $0x0  }
0x36c: {  	s28 =	simm.s32 $0x780;
	[sflag:s5] =	ssyncadd.s32 $0xFFFFC000  }
0x36d: {  	[tilespmem:s11], [sflag:$0x2] =	stream.indirect.gather [hbm4b:s8+s9], $0x80, s28, s9, $0xb8;
	[tilespmem:$0x1D000] =	vst v63  }
0x36e: {  	_ =	swait.ge [sflag:s12], $0x4000  }
0x36f: {  	[sflag:s12] =	ssyncset.done $0x0  }
0x370: {  	s29 =	simm.s32 $0xF00;
	[sflag:s12] =	ssyncadd.s32 $0xFFFFC000  }
0x371: {  	[spmem:s2] =	stream.indirect.scatter.add.f32 [tilespmem:s10], [sflag:$0x3], $0x80, s29, s9, $0xb8;
	[tilespmem:$0x1D000] =	vst v63  }
0x372: {  	_ =	swait.ge [sflag:s5], $0x4000  }
0x373: {  	[sflag:s5] =	ssyncset.done $0x0  }
0x374: {  	[sflag:s5] =	ssyncadd.s32 $0xFFFFC000  }
0x375: {  	[tilespmem:s10], [sflag:$0x1] =	stream.indirect.gather [hbm4b:s8+s9], $0x80, s13, s9, $0xb8;
	[tilespmem:$0x1D000] =	vst v63  }
0x376: {  	_ =	swait.ge [sflag:s14], $0x4000  }
0x377: {  	[sflag:s14] =	ssyncset.done $0x0  }
0x378: {  	s30 =	simm.s32 $0xF80;
	[sflag:s14] =	ssyncadd.s32 $0xFFFFC000  }
0x379: {  	[spmem:s2] =	stream.indirect.scatter.add.f32 [tilespmem:s11], [sflag:$0x3], $0x80, s30, s9, $0xb8;
	[tilespmem:$0x1D000] =	vst v63  }
0x37a: {  	_ =	swait.ge [sflag:s5], $0x4000  }
0x37b: {  	[sflag:s5] =	ssyncset.done $0x0  }
0x37c: {  	[sflag:s5] =	ssyncadd.s32 $0xFFFFC000  }
0x37d: {  	_ =	swait.ge [sflag:s12], $0x4000  }
0x37e: {  	[sflag:s12] =	ssyncset.done $0x0  }
0x37f: {  	s31 =	rddreg [dreg:$0x6];
	[sflag:s12] =	ssyncadd.s32 $0xFFFFC000  }
0x380: {  	[tilespmem:s13], [sflag:$0x3] =	stream.linear.gather [hbm4b:s31+s13], $0x800, $0x38;
	[tilespmem:$0x1D000] =	vst v63  }
0x381: {  	_ =	swait.ge [sflag:s5], $0x800  }
0x382: {  	[sflag:s5] =	ssyncset.done $0x0  }
0x383: {  	s3 =	rddreg [dreg:$0x7];
	[sflag:s5] =	ssyncadd.s32 $0xFFFFF800  }
0x384: {  	[tilespmem:s0], [sflag:$0x3] =	stream.linear.gather [hbm4b:s3+s13], $0x800, $0x38;
	[tilespmem:$0x1D000] =	vst v63  }
0x385: {  	_ =	swait.ge [sflag:s5], $0x800  }
0x386: {  	[sflag:s5] =	ssyncset.done $0x0  }
0x387: {  	[sflag:s5] =	ssyncadd.s32 $0xFFFFF800  }
0x388: {  	[tilespmem:s10], [sflag:$0x1] =	stream.indirect.gather [hbm4b:s8+s9], $0x80, s13, s9, $0xb8;
	[tilespmem:$0x1D000] =	vst v63  }
0x389: {  	_ = 	snop  }
0x38a: {  	[tilespmem:s11], [sflag:$0x2] =	stream.indirect.gather [hbm4b:s8+s9], $0x80, s9, s9, $0xb8;
	[tilespmem:$0x1D000] =	vst v63  }
0x38b: {  	_ =	swait.ge [sflag:s12], $0x4000  }
0x38c: {  	[sflag:s12] =	ssyncset.done $0x0  }
0x38d: {  	[sflag:s12] =	ssyncadd.s32 $0xFFFFC000  }
0x38e: {  	[spmem:s2] =	stream.indirect.scatter.add.f32 [tilespmem:s10], [sflag:$0x3], $0x80, s0, s9, $0xb8;
	[tilespmem:$0x1D000] =	vst v63  }
0x38f: {  	_ =	swait.ge [sflag:s5], $0x4000  }
0x390: {  	[sflag:s5] =	ssyncset.done $0x0  }
0x391: {  	s6 =	simm.s32 $0x100;
	[sflag:s5] =	ssyncadd.s32 $0xFFFFC000  }
0x392: {  	[tilespmem:s10], [sflag:$0x1] =	stream.indirect.gather [hbm4b:s8+s9], $0x80, s6, s9, $0xb8;
	[tilespmem:$0x1D000] =	vst v63  }
0x393: {  	_ =	swait.ge [sflag:s14], $0x4000  }
0x394: {  	[sflag:s14] =	ssyncset.done $0x0  }
0x395: {  	s20 =	simm.s32 $0x880;
	[sflag:s14] =	ssyncadd.s32 $0xFFFFC000  }
0x396: {  	[spmem:s2] =	stream.indirect.scatter.add.f32 [tilespmem:s11], [sflag:$0x3], $0x80, s20, s9, $0xb8;
	[tilespmem:$0x1D000] =	vst v63  }
0x397: {  	_ =	swait.ge [sflag:s5], $0x4000  }
0x398: {  	[sflag:s5] =	ssyncset.done $0x0  }
0x399: {  	s21 =	simm.s32 $0x180;
	[sflag:s5] =	ssyncadd.s32 $0xFFFFC000  }
0x39a: {  	[tilespmem:s11], [sflag:$0x2] =	stream.indirect.gather [hbm4b:s8+s9], $0x80, s21, s9, $0xb8;
	[tilespmem:$0x1D000] =	vst v63  }
0x39b: {  	_ =	swait.ge [sflag:s12], $0x4000  }
0x39c: {  	[sflag:s12] =	ssyncset.done $0x0  }
0x39d: {  	s25 =	simm.s32 $0x900;
	[sflag:s12] =	ssyncadd.s32 $0xFFFFC000  }
0x39e: {  	[spmem:s2] =	stream.indirect.scatter.add.f32 [tilespmem:s10], [sflag:$0x3], $0x80, s25, s9, $0xb8;
	[tilespmem:$0x1D000] =	vst v63  }
0x39f: {  	_ =	swait.ge [sflag:s5], $0x4000  }
0x3a0: {  	[sflag:s5] =	ssyncset.done $0x0  }
0x3a1: {  	s26 =	simm.s32 $0x200;
	[sflag:s5] =	ssyncadd.s32 $0xFFFFC000  }
0x3a2: {  	[tilespmem:s10], [sflag:$0x1] =	stream.indirect.gather [hbm4b:s8+s9], $0x80, s26, s9, $0xb8;
	[tilespmem:$0x1D000] =	vst v63  }
0x3a3: {  	_ =	swait.ge [sflag:s14], $0x4000  }
0x3a4: {  	[sflag:s14] =	ssyncset.done $0x0  }
0x3a5: {  	s1 =	simm.s32 $0x980;
	[sflag:s14] =	ssyncadd.s32 $0xFFFFC000  }
0x3a6: {  	[spmem:s2] =	stream.indirect.scatter.add.f32 [tilespmem:s11], [sflag:$0x3], $0x80, s1, s9, $0xb8;
	[tilespmem:$0x1D000] =	vst v63  }
0x3a7: {  	_ =	swait.ge [sflag:s5], $0x4000  }
0x3a8: {  	[sflag:s5] =	ssyncset.done $0x0  }
0x3a9: {  	s3 =	simm.s32 $0x280;
	[sflag:s5] =	ssyncadd.s32 $0xFFFFC000  }
0x3aa: {  	[tilespmem:s11], [sflag:$0x2] =	stream.indirect.gather [hbm4b:s8+s9], $0x80, s3, s9, $0xb8;
	[tilespmem:$0x1D000] =	vst v63  }
0x3ab: {  	_ =	swait.ge [sflag:s12], $0x4000  }
0x3ac: {  	[sflag:s12] =	ssyncset.done $0x0  }
0x3ad: {  	s20 =	simm.s32 $0xA00;
	[sflag:s12] =	ssyncadd.s32 $0xFFFFC000  }
0x3ae: {  	[spmem:s2] =	stream.indirect.scatter.add.f32 [tilespmem:s10], [sflag:$0x3], $0x80, s20, s9, $0xb8;
	[tilespmem:$0x1D000] =	vst v63  }
0x3af: {  	_ =	swait.ge [sflag:s5], $0x4000  }
0x3b0: {  	[sflag:s5] =	ssyncset.done $0x0  }
0x3b1: {  	s21 =	simm.s32 $0x300;
	[sflag:s5] =	ssyncadd.s32 $0xFFFFC000  }
0x3b2: {  	[tilespmem:s10], [sflag:$0x1] =	stream.indirect.gather [hbm4b:s8+s9], $0x80, s21, s9, $0xb8;
	[tilespmem:$0x1D000] =	vst v63  }
0x3b3: {  	_ =	swait.ge [sflag:s14], $0x4000  }
0x3b4: {  	[sflag:s14] =	ssyncset.done $0x0  }
0x3b5: {  	s24 =	simm.s32 $0xA80;
	[sflag:s14] =	ssyncadd.s32 $0xFFFFC000  }
0x3b6: {  	[spmem:s2] =	stream.indirect.scatter.add.f32 [tilespmem:s11], [sflag:$0x3], $0x80, s24, s9, $0xb8;
	[tilespmem:$0x1D000] =	vst v63  }
0x3b7: {  	_ =	swait.ge [sflag:s5], $0x4000  }
0x3b8: {  	[sflag:s5] =	ssyncset.done $0x0  }
0x3b9: {  	s1 =	simm.s32 $0x380;
	[sflag:s5] =	ssyncadd.s32 $0xFFFFC000  }
0x3ba: {  	[tilespmem:s11], [sflag:$0x2] =	stream.indirect.gather [hbm4b:s8+s9], $0x80, s1, s9, $0xb8;
	[tilespmem:$0x1D000] =	vst v63  }
0x3bb: {  	_ =	swait.ge [sflag:s12], $0x4000  }
0x3bc: {  	[sflag:s12] =	ssyncset.done $0x0  }
0x3bd: {  	s25 =	simm.s32 $0xB00;
	[sflag:s12] =	ssyncadd.s32 $0xFFFFC000  }
0x3be: {  	[spmem:s2] =	stream.indirect.scatter.add.f32 [tilespmem:s10], [sflag:$0x3], $0x80, s25, s9, $0xb8;
	[tilespmem:$0x1D000] =	vst v63  }
0x3bf: {  	_ =	swait.ge [sflag:s5], $0x4000  }
0x3c0: {  	[sflag:s5] =	ssyncset.done $0x0  }
0x3c1: {  	s26 =	simm.s32 $0x400;
	[sflag:s5] =	ssyncadd.s32 $0xFFFFC000  }
0x3c2: {  	[tilespmem:s10], [sflag:$0x1] =	stream.indirect.gather [hbm4b:s8+s9], $0x80, s26, s9, $0xb8;
	[tilespmem:$0x1D000] =	vst v63  }
0x3c3: {  	_ =	swait.ge [sflag:s14], $0x4000  }
0x3c4: {  	[sflag:s14] =	ssyncset.done $0x0  }
0x3c5: {  	s28 =	simm.s32 $0xB80;
	[sflag:s14] =	ssyncadd.s32 $0xFFFFC000  }
0x3c6: {  	[spmem:s2] =	stream.indirect.scatter.add.f32 [tilespmem:s11], [sflag:$0x3], $0x80, s28, s9, $0xb8;
	[tilespmem:$0x1D000] =	vst v63  }
0x3c7: {  	_ =	swait.ge [sflag:s5], $0x4000  }
0x3c8: {  	[sflag:s5] =	ssyncset.done $0x0  }
0x3c9: {  	s29 =	simm.s32 $0x480;
	[sflag:s5] =	ssyncadd.s32 $0xFFFFC000  }
0x3ca: {  	[tilespmem:s11], [sflag:$0x2] =	stream.indirect.gather [hbm4b:s8+s9], $0x80, s29, s9, $0xb8;
	[tilespmem:$0x1D000] =	vst v63  }
0x3cb: {  	_ =	swait.ge [sflag:s12], $0x4000  }
0x3cc: {  	[sflag:s12] =	ssyncset.done $0x0  }
0x3cd: {  	s30 =	simm.s32 $0xC00;
	[sflag:s12] =	ssyncadd.s32 $0xFFFFC000  }
0x3ce: {  	[spmem:s2] =	stream.indirect.scatter.add.f32 [tilespmem:s10], [sflag:$0x3], $0x80, s30, s9, $0xb8;
	[tilespmem:$0x1D000] =	vst v63  }
0x3cf: {  	_ =	swait.ge [sflag:s5], $0x4000  }
0x3d0: {  	[sflag:s5] =	ssyncset.done $0x0  }
0x3d1: {  	s31 =	simm.s32 $0x500;
	[sflag:s5] =	ssyncadd.s32 $0xFFFFC000  }
0x3d2: {  	[tilespmem:s10], [sflag:$0x1] =	stream.indirect.gather [hbm4b:s8+s9], $0x80, s31, s9, $0xb8;
	[tilespmem:$0x1D000] =	vst v63  }
0x3d3: {  	_ =	swait.ge [sflag:s14], $0x4000  }
0x3d4: {  	[sflag:s14] =	ssyncset.done $0x0  }
0x3d5: {  	s24 =	simm.s32 $0xC80;
	[sflag:s14] =	ssyncadd.s32 $0xFFFFC000  }
0x3d6: {  	[spmem:s2] =	stream.indirect.scatter.add.f32 [tilespmem:s11], [sflag:$0x3], $0x80, s24, s9, $0xb8;
	[tilespmem:$0x1D000] =	vst v63  }
0x3d7: {  	_ =	swait.ge [sflag:s5], $0x4000  }
0x3d8: {  	[sflag:s5] =	ssyncset.done $0x0  }
0x3d9: {  	s6 =	simm.s32 $0x580;
	[sflag:s5] =	ssyncadd.s32 $0xFFFFC000  }
0x3da: {  	[tilespmem:s11], [sflag:$0x2] =	stream.indirect.gather [hbm4b:s8+s9], $0x80, s6, s9, $0xb8;
	[tilespmem:$0x1D000] =	vst v63  }
0x3db: {  	_ =	swait.ge [sflag:s12], $0x4000  }
0x3dc: {  	[sflag:s12] =	ssyncset.done $0x0  }
0x3dd: {  	s23 =	simm.s32 $0xD00;
	[sflag:s12] =	ssyncadd.s32 $0xFFFFC000  }
0x3de: {  	[spmem:s2] =	stream.indirect.scatter.add.f32 [tilespmem:s10], [sflag:$0x3], $0x80, s23, s9, $0xb8;
	[tilespmem:$0x1D000] =	vst v63  }
0x3df: {  	_ =	swait.ge [sflag:s5], $0x4000  }
0x3e0: {  	[sflag:s5] =	ssyncset.done $0x0  }
0x3e1: {  	s4 =	simm.s32 $0x600;
	[sflag:s5] =	ssyncadd.s32 $0xFFFFC000  }
0x3e2: {  	[tilespmem:s10], [sflag:$0x1] =	stream.indirect.gather [hbm4b:s8+s9], $0x80, s4, s9, $0xb8;
	[tilespmem:$0x1D000] =	vst v63  }
0x3e3: {  	_ =	swait.ge [sflag:s14], $0x4000  }
0x3e4: {  	[sflag:s14] =	ssyncset.done $0x0  }
0x3e5: {  	s23 =	simm.s32 $0xD80;
	[sflag:s14] =	ssyncadd.s32 $0xFFFFC000  }
0x3e6: {  	[spmem:s2] =	stream.indirect.scatter.add.f32 [tilespmem:s11], [sflag:$0x3], $0x80, s23, s9, $0xb8;
	[tilespmem:$0x1D000] =	vst v63  }
0x3e7: {  	_ =	swait.ge [sflag:s5], $0x4000  }
0x3e8: {  	[sflag:s5] =	ssyncset.done $0x0  }
0x3e9: {  	s7 =	simm.s32 $0x680;
	[sflag:s5] =	ssyncadd.s32 $0xFFFFC000  }
0x3ea: {  	[tilespmem:s11], [sflag:$0x2] =	stream.indirect.gather [hbm4b:s8+s9], $0x80, s7, s9, $0xb8;
	[tilespmem:$0x1D000] =	vst v63  }
0x3eb: {  	_ =	swait.ge [sflag:s12], $0x4000  }
0x3ec: {  	[sflag:s12] =	ssyncset.done $0x0  }
0x3ed: {  	s23 =	simm.s32 $0xE00;
	[sflag:s12] =	ssyncadd.s32 $0xFFFFC000  }
0x3ee: {  	[spmem:s2] =	stream.indirect.scatter.add.f32 [tilespmem:s10], [sflag:$0x3], $0x80, s23, s9, $0xb8;
	[tilespmem:$0x1D000] =	vst v63  }
0x3ef: {  	_ =	swait.ge [sflag:s5], $0x4000  }
0x3f0: {  	[sflag:s5] =	ssyncset.done $0x0  }
0x3f1: {  	s15 =	simm.s32 $0x700;
	[sflag:s5] =	ssyncadd.s32 $0xFFFFC000  }
0x3f2: {  	[tilespmem:s10], [sflag:$0x1] =	stream.indirect.gather [hbm4b:s8+s9], $0x80, s15, s9, $0xb8;
	[tilespmem:$0x1D000] =	vst v63  }
0x3f3: {  	_ =	swait.ge [sflag:s14], $0x4000  }
0x3f4: {  	[sflag:s14] =	ssyncset.done $0x0  }
0x3f5: {  	s16 =	simm.s32 $0xE80;
	[sflag:s14] =	ssyncadd.s32 $0xFFFFC000  }
0x3f6: {  	[spmem:s2] =	stream.indirect.scatter.add.f32 [tilespmem:s11], [sflag:$0x3], $0x80, s16, s9, $0xb8;
	[tilespmem:$0x1D000] =	vst v63  }
0x3f7: {  	_ =	swait.ge [sflag:s5], $0x4000  }
0x3f8: {  	[sflag:s5] =	ssyncset.done $0x0  }
0x3f9: {  	s17 =	simm.s32 $0x780;
	[sflag:s5] =	ssyncadd.s32 $0xFFFFC000  }
0x3fa: {  	[tilespmem:s11], [sflag:$0x2] =	stream.indirect.gather [hbm4b:s8+s9], $0x80, s17, s9, $0xb8;
	[tilespmem:$0x1D000] =	vst v63  }
0x3fb: {  	_ =	swait.ge [sflag:s12], $0x4000  }
0x3fc: {  	[sflag:s12] =	ssyncset.done $0x0  }
0x3fd: {  	s18 =	simm.s32 $0xF00;
	[sflag:s12] =	ssyncadd.s32 $0xFFFFC000  }
0x3fe: {  	[spmem:s2] =	stream.indirect.scatter.add.f32 [tilespmem:s10], [sflag:$0x3], $0x80, s18, s9, $0xb8;
	[tilespmem:$0x1D000] =	vst v63  }
0x3ff: {  	_ =	swait.ge [sflag:s5], $0x4000  }
0x400: {  	[sflag:s5] =	ssyncset.done $0x0  }
0x401: {  	[sflag:s5] =	ssyncadd.s32 $0xFFFFC000  }
0x402: {  	[tilespmem:s10], [sflag:$0x1] =	stream.indirect.gather [hbm4b:s8+s9], $0x80, s13, s9, $0xb8;
	[tilespmem:$0x1D000] =	vst v63  }
0x403: {  	_ =	swait.ge [sflag:s14], $0x4000  }
0x404: {  	[sflag:s14] =	ssyncset.done $0x0  }
0x405: {  	s19 =	simm.s32 $0xF80;
	[sflag:s14] =	ssyncadd.s32 $0xFFFFC000  }
0x406: {  	[spmem:s2] =	stream.indirect.scatter.add.f32 [tilespmem:s11], [sflag:$0x3], $0x80, s19, s9, $0xb8;
	[tilespmem:$0x1D000] =	vst v63  }
0x407: {  	_ =	swait.ge [sflag:s5], $0x4000  }
0x408: {  	[sflag:s5] =	ssyncset.done $0x0  }
0x409: {  	[sflag:s5] =	ssyncadd.s32 $0xFFFFC000  }
0x40a: {  	_ =	swait.ge [sflag:s12], $0x4000  }
0x40b: {  	[sflag:s12] =	ssyncset.done $0x0  }
0x40c: {  	s23 =	rddreg [dreg:$0x8];
	[sflag:s12] =	ssyncadd.s32 $0xFFFFC000  }
0x40d: {  	[tilespmem:s13], [sflag:$0x3] =	stream.linear.gather [hbm4b:s23+s13], $0x800, $0x38;
	[tilespmem:$0x1D000] =	vst v63  }
0x40e: {  	_ =	swait.ge [sflag:s5], $0x800  }
0x40f: {  	[sflag:s5] =	ssyncset.done $0x0  }
0x410: {  	s23 =	rddreg [dreg:$0x9];
	[sflag:s5] =	ssyncadd.s32 $0xFFFFF800  }
0x411: {  	[tilespmem:s0], [sflag:$0x3] =	stream.linear.gather [hbm4b:s23+s13], $0x800, $0x38;
	[tilespmem:$0x1D000] =	vst v63  }
0x412: {  	_ =	swait.ge [sflag:s5], $0x800  }
0x413: {  	[sflag:s5] =	ssyncset.done $0x0  }
0x414: {  	[sflag:s5] =	ssyncadd.s32 $0xFFFFF800  }
0x415: {  	[tilespmem:s10], [sflag:$0x1] =	stream.indirect.gather [hbm4b:s8+s9], $0x80, s13, s9, $0xb8;
	[tilespmem:$0x1D000] =	vst v63  }
0x416: {  	_ = 	snop  }
0x417: {  	[tilespmem:s11], [sflag:$0x2] =	stream.indirect.gather [hbm4b:s8+s9], $0x80, s9, s9, $0xb8;
	[tilespmem:$0x1D000] =	vst v63  }
0x418: {  	_ =	swait.ge [sflag:s12], $0x4000  }
0x419: {  	[sflag:s12] =	ssyncset.done $0x0  }
0x41a: {  	[sflag:s12] =	ssyncadd.s32 $0xFFFFC000  }
0x41b: {  	[spmem:s2] =	stream.indirect.scatter.add.f32 [tilespmem:s10], [sflag:$0x3], $0x80, s0, s9, $0xb8;
	[tilespmem:$0x1D000] =	vst v63  }
0x41c: {  	_ =	swait.ge [sflag:s5], $0x4000  }
0x41d: {  	[sflag:s5] =	ssyncset.done $0x0  }
0x41e: {  	s23 =	simm.s32 $0x100;
	[sflag:s5] =	ssyncadd.s32 $0xFFFFC000  }
0x41f: {  	[tilespmem:s10], [sflag:$0x1] =	stream.indirect.gather [hbm4b:s8+s9], $0x80, s23, s9, $0xb8;
	[tilespmem:$0x1D000] =	vst v63  }
0x420: {  	_ =	swait.ge [sflag:s14], $0x4000  }
0x421: {  	[sflag:s14] =	ssyncset.done $0x0  }
0x422: {  	s23 =	simm.s32 $0x880;
	[sflag:s14] =	ssyncadd.s32 $0xFFFFC000  }
0x423: {  	[spmem:s2] =	stream.indirect.scatter.add.f32 [tilespmem:s11], [sflag:$0x3], $0x80, s23, s9, $0xb8;
	[tilespmem:$0x1D000] =	vst v63  }
0x424: {  	_ =	swait.ge [sflag:s5], $0x4000  }
0x425: {  	[sflag:s5] =	ssyncset.done $0x0  }
0x426: {  	s23 =	simm.s32 $0x180;
	[sflag:s5] =	ssyncadd.s32 $0xFFFFC000  }
0x427: {  	[tilespmem:s11], [sflag:$0x2] =	stream.indirect.gather [hbm4b:s8+s9], $0x80, s23, s9, $0xb8;
	[tilespmem:$0x1D000] =	vst v63  }
0x428: {  	_ =	swait.ge [sflag:s12], $0x4000  }
0x429: {  	[sflag:s12] =	ssyncset.done $0x0  }
0x42a: {  	s23 =	simm.s32 $0x900;
	[sflag:s12] =	ssyncadd.s32 $0xFFFFC000  }
0x42b: {  	[spmem:s2] =	stream.indirect.scatter.add.f32 [tilespmem:s10], [sflag:$0x3], $0x80, s23, s9, $0xb8;
	[tilespmem:$0x1D000] =	vst v63  }
0x42c: {  	_ =	swait.ge [sflag:s5], $0x4000  }
0x42d: {  	[sflag:s5] =	ssyncset.done $0x0  }
0x42e: {  	s23 =	simm.s32 $0x200;
	[sflag:s5] =	ssyncadd.s32 $0xFFFFC000  }
0x42f: {  	[tilespmem:s10], [sflag:$0x1] =	stream.indirect.gather [hbm4b:s8+s9], $0x80, s23, s9, $0xb8;
	[tilespmem:$0x1D000] =	vst v63  }
0x430: {  	_ =	swait.ge [sflag:s14], $0x4000  }
0x431: {  	[sflag:s14] =	ssyncset.done $0x0  }
0x432: {  	s23 =	simm.s32 $0x980;
	[sflag:s14] =	ssyncadd.s32 $0xFFFFC000  }
0x433: {  	[spmem:s2] =	stream.indirect.scatter.add.f32 [tilespmem:s11], [sflag:$0x3], $0x80, s23, s9, $0xb8;
	[tilespmem:$0x1D000] =	vst v63  }
0x434: {  	_ =	swait.ge [sflag:s5], $0x4000  }
0x435: {  	[sflag:s5] =	ssyncset.done $0x0  }
0x436: {  	[sflag:s5] =	ssyncadd.s32 $0xFFFFC000  }
0x437: {  	[tilespmem:s11], [sflag:$0x2] =	stream.indirect.gather [hbm4b:s8+s9], $0x80, s3, s9, $0xb8;
	[tilespmem:$0x1D000] =	vst v63  }
0x438: {  	_ =	swait.ge [sflag:s12], $0x4000  }
0x439: {  	[sflag:s12] =	ssyncset.done $0x0  }
0x43a: {  	[sflag:s12] =	ssyncadd.s32 $0xFFFFC000  }
0x43b: {  	[spmem:s2] =	stream.indirect.scatter.add.f32 [tilespmem:s10], [sflag:$0x3], $0x80, s20, s9, $0xb8;
	[tilespmem:$0x1D000] =	vst v63  }
0x43c: {  	_ =	swait.ge [sflag:s5], $0x4000  }
0x43d: {  	[sflag:s5] =	ssyncset.done $0x0  }
0x43e: {  	[sflag:s5] =	ssyncadd.s32 $0xFFFFC000  }
0x43f: {  	[tilespmem:s10], [sflag:$0x1] =	stream.indirect.gather [hbm4b:s8+s9], $0x80, s21, s9, $0xb8;
	[tilespmem:$0x1D000] =	vst v63  }
0x440: {  	_ =	swait.ge [sflag:s14], $0x4000  }
0x441: {  	[sflag:s14] =	ssyncset.done $0x0  }
0x442: {  	s23 =	simm.s32 $0xA80;
	[sflag:s14] =	ssyncadd.s32 $0xFFFFC000  }
0x443: {  	[spmem:s2] =	stream.indirect.scatter.add.f32 [tilespmem:s11], [sflag:$0x3], $0x80, s23, s9, $0xb8;
	[tilespmem:$0x1D000] =	vst v63  }
0x444: {  	_ =	swait.ge [sflag:s5], $0x4000  }
0x445: {  	[sflag:s5] =	ssyncset.done $0x0  }
0x446: {  	[sflag:s5] =	ssyncadd.s32 $0xFFFFC000  }
0x447: {  	[tilespmem:s11], [sflag:$0x2] =	stream.indirect.gather [hbm4b:s8+s9], $0x80, s1, s9, $0xb8;
	[tilespmem:$0x1D000] =	vst v63  }
0x448: {  	_ =	swait.ge [sflag:s12], $0x4000  }
0x449: {  	[sflag:s12] =	ssyncset.done $0x0  }
0x44a: {  	[sflag:s12] =	ssyncadd.s32 $0xFFFFC000  }
0x44b: {  	[spmem:s2] =	stream.indirect.scatter.add.f32 [tilespmem:s10], [sflag:$0x3], $0x80, s25, s9, $0xb8;
	[tilespmem:$0x1D000] =	vst v63  }
0x44c: {  	_ =	swait.ge [sflag:s5], $0x4000  }
0x44d: {  	[sflag:s5] =	ssyncset.done $0x0  }
0x44e: {  	[sflag:s5] =	ssyncadd.s32 $0xFFFFC000  }
0x44f: {  	[tilespmem:s10], [sflag:$0x1] =	stream.indirect.gather [hbm4b:s8+s9], $0x80, s26, s9, $0xb8;
	[tilespmem:$0x1D000] =	vst v63  }
0x450: {  	_ =	swait.ge [sflag:s14], $0x4000  }
0x451: {  	[sflag:s14] =	ssyncset.done $0x0  }
0x452: {  	[sflag:s14] =	ssyncadd.s32 $0xFFFFC000  }
0x453: {  	[spmem:s2] =	stream.indirect.scatter.add.f32 [tilespmem:s11], [sflag:$0x3], $0x80, s28, s9, $0xb8;
	[tilespmem:$0x1D000] =	vst v63  }
0x454: {  	_ =	swait.ge [sflag:s5], $0x4000  }
0x455: {  	[sflag:s5] =	ssyncset.done $0x0  }
0x456: {  	[sflag:s5] =	ssyncadd.s32 $0xFFFFC000  }
0x457: {  	[tilespmem:s11], [sflag:$0x2] =	stream.indirect.gather [hbm4b:s8+s9], $0x80, s29, s9, $0xb8;
	[tilespmem:$0x1D000] =	vst v63  }
0x458: {  	_ =	swait.ge [sflag:s12], $0x4000  }
0x459: {  	[sflag:s12] =	ssyncset.done $0x0  }
0x45a: {  	[sflag:s12] =	ssyncadd.s32 $0xFFFFC000  }
0x45b: {  	[spmem:s2] =	stream.indirect.scatter.add.f32 [tilespmem:s10], [sflag:$0x3], $0x80, s30, s9, $0xb8;
	[tilespmem:$0x1D000] =	vst v63  }
0x45c: {  	_ =	swait.ge [sflag:s5], $0x4000  }
0x45d: {  	[sflag:s5] =	ssyncset.done $0x0  }
0x45e: {  	[sflag:s5] =	ssyncadd.s32 $0xFFFFC000  }
0x45f: {  	[tilespmem:s10], [sflag:$0x1] =	stream.indirect.gather [hbm4b:s8+s9], $0x80, s31, s9, $0xb8;
	[tilespmem:$0x1D000] =	vst v63  }
0x460: {  	_ =	swait.ge [sflag:s14], $0x4000  }
0x461: {  	[sflag:s14] =	ssyncset.done $0x0  }
0x462: {  	[sflag:s14] =	ssyncadd.s32 $0xFFFFC000  }
0x463: {  	[spmem:s2] =	stream.indirect.scatter.add.f32 [tilespmem:s11], [sflag:$0x3], $0x80, s24, s9, $0xb8;
	[tilespmem:$0x1D000] =	vst v63  }
0x464: {  	_ =	swait.ge [sflag:s5], $0x4000  }
0x465: {  	[sflag:s5] =	ssyncset.done $0x0  }
0x466: {  	[sflag:s5] =	ssyncadd.s32 $0xFFFFC000  }
0x467: {  	[tilespmem:s11], [sflag:$0x2] =	stream.indirect.gather [hbm4b:s8+s9], $0x80, s6, s9, $0xb8;
	[tilespmem:$0x1D000] =	vst v63  }
0x468: {  	_ =	swait.ge [sflag:s12], $0x4000  }
0x469: {  	[sflag:s12] =	ssyncset.done $0x0  }
0x46a: {  	s24 =	simm.s32 $0xD00;
	[sflag:s12] =	ssyncadd.s32 $0xFFFFC000  }
0x46b: {  	[spmem:s2] =	stream.indirect.scatter.add.f32 [tilespmem:s10], [sflag:$0x3], $0x80, s24, s9, $0xb8;
	[tilespmem:$0x1D000] =	vst v63  }
0x46c: {  	_ =	swait.ge [sflag:s5], $0x4000  }
0x46d: {  	[sflag:s5] =	ssyncset.done $0x0  }
0x46e: {  	s4 =	simm.s32 $0x600;
	[sflag:s5] =	ssyncadd.s32 $0xFFFFC000  }
0x46f: {  	[tilespmem:s10], [sflag:$0x1] =	stream.indirect.gather [hbm4b:s8+s9], $0x80, s4, s9, $0xb8;
	[tilespmem:$0x1D000] =	vst v63  }
0x470: {  	_ =	swait.ge [sflag:s14], $0x4000  }
0x471: {  	[sflag:s14] =	ssyncset.done $0x0  }
0x472: {  	s6 =	simm.s32 $0xD80;
	[sflag:s14] =	ssyncadd.s32 $0xFFFFC000  }
0x473: {  	[spmem:s2] =	stream.indirect.scatter.add.f32 [tilespmem:s11], [sflag:$0x3], $0x80, s6, s9, $0xb8;
	[tilespmem:$0x1D000] =	vst v63  }
0x474: {  	_ =	swait.ge [sflag:s5], $0x4000  }
0x475: {  	[sflag:s5] =	ssyncset.done $0x0  }
0x476: {  	s7 =	simm.s32 $0x680;
	[sflag:s5] =	ssyncadd.s32 $0xFFFFC000  }
0x477: {  	[tilespmem:s11], [sflag:$0x2] =	stream.indirect.gather [hbm4b:s8+s9], $0x80, s7, s9, $0xb8;
	[tilespmem:$0x1D000] =	vst v63  }
0x478: {  	_ =	swait.ge [sflag:s12], $0x4000  }
0x479: {  	[sflag:s12] =	ssyncset.done $0x0  }
0x47a: {  	s7 =	simm.s32 $0xE00;
	[sflag:s12] =	ssyncadd.s32 $0xFFFFC000  }
0x47b: {  	[spmem:s2] =	stream.indirect.scatter.add.f32 [tilespmem:s10], [sflag:$0x3], $0x80, s7, s9, $0xb8;
	[tilespmem:$0x1D000] =	vst v63  }
0x47c: {  	_ =	swait.ge [sflag:s5], $0x4000  }
0x47d: {  	[sflag:s5] =	ssyncset.done $0x0  }
0x47e: {  	s15 =	simm.s32 $0x700;
	[sflag:s5] =	ssyncadd.s32 $0xFFFFC000  }
0x47f: {  	[tilespmem:s10], [sflag:$0x1] =	stream.indirect.gather [hbm4b:s8+s9], $0x80, s15, s9, $0xb8;
	[tilespmem:$0x1D000] =	vst v63  }
0x480: {  	_ =	swait.ge [sflag:s14], $0x4000  }
0x481: {  	[sflag:s14] =	ssyncset.done $0x0  }
0x482: {  	s16 =	simm.s32 $0xE80;
	[sflag:s14] =	ssyncadd.s32 $0xFFFFC000  }
0x483: {  	[spmem:s2] =	stream.indirect.scatter.add.f32 [tilespmem:s11], [sflag:$0x3], $0x80, s16, s9, $0xb8;
	[tilespmem:$0x1D000] =	vst v63  }
0x484: {  	_ =	swait.ge [sflag:s5], $0x4000  }
0x485: {  	[sflag:s5] =	ssyncset.done $0x0  }
0x486: {  	s17 =	simm.s32 $0x780;
	[sflag:s5] =	ssyncadd.s32 $0xFFFFC000  }
0x487: {  	[tilespmem:s11], [sflag:$0x2] =	stream.indirect.gather [hbm4b:s8+s9], $0x80, s17, s9, $0xb8;
	[tilespmem:$0x1D000] =	vst v63  }
0x488: {  	_ =	swait.ge [sflag:s12], $0x4000  }
0x489: {  	[sflag:s12] =	ssyncset.done $0x0  }
0x48a: {  	s18 =	simm.s32 $0xF00;
	[sflag:s12] =	ssyncadd.s32 $0xFFFFC000  }
0x48b: {  	[spmem:s2] =	stream.indirect.scatter.add.f32 [tilespmem:s10], [sflag:$0x3], $0x80, s18, s9, $0xb8;
	[tilespmem:$0x1D000] =	vst v63  }
0x48c: {  	_ =	swait.ge [sflag:s5], $0x4000  }
0x48d: {  	[sflag:s5] =	ssyncset.done $0x0  }
0x48e: {  	[sflag:s5] =	ssyncadd.s32 $0xFFFFC000  }
0x48f: {  	[tilespmem:s10], [sflag:$0x1] =	stream.indirect.gather [hbm4b:s8+s9], $0x80, s13, s9, $0xb8;
	[tilespmem:$0x1D000] =	vst v63  }
0x490: {  	_ =	swait.ge [sflag:s14], $0x4000  }
0x491: {  	[sflag:s14] =	ssyncset.done $0x0  }
0x492: {  	s19 =	simm.s32 $0xF80;
	[sflag:s14] =	ssyncadd.s32 $0xFFFFC000  }
0x493: {  	[spmem:s2] =	stream.indirect.scatter.add.f32 [tilespmem:s11], [sflag:$0x3], $0x80, s19, s9, $0xb8;
	[tilespmem:$0x1D000] =	vst v63  }
0x494: {  	_ =	swait.ge [sflag:s5], $0x4000  }
0x495: {  	[sflag:s5] =	ssyncset.done $0x0  }
0x496: {  	[sflag:s5] =	ssyncadd.s32 $0xFFFFC000  }
0x497: {  	_ =	swait.ge [sflag:s12], $0x4000  }
0x498: {  	[sflag:s12] =	ssyncset.done $0x0  }
0x499: {  	s16 =	rddreg [dreg:$0xa];
	[sflag:s12] =	ssyncadd.s32 $0xFFFFC000  }
0x49a: {  	[tilespmem:s13], [sflag:$0x3] =	stream.linear.gather [hbm4b:s16+s13], $0x800, $0x38;
	[tilespmem:$0x1D000] =	vst v63  }
0x49b: {  	_ =	swait.ge [sflag:s5], $0x800  }
0x49c: {  	[sflag:s5] =	ssyncset.done $0x0  }
0x49d: {  	s17 =	rddreg [dreg:$0xb];
	[sflag:s5] =	ssyncadd.s32 $0xFFFFF800  }
0x49e: {  	[tilespmem:s0], [sflag:$0x3] =	stream.linear.gather [hbm4b:s17+s13], $0x800, $0x38;
	[tilespmem:$0x1D000] =	vst v63  }
0x49f: {  	_ =	swait.ge [sflag:s5], $0x800  }
0x4a0: {  	[sflag:s5] =	ssyncset.done $0x0  }
0x4a1: {  	[sflag:s5] =	ssyncadd.s32 $0xFFFFF800  }
0x4a2: {  	[tilespmem:s10], [sflag:$0x1] =	stream.indirect.gather [hbm4b:s8+s9], $0x80, s13, s9, $0xb8;
	[tilespmem:$0x1D000] =	vst v63  }
0x4a3: {  	_ = 	snop  }
0x4a4: {  	[tilespmem:s11], [sflag:$0x2] =	stream.indirect.gather [hbm4b:s8+s9], $0x80, s9, s9, $0xb8;
	[tilespmem:$0x1D000] =	vst v63  }
0x4a5: {  	_ =	swait.ge [sflag:s12], $0x4000  }
0x4a6: {  	[sflag:s12] =	ssyncset.done $0x0  }
0x4a7: {  	[sflag:s12] =	ssyncadd.s32 $0xFFFFC000  }
0x4a8: {  	[spmem:s2] =	stream.indirect.scatter.add.f32 [tilespmem:s10], [sflag:$0x3], $0x80, s0, s9, $0xb8;
	[tilespmem:$0x1D000] =	vst v63  }
0x4a9: {  	_ =	swait.ge [sflag:s5], $0x4000  }
0x4aa: {  	[sflag:s5] =	ssyncset.done $0x0  }
0x4ab: {  	s18 =	simm.s32 $0x100;
	[sflag:s5] =	ssyncadd.s32 $0xFFFFC000  }
0x4ac: {  	[tilespmem:s10], [sflag:$0x1] =	stream.indirect.gather [hbm4b:s8+s9], $0x80, s18, s9, $0xb8;
	[tilespmem:$0x1D000] =	vst v63  }
0x4ad: {  	_ =	swait.ge [sflag:s14], $0x4000  }
0x4ae: {  	[sflag:s14] =	ssyncset.done $0x0  }
0x4af: {  	s19 =	simm.s32 $0x880;
	[sflag:s14] =	ssyncadd.s32 $0xFFFFC000  }
0x4b0: {  	[spmem:s2] =	stream.indirect.scatter.add.f32 [tilespmem:s11], [sflag:$0x3], $0x80, s19, s9, $0xb8;
	[tilespmem:$0x1D000] =	vst v63  }
0x4b1: {  	_ =	swait.ge [sflag:s5], $0x4000  }
0x4b2: {  	[sflag:s5] =	ssyncset.done $0x0  }
0x4b3: {  	s23 =	simm.s32 $0x180;
	[sflag:s5] =	ssyncadd.s32 $0xFFFFC000  }
0x4b4: {  	[tilespmem:s11], [sflag:$0x2] =	stream.indirect.gather [hbm4b:s8+s9], $0x80, s23, s9, $0xb8;
	[tilespmem:$0x1D000] =	vst v63  }
0x4b5: {  	_ =	swait.ge [sflag:s12], $0x4000  }
0x4b6: {  	[sflag:s12] =	ssyncset.done $0x0  }
0x4b7: {  	s6 =	simm.s32 $0x900;
	[sflag:s12] =	ssyncadd.s32 $0xFFFFC000  }
0x4b8: {  	[spmem:s2] =	stream.indirect.scatter.add.f32 [tilespmem:s10], [sflag:$0x3], $0x80, s6, s9, $0xb8;
	[tilespmem:$0x1D000] =	vst v63  }
0x4b9: {  	_ =	swait.ge [sflag:s5], $0x4000  }
0x4ba: {  	[sflag:s5] =	ssyncset.done $0x0  }
0x4bb: {  	s7 =	simm.s32 $0x200;
	[sflag:s5] =	ssyncadd.s32 $0xFFFFC000  }
0x4bc: {  	[tilespmem:s10], [sflag:$0x1] =	stream.indirect.gather [hbm4b:s8+s9], $0x80, s7, s9, $0xb8;
	[tilespmem:$0x1D000] =	vst v63  }
0x4bd: {  	_ =	swait.ge [sflag:s14], $0x4000  }
0x4be: {  	[sflag:s14] =	ssyncset.done $0x0  }
0x4bf: {  	s15 =	simm.s32 $0x980;
	[sflag:s14] =	ssyncadd.s32 $0xFFFFC000  }
0x4c0: {  	[spmem:s2] =	stream.indirect.scatter.add.f32 [tilespmem:s11], [sflag:$0x3], $0x80, s15, s9, $0xb8;
	[tilespmem:$0x1D000] =	vst v63  }
0x4c1: {  	_ =	swait.ge [sflag:s5], $0x4000  }
0x4c2: {  	[sflag:s5] =	ssyncset.done $0x0  }
0x4c3: {  	s3 =	simm.s32 $0x280;
	[sflag:s5] =	ssyncadd.s32 $0xFFFFC000  }
0x4c4: {  	[tilespmem:s11], [sflag:$0x2] =	stream.indirect.gather [hbm4b:s8+s9], $0x80, s3, s9, $0xb8;
	[tilespmem:$0x1D000] =	vst v63  }
0x4c5: {  	_ =	swait.ge [sflag:s12], $0x4000  }
0x4c6: {  	[sflag:s12] =	ssyncset.done $0x0  }
0x4c7: {  	s20 =	simm.s32 $0xA00;
	[sflag:s12] =	ssyncadd.s32 $0xFFFFC000  }
0x4c8: {  	[spmem:s2] =	stream.indirect.scatter.add.f32 [tilespmem:s10], [sflag:$0x3], $0x80, s20, s9, $0xb8;
	[tilespmem:$0x1D000] =	vst v63  }
0x4c9: {  	_ =	swait.ge [sflag:s5], $0x4000  }
0x4ca: {  	[sflag:s5] =	ssyncset.done $0x0  }
0x4cb: {  	s21 =	simm.s32 $0x300;
	[sflag:s5] =	ssyncadd.s32 $0xFFFFC000  }
0x4cc: {  	[tilespmem:s10], [sflag:$0x1] =	stream.indirect.gather [hbm4b:s8+s9], $0x80, s21, s9, $0xb8;
	[tilespmem:$0x1D000] =	vst v63  }
0x4cd: {  	_ =	swait.ge [sflag:s14], $0x4000  }
0x4ce: {  	[sflag:s14] =	ssyncset.done $0x0  }
0x4cf: {  	s16 =	simm.s32 $0xA80;
	[sflag:s14] =	ssyncadd.s32 $0xFFFFC000  }
0x4d0: {  	[spmem:s2] =	stream.indirect.scatter.add.f32 [tilespmem:s11], [sflag:$0x3], $0x80, s16, s9, $0xb8;
	[tilespmem:$0x1D000] =	vst v63  }
0x4d1: {  	_ =	swait.ge [sflag:s5], $0x4000  }
0x4d2: {  	[sflag:s5] =	ssyncset.done $0x0  }
0x4d3: {  	s17 =	simm.s32 $0x380;
	[sflag:s5] =	ssyncadd.s32 $0xFFFFC000  }
0x4d4: {  	[tilespmem:s11], [sflag:$0x2] =	stream.indirect.gather [hbm4b:s8+s9], $0x80, s17, s9, $0xb8;
	[tilespmem:$0x1D000] =	vst v63  }
0x4d5: {  	_ =	swait.ge [sflag:s12], $0x4000  }
0x4d6: {  	[sflag:s12] =	ssyncset.done $0x0  }
0x4d7: {  	s25 =	simm.s32 $0xB00;
	[sflag:s12] =	ssyncadd.s32 $0xFFFFC000  }
0x4d8: {  	[spmem:s2] =	stream.indirect.scatter.add.f32 [tilespmem:s10], [sflag:$0x3], $0x80, s25, s9, $0xb8;
	[tilespmem:$0x1D000] =	vst v63  }
0x4d9: {  	_ =	swait.ge [sflag:s5], $0x4000  }
0x4da: {  	[sflag:s5] =	ssyncset.done $0x0  }
0x4db: {  	s26 =	simm.s32 $0x400;
	[sflag:s5] =	ssyncadd.s32 $0xFFFFC000  }
0x4dc: {  	[tilespmem:s10], [sflag:$0x1] =	stream.indirect.gather [hbm4b:s8+s9], $0x80, s26, s9, $0xb8;
	[tilespmem:$0x1D000] =	vst v63  }
0x4dd: {  	_ =	swait.ge [sflag:s14], $0x4000  }
0x4de: {  	[sflag:s14] =	ssyncset.done $0x0  }
0x4df: {  	s28 =	simm.s32 $0xB80;
	[sflag:s14] =	ssyncadd.s32 $0xFFFFC000  }
0x4e0: {  	[spmem:s2] =	stream.indirect.scatter.add.f32 [tilespmem:s11], [sflag:$0x3], $0x80, s28, s9, $0xb8;
	[tilespmem:$0x1D000] =	vst v63  }
0x4e1: {  	_ =	swait.ge [sflag:s5], $0x4000  }
0x4e2: {  	[sflag:s5] =	ssyncset.done $0x0  }
0x4e3: {  	s29 =	simm.s32 $0x480;
	[sflag:s5] =	ssyncadd.s32 $0xFFFFC000  }
0x4e4: {  	[tilespmem:s11], [sflag:$0x2] =	stream.indirect.gather [hbm4b:s8+s9], $0x80, s29, s9, $0xb8;
	[tilespmem:$0x1D000] =	vst v63  }
0x4e5: {  	_ =	swait.ge [sflag:s12], $0x4000  }
0x4e6: {  	[sflag:s12] =	ssyncset.done $0x0  }
0x4e7: {  	s30 =	simm.s32 $0xC00;
	[sflag:s12] =	ssyncadd.s32 $0xFFFFC000  }
0x4e8: {  	[spmem:s2] =	stream.indirect.scatter.add.f32 [tilespmem:s10], [sflag:$0x3], $0x80, s30, s9, $0xb8;
	[tilespmem:$0x1D000] =	vst v63  }
0x4e9: {  	_ =	swait.ge [sflag:s5], $0x4000  }
0x4ea: {  	[sflag:s5] =	ssyncset.done $0x0  }
0x4eb: {  	s31 =	simm.s32 $0x500;
	[sflag:s5] =	ssyncadd.s32 $0xFFFFC000  }
0x4ec: {  	[tilespmem:s10], [sflag:$0x1] =	stream.indirect.gather [hbm4b:s8+s9], $0x80, s31, s9, $0xb8;
	[tilespmem:$0x1D000] =	vst v63  }
0x4ed: {  	_ =	swait.ge [sflag:s14], $0x4000  }
0x4ee: {  	[sflag:s14] =	ssyncset.done $0x0  }
0x4ef: {  	s1 =	simm.s32 $0xC80;
	[sflag:s14] =	ssyncadd.s32 $0xFFFFC000  }
0x4f0: {  	[spmem:s2] =	stream.indirect.scatter.add.f32 [tilespmem:s11], [sflag:$0x3], $0x80, s1, s9, $0xb8;
	[tilespmem:$0x1D000] =	vst v63  }
0x4f1: {  	_ =	swait.ge [sflag:s5], $0x4000  }
0x4f2: {  	[sflag:s5] =	ssyncset.done $0x0  }
0x4f3: {  	s18 =	simm.s32 $0x580;
	[sflag:s5] =	ssyncadd.s32 $0xFFFFC000  }
0x4f4: {  	[tilespmem:s11], [sflag:$0x2] =	stream.indirect.gather [hbm4b:s8+s9], $0x80, s18, s9, $0xb8;
	[tilespmem:$0x1D000] =	vst v63  }
0x4f5: {  	_ =	swait.ge [sflag:s12], $0x4000  }
0x4f6: {  	[sflag:s12] =	ssyncset.done $0x0  }
0x4f7: {  	s23 =	simm.s32 $0xD00;
	[sflag:s12] =	ssyncadd.s32 $0xFFFFC000  }
0x4f8: {  	[spmem:s2] =	stream.indirect.scatter.add.f32 [tilespmem:s10], [sflag:$0x3], $0x80, s23, s9, $0xb8;
	[tilespmem:$0x1D000] =	vst v63  }
0x4f9: {  	_ =	swait.ge [sflag:s5], $0x4000  }
0x4fa: {  	[sflag:s5] =	ssyncset.done $0x0  }
0x4fb: {  	s24 =	simm.s32 $0x600;
	[sflag:s5] =	ssyncadd.s32 $0xFFFFC000  }
0x4fc: {  	[tilespmem:s10], [sflag:$0x1] =	stream.indirect.gather [hbm4b:s8+s9], $0x80, s24, s9, $0xb8;
	[tilespmem:$0x1D000] =	vst v63  }
0x4fd: {  	_ =	swait.ge [sflag:s14], $0x4000  }
0x4fe: {  	[sflag:s14] =	ssyncset.done $0x0  }
0x4ff: {  	s15 =	simm.s32 $0xD80;
	[sflag:s14] =	ssyncadd.s32 $0xFFFFC000  }
0x500: {  	[spmem:s2] =	stream.indirect.scatter.add.f32 [tilespmem:s11], [sflag:$0x3], $0x80, s15, s9, $0xb8;
	[tilespmem:$0x1D000] =	vst v63  }
0x501: {  	_ =	swait.ge [sflag:s5], $0x4000  }
0x502: {  	[sflag:s5] =	ssyncset.done $0x0  }
0x503: {  	s16 =	simm.s32 $0x680;
	[sflag:s5] =	ssyncadd.s32 $0xFFFFC000  }
0x504: {  	[tilespmem:s11], [sflag:$0x2] =	stream.indirect.gather [hbm4b:s8+s9], $0x80, s16, s9, $0xb8;
	[tilespmem:$0x1D000] =	vst v63  }
0x505: {  	_ =	swait.ge [sflag:s12], $0x4000  }
0x506: {  	[sflag:s12] =	ssyncset.done $0x0  }
0x507: {  	s17 =	simm.s32 $0xE00;
	[sflag:s12] =	ssyncadd.s32 $0xFFFFC000  }
0x508: {  	[spmem:s2] =	stream.indirect.scatter.add.f32 [tilespmem:s10], [sflag:$0x3], $0x80, s17, s9, $0xb8;
	[tilespmem:$0x1D000] =	vst v63  }
0x509: {  	_ =	swait.ge [sflag:s5], $0x4000  }
0x50a: {  	[sflag:s5] =	ssyncset.done $0x0  }
0x50b: {  	s18 =	simm.s32 $0x700;
	[sflag:s5] =	ssyncadd.s32 $0xFFFFC000  }
0x50c: {  	[tilespmem:s10], [sflag:$0x1] =	stream.indirect.gather [hbm4b:s8+s9], $0x80, s18, s9, $0xb8;
	[tilespmem:$0x1D000] =	vst v63  }
0x50d: {  	_ =	swait.ge [sflag:s14], $0x4000  }
0x50e: {  	[sflag:s14] =	ssyncset.done $0x0  }
0x50f: {  	s23 =	simm.s32 $0xE80;
	[sflag:s14] =	ssyncadd.s32 $0xFFFFC000  }
0x510: {  	[spmem:s2] =	stream.indirect.scatter.add.f32 [tilespmem:s11], [sflag:$0x3], $0x80, s23, s9, $0xb8;
	[tilespmem:$0x1D000] =	vst v63  }
0x511: {  	_ =	swait.ge [sflag:s5], $0x4000  }
0x512: {  	[sflag:s5] =	ssyncset.done $0x0  }
0x513: {  	s23 =	simm.s32 $0x780;
	[sflag:s5] =	ssyncadd.s32 $0xFFFFC000  }
0x514: {  	[tilespmem:s11], [sflag:$0x2] =	stream.indirect.gather [hbm4b:s8+s9], $0x80, s23, s9, $0xb8;
	[tilespmem:$0x1D000] =	vst v63  }
0x515: {  	_ =	swait.ge [sflag:s12], $0x4000  }
0x516: {  	[sflag:s12] =	ssyncset.done $0x0  }
0x517: {  	s23 =	simm.s32 $0xF00;
	[sflag:s12] =	ssyncadd.s32 $0xFFFFC000  }
0x518: {  	[spmem:s2] =	stream.indirect.scatter.add.f32 [tilespmem:s10], [sflag:$0x3], $0x80, s23, s9, $0xb8;
	[tilespmem:$0x1D000] =	vst v63  }
0x519: {  	_ =	swait.ge [sflag:s5], $0x4000  }
0x51a: {  	[sflag:s5] =	ssyncset.done $0x0  }
0x51b: {  	[sflag:s5] =	ssyncadd.s32 $0xFFFFC000  }
0x51c: {  	[tilespmem:s10], [sflag:$0x1] =	stream.indirect.gather [hbm4b:s8+s9], $0x80, s13, s9, $0xb8;
	[tilespmem:$0x1D000] =	vst v63  }
0x51d: {  	_ =	swait.ge [sflag:s14], $0x4000  }
0x51e: {  	[sflag:s14] =	ssyncset.done $0x0  }
0x51f: {  	s23 =	simm.s32 $0xF80;
	[sflag:s14] =	ssyncadd.s32 $0xFFFFC000  }
0x520: {  	[spmem:s2] =	stream.indirect.scatter.add.f32 [tilespmem:s11], [sflag:$0x3], $0x80, s23, s9, $0xb8;
	[tilespmem:$0x1D000] =	vst v63  }
0x521: {  	_ =	swait.ge [sflag:s5], $0x4000  }
0x522: {  	[sflag:s5] =	ssyncset.done $0x0  }
0x523: {  	[sflag:s5] =	ssyncadd.s32 $0xFFFFC000  }
0x524: {  	_ =	swait.ge [sflag:s12], $0x4000  }
0x525: {  	[sflag:s12] =	ssyncset.done $0x0  }
0x526: {  	s23 =	rddreg [dreg:$0xc];
	[sflag:s12] =	ssyncadd.s32 $0xFFFFC000  }
0x527: {  	[tilespmem:s13], [sflag:$0x3] =	stream.linear.gather [hbm4b:s23+s13], $0x800, $0x38;
	[tilespmem:$0x1D000] =	vst v63  }
0x528: {  	_ =	swait.ge [sflag:s5], $0x800  }
0x529: {  	[sflag:s5] =	ssyncset.done $0x0  }
0x52a: {  	s23 =	rddreg [dreg:$0xd];
	[sflag:s5] =	ssyncadd.s32 $0xFFFFF800  }
0x52b: {  	[tilespmem:s0], [sflag:$0x3] =	stream.linear.gather [hbm4b:s23+s13], $0x800, $0x38;
	[tilespmem:$0x1D000] =	vst v63  }
0x52c: {  	_ =	swait.ge [sflag:s5], $0x800  }
0x52d: {  	[sflag:s5] =	ssyncset.done $0x0  }
0x52e: {  	[sflag:s5] =	ssyncadd.s32 $0xFFFFF800  }
0x52f: {  	[tilespmem:s10], [sflag:$0x1] =	stream.indirect.gather [hbm4b:s8+s9], $0x80, s13, s9, $0xb8;
	[tilespmem:$0x1D000] =	vst v63  }
0x530: {  	_ = 	snop  }
0x531: {  	[tilespmem:s11], [sflag:$0x2] =	stream.indirect.gather [hbm4b:s8+s9], $0x80, s9, s9, $0xb8;
	[tilespmem:$0x1D000] =	vst v63  }
0x532: {  	_ =	swait.ge [sflag:s12], $0x4000  }
0x533: {  	[sflag:s12] =	ssyncset.done $0x0  }
0x534: {  	[sflag:s12] =	ssyncadd.s32 $0xFFFFC000  }
0x535: {  	[spmem:s2] =	stream.indirect.scatter.add.f32 [tilespmem:s10], [sflag:$0x3], $0x80, s0, s9, $0xb8;
	[tilespmem:$0x1D000] =	vst v63  }
0x536: {  	_ =	swait.ge [sflag:s5], $0x4000  }
0x537: {  	[sflag:s5] =	ssyncset.done $0x0  }
0x538: {  	s23 =	simm.s32 $0x100;
	[sflag:s5] =	ssyncadd.s32 $0xFFFFC000  }
0x539: {  	[tilespmem:s10], [sflag:$0x1] =	stream.indirect.gather [hbm4b:s8+s9], $0x80, s23, s9, $0xb8;
	[tilespmem:$0x1D000] =	vst v63  }
0x53a: {  	_ =	swait.ge [sflag:s14], $0x4000  }
0x53b: {  	[sflag:s14] =	ssyncset.done $0x0  }
0x53c: {  	s23 =	simm.s32 $0x880;
	[sflag:s14] =	ssyncadd.s32 $0xFFFFC000  }
0x53d: {  	[spmem:s2] =	stream.indirect.scatter.add.f32 [tilespmem:s11], [sflag:$0x3], $0x80, s23, s9, $0xb8;
	[tilespmem:$0x1D000] =	vst v63  }
0x53e: {  	_ =	swait.ge [sflag:s5], $0x4000  }
0x53f: {  	[sflag:s5] =	ssyncset.done $0x0  }
0x540: {  	s23 =	simm.s32 $0x180;
	[sflag:s5] =	ssyncadd.s32 $0xFFFFC000  }
0x541: {  	[tilespmem:s11], [sflag:$0x2] =	stream.indirect.gather [hbm4b:s8+s9], $0x80, s23, s9, $0xb8;
	[tilespmem:$0x1D000] =	vst v63  }
0x542: {  	_ =	swait.ge [sflag:s12], $0x4000  }
0x543: {  	[sflag:s12] =	ssyncset.done $0x0  }
0x544: {  	s23 =	simm.s32 $0x900;
	[sflag:s12] =	ssyncadd.s32 $0xFFFFC000  }
0x545: {  	[spmem:s2] =	stream.indirect.scatter.add.f32 [tilespmem:s10], [sflag:$0x3], $0x80, s23, s9, $0xb8;
	[tilespmem:$0x1D000] =	vst v63  }
0x546: {  	_ =	swait.ge [sflag:s5], $0x4000  }
0x547: {  	[sflag:s5] =	ssyncset.done $0x0  }
0x548: {  	s23 =	simm.s32 $0x200;
	[sflag:s5] =	ssyncadd.s32 $0xFFFFC000  }
0x549: {  	[tilespmem:s10], [sflag:$0x1] =	stream.indirect.gather [hbm4b:s8+s9], $0x80, s23, s9, $0xb8;
	[tilespmem:$0x1D000] =	vst v63  }
0x54a: {  	_ =	swait.ge [sflag:s14], $0x4000  }
0x54b: {  	[sflag:s14] =	ssyncset.done $0x0  }
0x54c: {  	s7 =	simm.s32 $0x980;
	[sflag:s14] =	ssyncadd.s32 $0xFFFFC000  }
0x54d: {  	[spmem:s2] =	stream.indirect.scatter.add.f32 [tilespmem:s11], [sflag:$0x3], $0x80, s7, s9, $0xb8;
	[tilespmem:$0x1D000] =	vst v63  }
0x54e: {  	_ =	swait.ge [sflag:s5], $0x4000  }
0x54f: {  	[sflag:s5] =	ssyncset.done $0x0  }
0x550: {  	s19 =	simm.s32 $0x280;
	[sflag:s5] =	ssyncadd.s32 $0xFFFFC000  }
0x551: {  	[tilespmem:s11], [sflag:$0x2] =	stream.indirect.gather [hbm4b:s8+s9], $0x80, s19, s9, $0xb8;
	[tilespmem:$0x1D000] =	vst v63  }
0x552: {  	_ =	swait.ge [sflag:s12], $0x4000  }
0x553: {  	[sflag:s12] =	ssyncset.done $0x0  }
0x554: {  	s3 =	simm.s32 $0xA00;
	[sflag:s12] =	ssyncadd.s32 $0xFFFFC000  }
0x555: {  	[spmem:s2] =	stream.indirect.scatter.add.f32 [tilespmem:s10], [sflag:$0x3], $0x80, s3, s9, $0xb8;
	[tilespmem:$0x1D000] =	vst v63  }
0x556: {  	_ =	swait.ge [sflag:s5], $0x4000  }
0x557: {  	[sflag:s5] =	ssyncset.done $0x0  }
0x558: {  	s20 =	simm.s32 $0x300;
	[sflag:s5] =	ssyncadd.s32 $0xFFFFC000  }
0x559: {  	[tilespmem:s10], [sflag:$0x1] =	stream.indirect.gather [hbm4b:s8+s9], $0x80, s20, s9, $0xb8;
	[tilespmem:$0x1D000] =	vst v63  }
0x55a: {  	_ =	swait.ge [sflag:s14], $0x4000  }
0x55b: {  	[sflag:s14] =	ssyncset.done $0x0  }
0x55c: {  	s20 =	simm.s32 $0xA80;
	[sflag:s14] =	ssyncadd.s32 $0xFFFFC000  }
0x55d: {  	[spmem:s2] =	stream.indirect.scatter.add.f32 [tilespmem:s11], [sflag:$0x3], $0x80, s20, s9, $0xb8;
	[tilespmem:$0x1D000] =	vst v63  }
0x55e: {  	_ =	swait.ge [sflag:s5], $0x4000  }
0x55f: {  	[sflag:s5] =	ssyncset.done $0x0  }
0x560: {  	s4 =	simm.s32 $0x380;
	[sflag:s5] =	ssyncadd.s32 $0xFFFFC000  }
0x561: {  	[tilespmem:s11], [sflag:$0x2] =	stream.indirect.gather [hbm4b:s8+s9], $0x80, s4, s9, $0xb8;
	[tilespmem:$0x1D000] =	vst v63  }
0x562: {  	_ =	swait.ge [sflag:s12], $0x4000  }
0x563: {  	[sflag:s12] =	ssyncset.done $0x0  }
0x564: {  	s6 =	simm.s32 $0xB00;
	[sflag:s12] =	ssyncadd.s32 $0xFFFFC000  }
0x565: {  	[spmem:s2] =	stream.indirect.scatter.add.f32 [tilespmem:s10], [sflag:$0x3], $0x80, s6, s9, $0xb8;
	[tilespmem:$0x1D000] =	vst v63  }
0x566: {  	_ =	swait.ge [sflag:s5], $0x4000  }
0x567: {  	[sflag:s5] =	ssyncset.done $0x0  }
0x568: {  	s25 =	simm.s32 $0x400;
	[sflag:s5] =	ssyncadd.s32 $0xFFFFC000  }
0x569: {  	[tilespmem:s10], [sflag:$0x1] =	stream.indirect.gather [hbm4b:s8+s9], $0x80, s25, s9, $0xb8;
	[tilespmem:$0x1D000] =	vst v63  }
0x56a: {  	_ =	swait.ge [sflag:s14], $0x4000  }
0x56b: {  	[sflag:s14] =	ssyncset.done $0x0  }
0x56c: {  	s26 =	simm.s32 $0xB80;
	[sflag:s14] =	ssyncadd.s32 $0xFFFFC000  }
0x56d: {  	[spmem:s2] =	stream.indirect.scatter.add.f32 [tilespmem:s11], [sflag:$0x3], $0x80, s26, s9, $0xb8;
	[tilespmem:$0x1D000] =	vst v63  }
0x56e: {  	_ =	swait.ge [sflag:s5], $0x4000  }
0x56f: {  	[sflag:s5] =	ssyncset.done $0x0  }
0x570: {  	s28 =	simm.s32 $0x480;
	[sflag:s5] =	ssyncadd.s32 $0xFFFFC000  }
0x571: {  	[tilespmem:s11], [sflag:$0x2] =	stream.indirect.gather [hbm4b:s8+s9], $0x80, s28, s9, $0xb8;
	[tilespmem:$0x1D000] =	vst v63  }
0x572: {  	_ =	swait.ge [sflag:s12], $0x4000  }
0x573: {  	[sflag:s12] =	ssyncset.done $0x0  }
0x574: {  	s29 =	simm.s32 $0xC00;
	[sflag:s12] =	ssyncadd.s32 $0xFFFFC000  }
0x575: {  	[spmem:s2] =	stream.indirect.scatter.add.f32 [tilespmem:s10], [sflag:$0x3], $0x80, s29, s9, $0xb8;
	[tilespmem:$0x1D000] =	vst v63  }
0x576: {  	_ =	swait.ge [sflag:s5], $0x4000  }
0x577: {  	[sflag:s5] =	ssyncset.done $0x0  }
0x578: {  	s30 =	simm.s32 $0x500;
	[sflag:s5] =	ssyncadd.s32 $0xFFFFC000  }
0x579: {  	[tilespmem:s10], [sflag:$0x1] =	stream.indirect.gather [hbm4b:s8+s9], $0x80, s30, s9, $0xb8;
	[tilespmem:$0x1D000] =	vst v63  }
0x57a: {  	_ =	swait.ge [sflag:s14], $0x4000  }
0x57b: {  	[sflag:s14] =	ssyncset.done $0x0  }
0x57c: {  	s21 =	simm.s32 $0xC80;
	[sflag:s14] =	ssyncadd.s32 $0xFFFFC000  }
0x57d: {  	[spmem:s2] =	stream.indirect.scatter.add.f32 [tilespmem:s11], [sflag:$0x3], $0x80, s21, s9, $0xb8;
	[tilespmem:$0x1D000] =	vst v63  }
0x57e: {  	_ =	swait.ge [sflag:s5], $0x4000  }
0x57f: {  	[sflag:s5] =	ssyncset.done $0x0  }
0x580: {  	s31 =	simm.s32 $0x580;
	[sflag:s5] =	ssyncadd.s32 $0xFFFFC000  }
0x581: {  	[tilespmem:s11], [sflag:$0x2] =	stream.indirect.gather [hbm4b:s8+s9], $0x80, s31, s9, $0xb8;
	[tilespmem:$0x1D000] =	vst v63  }
0x582: {  	_ =	swait.ge [sflag:s12], $0x4000  }
0x583: {  	[sflag:s12] =	ssyncset.done $0x0  }
0x584: {  	s23 =	simm.s32 $0xD00;
	[sflag:s12] =	ssyncadd.s32 $0xFFFFC000  }
0x585: {  	[spmem:s2] =	stream.indirect.scatter.add.f32 [tilespmem:s10], [sflag:$0x3], $0x80, s23, s9, $0xb8;
	[tilespmem:$0x1D000] =	vst v63  }
0x586: {  	_ =	swait.ge [sflag:s5], $0x4000  }
0x587: {  	[sflag:s5] =	ssyncset.done $0x0  }
0x588: {  	s1 =	simm.s32 $0x600;
	[sflag:s5] =	ssyncadd.s32 $0xFFFFC000  }
0x589: {  	[tilespmem:s10], [sflag:$0x1] =	stream.indirect.gather [hbm4b:s8+s9], $0x80, s1, s9, $0xb8;
	[tilespmem:$0x1D000] =	vst v63  }
0x58a: {  	_ =	swait.ge [sflag:s14], $0x4000  }
0x58b: {  	[sflag:s14] =	ssyncset.done $0x0  }
0x58c: {  	s24 =	simm.s32 $0xD80;
	[sflag:s14] =	ssyncadd.s32 $0xFFFFC000  }
0x58d: {  	[spmem:s2] =	stream.indirect.scatter.add.f32 [tilespmem:s11], [sflag:$0x3], $0x80, s24, s9, $0xb8;
	[tilespmem:$0x1D000] =	vst v63  }
0x58e: {  	_ =	swait.ge [sflag:s5], $0x4000  }
0x58f: {  	[sflag:s5] =	ssyncset.done $0x0  }
0x590: {  	s15 =	simm.s32 $0x680;
	[sflag:s5] =	ssyncadd.s32 $0xFFFFC000  }
0x591: {  	[tilespmem:s11], [sflag:$0x2] =	stream.indirect.gather [hbm4b:s8+s9], $0x80, s15, s9, $0xb8;
	[tilespmem:$0x1D000] =	vst v63  }
0x592: {  	_ =	swait.ge [sflag:s12], $0x4000  }
0x593: {  	[sflag:s12] =	ssyncset.done $0x0  }
0x594: {  	s16 =	simm.s32 $0xE00;
	[sflag:s12] =	ssyncadd.s32 $0xFFFFC000  }
0x595: {  	[spmem:s2] =	stream.indirect.scatter.add.f32 [tilespmem:s10], [sflag:$0x3], $0x80, s16, s9, $0xb8;
	[tilespmem:$0x1D000] =	vst v63  }
0x596: {  	_ =	swait.ge [sflag:s5], $0x4000  }
0x597: {  	[sflag:s5] =	ssyncset.done $0x0  }
0x598: {  	s17 =	simm.s32 $0x700;
	[sflag:s5] =	ssyncadd.s32 $0xFFFFC000  }
0x599: {  	[tilespmem:s10], [sflag:$0x1] =	stream.indirect.gather [hbm4b:s8+s9], $0x80, s17, s9, $0xb8;
	[tilespmem:$0x1D000] =	vst v63  }
0x59a: {  	_ =	swait.ge [sflag:s14], $0x4000  }
0x59b: {  	[sflag:s14] =	ssyncset.done $0x0  }
0x59c: {  	s18 =	simm.s32 $0xE80;
	[sflag:s14] =	ssyncadd.s32 $0xFFFFC000  }
0x59d: {  	[spmem:s2] =	stream.indirect.scatter.add.f32 [tilespmem:s11], [sflag:$0x3], $0x80, s18, s9, $0xb8;
	[tilespmem:$0x1D000] =	vst v63  }
0x59e: {  	_ =	swait.ge [sflag:s5], $0x4000  }
0x59f: {  	[sflag:s5] =	ssyncset.done $0x0  }
0x5a0: {  	s25 =	simm.s32 $0x780;
	[sflag:s5] =	ssyncadd.s32 $0xFFFFC000  }
0x5a1: {  	[tilespmem:s11], [sflag:$0x2] =	stream.indirect.gather [hbm4b:s8+s9], $0x80, s25, s9, $0xb8;
	[tilespmem:$0x1D000] =	vst v63  }
0x5a2: {  	_ =	swait.ge [sflag:s12], $0x4000  }
0x5a3: {  	[sflag:s12] =	ssyncset.done $0x0  }
0x5a4: {  	s26 =	simm.s32 $0xF00;
	[sflag:s12] =	ssyncadd.s32 $0xFFFFC000  }
0x5a5: {  	[spmem:s2] =	stream.indirect.scatter.add.f32 [tilespmem:s10], [sflag:$0x3], $0x80, s26, s9, $0xb8;
	[tilespmem:$0x1D000] =	vst v63  }
0x5a6: {  	_ =	swait.ge [sflag:s5], $0x4000  }
0x5a7: {  	[sflag:s5] =	ssyncset.done $0x0  }
0x5a8: {  	[sflag:s5] =	ssyncadd.s32 $0xFFFFC000  }
0x5a9: {  	[tilespmem:s10], [sflag:$0x1] =	stream.indirect.gather [hbm4b:s8+s9], $0x80, s13, s9, $0xb8;
	[tilespmem:$0x1D000] =	vst v63  }
0x5aa: {  	_ =	swait.ge [sflag:s14], $0x4000  }
0x5ab: {  	[sflag:s14] =	ssyncset.done $0x0  }
0x5ac: {  	s28 =	simm.s32 $0xF80;
	[sflag:s14] =	ssyncadd.s32 $0xFFFFC000  }
0x5ad: {  	[spmem:s2] =	stream.indirect.scatter.add.f32 [tilespmem:s11], [sflag:$0x3], $0x80, s28, s9, $0xb8;
	[tilespmem:$0x1D000] =	vst v63  }
0x5ae: {  	_ =	swait.ge [sflag:s5], $0x4000  }
0x5af: {  	[sflag:s5] =	ssyncset.done $0x0  }
0x5b0: {  	[sflag:s5] =	ssyncadd.s32 $0xFFFFC000  }
0x5b1: {  	_ =	swait.ge [sflag:s12], $0x4000  }
0x5b2: {  	[sflag:s12] =	ssyncset.done $0x0  }
0x5b3: {  	[sflag:s12] =	ssyncadd.s32 $0xFFFFC000  }
0x5b4: {  	p0 =	sne.s32 s22, $0x1;
	[bflag:$0x0] =	sbarrier.arrive $0xFFFF  }
.Ltmp1:
0x5b5: {  	s29 =	rddreg [dreg:$0xe];
	(pc) =	sbr.rel @p0 .LBB2_1-.Ltmp1, $4  }
0x5b6: {  	s30 =	rddreg [dreg:$0x10]  }
0x5b7: {  	s31 =	rddreg [dreg:$0xf]  }
0x5b8: {  	[hbm:s29], [sflag:s31] =	dma.local [spmem:s30], $0x2800  }
0x5b9: {  	s22 =	sadd.s32 $0xFFFFFFFF, s22;
	_ =	swait.ge [sflag:s5], $0x2800  }
.LBB2_2:
0x5ba: {  	[sflag:s5] =	ssyncset.done $0x0  }
0x5bb: {  	[sflag:s5] =	ssyncadd.s32 $0xFFFFD800  }
0x5bc: {  	_ =	sfence.sel $0x180000  }
0x5bd: {  	[bflag:$0x0] =	sbarrier.arrive $0xFFFF  }
0x5be: {  	_ =	strace $0x9000004A  }
0x5bf: {  	s0 =	stileid.u32;
	[bflag:$0x2] =	sbarrier.arrive $0xFFFF  }
0x5c0: {  	p0 =	sne.s32 s0, $0x0;
	s0 =	rddreg [dreg:$0x2]  }
0x5c1: {  	s0 =	sadd.s32 @!p0 $0x100000, s0  }
0x5c2: {  	[sflag:s0] =	ssyncadd.tile.s32 @!p0 $0x1;
	_ =	shalt  }
.Lfunc_end2:
_tile_overlayer_lowered:
.L_overlay_start_2:
0x5c3: {  	(tag) =	ssettag $0x2  }
0x5c4: {  	s0 =	rddreg [dreg:$0x0];
	s2 =	stileid.u32  }
0x5c5: {  	s1 =	rddreg [dreg:$0x1];
	p0 =	sne.s32 s2, $0x0  }
0x5c6: {  	s3 =	rddreg [dreg:$0x2];
	[bflag:$0x3] =	sbarrier.arrive $0xFFFF;
	s2 =	simm.s32 @!p0 $0x1C03  }
0x5c7: {  	[timem:s3], [sflag:s2] =	dma.local @!p0 [hbm:s0], s1  }
0x5c8: {  	s0 =	simm.s32 @!p0 $0x3  }
0x5c9: {  	_ =	swait.ge @!p0 [sflag:s0], s1  }
0x5ca: {  	s1 =	ssub.s32 @!p0 $0x0, s1;
	[sflag:s0] =	ssyncset.done @!p0 $0x0  }
0x5cb: {  	[sflag:s0] =	ssyncadd.s32 @!p0 s1  }
0x5cc: {  	[bflag:$0x3] =	sbarrier.arrive $0xFFFF  }
0x5cd: {  	_ =	shalt  }

// kernel: kernel.14.cloned.1.call-start
scs
__scs_entry_jumppad:
0x0: {  	(pc) =	sbr.rel $0x88, $3  }
0x1: {  	(tag) =	ssettag $0x0;
	lr =	simm.s32 $0x1  }
0x2: {  	[smem:$0x3F98] =	sst lr;
	_ =	strace $0xD0000000  }
0x3: {  	_ = 	snop  }
0x4: {  	_ = 	snop  }
0x5: {  	_ = 	snop  }
0x6: {  	_ = 	snop  }
0x7: {  	_ = 	snop  }
__scs_overlays_trampoline_lowered:
0x8: {  	[smem:$0x3FA7] =	sst s0  }
0x9: {  	[smem:$0x3FA8] =	sst s1  }
0xa: {  	[smem:$0x3FA9] =	sst s2  }
0xb: {  	[smem:$0x3FAA] =	sst s3  }
0xc: {  	[smem:$0x3FAB] =	sst s4  }
0xd: {  	[smem:$0x3FAC] =	sst s5  }
0xe: {  	[smem:$0x3FAD] =	sst s6  }
0xf: {  	[smem:$0x3FAE] =	sst s7  }
0x10: {  	[smem:$0x3FAF] =	sst s8  }
0x11: {  	[smem:$0x3FB0] =	sst s9;
	s0 =	simm.s32 @!p0 $0x0  }
0x12: {  	s1 =	sld [smem:$0x3F96];
	s0 =	simm.s32 @p0 $0x1  }
0x13: {  	[smem:$0x3FB1] =	sst s0;
	s0 =	simm.s32 @!p1 $0x0  }
0x14: {  	s2 =	sld [smem:$0x3F95];
	s0 =	simm.s32 @p1 $0x1  }
0x15: {  	[smem:$0x3FB2] =	sst s0;
	s0 =	simm.s32 @!p2 $0x0  }
0x16: {  	s3 =	sld [smem:$0x3FDB];
	s0 =	simm.s32 @p2 $0x1  }
0x17: {  	s4 =	simm.s32 $0x1BF5;
	[smem:$0x3FB4] =	sst s0  }
0x18: {  	s0 =	sld [smem:$0x3F97];
	_ =	swait.ge [sflag:s4], $0x0  }
0x19: {  	s7 =	sld [smem:$0x3F98]  }
0x1a: {  	s8 =	sadd.s32 $0xFFFFE003, lr  }
0x1b: {  	s9 =	sadd.s32 $0xFFFFFEF7, lr;
	s5 =	simm.s32 $0xFFFFFFFF;
	p2 =	slt.u32 s8, $0xFFFFF086  }
0x1c: {  	p1 =	slt.u32 s9, $0xF7A;
	s5 =	simm.s32 @!p2 $0x0  }
0x1d: {  	s5 =	simm.s32 @p1 $0x1;
	p0 =	seq.s32 s7, s2  }
0x1e: {  	s7 =	smul.u32 @!p0 $0xF7A, s2;
	p2 =	seq.s32 @!p0 s5, $0x0  }
0x1f: {  	s9 =	smul.u32 $0xF7A, s1;
	s8 =	simm.s32 @!p0 $0x1BF5;
	p2 =	por !p2, p0  }
0x20: {  	[sflag:s8] =	ssyncset.s32 @!p0 $0xFFFFF086;
	s6 =	sadd.s32 @!p0 s3, s7;
	s7 =	simm.s32 @!p0 $0x108  }
0x21: {  	s3 =	sadd.s32 s3, s9;
	s6 =	sadd.s32 @!p0 $0x88, s6;
	s7 =	simm.s32 @p2 $0x1082  }
0x22: {  	[simem:s7], [sflag:s8] =	dma.local @!p0 [hbm:s6], $0xF7A  }
0x23: {  	s9 =	sor.u32 $0xD0000000, s2;
	s6 =	simm.s32 $0x108;
	_ =	swait.ge @!p0 [sflag:s8], $0x0  }
0x24: {  	s3 =	sadd.s32 $0x88, s3;
	s6 =	simm.s32 @!p1 $0x1082;
	[sflag:s4] =	ssyncset.s32 $0xFFFFF086  }
0x25: {  	[simem:s6], [sflag:s4] =	dma.local [hbm:s3], $0xF7A  }
0x26: {  	[smem:$0x3F98] =	sst s1;
	(tag) =	ssettag s2;
	_ =	strace s9  }
0x27: {  	s1 =	sld [smem:$0x3FA8]  }
0x28: {  	s2 =	sld [smem:$0x3FA9]  }
0x29: {  	s4 =	sld [smem:$0x3FAB]  }
0x2a: {  	p0 =	seq.s32 s5, $0x0;
	s5 =	sld [smem:$0x3FAC]  }
0x2b: {  	s6 =	sld [smem:$0x3FAD]  }
0x2c: {  	s7 =	sld [smem:$0x3FAE]  }
0x2d: {  	s3 =	simm.s32 $0x108;
	s8 =	sld [smem:$0x3FAF]  }
0x2e: {  	s3 =	simm.s32 @!p0 $0x1082;
	s9 =	sld [smem:$0x3FB0]  }
0x2f: {  	lr =	sadd.s32 s0, s3;
	s0 =	sld [smem:$0x3FA7]  }
0x30: {  	s3 =	sld [smem:$0x3FAA]  }
0x31: {  	[smem:$0x3FB3] =	sst s10  }
0x32: {  	s10 =	sld [smem:$0x3FB1];
	_ =	sdelay $0x3  }
0x33: {  	p0 =	seq.s32 s10, $0x1;
	s10 =	sld [smem:$0x3FB3];
	_ =	sdelay $0x3  }
0x34: {  	[smem:$0x3FB3] =	sst s10  }
0x35: {  	s10 =	sld [smem:$0x3FB2];
	_ =	sdelay $0x3  }
0x36: {  	p1 =	seq.s32 s10, $0x1;
	s10 =	sld [smem:$0x3FB3];
	_ =	sdelay $0x3  }
0x37: {  	[smem:$0x3FB3] =	sst s10  }
0x38: {  	s10 =	sld [smem:$0x3FB4]  }
0x39: {  	_ = 	snop;
	(pc) =	sbr.ind lr, $3  }
0x3a: {  	_ = 	snop  }
0x3b: {  	_ = 	snop  }
0x3c: {  	p2 =	seq.s32 s10, $0x1;
	s10 =	sld [smem:$0x3FB3]  }
0x3d: {  	_ =	shalt  }
0x3e: {  	_ =	shalt  }
0x3f: {  	_ =	shalt  }
0x40: {  	_ =	shalt  }
0x41: {  	_ =	shalt  }
0x42: {  	_ =	shalt  }
0x43: {  	_ =	shalt  }
0x44: {  	_ =	shalt  }
0x45: {  	_ =	shalt  }
0x46: {  	_ =	shalt  }
0x47: {  	_ =	shalt  }
0x48: {  	_ =	shalt  }
0x49: {  	_ =	shalt  }
0x4a: {  	_ =	shalt  }
0x4b: {  	_ =	shalt  }
0x4c: {  	_ =	shalt  }
0x4d: {  	_ =	shalt  }
0x4e: {  	_ =	shalt  }
0x4f: {  	_ =	shalt  }
0x50: {  	_ =	shalt  }
0x51: {  	_ =	shalt  }
0x52: {  	_ =	shalt  }
0x53: {  	_ =	shalt  }
0x54: {  	_ =	shalt  }
0x55: {  	_ =	shalt  }
0x56: {  	_ =	shalt  }
0x57: {  	_ =	shalt  }
0x58: {  	_ =	shalt  }
0x59: {  	_ =	shalt  }
0x5a: {  	_ =	shalt  }
0x5b: {  	_ =	shalt  }
0x5c: {  	_ =	shalt  }
0x5d: {  	_ =	shalt  }
0x5e: {  	_ =	shalt  }
0x5f: {  	_ =	shalt  }
0x60: {  	_ =	shalt  }
0x61: {  	_ =	shalt  }
0x62: {  	_ =	shalt  }
0x63: {  	_ =	shalt  }
0x64: {  	_ =	shalt  }
0x65: {  	_ =	shalt  }
0x66: {  	_ =	shalt  }
0x67: {  	_ =	shalt  }
0x68: {  	_ =	shalt  }
0x69: {  	_ =	shalt  }
0x6a: {  	_ =	shalt  }
0x6b: {  	_ =	shalt  }
0x6c: {  	_ =	shalt  }
0x6d: {  	_ =	shalt  }
0x6e: {  	_ =	shalt  }
0x6f: {  	_ =	shalt  }
0x70: {  	_ =	shalt  }
0x71: {  	_ =	shalt  }
0x72: {  	_ =	shalt  }
0x73: {  	_ =	shalt  }
0x74: {  	_ =	shalt  }
0x75: {  	_ =	shalt  }
0x76: {  	_ =	shalt  }
0x77: {  	_ =	shalt  }
0x78: {  	_ =	shalt  }
0x79: {  	_ =	shalt  }
0x7a: {  	_ =	shalt  }
0x7b: {  	_ =	shalt  }
0x7c: {  	_ =	shalt  }
0x7d: {  	_ =	shalt  }
0x7e: {  	_ =	shalt  }
0x7f: {  	_ =	shalt  }
0x80: {  	_ =	shalt  }
0x81: {  	_ =	shalt  }
0x82: {  	_ =	shalt  }
0x83: {  	_ =	shalt  }
0x84: {  	_ =	shalt  }
0x85: {  	_ =	shalt  }
0x86: {  	_ =	shalt  }
0x87: {  	_ =	shalt  }
.Lfunc_end0:
.L_simem_size_0:
called_computation.2_lowered:
.L_overlay_start_0:
0x88: {  	s2 =	sld [smem:$0x3FD9]  }
0x89: {  	s3 =	sld [smem:$0x3FFE];
	_ =	sdelay $0x1  }
0x8a: {  	s1 =	srdreg.scid  }
0x8b: {  	s0 =	sand.u32 $0x1, s1  }
0x8c: {  	s16 =	sshll.u32 s0, $0xA;
	s2 =	sadd.s32 s3, s2  }
0x8d: {  	s2 =	sadd.s32 s2, s16  }
0x8e: {  	[smem:$0x3FBF] =	sst s2  }
0x8f: {  	_ = 	snop  }
0x90: {  	(tm) =	ssettm $0x1  }
0x91: {  	s17 =	sld [smem:$0x3FFB];
	_ =	sdelay $0x3  }
0x92: {  	_ =	strace s17  }
0x93: {  	s2 =	sld [smem:$0x3FFC];
	_ =	sdelay $0x3  }
0x94: {  	_ =	strace s2  }
0x95: {  	s2 =	sld [smem:$0x3FFD];
	_ =	sdelay $0x3  }
0x96: {  	_ =	strace s2  }
0x97: {  	_ =	strace $0x8FFFFFFF  }
0x98: {  	s18 =	sld [smem:$0x3FDB];
	_ =	sdelay $0x1  }
0x99: {  	s19 =	simm.s32 $_scs_section_size  }
0x9a: {  	s4 =	simm.s32 $_size__tile_overlayer_lowered;
	s5 =	simm.s32 $_tile_overlayer_lowered  }
0x9b: {  	s22 =	simm.s32 $0x1BFF;
	s21 =	sshll.u32 s5, $0x1;
	s2 =	sadd.s32 s19, s18  }
0x9c: {  	s6 =	simm.s32 $0x0;
	s20 =	sshll.u32 s4, $0x1;
	s4 =	sadd.s32 s21, s2  }
0x9d: {  	[timem:s6], [sflag:s22] =	dma.local [hbm:s4], s20  }
0x9e: {  	_ =	swait.ge [sflag:s22], s20  }
0x9f: {  	s3 =	ssub.s32 $0x0, s20;
	[sflag:s22] =	ssyncset.done $0x0  }
0xa0: {  	[sflag:s22] =	ssyncadd.s32 s3;
	_ =	sdelay $0x1  }
0xa1: {  	s23 =	simm.s32 $0x1B8B  }
0xa2: {  	_ =	swait.ge [sflag:s23], $0x1  }
0xa3: {  	[sflag:s23] =	ssyncset.done $0x0  }
0xa4: {  	s25 =	simm.s32 $0x1B8E;
	s24 =	sld [smem:$0x3FFE];
	[sflag:s23] =	ssyncadd.s32 $0xFFFFFFFF  }
0xa5: {  	s26 =	simm.s32 $execute0_lowered;
	[smem:$0x3FD2] =	sst s25  }
0xa6: {  	s4 =	sshll.u32 s26, $0x1;
	_ =	strace $0x8000004C;
	[dreg:$0x1] =	wrdreg $0xFFFFFFFF  }
0xa7: {  	s28 =	simm.s32 $_size_execute0_lowered;
	s2 =	sadd.s32 s2, s4;
	[dreg:$0x0] =	wrdreg $0x0  }
0xa8: {  	s4 =	sshll.u32 s28, $0x1;
	[dreg:$0x2] =	wrdreg s2  }
0xa9: {  	[dreg:$0x3] =	wrdreg s4  }
0xaa: {  	[dreg:$0x4] =	wrdreg $0xC0  }
0xab: {  	_ =	task [dreg:s6], $0x5FFFF  }
0xac: {  	[dreg:$0x1] =	wrdreg $0xFFFFFFFF  }
0xad: {  	[dreg:$0x0] =	wrdreg $0x60  }
0xae: {  	[dreg:$0x2] =	wrdreg s24  }
0xaf: {  	[dreg:$0x3] =	wrdreg $0x90000  }
0xb0: {  	[dreg:$0x4] =	wrdreg $0x9  }
0xb1: {  	_ =	task.clear_ibuf [dreg:s6], $0x5FFFF;
	_ =	strace $0x9000004C  }
0xb2: {  	s29 =	simm.s32 $0x9;
	_ =	strace $0x8000004E  }
0xb3: {  	_ =	swait.ge [sflag:s29], $0x1  }
0xb4: {  	[sflag:s29] =	ssyncadd.s32 $0xFFFFFFFF  }
0xb5: {  	_ =	strace $0x9000004E  }
0xb6: {  	_ =	sfence  }
0xb7: {  	s30 =	sld [smem:$0x0];
	_ =	sdelay $0x2  }
0xb8: {  	s31 =	sshll.u32 s1, $0xD;
	s1 =	sshrl.u32 s1, $0x2  }
0xb9: {  	s3 =	sand.u32 $0x4000, s31;
	s1 =	sadd.s32 s1, s30  }
0xba: {  	s0 =	sor.u32 s3, s0;
	s1 =	sshll.u32 s1, $0x11  }
0xbb: {  	s0 =	sor.u32 s1, s0  }
0xbc: {  	s0 =	sadd.s32 $0x8F2B, s0  }
0xbd: {  	[sflag:s0] =	ssyncadd.remote.s32 $0x1  }
0xbe: {  	_ =	sfence.sel $0xFFFF  }
0xbf: {  	[dreg:$0x0] =	wrdreg $0xFFFFFFFF;
	(pc) =	sbr.abs _section_cstart, $3  }
0xc0: {  	[dreg:$0x1] =	wrdreg $0xFFFFFFFF  }
0xc1: {  	_ =	task.clear_ibuf [dreg:s6], $0x2FFFF;
	_ =	strace $0x9FFFFFFF  }
0xc2: {  	(tm) =	ssettm $0x7FFFFFFF  }
0xc3: {  	_ =	shalt  }
tec
execute0_lowered:
.L_overlay_start_1:
0x0: {  	(tag) =	ssettag $0x1  }
0x1: {  	s0 =	rddreg [dreg:$0x0]  }
0x2: {  	s1 =	srdreg.scid;
	s2 =	rddreg [dreg:$0x1];
	s13 =	simm.s32 $0x0  }
0x3: {  	s10 =	stileid.u32;
	s6 =	sand.u32 $0x1, s1;
	[smem:$0x7FF] =	sst s13  }
0x4: {  	s4 =	sadd.s32 $0xE400, s0;
	s5 =	sadd.s32 $0x4400, s0;
	s19 =	smul.u32 $0x50000, s10  }
0x5: {  	s3 =	sadd.s32 $0x18400, s0;
	s1 =	sshll.u32 s6, $0x4;
	s7 =	smul.u32 $0x140000, s6  }
0x6: {  	[dreg:$0x11] =	wrdreg s6;
	s6 =	smul.u32 $0x14000, s10;
	s1 =	sor.u32 s10, s1  }
0x7: {  	_ =	strace $0x8000004D;
	s22 =	sshrl.u32 s19, $0x2;
	s1 =	smul.u32 $0x2800, s1  }
0x8: {  	[dreg:$0x3] =	wrdreg s3;
	s3 =	sadd.s32 s6, s7;
	s23 =	sadd.s32 s22, s2  }
0x9: {  	s25 =	rddreg [dreg:$0x3];
	s28 =	sshrl.u32 s23, $0x3;
	s1 =	sshrl.u32 s1, $0x3  }
0xa: {  	s3 =	sshrl.u32 s3, $0x3;
	[dreg:$0x10] =	wrdreg s28;
	s8 =	sadd.s32 s4, s1  }
0xb: {  	s3 =	sadd.s32 s3, s0;
	s11 =	sadd.s32 s5, s1;
	[dreg:$0x4] =	wrdreg s8  }
0xc: {  	s9 =	sadd.s32 $0x100, s1;
	s26 =	sadd.s32 $0x92C00, s3;
	[dreg:$0x5] =	wrdreg s11  }
0xd: {  	s12 =	sadd.s32 s4, s9;
	[dreg:$0xe] =	wrdreg s26  }
0xe: {  	s15 =	sadd.s32 $0x200, s1;
	s14 =	sadd.s32 s5, s9;
	[dreg:$0x6] =	wrdreg s12  }
0xf: {  	s16 =	sadd.s32 s4, s15;
	[dreg:$0x7] =	wrdreg s14  }
0x10: {  	s18 =	sadd.s32 $0x300, s1;
	s17 =	sadd.s32 s5, s15;
	[dreg:$0x8] =	wrdreg s16  }
0x11: {  	s20 =	sadd.s32 s4, s18;
	[dreg:$0x9] =	wrdreg s17  }
0x12: {  	s1 =	sadd.s32 $0x400, s1;
	s21 =	sadd.s32 s5, s18;
	[dreg:$0xa] =	wrdreg s20  }
0x13: {  	s4 =	sadd.s32 s4, s1;
	[dreg:$0xb] =	wrdreg s21  }
0x14: {  	s24 =	sshll.u32 s10, $0x6;
	s1 =	sadd.s32 s5, s1;
	[dreg:$0xc] =	wrdreg s4  }
0x15: {  	s4 =	sor.u32 $0x1C03, s24;
	[dreg:$0xd] =	wrdreg s1  }
0x16: {  	s5 =	simm.s32 $0x3;
	[dreg:$0xf] =	wrdreg s4  }
0x17: {  	[spmem:s28], [sflag:s4] =	dma.local [hbm:s25], $0x2800  }
0x18: {  	_ =	swait.ge [sflag:s5], $0x2800  }
0x19: {  	[sflag:s5] =	ssyncset.done $0x0  }
0x1a: {  	[sflag:s5] =	ssyncadd.s32 $0xFFFFD800  }
0x1b: {  	[bflag:$0x0] =	sbarrier.arrive $0xFFFF  }
0x1c: {  	s29 =	rddreg [dreg:$0x4]  }
0x1d: {  	[tilespmem:s13], [sflag:$0x3] =	stream.linear.gather [hbm4b:s29+s13], $0x800, $0x38;
	[tilespmem:$0x1D000] =	vst v63  }
0x1e: {  	_ =	swait.ge [sflag:s5], $0x800  }
0x1f: {  	[sflag:s5] =	ssyncset.done $0x0  }
0x20: {  	s31 =	simm.s32 $0x800;
	s30 =	rddreg [dreg:$0x5];
	[sflag:s5] =	ssyncadd.s32 $0xFFFFF800  }
0x21: {  	[tilespmem:s31], [sflag:$0x3] =	stream.linear.gather [hbm4b:s30+s13], $0x800, $0x38;
	[tilespmem:$0x1D000] =	vst v63  }
0x22: {  	_ =	swait.ge [sflag:s5], $0x800  }
0x23: {  	s10 =	simm.s32 $0x1000;
	[sflag:s5] =	ssyncset.done $0x0  }
0x24: {  	s8 =	sadd.s32 $0x6AC00, s0;
	s9 =	simm.s32 $0x80;
	[sflag:s5] =	ssyncadd.s32 $0xFFFFF800  }
0x25: {  	[tilespmem:s10], [sflag:$0x1] =	stream.indirect.gather [hbm4b:s8+s9], $0x80, s13, s9, $0xb8;
	[tilespmem:$0x1D000] =	vst v63  }
0x26: {  	s11 =	simm.s32 $0x5000;
	s12 =	simm.s32 $0x1  }
0x27: {  	[tilespmem:s11], [sflag:$0x2] =	stream.indirect.gather [hbm4b:s8+s9], $0x80, s9, s9, $0xb8;
	[tilespmem:$0x1D000] =	vst v63  }
0x28: {  	_ =	swait.ge [sflag:s12], $0x4000  }
0x29: {  	[sflag:s12] =	ssyncset.done $0x0  }
0x2a: {  	[sflag:s12] =	ssyncadd.s32 $0xFFFFC000  }
0x2b: {  	[spmem:s2] =	stream.indirect.scatter.add.f32 [tilespmem:s10], [sflag:$0x3], $0x80, s31, s9, $0xb8;
	[tilespmem:$0x1D000] =	vst v63  }
0x2c: {  	_ =	swait.ge [sflag:s5], $0x4000  }
0x2d: {  	[sflag:s5] =	ssyncset.done $0x0  }
0x2e: {  	s3 =	simm.s32 $0x100;
	s14 =	simm.s32 $0x2;
	[sflag:s5] =	ssyncadd.s32 $0xFFFFC000  }
0x2f: {  	[tilespmem:s10], [sflag:$0x1] =	stream.indirect.gather [hbm4b:s8+s9], $0x80, s3, s9, $0xb8;
	[tilespmem:$0x1D000] =	vst v63  }
0x30: {  	_ =	swait.ge [sflag:s14], $0x4000  }
0x31: {  	[sflag:s14] =	ssyncset.done $0x0  }
0x32: {  	s4 =	simm.s32 $0x880;
	[sflag:s14] =	ssyncadd.s32 $0xFFFFC000  }
0x33: {  	[spmem:s2] =	stream.indirect.scatter.add.f32 [tilespmem:s11], [sflag:$0x3], $0x80, s4, s9, $0xb8;
	[tilespmem:$0x1D000] =	vst v63  }
0x34: {  	_ =	swait.ge [sflag:s5], $0x4000  }
0x35: {  	[sflag:s5] =	ssyncset.done $0x0  }
0x36: {  	s6 =	simm.s32 $0x180;
	[sflag:s5] =	ssyncadd.s32 $0xFFFFC000  }
0x37: {  	[tilespmem:s11], [sflag:$0x2] =	stream.indirect.gather [hbm4b:s8+s9], $0x80, s6, s9, $0xb8;
	[tilespmem:$0x1D000] =	vst v63  }
0x38: {  	_ =	swait.ge [sflag:s12], $0x4000  }
0x39: {  	[sflag:s12] =	ssyncset.done $0x0  }
0x3a: {  	s7 =	simm.s32 $0x900;
	[sflag:s12] =	ssyncadd.s32 $0xFFFFC000  }
0x3b: {  	[spmem:s2] =	stream.indirect.scatter.add.f32 [tilespmem:s10], [sflag:$0x3], $0x80, s7, s9, $0xb8;
	[tilespmem:$0x1D000] =	vst v63  }
0x3c: {  	_ =	swait.ge [sflag:s5], $0x4000  }
0x3d: {  	[sflag:s5] =	ssyncset.done $0x0  }
0x3e: {  	s15 =	simm.s32 $0x200;
	[sflag:s5] =	ssyncadd.s32 $0xFFFFC000  }
0x3f: {  	[tilespmem:s10], [sflag:$0x1] =	stream.indirect.gather [hbm4b:s8+s9], $0x80, s15, s9, $0xb8;
	[tilespmem:$0x1D000] =	vst v63  }
0x40: {  	_ =	swait.ge [sflag:s14], $0x4000  }
0x41: {  	[sflag:s14] =	ssyncset.done $0x0  }
0x42: {  	s16 =	simm.s32 $0x980;
	[sflag:s14] =	ssyncadd.s32 $0xFFFFC000  }
0x43: {  	[spmem:s2] =	stream.indirect.scatter.add.f32 [tilespmem:s11], [sflag:$0x3], $0x80, s16, s9, $0xb8;
	[tilespmem:$0x1D000] =	vst v63  }
0x44: {  	_ =	swait.ge [sflag:s5], $0x4000  }
0x45: {  	[sflag:s5] =	ssyncset.done $0x0  }
0x46: {  	s17 =	simm.s32 $0x280;
	[sflag:s5] =	ssyncadd.s32 $0xFFFFC000  }
0x47: {  	[tilespmem:s11], [sflag:$0x2] =	stream.indirect.gather [hbm4b:s8+s9], $0x80, s17, s9, $0xb8;
	[tilespmem:$0x1D000] =	vst v63  }
0x48: {  	_ =	swait.ge [sflag:s12], $0x4000  }
0x49: {  	[sflag:s12] =	ssyncset.done $0x0  }
0x4a: {  	s18 =	simm.s32 $0xA00;
	[sflag:s12] =	ssyncadd.s32 $0xFFFFC000  }
0x4b: {  	[spmem:s2] =	stream.indirect.scatter.add.f32 [tilespmem:s10], [sflag:$0x3], $0x80, s18, s9, $0xb8;
	[tilespmem:$0x1D000] =	vst v63  }
0x4c: {  	_ =	swait.ge [sflag:s5], $0x4000  }
0x4d: {  	[sflag:s5] =	ssyncset.done $0x0  }
0x4e: {  	s19 =	simm.s32 $0x300;
	[sflag:s5] =	ssyncadd.s32 $0xFFFFC000  }
0x4f: {  	[tilespmem:s10], [sflag:$0x1] =	stream.indirect.gather [hbm4b:s8+s9], $0x80, s19, s9, $0xb8;
	[tilespmem:$0x1D000] =	vst v63  }
0x50: {  	_ =	swait.ge [sflag:s14], $0x4000  }
0x51: {  	[sflag:s14] =	ssyncset.done $0x0  }
0x52: {  	s20 =	simm.s32 $0xA80;
	[sflag:s14] =	ssyncadd.s32 $0xFFFFC000  }
0x53: {  	[spmem:s2] =	stream.indirect.scatter.add.f32 [tilespmem:s11], [sflag:$0x3], $0x80, s20, s9, $0xb8;
	[tilespmem:$0x1D000] =	vst v63  }
0x54: {  	_ =	swait.ge [sflag:s5], $0x4000  }
0x55: {  	[sflag:s5] =	ssyncset.done $0x0  }
0x56: {  	s21 =	simm.s32 $0x380;
	[sflag:s5] =	ssyncadd.s32 $0xFFFFC000  }
0x57: {  	[tilespmem:s11], [sflag:$0x2] =	stream.indirect.gather [hbm4b:s8+s9], $0x80, s21, s9, $0xb8;
	[tilespmem:$0x1D000] =	vst v63  }
0x58: {  	_ =	swait.ge [sflag:s12], $0x4000  }
0x59: {  	[sflag:s12] =	ssyncset.done $0x0  }
0x5a: {  	s22 =	simm.s32 $0xB00;
	[sflag:s12] =	ssyncadd.s32 $0xFFFFC000  }
0x5b: {  	[spmem:s2] =	stream.indirect.scatter.add.f32 [tilespmem:s10], [sflag:$0x3], $0x80, s22, s9, $0xb8;
	[tilespmem:$0x1D000] =	vst v63  }
0x5c: {  	_ =	swait.ge [sflag:s5], $0x4000  }
0x5d: {  	[sflag:s5] =	ssyncset.done $0x0  }
0x5e: {  	s23 =	simm.s32 $0x400;
	[sflag:s5] =	ssyncadd.s32 $0xFFFFC000  }
0x5f: {  	[tilespmem:s10], [sflag:$0x1] =	stream.indirect.gather [hbm4b:s8+s9], $0x80, s23, s9, $0xb8;
	[tilespmem:$0x1D000] =	vst v63  }
0x60: {  	_ =	swait.ge [sflag:s14], $0x4000  }
0x61: {  	[sflag:s14] =	ssyncset.done $0x0  }
0x62: {  	s24 =	simm.s32 $0xB80;
	[sflag:s14] =	ssyncadd.s32 $0xFFFFC000  }
0x63: {  	[spmem:s2] =	stream.indirect.scatter.add.f32 [tilespmem:s11], [sflag:$0x3], $0x80, s24, s9, $0xb8;
	[tilespmem:$0x1D000] =	vst v63  }
0x64: {  	_ =	swait.ge [sflag:s5], $0x4000  }
0x65: {  	[sflag:s5] =	ssyncset.done $0x0  }
0x66: {  	s25 =	simm.s32 $0x480;
	[sflag:s5] =	ssyncadd.s32 $0xFFFFC000  }
0x67: {  	[tilespmem:s11], [sflag:$0x2] =	stream.indirect.gather [hbm4b:s8+s9], $0x80, s25, s9, $0xb8;
	[tilespmem:$0x1D000] =	vst v63  }
0x68: {  	_ =	swait.ge [sflag:s12], $0x4000  }
0x69: {  	[sflag:s12] =	ssyncset.done $0x0  }
0x6a: {  	s26 =	simm.s32 $0xC00;
	[sflag:s12] =	ssyncadd.s32 $0xFFFFC000  }
0x6b: {  	[spmem:s2] =	stream.indirect.scatter.add.f32 [tilespmem:s10], [sflag:$0x3], $0x80, s26, s9, $0xb8;
	[tilespmem:$0x1D000] =	vst v63  }
0x6c: {  	_ =	swait.ge [sflag:s5], $0x4000  }
0x6d: {  	[sflag:s5] =	ssyncset.done $0x0  }
0x6e: {  	s28 =	simm.s32 $0x500;
	[sflag:s5] =	ssyncadd.s32 $0xFFFFC000  }
0x6f: {  	[tilespmem:s10], [sflag:$0x1] =	stream.indirect.gather [hbm4b:s8+s9], $0x80, s28, s9, $0xb8;
	[tilespmem:$0x1D000] =	vst v63  }
0x70: {  	_ =	swait.ge [sflag:s14], $0x4000  }
0x71: {  	[sflag:s14] =	ssyncset.done $0x0  }
0x72: {  	s29 =	simm.s32 $0xC80;
	[sflag:s14] =	ssyncadd.s32 $0xFFFFC000  }
0x73: {  	[spmem:s2] =	stream.indirect.scatter.add.f32 [tilespmem:s11], [sflag:$0x3], $0x80, s29, s9, $0xb8;
	[tilespmem:$0x1D000] =	vst v63  }
0x74: {  	_ =	swait.ge [sflag:s5], $0x4000  }
0x75: {  	[sflag:s5] =	ssyncset.done $0x0  }
0x76: {  	s30 =	simm.s32 $0x580;
	[sflag:s5] =	ssyncadd.s32 $0xFFFFC000  }
0x77: {  	[tilespmem:s11], [sflag:$0x2] =	stream.indirect.gather [hbm4b:s8+s9], $0x80, s30, s9, $0xb8;
	[tilespmem:$0x1D000] =	vst v63  }
0x78: {  	_ =	swait.ge [sflag:s12], $0x4000  }
0x79: {  	[sflag:s12] =	ssyncset.done $0x0  }
0x7a: {  	s31 =	simm.s32 $0xD00;
	[sflag:s12] =	ssyncadd.s32 $0xFFFFC000  }
0x7b: {  	[spmem:s2] =	stream.indirect.scatter.add.f32 [tilespmem:s10], [sflag:$0x3], $0x80, s31, s9, $0xb8;
	[tilespmem:$0x1D000] =	vst v63  }
0x7c: {  	_ =	swait.ge [sflag:s5], $0x4000  }
0x7d: {  	[sflag:s5] =	ssyncset.done $0x0  }
0x7e: {  	s1 =	simm.s32 $0x600;
	[sflag:s5] =	ssyncadd.s32 $0xFFFFC000  }
0x7f: {  	[tilespmem:s10], [sflag:$0x1] =	stream.indirect.gather [hbm4b:s8+s9], $0x80, s1, s9, $0xb8;
	[tilespmem:$0x1D000] =	vst v63  }
0x80: {  	_ =	swait.ge [sflag:s14], $0x4000  }
0x81: {  	[sflag:s14] =	ssyncset.done $0x0  }
0x82: {  	s3 =	simm.s32 $0xD80;
	[sflag:s14] =	ssyncadd.s32 $0xFFFFC000  }
0x83: {  	[spmem:s2] =	stream.indirect.scatter.add.f32 [tilespmem:s11], [sflag:$0x3], $0x80, s3, s9, $0xb8;
	[tilespmem:$0x1D000] =	vst v63  }
0x84: {  	_ =	swait.ge [sflag:s5], $0x4000  }
0x85: {  	[sflag:s5] =	ssyncset.done $0x0  }
0x86: {  	s4 =	simm.s32 $0x680;
	[sflag:s5] =	ssyncadd.s32 $0xFFFFC000  }
0x87: {  	[tilespmem:s11], [sflag:$0x2] =	stream.indirect.gather [hbm4b:s8+s9], $0x80, s4, s9, $0xb8;
	[tilespmem:$0x1D000] =	vst v63  }
0x88: {  	_ =	swait.ge [sflag:s12], $0x4000  }
0x89: {  	[sflag:s12] =	ssyncset.done $0x0  }
0x8a: {  	s6 =	simm.s32 $0xE00;
	[sflag:s12] =	ssyncadd.s32 $0xFFFFC000  }
0x8b: {  	[spmem:s2] =	stream.indirect.scatter.add.f32 [tilespmem:s10], [sflag:$0x3], $0x80, s6, s9, $0xb8;
	[tilespmem:$0x1D000] =	vst v63  }
0x8c: {  	_ =	swait.ge [sflag:s5], $0x4000  }
0x8d: {  	[sflag:s5] =	ssyncset.done $0x0  }
0x8e: {  	s7 =	simm.s32 $0x700;
	[sflag:s5] =	ssyncadd.s32 $0xFFFFC000  }
0x8f: {  	[tilespmem:s10], [sflag:$0x1] =	stream.indirect.gather [hbm4b:s8+s9], $0x80, s7, s9, $0xb8;
	[tilespmem:$0x1D000] =	vst v63  }
0x90: {  	_ =	swait.ge [sflag:s14], $0x4000  }
0x91: {  	[sflag:s14] =	ssyncset.done $0x0  }
0x92: {  	s15 =	simm.s32 $0xE80;
	[sflag:s14] =	ssyncadd.s32 $0xFFFFC000  }
0x93: {  	[spmem:s2] =	stream.indirect.scatter.add.f32 [tilespmem:s11], [sflag:$0x3], $0x80, s15, s9, $0xb8;
	[tilespmem:$0x1D000] =	vst v63  }
0x94: {  	_ =	swait.ge [sflag:s5], $0x4000  }
0x95: {  	[sflag:s5] =	ssyncset.done $0x0  }
0x96: {  	s16 =	simm.s32 $0x780;
	[sflag:s5] =	ssyncadd.s32 $0xFFFFC000  }
0x97: {  	[tilespmem:s11], [sflag:$0x2] =	stream.indirect.gather [hbm4b:s8+s9], $0x80, s16, s9, $0xb8;
	[tilespmem:$0x1D000] =	vst v63  }
0x98: {  	_ =	swait.ge [sflag:s12], $0x4000  }
0x99: {  	[sflag:s12] =	ssyncset.done $0x0  }
0x9a: {  	s17 =	simm.s32 $0xF00;
	[sflag:s12] =	ssyncadd.s32 $0xFFFFC000  }
0x9b: {  	[spmem:s2] =	stream.indirect.scatter.add.f32 [tilespmem:s10], [sflag:$0x3], $0x80, s17, s9, $0xb8;
	[tilespmem:$0x1D000] =	vst v63  }
0x9c: {  	_ =	swait.ge [sflag:s5], $0x4000  }
0x9d: {  	[sflag:s5] =	ssyncset.done $0x0  }
0x9e: {  	[sflag:s5] =	ssyncadd.s32 $0xFFFFC000  }
0x9f: {  	[tilespmem:s10], [sflag:$0x1] =	stream.indirect.gather [hbm4b:s8+s9], $0x80, s13, s9, $0xb8;
	[tilespmem:$0x1D000] =	vst v63  }
0xa0: {  	_ =	swait.ge [sflag:s14], $0x4000  }
0xa1: {  	[sflag:s14] =	ssyncset.done $0x0  }
0xa2: {  	s18 =	simm.s32 $0xF80;
	[sflag:s14] =	ssyncadd.s32 $0xFFFFC000  }
0xa3: {  	[spmem:s2] =	stream.indirect.scatter.add.f32 [tilespmem:s11], [sflag:$0x3], $0x80, s18, s9, $0xb8;
	[tilespmem:$0x1D000] =	vst v63  }
0xa4: {  	_ =	swait.ge [sflag:s5], $0x4000  }
0xa5: {  	[sflag:s5] =	ssyncset.done $0x0  }
0xa6: {  	[sflag:s5] =	ssyncadd.s32 $0xFFFFC000  }
0xa7: {  	_ =	swait.ge [sflag:s12], $0x4000  }
0xa8: {  	[sflag:s12] =	ssyncset.done $0x0  }
0xa9: {  	s22 =	rddreg [dreg:$0x6];
	[sflag:s12] =	ssyncadd.s32 $0xFFFFC000  }
0xaa: {  	[tilespmem:s13], [sflag:$0x3] =	stream.linear.gather [hbm4b:s22+s13], $0x800, $0x38;
	[tilespmem:$0x1D000] =	vst v63  }
0xab: {  	_ =	swait.ge [sflag:s5], $0x800  }
0xac: {  	[sflag:s5] =	ssyncset.done $0x0  }
0xad: {  	s20 =	simm.s32 $0x800;
	s19 =	rddreg [dreg:$0x7];
	[sflag:s5] =	ssyncadd.s32 $0xFFFFF800  }
0xae: {  	[tilespmem:s20], [sflag:$0x3] =	stream.linear.gather [hbm4b:s19+s13], $0x800, $0x38;
	[tilespmem:$0x1D000] =	vst v63  }
0xaf: {  	_ =	swait.ge [sflag:s5], $0x800  }
0xb0: {  	[sflag:s5] =	ssyncset.done $0x0  }
0xb1: {  	[sflag:s5] =	ssyncadd.s32 $0xFFFFF800  }
0xb2: {  	[tilespmem:s10], [sflag:$0x1] =	stream.indirect.gather [hbm4b:s8+s9], $0x80, s13, s9, $0xb8;
	[tilespmem:$0x1D000] =	vst v63  }
0xb3: {  	_ = 	snop  }
0xb4: {  	[tilespmem:s11], [sflag:$0x2] =	stream.indirect.gather [hbm4b:s8+s9], $0x80, s9, s9, $0xb8;
	[tilespmem:$0x1D000] =	vst v63  }
0xb5: {  	_ =	swait.ge [sflag:s12], $0x4000  }
0xb6: {  	[sflag:s12] =	ssyncset.done $0x0  }
0xb7: {  	[sflag:s12] =	ssyncadd.s32 $0xFFFFC000  }
0xb8: {  	[spmem:s2] =	stream.indirect.scatter.add.f32 [tilespmem:s10], [sflag:$0x3], $0x80, s20, s9, $0xb8;
	[tilespmem:$0x1D000] =	vst v63  }
0xb9: {  	_ =	swait.ge [sflag:s5], $0x4000  }
0xba: {  	[sflag:s5] =	ssyncset.done $0x0  }
0xbb: {  	s21 =	simm.s32 $0x100;
	[sflag:s5] =	ssyncadd.s32 $0xFFFFC000  }
0xbc: {  	[tilespmem:s10], [sflag:$0x1] =	stream.indirect.gather [hbm4b:s8+s9], $0x80, s21, s9, $0xb8;
	[tilespmem:$0x1D000] =	vst v63  }
0xbd: {  	_ =	swait.ge [sflag:s14], $0x4000  }
0xbe: {  	[sflag:s14] =	ssyncset.done $0x0  }
0xbf: {  	s1 =	simm.s32 $0x880;
	[sflag:s14] =	ssyncadd.s32 $0xFFFFC000  }
0xc0: {  	[spmem:s2] =	stream.indirect.scatter.add.f32 [tilespmem:s11], [sflag:$0x3], $0x80, s1, s9, $0xb8;
	[tilespmem:$0x1D000] =	vst v63  }
0xc1: {  	_ =	swait.ge [sflag:s5], $0x4000  }
0xc2: {  	[sflag:s5] =	ssyncset.done $0x0  }
0xc3: {  	s3 =	simm.s32 $0x180;
	[sflag:s5] =	ssyncadd.s32 $0xFFFFC000  }
0xc4: {  	[tilespmem:s11], [sflag:$0x2] =	stream.indirect.gather [hbm4b:s8+s9], $0x80, s3, s9, $0xb8;
	[tilespmem:$0x1D000] =	vst v63  }
0xc5: {  	_ =	swait.ge [sflag:s12], $0x4000  }
0xc6: {  	[sflag:s12] =	ssyncset.done $0x0  }
0xc7: {  	s4 =	simm.s32 $0x900;
	[sflag:s12] =	ssyncadd.s32 $0xFFFFC000  }
0xc8: {  	[spmem:s2] =	stream.indirect.scatter.add.f32 [tilespmem:s10], [sflag:$0x3], $0x80, s4, s9, $0xb8;
	[tilespmem:$0x1D000] =	vst v63  }
0xc9: {  	_ =	swait.ge [sflag:s5], $0x4000  }
0xca: {  	[sflag:s5] =	ssyncset.done $0x0  }
0xcb: {  	s6 =	simm.s32 $0x200;
	[sflag:s5] =	ssyncadd.s32 $0xFFFFC000  }
0xcc: {  	[tilespmem:s10], [sflag:$0x1] =	stream.indirect.gather [hbm4b:s8+s9], $0x80, s6, s9, $0xb8;
	[tilespmem:$0x1D000] =	vst v63  }
0xcd: {  	_ =	swait.ge [sflag:s14], $0x4000  }
0xce: {  	[sflag:s14] =	ssyncset.done $0x0  }
0xcf: {  	s7 =	simm.s32 $0x980;
	[sflag:s14] =	ssyncadd.s32 $0xFFFFC000  }
0xd0: {  	[spmem:s2] =	stream.indirect.scatter.add.f32 [tilespmem:s11], [sflag:$0x3], $0x80, s7, s9, $0xb8;
	[tilespmem:$0x1D000] =	vst v63  }
0xd1: {  	_ =	swait.ge [sflag:s5], $0x4000  }
0xd2: {  	[sflag:s5] =	ssyncset.done $0x0  }
0xd3: {  	s15 =	simm.s32 $0x280;
	[sflag:s5] =	ssyncadd.s32 $0xFFFFC000  }
0xd4: {  	[tilespmem:s11], [sflag:$0x2] =	stream.indirect.gather [hbm4b:s8+s9], $0x80, s15, s9, $0xb8;
	[tilespmem:$0x1D000] =	vst v63  }
0xd5: {  	_ =	swait.ge [sflag:s12], $0x4000  }
0xd6: {  	[sflag:s12] =	ssyncset.done $0x0  }
0xd7: {  	s16 =	simm.s32 $0xA00;
	[sflag:s12] =	ssyncadd.s32 $0xFFFFC000  }
0xd8: {  	[spmem:s2] =	stream.indirect.scatter.add.f32 [tilespmem:s10], [sflag:$0x3], $0x80, s16, s9, $0xb8;
	[tilespmem:$0x1D000] =	vst v63  }
0xd9: {  	_ =	swait.ge [sflag:s5], $0x4000  }
0xda: {  	[sflag:s5] =	ssyncset.done $0x0  }
0xdb: {  	s17 =	simm.s32 $0x300;
	[sflag:s5] =	ssyncadd.s32 $0xFFFFC000  }
0xdc: {  	[tilespmem:s10], [sflag:$0x1] =	stream.indirect.gather [hbm4b:s8+s9], $0x80, s17, s9, $0xb8;
	[tilespmem:$0x1D000] =	vst v63  }
0xdd: {  	_ =	swait.ge [sflag:s14], $0x4000  }
0xde: {  	[sflag:s14] =	ssyncset.done $0x0  }
0xdf: {  	s18 =	simm.s32 $0xA80;
	[sflag:s14] =	ssyncadd.s32 $0xFFFFC000  }
0xe0: {  	[spmem:s2] =	stream.indirect.scatter.add.f32 [tilespmem:s11], [sflag:$0x3], $0x80, s18, s9, $0xb8;
	[tilespmem:$0x1D000] =	vst v63  }
0xe1: {  	_ =	swait.ge [sflag:s5], $0x4000  }
0xe2: {  	[sflag:s5] =	ssyncset.done $0x0  }
0xe3: {  	s19 =	simm.s32 $0x380;
	[sflag:s5] =	ssyncadd.s32 $0xFFFFC000  }
0xe4: {  	[tilespmem:s11], [sflag:$0x2] =	stream.indirect.gather [hbm4b:s8+s9], $0x80, s19, s9, $0xb8;
	[tilespmem:$0x1D000] =	vst v63  }
0xe5: {  	_ =	swait.ge [sflag:s12], $0x4000  }
0xe6: {  	[sflag:s12] =	ssyncset.done $0x0  }
0xe7: {  	s20 =	simm.s32 $0xB00;
	[sflag:s12] =	ssyncadd.s32 $0xFFFFC000  }
0xe8: {  	[spmem:s2] =	stream.indirect.scatter.add.f32 [tilespmem:s10], [sflag:$0x3], $0x80, s20, s9, $0xb8;
	[tilespmem:$0x1D000] =	vst v63  }
0xe9: {  	_ =	swait.ge [sflag:s5], $0x4000  }
0xea: {  	[sflag:s5] =	ssyncset.done $0x0  }
0xeb: {  	s21 =	simm.s32 $0x400;
	[sflag:s5] =	ssyncadd.s32 $0xFFFFC000  }
0xec: {  	[tilespmem:s10], [sflag:$0x1] =	stream.indirect.gather [hbm4b:s8+s9], $0x80, s21, s9, $0xb8;
	[tilespmem:$0x1D000] =	vst v63  }
0xed: {  	_ =	swait.ge [sflag:s14], $0x4000  }
0xee: {  	[sflag:s14] =	ssyncset.done $0x0  }
0xef: {  	s23 =	simm.s32 $0xB80;
	[sflag:s14] =	ssyncadd.s32 $0xFFFFC000  }
0xf0: {  	[spmem:s2] =	stream.indirect.scatter.add.f32 [tilespmem:s11], [sflag:$0x3], $0x80, s23, s9, $0xb8;
	[tilespmem:$0x1D000] =	vst v63  }
0xf1: {  	_ =	swait.ge [sflag:s5], $0x4000  }
0xf2: {  	[sflag:s5] =	ssyncset.done $0x0  }
0xf3: {  	s24 =	simm.s32 $0x480;
	[sflag:s5] =	ssyncadd.s32 $0xFFFFC000  }
0xf4: {  	[tilespmem:s11], [sflag:$0x2] =	stream.indirect.gather [hbm4b:s8+s9], $0x80, s24, s9, $0xb8;
	[tilespmem:$0x1D000] =	vst v63  }
0xf5: {  	_ =	swait.ge [sflag:s12], $0x4000  }
0xf6: {  	[sflag:s12] =	ssyncset.done $0x0  }
0xf7: {  	s25 =	simm.s32 $0xC00;
	[sflag:s12] =	ssyncadd.s32 $0xFFFFC000  }
0xf8: {  	[spmem:s2] =	stream.indirect.scatter.add.f32 [tilespmem:s10], [sflag:$0x3], $0x80, s25, s9, $0xb8;
	[tilespmem:$0x1D000] =	vst v63  }
0xf9: {  	_ =	swait.ge [sflag:s5], $0x4000  }
0xfa: {  	[sflag:s5] =	ssyncset.done $0x0  }
0xfb: {  	s26 =	simm.s32 $0x500;
	[sflag:s5] =	ssyncadd.s32 $0xFFFFC000  }
0xfc: {  	[tilespmem:s10], [sflag:$0x1] =	stream.indirect.gather [hbm4b:s8+s9], $0x80, s26, s9, $0xb8;
	[tilespmem:$0x1D000] =	vst v63  }
0xfd: {  	_ =	swait.ge [sflag:s14], $0x4000  }
0xfe: {  	[sflag:s14] =	ssyncset.done $0x0  }
0xff: {  	s28 =	simm.s32 $0xC80;
	[sflag:s14] =	ssyncadd.s32 $0xFFFFC000  }
0x100: {  	[spmem:s2] =	stream.indirect.scatter.add.f32 [tilespmem:s11], [sflag:$0x3], $0x80, s28, s9, $0xb8;
	[tilespmem:$0x1D000] =	vst v63  }
0x101: {  	_ =	swait.ge [sflag:s5], $0x4000  }
0x102: {  	[sflag:s5] =	ssyncset.done $0x0  }
0x103: {  	s29 =	simm.s32 $0x580;
	[sflag:s5] =	ssyncadd.s32 $0xFFFFC000  }
0x104: {  	[tilespmem:s11], [sflag:$0x2] =	stream.indirect.gather [hbm4b:s8+s9], $0x80, s29, s9, $0xb8;
	[tilespmem:$0x1D000] =	vst v63  }
0x105: {  	_ =	swait.ge [sflag:s12], $0x4000  }
0x106: {  	[sflag:s12] =	ssyncset.done $0x0  }
0x107: {  	s30 =	simm.s32 $0xD00;
	[sflag:s12] =	ssyncadd.s32 $0xFFFFC000  }
0x108: {  	[spmem:s2] =	stream.indirect.scatter.add.f32 [tilespmem:s10], [sflag:$0x3], $0x80, s30, s9, $0xb8;
	[tilespmem:$0x1D000] =	vst v63  }
0x109: {  	_ =	swait.ge [sflag:s5], $0x4000  }
0x10a: {  	[sflag:s5] =	ssyncset.done $0x0  }
0x10b: {  	s31 =	simm.s32 $0x600;
	[sflag:s5] =	ssyncadd.s32 $0xFFFFC000  }
0x10c: {  	[tilespmem:s10], [sflag:$0x1] =	stream.indirect.gather [hbm4b:s8+s9], $0x80, s31, s9, $0xb8;
	[tilespmem:$0x1D000] =	vst v63  }
0x10d: {  	_ =	swait.ge [sflag:s14], $0x4000  }
0x10e: {  	[sflag:s14] =	ssyncset.done $0x0  }
0x10f: {  	s22 =	simm.s32 $0xD80;
	[sflag:s14] =	ssyncadd.s32 $0xFFFFC000  }
0x110: {  	[spmem:s2] =	stream.indirect.scatter.add.f32 [tilespmem:s11], [sflag:$0x3], $0x80, s22, s9, $0xb8;
	[tilespmem:$0x1D000] =	vst v63  }
0x111: {  	_ =	swait.ge [sflag:s5], $0x4000  }
0x112: {  	[sflag:s5] =	ssyncset.done $0x0  }
0x113: {  	s22 =	simm.s32 $0x680;
	[sflag:s5] =	ssyncadd.s32 $0xFFFFC000  }
0x114: {  	[tilespmem:s11], [sflag:$0x2] =	stream.indirect.gather [hbm4b:s8+s9], $0x80, s22, s9, $0xb8;
	[tilespmem:$0x1D000] =	vst v63  }
0x115: {  	_ =	swait.ge [sflag:s12], $0x4000  }
0x116: {  	[sflag:s12] =	ssyncset.done $0x0  }
0x117: {  	s22 =	simm.s32 $0xE00;
	[sflag:s12] =	ssyncadd.s32 $0xFFFFC000  }
0x118: {  	[spmem:s2] =	stream.indirect.scatter.add.f32 [tilespmem:s10], [sflag:$0x3], $0x80, s22, s9, $0xb8;
	[tilespmem:$0x1D000] =	vst v63  }
0x119: {  	_ =	swait.ge [sflag:s5], $0x4000  }
0x11a: {  	[sflag:s5] =	ssyncset.done $0x0  }
0x11b: {  	s22 =	simm.s32 $0x700;
	[sflag:s5] =	ssyncadd.s32 $0xFFFFC000  }
0x11c: {  	[tilespmem:s10], [sflag:$0x1] =	stream.indirect.gather [hbm4b:s8+s9], $0x80, s22, s9, $0xb8;
	[tilespmem:$0x1D000] =	vst v63  }
0x11d: {  	_ =	swait.ge [sflag:s14], $0x4000  }
0x11e: {  	[sflag:s14] =	ssyncset.done $0x0  }
0x11f: {  	s22 =	simm.s32 $0xE80;
	[sflag:s14] =	ssyncadd.s32 $0xFFFFC000  }
0x120: {  	[spmem:s2] =	stream.indirect.scatter.add.f32 [tilespmem:s11], [sflag:$0x3], $0x80, s22, s9, $0xb8;
	[tilespmem:$0x1D000] =	vst v63  }
0x121: {  	_ =	swait.ge [sflag:s5], $0x4000  }
0x122: {  	[sflag:s5] =	ssyncset.done $0x0  }
0x123: {  	s22 =	simm.s32 $0x780;
	[sflag:s5] =	ssyncadd.s32 $0xFFFFC000  }
0x124: {  	[tilespmem:s11], [sflag:$0x2] =	stream.indirect.gather [hbm4b:s8+s9], $0x80, s22, s9, $0xb8;
	[tilespmem:$0x1D000] =	vst v63  }
0x125: {  	_ =	swait.ge [sflag:s12], $0x4000  }
0x126: {  	[sflag:s12] =	ssyncset.done $0x0  }
0x127: {  	s22 =	simm.s32 $0xF00;
	[sflag:s12] =	ssyncadd.s32 $0xFFFFC000  }
0x128: {  	[spmem:s2] =	stream.indirect.scatter.add.f32 [tilespmem:s10], [sflag:$0x3], $0x80, s22, s9, $0xb8;
	[tilespmem:$0x1D000] =	vst v63  }
0x129: {  	_ =	swait.ge [sflag:s5], $0x4000  }
0x12a: {  	[sflag:s5] =	ssyncset.done $0x0  }
0x12b: {  	[sflag:s5] =	ssyncadd.s32 $0xFFFFC000  }
0x12c: {  	[tilespmem:s10], [sflag:$0x1] =	stream.indirect.gather [hbm4b:s8+s9], $0x80, s13, s9, $0xb8;
	[tilespmem:$0x1D000] =	vst v63  }
0x12d: {  	_ =	swait.ge [sflag:s14], $0x4000  }
0x12e: {  	[sflag:s14] =	ssyncset.done $0x0  }
0x12f: {  	s22 =	simm.s32 $0xF80;
	[sflag:s14] =	ssyncadd.s32 $0xFFFFC000  }
0x130: {  	[spmem:s2] =	stream.indirect.scatter.add.f32 [tilespmem:s11], [sflag:$0x3], $0x80, s22, s9, $0xb8;
	[tilespmem:$0x1D000] =	vst v63  }
0x131: {  	_ =	swait.ge [sflag:s5], $0x4000  }
0x132: {  	[sflag:s5] =	ssyncset.done $0x0  }
0x133: {  	[sflag:s5] =	ssyncadd.s32 $0xFFFFC000  }
0x134: {  	_ =	swait.ge [sflag:s12], $0x4000  }
0x135: {  	[sflag:s12] =	ssyncset.done $0x0  }
0x136: {  	s22 =	rddreg [dreg:$0x8];
	[sflag:s12] =	ssyncadd.s32 $0xFFFFC000  }
0x137: {  	[tilespmem:s13], [sflag:$0x3] =	stream.linear.gather [hbm4b:s22+s13], $0x800, $0x38;
	[tilespmem:$0x1D000] =	vst v63  }
0x138: {  	_ =	swait.ge [sflag:s5], $0x800  }
0x139: {  	[sflag:s5] =	ssyncset.done $0x0  }
0x13a: {  	s0 =	simm.s32 $0x800;
	s22 =	rddreg [dreg:$0x9];
	[sflag:s5] =	ssyncadd.s32 $0xFFFFF800  }
0x13b: {  	[tilespmem:s0], [sflag:$0x3] =	stream.linear.gather [hbm4b:s22+s13], $0x800, $0x38;
	[tilespmem:$0x1D000] =	vst v63  }
0x13c: {  	_ =	swait.ge [sflag:s5], $0x800  }
0x13d: {  	[sflag:s5] =	ssyncset.done $0x0  }
0x13e: {  	[sflag:s5] =	ssyncadd.s32 $0xFFFFF800  }
0x13f: {  	[tilespmem:s10], [sflag:$0x1] =	stream.indirect.gather [hbm4b:s8+s9], $0x80, s13, s9, $0xb8;
	[tilespmem:$0x1D000] =	vst v63  }
0x140: {  	_ = 	snop  }
0x141: {  	[tilespmem:s11], [sflag:$0x2] =	stream.indirect.gather [hbm4b:s8+s9], $0x80, s9, s9, $0xb8;
	[tilespmem:$0x1D000] =	vst v63  }
0x142: {  	_ =	swait.ge [sflag:s12], $0x4000  }
0x143: {  	[sflag:s12] =	ssyncset.done $0x0  }
0x144: {  	[sflag:s12] =	ssyncadd.s32 $0xFFFFC000  }
0x145: {  	[spmem:s2] =	stream.indirect.scatter.add.f32 [tilespmem:s10], [sflag:$0x3], $0x80, s0, s9, $0xb8;
	[tilespmem:$0x1D000] =	vst v63  }
0x146: {  	_ =	swait.ge [sflag:s5], $0x4000  }
0x147: {  	[sflag:s5] =	ssyncset.done $0x0  }
0x148: {  	s22 =	simm.s32 $0x100;
	[sflag:s5] =	ssyncadd.s32 $0xFFFFC000  }
0x149: {  	[tilespmem:s10], [sflag:$0x1] =	stream.indirect.gather [hbm4b:s8+s9], $0x80, s22, s9, $0xb8;
	[tilespmem:$0x1D000] =	vst v63  }
0x14a: {  	_ =	swait.ge [sflag:s14], $0x4000  }
0x14b: {  	[sflag:s14] =	ssyncset.done $0x0  }
0x14c: {  	[sflag:s14] =	ssyncadd.s32 $0xFFFFC000  }
0x14d: {  	[spmem:s2] =	stream.indirect.scatter.add.f32 [tilespmem:s11], [sflag:$0x3], $0x80, s1, s9, $0xb8;
	[tilespmem:$0x1D000] =	vst v63  }
0x14e: {  	_ =	swait.ge [sflag:s5], $0x4000  }
0x14f: {  	[sflag:s5] =	ssyncset.done $0x0  }
0x150: {  	[sflag:s5] =	ssyncadd.s32 $0xFFFFC000  }
0x151: {  	[tilespmem:s11], [sflag:$0x2] =	stream.indirect.gather [hbm4b:s8+s9], $0x80, s3, s9, $0xb8;
	[tilespmem:$0x1D000] =	vst v63  }
0x152: {  	_ =	swait.ge [sflag:s12], $0x4000  }
0x153: {  	[sflag:s12] =	ssyncset.done $0x0  }
0x154: {  	[sflag:s12] =	ssyncadd.s32 $0xFFFFC000  }
0x155: {  	[spmem:s2] =	stream.indirect.scatter.add.f32 [tilespmem:s10], [sflag:$0x3], $0x80, s4, s9, $0xb8;
	[tilespmem:$0x1D000] =	vst v63  }
0x156: {  	_ =	swait.ge [sflag:s5], $0x4000  }
0x157: {  	[sflag:s5] =	ssyncset.done $0x0  }
0x158: {  	[sflag:s5] =	ssyncadd.s32 $0xFFFFC000  }
0x159: {  	[tilespmem:s10], [sflag:$0x1] =	stream.indirect.gather [hbm4b:s8+s9], $0x80, s6, s9, $0xb8;
	[tilespmem:$0x1D000] =	vst v63  }
0x15a: {  	_ =	swait.ge [sflag:s14], $0x4000  }
0x15b: {  	[sflag:s14] =	ssyncset.done $0x0  }
0x15c: {  	[sflag:s14] =	ssyncadd.s32 $0xFFFFC000  }
0x15d: {  	[spmem:s2] =	stream.indirect.scatter.add.f32 [tilespmem:s11], [sflag:$0x3], $0x80, s7, s9, $0xb8;
	[tilespmem:$0x1D000] =	vst v63  }
0x15e: {  	_ =	swait.ge [sflag:s5], $0x4000  }
0x15f: {  	[sflag:s5] =	ssyncset.done $0x0  }
0x160: {  	[sflag:s5] =	ssyncadd.s32 $0xFFFFC000  }
0x161: {  	[tilespmem:s11], [sflag:$0x2] =	stream.indirect.gather [hbm4b:s8+s9], $0x80, s15, s9, $0xb8;
	[tilespmem:$0x1D000] =	vst v63  }
0x162: {  	_ =	swait.ge [sflag:s12], $0x4000  }
0x163: {  	[sflag:s12] =	ssyncset.done $0x0  }
0x164: {  	[sflag:s12] =	ssyncadd.s32 $0xFFFFC000  }
0x165: {  	[spmem:s2] =	stream.indirect.scatter.add.f32 [tilespmem:s10], [sflag:$0x3], $0x80, s16, s9, $0xb8;
	[tilespmem:$0x1D000] =	vst v63  }
0x166: {  	_ =	swait.ge [sflag:s5], $0x4000  }
0x167: {  	[sflag:s5] =	ssyncset.done $0x0  }
0x168: {  	[sflag:s5] =	ssyncadd.s32 $0xFFFFC000  }
0x169: {  	[tilespmem:s10], [sflag:$0x1] =	stream.indirect.gather [hbm4b:s8+s9], $0x80, s17, s9, $0xb8;
	[tilespmem:$0x1D000] =	vst v63  }
0x16a: {  	_ =	swait.ge [sflag:s14], $0x4000  }
0x16b: {  	[sflag:s14] =	ssyncset.done $0x0  }
0x16c: {  	[sflag:s14] =	ssyncadd.s32 $0xFFFFC000  }
0x16d: {  	[spmem:s2] =	stream.indirect.scatter.add.f32 [tilespmem:s11], [sflag:$0x3], $0x80, s18, s9, $0xb8;
	[tilespmem:$0x1D000] =	vst v63  }
0x16e: {  	_ =	swait.ge [sflag:s5], $0x4000  }
0x16f: {  	[sflag:s5] =	ssyncset.done $0x0  }
0x170: {  	[sflag:s5] =	ssyncadd.s32 $0xFFFFC000  }
0x171: {  	[tilespmem:s11], [sflag:$0x2] =	stream.indirect.gather [hbm4b:s8+s9], $0x80, s19, s9, $0xb8;
	[tilespmem:$0x1D000] =	vst v63  }
0x172: {  	_ =	swait.ge [sflag:s12], $0x4000  }
0x173: {  	[sflag:s12] =	ssyncset.done $0x0  }
0x174: {  	[sflag:s12] =	ssyncadd.s32 $0xFFFFC000  }
0x175: {  	[spmem:s2] =	stream.indirect.scatter.add.f32 [tilespmem:s10], [sflag:$0x3], $0x80, s20, s9, $0xb8;
	[tilespmem:$0x1D000] =	vst v63  }
0x176: {  	_ =	swait.ge [sflag:s5], $0x4000  }
0x177: {  	[sflag:s5] =	ssyncset.done $0x0  }
0x178: {  	[sflag:s5] =	ssyncadd.s32 $0xFFFFC000  }
0x179: {  	[tilespmem:s10], [sflag:$0x1] =	stream.indirect.gather [hbm4b:s8+s9], $0x80, s21, s9, $0xb8;
	[tilespmem:$0x1D000] =	vst v63  }
0x17a: {  	_ =	swait.ge [sflag:s14], $0x4000  }
0x17b: {  	[sflag:s14] =	ssyncset.done $0x0  }
0x17c: {  	[sflag:s14] =	ssyncadd.s32 $0xFFFFC000  }
0x17d: {  	[spmem:s2] =	stream.indirect.scatter.add.f32 [tilespmem:s11], [sflag:$0x3], $0x80, s23, s9, $0xb8;
	[tilespmem:$0x1D000] =	vst v63  }
0x17e: {  	_ =	swait.ge [sflag:s5], $0x4000  }
0x17f: {  	[sflag:s5] =	ssyncset.done $0x0  }
0x180: {  	[sflag:s5] =	ssyncadd.s32 $0xFFFFC000  }
0x181: {  	[tilespmem:s11], [sflag:$0x2] =	stream.indirect.gather [hbm4b:s8+s9], $0x80, s24, s9, $0xb8;
	[tilespmem:$0x1D000] =	vst v63  }
0x182: {  	_ =	swait.ge [sflag:s12], $0x4000  }
0x183: {  	[sflag:s12] =	ssyncset.done $0x0  }
0x184: {  	[sflag:s12] =	ssyncadd.s32 $0xFFFFC000  }
0x185: {  	[spmem:s2] =	stream.indirect.scatter.add.f32 [tilespmem:s10], [sflag:$0x3], $0x80, s25, s9, $0xb8;
	[tilespmem:$0x1D000] =	vst v63  }
0x186: {  	_ =	swait.ge [sflag:s5], $0x4000  }
0x187: {  	[sflag:s5] =	ssyncset.done $0x0  }
0x188: {  	[sflag:s5] =	ssyncadd.s32 $0xFFFFC000  }
0x189: {  	[tilespmem:s10], [sflag:$0x1] =	stream.indirect.gather [hbm4b:s8+s9], $0x80, s26, s9, $0xb8;
	[tilespmem:$0x1D000] =	vst v63  }
0x18a: {  	_ =	swait.ge [sflag:s14], $0x4000  }
0x18b: {  	[sflag:s14] =	ssyncset.done $0x0  }
0x18c: {  	[sflag:s14] =	ssyncadd.s32 $0xFFFFC000  }
0x18d: {  	[spmem:s2] =	stream.indirect.scatter.add.f32 [tilespmem:s11], [sflag:$0x3], $0x80, s28, s9, $0xb8;
	[tilespmem:$0x1D000] =	vst v63  }
0x18e: {  	_ =	swait.ge [sflag:s5], $0x4000  }
0x18f: {  	[sflag:s5] =	ssyncset.done $0x0  }
0x190: {  	[sflag:s5] =	ssyncadd.s32 $0xFFFFC000  }
0x191: {  	[tilespmem:s11], [sflag:$0x2] =	stream.indirect.gather [hbm4b:s8+s9], $0x80, s29, s9, $0xb8;
	[tilespmem:$0x1D000] =	vst v63  }
0x192: {  	_ =	swait.ge [sflag:s12], $0x4000  }
0x193: {  	[sflag:s12] =	ssyncset.done $0x0  }
0x194: {  	[sflag:s12] =	ssyncadd.s32 $0xFFFFC000  }
0x195: {  	[spmem:s2] =	stream.indirect.scatter.add.f32 [tilespmem:s10], [sflag:$0x3], $0x80, s30, s9, $0xb8;
	[tilespmem:$0x1D000] =	vst v63  }
0x196: {  	_ =	swait.ge [sflag:s5], $0x4000  }
0x197: {  	[sflag:s5] =	ssyncset.done $0x0  }
0x198: {  	[sflag:s5] =	ssyncadd.s32 $0xFFFFC000  }
0x199: {  	[tilespmem:s10], [sflag:$0x1] =	stream.indirect.gather [hbm4b:s8+s9], $0x80, s31, s9, $0xb8;
	[tilespmem:$0x1D000] =	vst v63  }
0x19a: {  	_ =	swait.ge [sflag:s14], $0x4000  }
0x19b: {  	[sflag:s14] =	ssyncset.done $0x0  }
0x19c: {  	s24 =	simm.s32 $0xD80;
	[sflag:s14] =	ssyncadd.s32 $0xFFFFC000  }
0x19d: {  	[spmem:s2] =	stream.indirect.scatter.add.f32 [tilespmem:s11], [sflag:$0x3], $0x80, s24, s9, $0xb8;
	[tilespmem:$0x1D000] =	vst v63  }
0x19e: {  	_ =	swait.ge [sflag:s5], $0x4000  }
0x19f: {  	[sflag:s5] =	ssyncset.done $0x0  }
0x1a0: {  	s25 =	simm.s32 $0x680;
	[sflag:s5] =	ssyncadd.s32 $0xFFFFC000  }
0x1a1: {  	[tilespmem:s11], [sflag:$0x2] =	stream.indirect.gather [hbm4b:s8+s9], $0x80, s25, s9, $0xb8;
	[tilespmem:$0x1D000] =	vst v63  }
0x1a2: {  	_ =	swait.ge [sflag:s12], $0x4000  }
0x1a3: {  	[sflag:s12] =	ssyncset.done $0x0  }
0x1a4: {  	s26 =	simm.s32 $0xE00;
	[sflag:s12] =	ssyncadd.s32 $0xFFFFC000  }
0x1a5: {  	[spmem:s2] =	stream.indirect.scatter.add.f32 [tilespmem:s10], [sflag:$0x3], $0x80, s26, s9, $0xb8;
	[tilespmem:$0x1D000] =	vst v63  }
0x1a6: {  	_ =	swait.ge [sflag:s5], $0x4000  }
0x1a7: {  	[sflag:s5] =	ssyncset.done $0x0  }
0x1a8: {  	s28 =	simm.s32 $0x700;
	[sflag:s5] =	ssyncadd.s32 $0xFFFFC000  }
0x1a9: {  	[tilespmem:s10], [sflag:$0x1] =	stream.indirect.gather [hbm4b:s8+s9], $0x80, s28, s9, $0xb8;
	[tilespmem:$0x1D000] =	vst v63  }
0x1aa: {  	_ =	swait.ge [sflag:s14], $0x4000  }
0x1ab: {  	[sflag:s14] =	ssyncset.done $0x0  }
0x1ac: {  	s29 =	simm.s32 $0xE80;
	[sflag:s14] =	ssyncadd.s32 $0xFFFFC000  }
0x1ad: {  	[spmem:s2] =	stream.indirect.scatter.add.f32 [tilespmem:s11], [sflag:$0x3], $0x80, s29, s9, $0xb8;
	[tilespmem:$0x1D000] =	vst v63  }
0x1ae: {  	_ =	swait.ge [sflag:s5], $0x4000  }
0x1af: {  	[sflag:s5] =	ssyncset.done $0x0  }
0x1b0: {  	s30 =	simm.s32 $0x780;
	[sflag:s5] =	ssyncadd.s32 $0xFFFFC000  }
0x1b1: {  	[tilespmem:s11], [sflag:$0x2] =	stream.indirect.gather [hbm4b:s8+s9], $0x80, s30, s9, $0xb8;
	[tilespmem:$0x1D000] =	vst v63  }
0x1b2: {  	_ =	swait.ge [sflag:s12], $0x4000  }
0x1b3: {  	[sflag:s12] =	ssyncset.done $0x0  }
0x1b4: {  	s31 =	simm.s32 $0xF00;
	[sflag:s12] =	ssyncadd.s32 $0xFFFFC000  }
0x1b5: {  	[spmem:s2] =	stream.indirect.scatter.add.f32 [tilespmem:s10], [sflag:$0x3], $0x80, s31, s9, $0xb8;
	[tilespmem:$0x1D000] =	vst v63  }
0x1b6: {  	_ =	swait.ge [sflag:s5], $0x4000  }
0x1b7: {  	[sflag:s5] =	ssyncset.done $0x0  }
0x1b8: {  	[sflag:s5] =	ssyncadd.s32 $0xFFFFC000  }
0x1b9: {  	[tilespmem:s10], [sflag:$0x1] =	stream.indirect.gather [hbm4b:s8+s9], $0x80, s13, s9, $0xb8;
	[tilespmem:$0x1D000] =	vst v63  }
0x1ba: {  	_ =	swait.ge [sflag:s14], $0x4000  }
0x1bb: {  	[sflag:s14] =	ssyncset.done $0x0  }
0x1bc: {  	s1 =	simm.s32 $0xF80;
	[sflag:s14] =	ssyncadd.s32 $0xFFFFC000  }
0x1bd: {  	[spmem:s2] =	stream.indirect.scatter.add.f32 [tilespmem:s11], [sflag:$0x3], $0x80, s1, s9, $0xb8;
	[tilespmem:$0x1D000] =	vst v63  }
0x1be: {  	_ =	swait.ge [sflag:s5], $0x4000  }
0x1bf: {  	[sflag:s5] =	ssyncset.done $0x0  }
0x1c0: {  	[sflag:s5] =	ssyncadd.s32 $0xFFFFC000  }
0x1c1: {  	_ =	swait.ge [sflag:s12], $0x4000  }
0x1c2: {  	[sflag:s12] =	ssyncset.done $0x0  }
0x1c3: {  	s3 =	rddreg [dreg:$0xa];
	[sflag:s12] =	ssyncadd.s32 $0xFFFFC000  }
0x1c4: {  	[tilespmem:s13], [sflag:$0x3] =	stream.linear.gather [hbm4b:s3+s13], $0x800, $0x38;
	[tilespmem:$0x1D000] =	vst v63  }
0x1c5: {  	_ =	swait.ge [sflag:s5], $0x800  }
0x1c6: {  	[sflag:s5] =	ssyncset.done $0x0  }
0x1c7: {  	s6 =	simm.s32 $0x800;
	s4 =	rddreg [dreg:$0xb];
	[sflag:s5] =	ssyncadd.s32 $0xFFFFF800  }
0x1c8: {  	[tilespmem:s6], [sflag:$0x3] =	stream.linear.gather [hbm4b:s4+s13], $0x800, $0x38;
	[tilespmem:$0x1D000] =	vst v63  }
0x1c9: {  	_ =	swait.ge [sflag:s5], $0x800  }
0x1ca: {  	[sflag:s5] =	ssyncset.done $0x0  }
0x1cb: {  	[sflag:s5] =	ssyncadd.s32 $0xFFFFF800  }
0x1cc: {  	[tilespmem:s10], [sflag:$0x1] =	stream.indirect.gather [hbm4b:s8+s9], $0x80, s13, s9, $0xb8;
	[tilespmem:$0x1D000] =	vst v63  }
0x1cd: {  	_ = 	snop  }
0x1ce: {  	[tilespmem:s11], [sflag:$0x2] =	stream.indirect.gather [hbm4b:s8+s9], $0x80, s9, s9, $0xb8;
	[tilespmem:$0x1D000] =	vst v63  }
0x1cf: {  	_ =	swait.ge [sflag:s12], $0x4000  }
0x1d0: {  	[sflag:s12] =	ssyncset.done $0x0  }
0x1d1: {  	[sflag:s12] =	ssyncadd.s32 $0xFFFFC000  }
0x1d2: {  	[spmem:s2] =	stream.indirect.scatter.add.f32 [tilespmem:s10], [sflag:$0x3], $0x80, s6, s9, $0xb8;
	[tilespmem:$0x1D000] =	vst v63  }
0x1d3: {  	_ =	swait.ge [sflag:s5], $0x4000  }
0x1d4: {  	[sflag:s5] =	ssyncset.done $0x0  }
0x1d5: {  	s7 =	simm.s32 $0x100;
	[sflag:s5] =	ssyncadd.s32 $0xFFFFC000  }
0x1d6: {  	[tilespmem:s10], [sflag:$0x1] =	stream.indirect.gather [hbm4b:s8+s9], $0x80, s7, s9, $0xb8;
	[tilespmem:$0x1D000] =	vst v63  }
0x1d7: {  	_ =	swait.ge [sflag:s14], $0x4000  }
0x1d8: {  	[sflag:s14] =	ssyncset.done $0x0  }
0x1d9: {  	s1 =	simm.s32 $0x880;
	[sflag:s14] =	ssyncadd.s32 $0xFFFFC000  }
0x1da: {  	[spmem:s2] =	stream.indirect.scatter.add.f32 [tilespmem:s11], [sflag:$0x3], $0x80, s1, s9, $0xb8;
	[tilespmem:$0x1D000] =	vst v63  }
0x1db: {  	_ =	swait.ge [sflag:s5], $0x4000  }
0x1dc: {  	[sflag:s5] =	ssyncset.done $0x0  }
0x1dd: {  	s15 =	simm.s32 $0x180;
	[sflag:s5] =	ssyncadd.s32 $0xFFFFC000  }
0x1de: {  	[tilespmem:s11], [sflag:$0x2] =	stream.indirect.gather [hbm4b:s8+s9], $0x80, s15, s9, $0xb8;
	[tilespmem:$0x1D000] =	vst v63  }
0x1df: {  	_ =	swait.ge [sflag:s12], $0x4000  }
0x1e0: {  	[sflag:s12] =	ssyncset.done $0x0  }
0x1e1: {  	s3 =	simm.s32 $0x900;
	[sflag:s12] =	ssyncadd.s32 $0xFFFFC000  }
0x1e2: {  	[spmem:s2] =	stream.indirect.scatter.add.f32 [tilespmem:s10], [sflag:$0x3], $0x80, s3, s9, $0xb8;
	[tilespmem:$0x1D000] =	vst v63  }
0x1e3: {  	_ =	swait.ge [sflag:s5], $0x4000  }
0x1e4: {  	[sflag:s5] =	ssyncset.done $0x0  }
0x1e5: {  	s16 =	simm.s32 $0x200;
	[sflag:s5] =	ssyncadd.s32 $0xFFFFC000  }
0x1e6: {  	[tilespmem:s10], [sflag:$0x1] =	stream.indirect.gather [hbm4b:s8+s9], $0x80, s16, s9, $0xb8;
	[tilespmem:$0x1D000] =	vst v63  }
0x1e7: {  	_ =	swait.ge [sflag:s14], $0x4000  }
0x1e8: {  	[sflag:s14] =	ssyncset.done $0x0  }
0x1e9: {  	s4 =	simm.s32 $0x980;
	[sflag:s14] =	ssyncadd.s32 $0xFFFFC000  }
0x1ea: {  	[spmem:s2] =	stream.indirect.scatter.add.f32 [tilespmem:s11], [sflag:$0x3], $0x80, s4, s9, $0xb8;
	[tilespmem:$0x1D000] =	vst v63  }
0x1eb: {  	_ =	swait.ge [sflag:s5], $0x4000  }
0x1ec: {  	[sflag:s5] =	ssyncset.done $0x0  }
0x1ed: {  	s18 =	simm.s32 $0x280;
	[sflag:s5] =	ssyncadd.s32 $0xFFFFC000  }
0x1ee: {  	[tilespmem:s11], [sflag:$0x2] =	stream.indirect.gather [hbm4b:s8+s9], $0x80, s18, s9, $0xb8;
	[tilespmem:$0x1D000] =	vst v63  }
0x1ef: {  	_ =	swait.ge [sflag:s12], $0x4000  }
0x1f0: {  	[sflag:s12] =	ssyncset.done $0x0  }
0x1f1: {  	s6 =	simm.s32 $0xA00;
	[sflag:s12] =	ssyncadd.s32 $0xFFFFC000  }
0x1f2: {  	[spmem:s2] =	stream.indirect.scatter.add.f32 [tilespmem:s10], [sflag:$0x3], $0x80, s6, s9, $0xb8;
	[tilespmem:$0x1D000] =	vst v63  }
0x1f3: {  	_ =	swait.ge [sflag:s5], $0x4000  }
0x1f4: {  	[sflag:s5] =	ssyncset.done $0x0  }
0x1f5: {  	s20 =	simm.s32 $0x300;
	[sflag:s5] =	ssyncadd.s32 $0xFFFFC000  }
0x1f6: {  	[tilespmem:s10], [sflag:$0x1] =	stream.indirect.gather [hbm4b:s8+s9], $0x80, s20, s9, $0xb8;
	[tilespmem:$0x1D000] =	vst v63  }
0x1f7: {  	_ =	swait.ge [sflag:s14], $0x4000  }
0x1f8: {  	[sflag:s14] =	ssyncset.done $0x0  }
0x1f9: {  	s7 =	simm.s32 $0xA80;
	[sflag:s14] =	ssyncadd.s32 $0xFFFFC000  }
0x1fa: {  	[spmem:s2] =	stream.indirect.scatter.add.f32 [tilespmem:s11], [sflag:$0x3], $0x80, s7, s9, $0xb8;
	[tilespmem:$0x1D000] =	vst v63  }
0x1fb: {  	_ =	swait.ge [sflag:s5], $0x4000  }
0x1fc: {  	[sflag:s5] =	ssyncset.done $0x0  }
0x1fd: {  	s22 =	simm.s32 $0x380;
	[sflag:s5] =	ssyncadd.s32 $0xFFFFC000  }
0x1fe: {  	[tilespmem:s11], [sflag:$0x2] =	stream.indirect.gather [hbm4b:s8+s9], $0x80, s22, s9, $0xb8;
	[tilespmem:$0x1D000] =	vst v63  }
0x1ff: {  	_ =	swait.ge [sflag:s12], $0x4000  }
0x200: {  	[sflag:s12] =	ssyncset.done $0x0  }
0x201: {  	s15 =	simm.s32 $0xB00;
	[sflag:s12] =	ssyncadd.s32 $0xFFFFC000  }
0x202: {  	[spmem:s2] =	stream.indirect.scatter.add.f32 [tilespmem:s10], [sflag:$0x3], $0x80, s15, s9, $0xb8;
	[tilespmem:$0x1D000] =	vst v63  }
0x203: {  	_ =	swait.ge [sflag:s5], $0x4000  }
0x204: {  	[sflag:s5] =	ssyncset.done $0x0  }
0x205: {  	s23 =	simm.s32 $0x400;
	[sflag:s5] =	ssyncadd.s32 $0xFFFFC000  }
0x206: {  	[tilespmem:s10], [sflag:$0x1] =	stream.indirect.gather [hbm4b:s8+s9], $0x80, s23, s9, $0xb8;
	[tilespmem:$0x1D000] =	vst v63  }
0x207: {  	_ =	swait.ge [sflag:s14], $0x4000  }
0x208: {  	[sflag:s14] =	ssyncset.done $0x0  }
0x209: {  	s24 =	simm.s32 $0xB80;
	[sflag:s14] =	ssyncadd.s32 $0xFFFFC000  }
0x20a: {  	[spmem:s2] =	stream.indirect.scatter.add.f32 [tilespmem:s11], [sflag:$0x3], $0x80, s24, s9, $0xb8;
	[tilespmem:$0x1D000] =	vst v63  }
0x20b: {  	_ =	swait.ge [sflag:s5], $0x4000  }
0x20c: {  	[sflag:s5] =	ssyncset.done $0x0  }
0x20d: {  	s25 =	simm.s32 $0x480;
	[sflag:s5] =	ssyncadd.s32 $0xFFFFC000  }
0x20e: {  	[tilespmem:s11], [sflag:$0x2] =	stream.indirect.gather [hbm4b:s8+s9], $0x80, s25, s9, $0xb8;
	[tilespmem:$0x1D000] =	vst v63  }
0x20f: {  	_ =	swait.ge [sflag:s12], $0x4000  }
0x210: {  	[sflag:s12] =	ssyncset.done $0x0  }
0x211: {  	s26 =	simm.s32 $0xC00;
	[sflag:s12] =	ssyncadd.s32 $0xFFFFC000  }
0x212: {  	[spmem:s2] =	stream.indirect.scatter.add.f32 [tilespmem:s10], [sflag:$0x3], $0x80, s26, s9, $0xb8;
	[tilespmem:$0x1D000] =	vst v63  }
0x213: {  	_ =	swait.ge [sflag:s5], $0x4000  }
0x214: {  	[sflag:s5] =	ssyncset.done $0x0  }
0x215: {  	s28 =	simm.s32 $0x500;
	[sflag:s5] =	ssyncadd.s32 $0xFFFFC000  }
0x216: {  	[tilespmem:s10], [sflag:$0x1] =	stream.indirect.gather [hbm4b:s8+s9], $0x80, s28, s9, $0xb8;
	[tilespmem:$0x1D000] =	vst v63  }
0x217: {  	_ =	swait.ge [sflag:s14], $0x4000  }
0x218: {  	[sflag:s14] =	ssyncset.done $0x0  }
0x219: {  	s29 =	simm.s32 $0xC80;
	[sflag:s14] =	ssyncadd.s32 $0xFFFFC000  }
0x21a: {  	[spmem:s2] =	stream.indirect.scatter.add.f32 [tilespmem:s11], [sflag:$0x3], $0x80, s29, s9, $0xb8;
	[tilespmem:$0x1D000] =	vst v63  }
0x21b: {  	_ =	swait.ge [sflag:s5], $0x4000  }
0x21c: {  	[sflag:s5] =	ssyncset.done $0x0  }
0x21d: {  	s30 =	simm.s32 $0x580;
	[sflag:s5] =	ssyncadd.s32 $0xFFFFC000  }
0x21e: {  	[tilespmem:s11], [sflag:$0x2] =	stream.indirect.gather [hbm4b:s8+s9], $0x80, s30, s9, $0xb8;
	[tilespmem:$0x1D000] =	vst v63  }
0x21f: {  	_ =	swait.ge [sflag:s12], $0x4000  }
0x220: {  	[sflag:s12] =	ssyncset.done $0x0  }
0x221: {  	s31 =	simm.s32 $0xD00;
	[sflag:s12] =	ssyncadd.s32 $0xFFFFC000  }
0x222: {  	[spmem:s2] =	stream.indirect.scatter.add.f32 [tilespmem:s10], [sflag:$0x3], $0x80, s31, s9, $0xb8;
	[tilespmem:$0x1D000] =	vst v63  }
0x223: {  	_ =	swait.ge [sflag:s5], $0x4000  }
0x224: {  	[sflag:s5] =	ssyncset.done $0x0  }
0x225: {  	s22 =	simm.s32 $0x600;
	[sflag:s5] =	ssyncadd.s32 $0xFFFFC000  }
0x226: {  	[tilespmem:s10], [sflag:$0x1] =	stream.indirect.gather [hbm4b:s8+s9], $0x80, s22, s9, $0xb8;
	[tilespmem:$0x1D000] =	vst v63  }
0x227: {  	_ =	swait.ge [sflag:s14], $0x4000  }
0x228: {  	[sflag:s14] =	ssyncset.done $0x0  }
0x229: {  	s22 =	simm.s32 $0xD80;
	[sflag:s14] =	ssyncadd.s32 $0xFFFFC000  }
0x22a: {  	[spmem:s2] =	stream.indirect.scatter.add.f32 [tilespmem:s11], [sflag:$0x3], $0x80, s22, s9, $0xb8;
	[tilespmem:$0x1D000] =	vst v63  }
0x22b: {  	_ =	swait.ge [sflag:s5], $0x4000  }
0x22c: {  	[sflag:s5] =	ssyncset.done $0x0  }
0x22d: {  	s22 =	simm.s32 $0x680;
	[sflag:s5] =	ssyncadd.s32 $0xFFFFC000  }
0x22e: {  	[tilespmem:s11], [sflag:$0x2] =	stream.indirect.gather [hbm4b:s8+s9], $0x80, s22, s9, $0xb8;
	[tilespmem:$0x1D000] =	vst v63  }
0x22f: {  	_ =	swait.ge [sflag:s12], $0x4000  }
0x230: {  	[sflag:s12] =	ssyncset.done $0x0  }
0x231: {  	s22 =	simm.s32 $0xE00;
	[sflag:s12] =	ssyncadd.s32 $0xFFFFC000  }
0x232: {  	[spmem:s2] =	stream.indirect.scatter.add.f32 [tilespmem:s10], [sflag:$0x3], $0x80, s22, s9, $0xb8;
	[tilespmem:$0x1D000] =	vst v63  }
0x233: {  	_ =	swait.ge [sflag:s5], $0x4000  }
0x234: {  	[sflag:s5] =	ssyncset.done $0x0  }
0x235: {  	s22 =	simm.s32 $0x700;
	[sflag:s5] =	ssyncadd.s32 $0xFFFFC000  }
0x236: {  	[tilespmem:s10], [sflag:$0x1] =	stream.indirect.gather [hbm4b:s8+s9], $0x80, s22, s9, $0xb8;
	[tilespmem:$0x1D000] =	vst v63  }
0x237: {  	_ =	swait.ge [sflag:s14], $0x4000  }
0x238: {  	[sflag:s14] =	ssyncset.done $0x0  }
0x239: {  	s22 =	simm.s32 $0xE80;
	[sflag:s14] =	ssyncadd.s32 $0xFFFFC000  }
0x23a: {  	[spmem:s2] =	stream.indirect.scatter.add.f32 [tilespmem:s11], [sflag:$0x3], $0x80, s22, s9, $0xb8;
	[tilespmem:$0x1D000] =	vst v63  }
0x23b: {  	_ =	swait.ge [sflag:s5], $0x4000  }
0x23c: {  	[sflag:s5] =	ssyncset.done $0x0  }
0x23d: {  	s22 =	simm.s32 $0x780;
	[sflag:s5] =	ssyncadd.s32 $0xFFFFC000  }
0x23e: {  	[tilespmem:s11], [sflag:$0x2] =	stream.indirect.gather [hbm4b:s8+s9], $0x80, s22, s9, $0xb8;
	[tilespmem:$0x1D000] =	vst v63  }
0x23f: {  	_ =	swait.ge [sflag:s12], $0x4000  }
0x240: {  	[sflag:s12] =	ssyncset.done $0x0  }
0x241: {  	s22 =	simm.s32 $0xF00;
	[sflag:s12] =	ssyncadd.s32 $0xFFFFC000  }
0x242: {  	[spmem:s2] =	stream.indirect.scatter.add.f32 [tilespmem:s10], [sflag:$0x3], $0x80, s22, s9, $0xb8;
	[tilespmem:$0x1D000] =	vst v63  }
0x243: {  	_ =	swait.ge [sflag:s5], $0x4000  }
0x244: {  	[sflag:s5] =	ssyncset.done $0x0  }
0x245: {  	[sflag:s5] =	ssyncadd.s32 $0xFFFFC000  }
0x246: {  	[tilespmem:s10], [sflag:$0x1] =	stream.indirect.gather [hbm4b:s8+s9], $0x80, s13, s9, $0xb8;
	[tilespmem:$0x1D000] =	vst v63  }
0x247: {  	_ =	swait.ge [sflag:s14], $0x4000  }
0x248: {  	[sflag:s14] =	ssyncset.done $0x0  }
0x249: {  	s22 =	simm.s32 $0xF80;
	[sflag:s14] =	ssyncadd.s32 $0xFFFFC000  }
0x24a: {  	[spmem:s2] =	stream.indirect.scatter.add.f32 [tilespmem:s11], [sflag:$0x3], $0x80, s22, s9, $0xb8;
	[tilespmem:$0x1D000] =	vst v63  }
0x24b: {  	_ =	swait.ge [sflag:s5], $0x4000  }
0x24c: {  	[sflag:s5] =	ssyncset.done $0x0  }
0x24d: {  	[sflag:s5] =	ssyncadd.s32 $0xFFFFC000  }
0x24e: {  	_ =	swait.ge [sflag:s12], $0x4000  }
0x24f: {  	[sflag:s12] =	ssyncset.done $0x0  }
0x250: {  	s22 =	rddreg [dreg:$0xc];
	[sflag:s12] =	ssyncadd.s32 $0xFFFFC000  }
0x251: {  	[tilespmem:s13], [sflag:$0x3] =	stream.linear.gather [hbm4b:s22+s13], $0x800, $0x38;
	[tilespmem:$0x1D000] =	vst v63  }
0x252: {  	_ =	swait.ge [sflag:s5], $0x800  }
0x253: {  	[sflag:s5] =	ssyncset.done $0x0  }
0x254: {  	s0 =	simm.s32 $0x800;
	s22 =	rddreg [dreg:$0xd];
	[sflag:s5] =	ssyncadd.s32 $0xFFFFF800  }
0x255: {  	[tilespmem:s0], [sflag:$0x3] =	stream.linear.gather [hbm4b:s22+s13], $0x800, $0x38;
	[tilespmem:$0x1D000] =	vst v63  }
0x256: {  	_ =	swait.ge [sflag:s5], $0x800  }
0x257: {  	[sflag:s5] =	ssyncset.done $0x0  }
0x258: {  	[sflag:s5] =	ssyncadd.s32 $0xFFFFF800  }
0x259: {  	[tilespmem:s10], [sflag:$0x1] =	stream.indirect.gather [hbm4b:s8+s9], $0x80, s13, s9, $0xb8;
	[tilespmem:$0x1D000] =	vst v63  }
0x25a: {  	_ = 	snop  }
0x25b: {  	[tilespmem:s11], [sflag:$0x2] =	stream.indirect.gather [hbm4b:s8+s9], $0x80, s9, s9, $0xb8;
	[tilespmem:$0x1D000] =	vst v63  }
0x25c: {  	_ =	swait.ge [sflag:s12], $0x4000  }
0x25d: {  	[sflag:s12] =	ssyncset.done $0x0  }
0x25e: {  	[sflag:s12] =	ssyncadd.s32 $0xFFFFC000  }
0x25f: {  	[spmem:s2] =	stream.indirect.scatter.add.f32 [tilespmem:s10], [sflag:$0x3], $0x80, s0, s9, $0xb8;
	[tilespmem:$0x1D000] =	vst v63  }
0x260: {  	_ =	swait.ge [sflag:s5], $0x4000  }
0x261: {  	[sflag:s5] =	ssyncset.done $0x0  }
0x262: {  	s17 =	simm.s32 $0x100;
	[sflag:s5] =	ssyncadd.s32 $0xFFFFC000  }
0x263: {  	[tilespmem:s10], [sflag:$0x1] =	stream.indirect.gather [hbm4b:s8+s9], $0x80, s17, s9, $0xb8;
	[tilespmem:$0x1D000] =	vst v63  }
0x264: {  	_ =	swait.ge [sflag:s14], $0x4000  }
0x265: {  	[sflag:s14] =	ssyncset.done $0x0  }
0x266: {  	[sflag:s14] =	ssyncadd.s32 $0xFFFFC000  }
0x267: {  	[spmem:s2] =	stream.indirect.scatter.add.f32 [tilespmem:s11], [sflag:$0x3], $0x80, s1, s9, $0xb8;
	[tilespmem:$0x1D000] =	vst v63  }
0x268: {  	_ =	swait.ge [sflag:s5], $0x4000  }
0x269: {  	[sflag:s5] =	ssyncset.done $0x0  }
0x26a: {  	s21 =	simm.s32 $0x180;
	[sflag:s5] =	ssyncadd.s32 $0xFFFFC000  }
0x26b: {  	[tilespmem:s11], [sflag:$0x2] =	stream.indirect.gather [hbm4b:s8+s9], $0x80, s21, s9, $0xb8;
	[tilespmem:$0x1D000] =	vst v63  }
0x26c: {  	_ =	swait.ge [sflag:s12], $0x4000  }
0x26d: {  	[sflag:s12] =	ssyncset.done $0x0  }
0x26e: {  	[sflag:s12] =	ssyncadd.s32 $0xFFFFC000  }
0x26f: {  	[spmem:s2] =	stream.indirect.scatter.add.f32 [tilespmem:s10], [sflag:$0x3], $0x80, s3, s9, $0xb8;
	[tilespmem:$0x1D000] =	vst v63  }
0x270: {  	_ =	swait.ge [sflag:s5], $0x4000  }
0x271: {  	[sflag:s5] =	ssyncset.done $0x0  }
0x272: {  	s19 =	simm.s32 $0x200;
	[sflag:s5] =	ssyncadd.s32 $0xFFFFC000  }
0x273: {  	[tilespmem:s10], [sflag:$0x1] =	stream.indirect.gather [hbm4b:s8+s9], $0x80, s19, s9, $0xb8;
	[tilespmem:$0x1D000] =	vst v63  }
0x274: {  	_ =	swait.ge [sflag:s14], $0x4000  }
0x275: {  	[sflag:s14] =	ssyncset.done $0x0  }
0x276: {  	[sflag:s14] =	ssyncadd.s32 $0xFFFFC000  }
0x277: {  	[spmem:s2] =	stream.indirect.scatter.add.f32 [tilespmem:s11], [sflag:$0x3], $0x80, s4, s9, $0xb8;
	[tilespmem:$0x1D000] =	vst v63  }
0x278: {  	_ =	swait.ge [sflag:s5], $0x4000  }
0x279: {  	[sflag:s5] =	ssyncset.done $0x0  }
0x27a: {  	s16 =	simm.s32 $0x280;
	[sflag:s5] =	ssyncadd.s32 $0xFFFFC000  }
0x27b: {  	[tilespmem:s11], [sflag:$0x2] =	stream.indirect.gather [hbm4b:s8+s9], $0x80, s16, s9, $0xb8;
	[tilespmem:$0x1D000] =	vst v63  }
0x27c: {  	_ =	swait.ge [sflag:s12], $0x4000  }
0x27d: {  	[sflag:s12] =	ssyncset.done $0x0  }
0x27e: {  	[sflag:s12] =	ssyncadd.s32 $0xFFFFC000  }
0x27f: {  	[spmem:s2] =	stream.indirect.scatter.add.f32 [tilespmem:s10], [sflag:$0x3], $0x80, s6, s9, $0xb8;
	[tilespmem:$0x1D000] =	vst v63  }
0x280: {  	_ =	swait.ge [sflag:s5], $0x4000  }
0x281: {  	[sflag:s5] =	ssyncset.done $0x0  }
0x282: {  	s18 =	simm.s32 $0x300;
	[sflag:s5] =	ssyncadd.s32 $0xFFFFC000  }
0x283: {  	[tilespmem:s10], [sflag:$0x1] =	stream.indirect.gather [hbm4b:s8+s9], $0x80, s18, s9, $0xb8;
	[tilespmem:$0x1D000] =	vst v63  }
0x284: {  	_ =	swait.ge [sflag:s14], $0x4000  }
0x285: {  	[sflag:s14] =	ssyncset.done $0x0  }
0x286: {  	[sflag:s14] =	ssyncadd.s32 $0xFFFFC000  }
0x287: {  	[spmem:s2] =	stream.indirect.scatter.add.f32 [tilespmem:s11], [sflag:$0x3], $0x80, s7, s9, $0xb8;
	[tilespmem:$0x1D000] =	vst v63  }
0x288: {  	_ =	swait.ge [sflag:s5], $0x4000  }
0x289: {  	[sflag:s5] =	ssyncset.done $0x0  }
0x28a: {  	s20 =	simm.s32 $0x380;
	[sflag:s5] =	ssyncadd.s32 $0xFFFFC000  }
0x28b: {  	[tilespmem:s11], [sflag:$0x2] =	stream.indirect.gather [hbm4b:s8+s9], $0x80, s20, s9, $0xb8;
	[tilespmem:$0x1D000] =	vst v63  }
0x28c: {  	_ =	swait.ge [sflag:s12], $0x4000  }
0x28d: {  	[sflag:s12] =	ssyncset.done $0x0  }
0x28e: {  	[sflag:s12] =	ssyncadd.s32 $0xFFFFC000  }
0x28f: {  	[spmem:s2] =	stream.indirect.scatter.add.f32 [tilespmem:s10], [sflag:$0x3], $0x80, s15, s9, $0xb8;
	[tilespmem:$0x1D000] =	vst v63  }
0x290: {  	_ =	swait.ge [sflag:s5], $0x4000  }
0x291: {  	[sflag:s5] =	ssyncset.done $0x0  }
0x292: {  	s23 =	simm.s32 $0x400;
	[sflag:s5] =	ssyncadd.s32 $0xFFFFC000  }
0x293: {  	[tilespmem:s10], [sflag:$0x1] =	stream.indirect.gather [hbm4b:s8+s9], $0x80, s23, s9, $0xb8;
	[tilespmem:$0x1D000] =	vst v63  }
0x294: {  	_ =	swait.ge [sflag:s14], $0x4000  }
0x295: {  	[sflag:s14] =	ssyncset.done $0x0  }
0x296: {  	s24 =	simm.s32 $0xB80;
	[sflag:s14] =	ssyncadd.s32 $0xFFFFC000  }
0x297: {  	[spmem:s2] =	stream.indirect.scatter.add.f32 [tilespmem:s11], [sflag:$0x3], $0x80, s24, s9, $0xb8;
	[tilespmem:$0x1D000] =	vst v63  }
0x298: {  	_ =	swait.ge [sflag:s5], $0x4000  }
0x299: {  	[sflag:s5] =	ssyncset.done $0x0  }
0x29a: {  	s25 =	simm.s32 $0x480;
	[sflag:s5] =	ssyncadd.s32 $0xFFFFC000  }
0x29b: {  	[tilespmem:s11], [sflag:$0x2] =	stream.indirect.gather [hbm4b:s8+s9], $0x80, s25, s9, $0xb8;
	[tilespmem:$0x1D000] =	vst v63  }
0x29c: {  	_ =	swait.ge [sflag:s12], $0x4000  }
0x29d: {  	[sflag:s12] =	ssyncset.done $0x0  }
0x29e: {  	s26 =	simm.s32 $0xC00;
	[sflag:s12] =	ssyncadd.s32 $0xFFFFC000  }
0x29f: {  	[spmem:s2] =	stream.indirect.scatter.add.f32 [tilespmem:s10], [sflag:$0x3], $0x80, s26, s9, $0xb8;
	[tilespmem:$0x1D000] =	vst v63  }
0x2a0: {  	_ =	swait.ge [sflag:s5], $0x4000  }
0x2a1: {  	[sflag:s5] =	ssyncset.done $0x0  }
0x2a2: {  	s28 =	simm.s32 $0x500;
	[sflag:s5] =	ssyncadd.s32 $0xFFFFC000  }
0x2a3: {  	[tilespmem:s10], [sflag:$0x1] =	stream.indirect.gather [hbm4b:s8+s9], $0x80, s28, s9, $0xb8;
	[tilespmem:$0x1D000] =	vst v63  }
0x2a4: {  	_ =	swait.ge [sflag:s14], $0x4000  }
0x2a5: {  	[sflag:s14] =	ssyncset.done $0x0  }
0x2a6: {  	s29 =	simm.s32 $0xC80;
	[sflag:s14] =	ssyncadd.s32 $0xFFFFC000  }
0x2a7: {  	[spmem:s2] =	stream.indirect.scatter.add.f32 [tilespmem:s11], [sflag:$0x3], $0x80, s29, s9, $0xb8;
	[tilespmem:$0x1D000] =	vst v63  }
0x2a8: {  	_ =	swait.ge [sflag:s5], $0x4000  }
0x2a9: {  	[sflag:s5] =	ssyncset.done $0x0  }
0x2aa: {  	s30 =	simm.s32 $0x580;
	[sflag:s5] =	ssyncadd.s32 $0xFFFFC000  }
0x2ab: {  	[tilespmem:s11], [sflag:$0x2] =	stream.indirect.gather [hbm4b:s8+s9], $0x80, s30, s9, $0xb8;
	[tilespmem:$0x1D000] =	vst v63  }
0x2ac: {  	_ =	swait.ge [sflag:s12], $0x4000  }
0x2ad: {  	[sflag:s12] =	ssyncset.done $0x0  }
0x2ae: {  	s31 =	simm.s32 $0xD00;
	[sflag:s12] =	ssyncadd.s32 $0xFFFFC000  }
0x2af: {  	[spmem:s2] =	stream.indirect.scatter.add.f32 [tilespmem:s10], [sflag:$0x3], $0x80, s31, s9, $0xb8;
	[tilespmem:$0x1D000] =	vst v63  }
0x2b0: {  	_ =	swait.ge [sflag:s5], $0x4000  }
0x2b1: {  	[sflag:s5] =	ssyncset.done $0x0  }
0x2b2: {  	s17 =	simm.s32 $0x600;
	[sflag:s5] =	ssyncadd.s32 $0xFFFFC000  }
0x2b3: {  	[tilespmem:s10], [sflag:$0x1] =	stream.indirect.gather [hbm4b:s8+s9], $0x80, s17, s9, $0xb8;
	[tilespmem:$0x1D000] =	vst v63  }
0x2b4: {  	_ =	swait.ge [sflag:s14], $0x4000  }
0x2b5: {  	[sflag:s14] =	ssyncset.done $0x0  }
0x2b6: {  	s18 =	simm.s32 $0xD80;
	[sflag:s14] =	ssyncadd.s32 $0xFFFFC000  }
0x2b7: {  	[spmem:s2] =	stream.indirect.scatter.add.f32 [tilespmem:s11], [sflag:$0x3], $0x80, s18, s9, $0xb8;
	[tilespmem:$0x1D000] =	vst v63  }
0x2b8: {  	_ =	swait.ge [sflag:s5], $0x4000  }
0x2b9: {  	[sflag:s5] =	ssyncset.done $0x0  }
0x2ba: {  	s19 =	simm.s32 $0x680;
	[sflag:s5] =	ssyncadd.s32 $0xFFFFC000  }
0x2bb: {  	[tilespmem:s11], [sflag:$0x2] =	stream.indirect.gather [hbm4b:s8+s9], $0x80, s19, s9, $0xb8;
	[tilespmem:$0x1D000] =	vst v63  }
0x2bc: {  	_ =	swait.ge [sflag:s12], $0x4000  }
0x2bd: {  	[sflag:s12] =	ssyncset.done $0x0  }
0x2be: {  	s20 =	simm.s32 $0xE00;
	[sflag:s12] =	ssyncadd.s32 $0xFFFFC000  }
0x2bf: {  	[spmem:s2] =	stream.indirect.scatter.add.f32 [tilespmem:s10], [sflag:$0x3], $0x80, s20, s9, $0xb8;
	[tilespmem:$0x1D000] =	vst v63  }
0x2c0: {  	_ =	swait.ge [sflag:s5], $0x4000  }
0x2c1: {  	[sflag:s5] =	ssyncset.done $0x0  }
0x2c2: {  	s21 =	simm.s32 $0x700;
	[sflag:s5] =	ssyncadd.s32 $0xFFFFC000  }
0x2c3: {  	[tilespmem:s10], [sflag:$0x1] =	stream.indirect.gather [hbm4b:s8+s9], $0x80, s21, s9, $0xb8;
	[tilespmem:$0x1D000] =	vst v63  }
0x2c4: {  	_ =	swait.ge [sflag:s14], $0x4000  }
0x2c5: {  	[sflag:s14] =	ssyncset.done $0x0  }
0x2c6: {  	s22 =	simm.s32 $0xE80;
	[sflag:s14] =	ssyncadd.s32 $0xFFFFC000  }
0x2c7: {  	[spmem:s2] =	stream.indirect.scatter.add.f32 [tilespmem:s11], [sflag:$0x3], $0x80, s22, s9, $0xb8;
	[tilespmem:$0x1D000] =	vst v63  }
0x2c8: {  	_ =	swait.ge [sflag:s5], $0x4000  }
0x2c9: {  	[sflag:s5] =	ssyncset.done $0x0  }
0x2ca: {  	s23 =	simm.s32 $0x780;
	[sflag:s5] =	ssyncadd.s32 $0xFFFFC000  }
0x2cb: {  	[tilespmem:s11], [sflag:$0x2] =	stream.indirect.gather [hbm4b:s8+s9], $0x80, s23, s9, $0xb8;
	[tilespmem:$0x1D000] =	vst v63  }
0x2cc: {  	_ =	swait.ge [sflag:s12], $0x4000  }
0x2cd: {  	[sflag:s12] =	ssyncset.done $0x0  }
0x2ce: {  	s24 =	simm.s32 $0xF00;
	[sflag:s12] =	ssyncadd.s32 $0xFFFFC000  }
0x2cf: {  	[spmem:s2] =	stream.indirect.scatter.add.f32 [tilespmem:s10], [sflag:$0x3], $0x80, s24, s9, $0xb8;
	[tilespmem:$0x1D000] =	vst v63  }
0x2d0: {  	_ =	swait.ge [sflag:s5], $0x4000  }
0x2d1: {  	[sflag:s5] =	ssyncset.done $0x0  }
0x2d2: {  	[sflag:s5] =	ssyncadd.s32 $0xFFFFC000  }
0x2d3: {  	[tilespmem:s10], [sflag:$0x1] =	stream.indirect.gather [hbm4b:s8+s9], $0x80, s13, s9, $0xb8;
	[tilespmem:$0x1D000] =	vst v63  }
0x2d4: {  	_ =	swait.ge [sflag:s14], $0x4000  }
0x2d5: {  	[sflag:s14] =	ssyncset.done $0x0  }
0x2d6: {  	s25 =	simm.s32 $0xF80;
	[sflag:s14] =	ssyncadd.s32 $0xFFFFC000  }
0x2d7: {  	[spmem:s2] =	stream.indirect.scatter.add.f32 [tilespmem:s11], [sflag:$0x3], $0x80, s25, s9, $0xb8;
	[tilespmem:$0x1D000] =	vst v63  }
0x2d8: {  	_ =	swait.ge [sflag:s5], $0x4000  }
0x2d9: {  	[sflag:s5] =	ssyncset.done $0x0  }
0x2da: {  	[sflag:s5] =	ssyncadd.s32 $0xFFFFC000  }
0x2db: {  	_ =	swait.ge [sflag:s12], $0x4000  }
0x2dc: {  	[sflag:s12] =	ssyncset.done $0x0  }
0x2dd: {  	[sflag:s12] =	ssyncadd.s32 $0xFFFFC000  }
0x2de: {  	[bflag:$0x0] =	sbarrier.arrive $0xFFFF  }
0x2df: {  	s26 =	rddreg [dreg:$0x11]  }
0x2e0: {  	s0 =	ssub.s32 $0x2, s26  }
0x2e1: {  	s29 =	sshrl.u32 s0, $0x1  }
0x2e2: {  	s22 =	ssub.s32 s0, s29  }
0x2e3: {  	s22 =	smax.u32 s22, $0x1  }
0x2e4: {  	p0 =	sne.s32 s22, $0x1  }
.Ltmp0:
0x2e5: {  	s28 =	rddreg [dreg:$0xe];
	(pc) =	sbr.rel @!p0 .LBB2_2-.Ltmp0, $4  }
0x2e6: {  	s30 =	rddreg [dreg:$0xf]  }
0x2e7: {  	s31 =	rddreg [dreg:$0x10]  }
0x2e8: {  	[hbm:s28], [sflag:s30] =	dma.local [spmem:s31], $0x2800  }
0x2e9: {  	_ =	swait.ge [sflag:s5], $0x2800;
	s22 =	sadd.s32 $0xFFFFFFFF, s22  }
.LBB2_1:
0x2ea: {  	s23 =	rddreg [dreg:$0x3]  }
0x2eb: {  	[sflag:s5] =	ssyncset.done $0x0;
	s0 =	rddreg [dreg:$0xf]  }
0x2ec: {  	s1 =	rddreg [dreg:$0x10];
	[sflag:s5] =	ssyncadd.s32 $0xFFFFD800  }
0x2ed: {  	[spmem:s1], [sflag:s0] =	dma.local [hbm:s23], $0x2800  }
0x2ee: {  	_ =	swait.ge [sflag:s5], $0x2800  }
0x2ef: {  	[sflag:s5] =	ssyncset.done $0x0  }
0x2f0: {  	[sflag:s5] =	ssyncadd.s32 $0xFFFFD800  }
0x2f1: {  	[bflag:$0x0] =	sbarrier.arrive $0xFFFF  }
0x2f2: {  	s25 =	rddreg [dreg:$0x4]  }
0x2f3: {  	[tilespmem:s13], [sflag:$0x3] =	stream.linear.gather [hbm4b:s25+s13], $0x800, $0x38;
	[tilespmem:$0x1D000] =	vst v63  }
0x2f4: {  	_ =	swait.ge [sflag:s5], $0x800  }
0x2f5: {  	[sflag:s5] =	ssyncset.done $0x0  }
0x2f6: {  	s0 =	simm.s32 $0x800;
	s26 =	rddreg [dreg:$0x5];
	[sflag:s5] =	ssyncadd.s32 $0xFFFFF800  }
0x2f7: {  	[tilespmem:s0], [sflag:$0x3] =	stream.linear.gather [hbm4b:s26+s13], $0x800, $0x38;
	[tilespmem:$0x1D000] =	vst v63  }
0x2f8: {  	_ =	swait.ge [sflag:s5], $0x800  }
0x2f9: {  	[sflag:s5] =	ssyncset.done $0x0  }
0x2fa: {  	[sflag:s5] =	ssyncadd.s32 $0xFFFFF800  }
0x2fb: {  	[tilespmem:s10], [sflag:$0x1] =	stream.indirect.gather [hbm4b:s8+s9], $0x80, s13, s9, $0xb8;
	[tilespmem:$0x1D000] =	vst v63  }
0x2fc: {  	_ = 	snop  }
0x2fd: {  	[tilespmem:s11], [sflag:$0x2] =	stream.indirect.gather [hbm4b:s8+s9], $0x80, s9, s9, $0xb8;
	[tilespmem:$0x1D000] =	vst v63  }
0x2fe: {  	_ =	swait.ge [sflag:s12], $0x4000  }
0x2ff: {  	[sflag:s12] =	ssyncset.done $0x0  }
0x300: {  	[sflag:s12] =	ssyncadd.s32 $0xFFFFC000  }
0x301: {  	[spmem:s2] =	stream.indirect.scatter.add.f32 [tilespmem:s10], [sflag:$0x3], $0x80, s0, s9, $0xb8;
	[tilespmem:$0x1D000] =	vst v63  }
0x302: {  	_ =	swait.ge [sflag:s5], $0x4000  }
0x303: {  	[sflag:s5] =	ssyncset.done $0x0  }
0x304: {  	s28 =	simm.s32 $0x100;
	[sflag:s5] =	ssyncadd.s32 $0xFFFFC000  }
0x305: {  	[tilespmem:s10], [sflag:$0x1] =	stream.indirect.gather [hbm4b:s8+s9], $0x80, s28, s9, $0xb8;
	[tilespmem:$0x1D000] =	vst v63  }
0x306: {  	_ =	swait.ge [sflag:s14], $0x4000  }
0x307: {  	[sflag:s14] =	ssyncset.done $0x0  }
0x308: {  	s29 =	simm.s32 $0x880;
	[sflag:s14] =	ssyncadd.s32 $0xFFFFC000  }
0x309: {  	[spmem:s2] =	stream.indirect.scatter.add.f32 [tilespmem:s11], [sflag:$0x3], $0x80, s29, s9, $0xb8;
	[tilespmem:$0x1D000] =	vst v63  }
0x30a: {  	_ =	swait.ge [sflag:s5], $0x4000  }
0x30b: {  	[sflag:s5] =	ssyncset.done $0x0  }
0x30c: {  	s30 =	simm.s32 $0x180;
	[sflag:s5] =	ssyncadd.s32 $0xFFFFC000  }
0x30d: {  	[tilespmem:s11], [sflag:$0x2] =	stream.indirect.gather [hbm4b:s8+s9], $0x80, s30, s9, $0xb8;
	[tilespmem:$0x1D000] =	vst v63  }
0x30e: {  	_ =	swait.ge [sflag:s12], $0x4000  }
0x30f: {  	[sflag:s12] =	ssyncset.done $0x0  }
0x310: {  	s31 =	simm.s32 $0x900;
	[sflag:s12] =	ssyncadd.s32 $0xFFFFC000  }
0x311: {  	[spmem:s2] =	stream.indirect.scatter.add.f32 [tilespmem:s10], [sflag:$0x3], $0x80, s31, s9, $0xb8;
	[tilespmem:$0x1D000] =	vst v63  }
0x312: {  	_ =	swait.ge [sflag:s5], $0x4000  }
0x313: {  	[sflag:s5] =	ssyncset.done $0x0  }
0x314: {  	s3 =	simm.s32 $0x200;
	[sflag:s5] =	ssyncadd.s32 $0xFFFFC000  }
0x315: {  	[tilespmem:s10], [sflag:$0x1] =	stream.indirect.gather [hbm4b:s8+s9], $0x80, s3, s9, $0xb8;
	[tilespmem:$0x1D000] =	vst v63  }
0x316: {  	_ =	swait.ge [sflag:s14], $0x4000  }
0x317: {  	[sflag:s14] =	ssyncset.done $0x0  }
0x318: {  	s4 =	simm.s32 $0x980;
	[sflag:s14] =	ssyncadd.s32 $0xFFFFC000  }
0x319: {  	[spmem:s2] =	stream.indirect.scatter.add.f32 [tilespmem:s11], [sflag:$0x3], $0x80, s4, s9, $0xb8;
	[tilespmem:$0x1D000] =	vst v63  }
0x31a: {  	_ =	swait.ge [sflag:s5], $0x4000  }
0x31b: {  	[sflag:s5] =	ssyncset.done $0x0  }
0x31c: {  	s4 =	simm.s32 $0x280;
	[sflag:s5] =	ssyncadd.s32 $0xFFFFC000  }
0x31d: {  	[tilespmem:s11], [sflag:$0x2] =	stream.indirect.gather [hbm4b:s8+s9], $0x80, s4, s9, $0xb8;
	[tilespmem:$0x1D000] =	vst v63  }
0x31e: {  	_ =	swait.ge [sflag:s12], $0x4000  }
0x31f: {  	[sflag:s12] =	ssyncset.done $0x0  }
0x320: {  	s7 =	simm.s32 $0xA00;
	[sflag:s12] =	ssyncadd.s32 $0xFFFFC000  }
0x321: {  	[spmem:s2] =	stream.indirect.scatter.add.f32 [tilespmem:s10], [sflag:$0x3], $0x80, s7, s9, $0xb8;
	[tilespmem:$0x1D000] =	vst v63  }
0x322: {  	_ =	swait.ge [sflag:s5], $0x4000  }
0x323: {  	[sflag:s5] =	ssyncset.done $0x0  }
0x324: {  	s15 =	simm.s32 $0x300;
	[sflag:s5] =	ssyncadd.s32 $0xFFFFC000  }
0x325: {  	[tilespmem:s10], [sflag:$0x1] =	stream.indirect.gather [hbm4b:s8+s9], $0x80, s15, s9, $0xb8;
	[tilespmem:$0x1D000] =	vst v63  }
0x326: {  	_ =	swait.ge [sflag:s14], $0x4000  }
0x327: {  	[sflag:s14] =	ssyncset.done $0x0  }
0x328: {  	s16 =	simm.s32 $0xA80;
	[sflag:s14] =	ssyncadd.s32 $0xFFFFC000  }
0x329: {  	[spmem:s2] =	stream.indirect.scatter.add.f32 [tilespmem:s11], [sflag:$0x3], $0x80, s16, s9, $0xb8;
	[tilespmem:$0x1D000] =	vst v63  }
0x32a: {  	_ =	swait.ge [sflag:s5], $0x4000  }
0x32b: {  	[sflag:s5] =	ssyncset.done $0x0  }
0x32c: {  	s17 =	simm.s32 $0x380;
	[sflag:s5] =	ssyncadd.s32 $0xFFFFC000  }
0x32d: {  	[tilespmem:s11], [sflag:$0x2] =	stream.indirect.gather [hbm4b:s8+s9], $0x80, s17, s9, $0xb8;
	[tilespmem:$0x1D000] =	vst v63  }
0x32e: {  	_ =	swait.ge [sflag:s12], $0x4000  }
0x32f: {  	[sflag:s12] =	ssyncset.done $0x0  }
0x330: {  	s18 =	simm.s32 $0xB00;
	[sflag:s12] =	ssyncadd.s32 $0xFFFFC000  }
0x331: {  	[spmem:s2] =	stream.indirect.scatter.add.f32 [tilespmem:s10], [sflag:$0x3], $0x80, s18, s9, $0xb8;
	[tilespmem:$0x1D000] =	vst v63  }
0x332: {  	_ =	swait.ge [sflag:s5], $0x4000  }
0x333: {  	[sflag:s5] =	ssyncset.done $0x0  }
0x334: {  	s19 =	simm.s32 $0x400;
	[sflag:s5] =	ssyncadd.s32 $0xFFFFC000  }
0x335: {  	[tilespmem:s10], [sflag:$0x1] =	stream.indirect.gather [hbm4b:s8+s9], $0x80, s19, s9, $0xb8;
	[tilespmem:$0x1D000] =	vst v63  }
0x336: {  	_ =	swait.ge [sflag:s14], $0x4000  }
0x337: {  	[sflag:s14] =	ssyncset.done $0x0  }
0x338: {  	s23 =	simm.s32 $0xB80;
	[sflag:s14] =	ssyncadd.s32 $0xFFFFC000  }
0x339: {  	[spmem:s2] =	stream.indirect.scatter.add.f32 [tilespmem:s11], [sflag:$0x3], $0x80, s23, s9, $0xb8;
	[tilespmem:$0x1D000] =	vst v63  }
0x33a: {  	_ =	swait.ge [sflag:s5], $0x4000  }
0x33b: {  	[sflag:s5] =	ssyncset.done $0x0  }
0x33c: {  	s28 =	simm.s32 $0x480;
	[sflag:s5] =	ssyncadd.s32 $0xFFFFC000  }
0x33d: {  	[tilespmem:s11], [sflag:$0x2] =	stream.indirect.gather [hbm4b:s8+s9], $0x80, s28, s9, $0xb8;
	[tilespmem:$0x1D000] =	vst v63  }
0x33e: {  	_ =	swait.ge [sflag:s12], $0x4000  }
0x33f: {  	[sflag:s12] =	ssyncset.done $0x0  }
0x340: {  	s3 =	simm.s32 $0xC00;
	[sflag:s12] =	ssyncadd.s32 $0xFFFFC000  }
0x341: {  	[spmem:s2] =	stream.indirect.scatter.add.f32 [tilespmem:s10], [sflag:$0x3], $0x80, s3, s9, $0xb8;
	[tilespmem:$0x1D000] =	vst v63  }
0x342: {  	_ =	swait.ge [sflag:s5], $0x4000  }
0x343: {  	[sflag:s5] =	ssyncset.done $0x0  }
0x344: {  	s29 =	simm.s32 $0x500;
	[sflag:s5] =	ssyncadd.s32 $0xFFFFC000  }
0x345: {  	[tilespmem:s10], [sflag:$0x1] =	stream.indirect.gather [hbm4b:s8+s9], $0x80, s29, s9, $0xb8;
	[tilespmem:$0x1D000] =	vst v63  }
0x346: {  	_ =	swait.ge [sflag:s14], $0x4000  }
0x347: {  	[sflag:s14] =	ssyncset.done $0x0  }
0x348: {  	s30 =	simm.s32 $0xC80;
	[sflag:s14] =	ssyncadd.s32 $0xFFFFC000  }
0x349: {  	[spmem:s2] =	stream.indirect.scatter.add.f32 [tilespmem:s11], [sflag:$0x3], $0x80, s30, s9, $0xb8;
	[tilespmem:$0x1D000] =	vst v63  }
0x34a: {  	_ =	swait.ge [sflag:s5], $0x4000  }
0x34b: {  	[sflag:s5] =	ssyncset.done $0x0  }
0x34c: {  	s31 =	simm.s32 $0x580;
	[sflag:s5] =	ssyncadd.s32 $0xFFFFC000  }
0x34d: {  	[tilespmem:s11], [sflag:$0x2] =	stream.indirect.gather [hbm4b:s8+s9], $0x80, s31, s9, $0xb8;
	[tilespmem:$0x1D000] =	vst v63  }
0x34e: {  	_ =	swait.ge [sflag:s12], $0x4000  }
0x34f: {  	[sflag:s12] =	ssyncset.done $0x0  }
0x350: {  	s4 =	simm.s32 $0xD00;
	[sflag:s12] =	ssyncadd.s32 $0xFFFFC000  }
0x351: {  	[spmem:s2] =	stream.indirect.scatter.add.f32 [tilespmem:s10], [sflag:$0x3], $0x80, s4, s9, $0xb8;
	[tilespmem:$0x1D000] =	vst v63  }
0x352: {  	_ =	swait.ge [sflag:s5], $0x4000  }
0x353: {  	[sflag:s5] =	ssyncset.done $0x0  }
0x354: {  	s7 =	simm.s32 $0x600;
	[sflag:s5] =	ssyncadd.s32 $0xFFFFC000  }
0x355: {  	[tilespmem:s10], [sflag:$0x1] =	stream.indirect.gather [hbm4b:s8+s9], $0x80, s7, s9, $0xb8;
	[tilespmem:$0x1D000] =	vst v63  }
0x356: {  	_ =	swait.ge [sflag:s14], $0x4000  }
0x357: {  	[sflag:s14] =	ssyncset.done $0x0  }
0x358: {  	s15 =	simm.s32 $0xD80;
	[sflag:s14] =	ssyncadd.s32 $0xFFFFC000  }
0x359: {  	[spmem:s2] =	stream.indirect.scatter.add.f32 [tilespmem:s11], [sflag:$0x3], $0x80, s15, s9, $0xb8;
	[tilespmem:$0x1D000] =	vst v63  }
0x35a: {  	_ =	swait.ge [sflag:s5], $0x4000  }
0x35b: {  	[sflag:s5] =	ssyncset.done $0x0  }
0x35c: {  	s16 =	simm.s32 $0x680;
	[sflag:s5] =	ssyncadd.s32 $0xFFFFC000  }
0x35d: {  	[tilespmem:s11], [sflag:$0x2] =	stream.indirect.gather [hbm4b:s8+s9], $0x80, s16, s9, $0xb8;
	[tilespmem:$0x1D000] =	vst v63  }
0x35e: {  	_ =	swait.ge [sflag:s12], $0x4000  }
0x35f: {  	[sflag:s12] =	ssyncset.done $0x0  }
0x360: {  	s17 =	simm.s32 $0xE00;
	[sflag:s12] =	ssyncadd.s32 $0xFFFFC000  }
0x361: {  	[spmem:s2] =	stream.indirect.scatter.add.f32 [tilespmem:s10], [sflag:$0x3], $0x80, s17, s9, $0xb8;
	[tilespmem:$0x1D000] =	vst v63  }
0x362: {  	_ =	swait.ge [sflag:s5], $0x4000  }
0x363: {  	[sflag:s5] =	ssyncset.done $0x0  }
0x364: {  	s18 =	simm.s32 $0x700;
	[sflag:s5] =	ssyncadd.s32 $0xFFFFC000  }
0x365: {  	[tilespmem:s10], [sflag:$0x1] =	stream.indirect.gather [hbm4b:s8+s9], $0x80, s18, s9, $0xb8;
	[tilespmem:$0x1D000] =	vst v63  }
0x366: {  	_ =	swait.ge [sflag:s14], $0x4000  }
0x367: {  	[sflag:s14] =	ssyncset.done $0x0  }
0x368: {  	s19 =	simm.s32 $0xE80;
	[sflag:s14] =	ssyncadd.s32 $0xFFFFC000  }
0x369: {  	[spmem:s2] =	stream.indirect.scatter.add.f32 [tilespmem:s11], [sflag:$0x3], $0x80, s19, s9, $0xb8;
	[tilespmem:$0x1D000] =	vst v63  }
0x36a: {  	_ =	swait.ge [sflag:s5], $0x4000  }
0x36b: {  	[sflag:s5] =	ssyncset.done $0x0  }
0x36c: {  	s28 =	simm.s32 $0x780;
	[sflag:s5] =	ssyncadd.s32 $0xFFFFC000  }
0x36d: {  	[tilespmem:s11], [sflag:$0x2] =	stream.indirect.gather [hbm4b:s8+s9], $0x80, s28, s9, $0xb8;
	[tilespmem:$0x1D000] =	vst v63  }
0x36e: {  	_ =	swait.ge [sflag:s12], $0x4000  }
0x36f: {  	[sflag:s12] =	ssyncset.done $0x0  }
0x370: {  	s29 =	simm.s32 $0xF00;
	[sflag:s12] =	ssyncadd.s32 $0xFFFFC000  }
0x371: {  	[spmem:s2] =	stream.indirect.scatter.add.f32 [tilespmem:s10], [sflag:$0x3], $0x80, s29, s9, $0xb8;
	[tilespmem:$0x1D000] =	vst v63  }
0x372: {  	_ =	swait.ge [sflag:s5], $0x4000  }
0x373: {  	[sflag:s5] =	ssyncset.done $0x0  }
0x374: {  	[sflag:s5] =	ssyncadd.s32 $0xFFFFC000  }
0x375: {  	[tilespmem:s10], [sflag:$0x1] =	stream.indirect.gather [hbm4b:s8+s9], $0x80, s13, s9, $0xb8;
	[tilespmem:$0x1D000] =	vst v63  }
0x376: {  	_ =	swait.ge [sflag:s14], $0x4000  }
0x377: {  	[sflag:s14] =	ssyncset.done $0x0  }
0x378: {  	s30 =	simm.s32 $0xF80;
	[sflag:s14] =	ssyncadd.s32 $0xFFFFC000  }
0x379: {  	[spmem:s2] =	stream.indirect.scatter.add.f32 [tilespmem:s11], [sflag:$0x3], $0x80, s30, s9, $0xb8;
	[tilespmem:$0x1D000] =	vst v63  }
0x37a: {  	_ =	swait.ge [sflag:s5], $0x4000  }
0x37b: {  	[sflag:s5] =	ssyncset.done $0x0  }
0x37c: {  	[sflag:s5] =	ssyncadd.s32 $0xFFFFC000  }
0x37d: {  	_ =	swait.ge [sflag:s12], $0x4000  }
0x37e: {  	[sflag:s12] =	ssyncset.done $0x0  }
0x37f: {  	s31 =	rddreg [dreg:$0x6];
	[sflag:s12] =	ssyncadd.s32 $0xFFFFC000  }
0x380: {  	[tilespmem:s13], [sflag:$0x3] =	stream.linear.gather [hbm4b:s31+s13], $0x800, $0x38;
	[tilespmem:$0x1D000] =	vst v63  }
0x381: {  	_ =	swait.ge [sflag:s5], $0x800  }
0x382: {  	[sflag:s5] =	ssyncset.done $0x0  }
0x383: {  	s3 =	rddreg [dreg:$0x7];
	[sflag:s5] =	ssyncadd.s32 $0xFFFFF800  }
0x384: {  	[tilespmem:s0], [sflag:$0x3] =	stream.linear.gather [hbm4b:s3+s13], $0x800, $0x38;
	[tilespmem:$0x1D000] =	vst v63  }
0x385: {  	_ =	swait.ge [sflag:s5], $0x800  }
0x386: {  	[sflag:s5] =	ssyncset.done $0x0  }
0x387: {  	[sflag:s5] =	ssyncadd.s32 $0xFFFFF800  }
0x388: {  	[tilespmem:s10], [sflag:$0x1] =	stream.indirect.gather [hbm4b:s8+s9], $0x80, s13, s9, $0xb8;
	[tilespmem:$0x1D000] =	vst v63  }
0x389: {  	_ = 	snop  }
0x38a: {  	[tilespmem:s11], [sflag:$0x2] =	stream.indirect.gather [hbm4b:s8+s9], $0x80, s9, s9, $0xb8;
	[tilespmem:$0x1D000] =	vst v63  }
0x38b: {  	_ =	swait.ge [sflag:s12], $0x4000  }
0x38c: {  	[sflag:s12] =	ssyncset.done $0x0  }
0x38d: {  	[sflag:s12] =	ssyncadd.s32 $0xFFFFC000  }
0x38e: {  	[spmem:s2] =	stream.indirect.scatter.add.f32 [tilespmem:s10], [sflag:$0x3], $0x80, s0, s9, $0xb8;
	[tilespmem:$0x1D000] =	vst v63  }
0x38f: {  	_ =	swait.ge [sflag:s5], $0x4000  }
0x390: {  	[sflag:s5] =	ssyncset.done $0x0  }
0x391: {  	s6 =	simm.s32 $0x100;
	[sflag:s5] =	ssyncadd.s32 $0xFFFFC000  }
0x392: {  	[tilespmem:s10], [sflag:$0x1] =	stream.indirect.gather [hbm4b:s8+s9], $0x80, s6, s9, $0xb8;
	[tilespmem:$0x1D000] =	vst v63  }
0x393: {  	_ =	swait.ge [sflag:s14], $0x4000  }
0x394: {  	[sflag:s14] =	ssyncset.done $0x0  }
0x395: {  	s20 =	simm.s32 $0x880;
	[sflag:s14] =	ssyncadd.s32 $0xFFFFC000  }
0x396: {  	[spmem:s2] =	stream.indirect.scatter.add.f32 [tilespmem:s11], [sflag:$0x3], $0x80, s20, s9, $0xb8;
	[tilespmem:$0x1D000] =	vst v63  }
0x397: {  	_ =	swait.ge [sflag:s5], $0x4000  }
0x398: {  	[sflag:s5] =	ssyncset.done $0x0  }
0x399: {  	s21 =	simm.s32 $0x180;
	[sflag:s5] =	ssyncadd.s32 $0xFFFFC000  }
0x39a: {  	[tilespmem:s11], [sflag:$0x2] =	stream.indirect.gather [hbm4b:s8+s9], $0x80, s21, s9, $0xb8;
	[tilespmem:$0x1D000] =	vst v63  }
0x39b: {  	_ =	swait.ge [sflag:s12], $0x4000  }
0x39c: {  	[sflag:s12] =	ssyncset.done $0x0  }
0x39d: {  	s25 =	simm.s32 $0x900;
	[sflag:s12] =	ssyncadd.s32 $0xFFFFC000  }
0x39e: {  	[spmem:s2] =	stream.indirect.scatter.add.f32 [tilespmem:s10], [sflag:$0x3], $0x80, s25, s9, $0xb8;
	[tilespmem:$0x1D000] =	vst v63  }
0x39f: {  	_ =	swait.ge [sflag:s5], $0x4000  }
0x3a0: {  	[sflag:s5] =	ssyncset.done $0x0  }
0x3a1: {  	s26 =	simm.s32 $0x200;
	[sflag:s5] =	ssyncadd.s32 $0xFFFFC000  }
0x3a2: {  	[tilespmem:s10], [sflag:$0x1] =	stream.indirect.gather [hbm4b:s8+s9], $0x80, s26, s9, $0xb8;
	[tilespmem:$0x1D000] =	vst v63  }
0x3a3: {  	_ =	swait.ge [sflag:s14], $0x4000  }
0x3a4: {  	[sflag:s14] =	ssyncset.done $0x0  }
0x3a5: {  	s1 =	simm.s32 $0x980;
	[sflag:s14] =	ssyncadd.s32 $0xFFFFC000  }
0x3a6: {  	[spmem:s2] =	stream.indirect.scatter.add.f32 [tilespmem:s11], [sflag:$0x3], $0x80, s1, s9, $0xb8;
	[tilespmem:$0x1D000] =	vst v63  }
0x3a7: {  	_ =	swait.ge [sflag:s5], $0x4000  }
0x3a8: {  	[sflag:s5] =	ssyncset.done $0x0  }
0x3a9: {  	s3 =	simm.s32 $0x280;
	[sflag:s5] =	ssyncadd.s32 $0xFFFFC000  }
0x3aa: {  	[tilespmem:s11], [sflag:$0x2] =	stream.indirect.gather [hbm4b:s8+s9], $0x80, s3, s9, $0xb8;
	[tilespmem:$0x1D000] =	vst v63  }
0x3ab: {  	_ =	swait.ge [sflag:s12], $0x4000  }
0x3ac: {  	[sflag:s12] =	ssyncset.done $0x0  }
0x3ad: {  	s20 =	simm.s32 $0xA00;
	[sflag:s12] =	ssyncadd.s32 $0xFFFFC000  }
0x3ae: {  	[spmem:s2] =	stream.indirect.scatter.add.f32 [tilespmem:s10], [sflag:$0x3], $0x80, s20, s9, $0xb8;
	[tilespmem:$0x1D000] =	vst v63  }
0x3af: {  	_ =	swait.ge [sflag:s5], $0x4000  }
0x3b0: {  	[sflag:s5] =	ssyncset.done $0x0  }
0x3b1: {  	s21 =	simm.s32 $0x300;
	[sflag:s5] =	ssyncadd.s32 $0xFFFFC000  }
0x3b2: {  	[tilespmem:s10], [sflag:$0x1] =	stream.indirect.gather [hbm4b:s8+s9], $0x80, s21, s9, $0xb8;
	[tilespmem:$0x1D000] =	vst v63  }
0x3b3: {  	_ =	swait.ge [sflag:s14], $0x4000  }
0x3b4: {  	[sflag:s14] =	ssyncset.done $0x0  }
0x3b5: {  	s24 =	simm.s32 $0xA80;
	[sflag:s14] =	ssyncadd.s32 $0xFFFFC000  }
0x3b6: {  	[spmem:s2] =	stream.indirect.scatter.add.f32 [tilespmem:s11], [sflag:$0x3], $0x80, s24, s9, $0xb8;
	[tilespmem:$0x1D000] =	vst v63  }
0x3b7: {  	_ =	swait.ge [sflag:s5], $0x4000  }
0x3b8: {  	[sflag:s5] =	ssyncset.done $0x0  }
0x3b9: {  	s1 =	simm.s32 $0x380;
	[sflag:s5] =	ssyncadd.s32 $0xFFFFC000  }
0x3ba: {  	[tilespmem:s11], [sflag:$0x2] =	stream.indirect.gather [hbm4b:s8+s9], $0x80, s1, s9, $0xb8;
	[tilespmem:$0x1D000] =	vst v63  }
0x3bb: {  	_ =	swait.ge [sflag:s12], $0x4000  }
0x3bc: {  	[sflag:s12] =	ssyncset.done $0x0  }
0x3bd: {  	s25 =	simm.s32 $0xB00;
	[sflag:s12] =	ssyncadd.s32 $0xFFFFC000  }
0x3be: {  	[spmem:s2] =	stream.indirect.scatter.add.f32 [tilespmem:s10], [sflag:$0x3], $0x80, s25, s9, $0xb8;
	[tilespmem:$0x1D000] =	vst v63  }
0x3bf: {  	_ =	swait.ge [sflag:s5], $0x4000  }
0x3c0: {  	[sflag:s5] =	ssyncset.done $0x0  }
0x3c1: {  	s26 =	simm.s32 $0x400;
	[sflag:s5] =	ssyncadd.s32 $0xFFFFC000  }
0x3c2: {  	[tilespmem:s10], [sflag:$0x1] =	stream.indirect.gather [hbm4b:s8+s9], $0x80, s26, s9, $0xb8;
	[tilespmem:$0x1D000] =	vst v63  }
0x3c3: {  	_ =	swait.ge [sflag:s14], $0x4000  }
0x3c4: {  	[sflag:s14] =	ssyncset.done $0x0  }
0x3c5: {  	s28 =	simm.s32 $0xB80;
	[sflag:s14] =	ssyncadd.s32 $0xFFFFC000  }
0x3c6: {  	[spmem:s2] =	stream.indirect.scatter.add.f32 [tilespmem:s11], [sflag:$0x3], $0x80, s28, s9, $0xb8;
	[tilespmem:$0x1D000] =	vst v63  }
0x3c7: {  	_ =	swait.ge [sflag:s5], $0x4000  }
0x3c8: {  	[sflag:s5] =	ssyncset.done $0x0  }
0x3c9: {  	s29 =	simm.s32 $0x480;
	[sflag:s5] =	ssyncadd.s32 $0xFFFFC000  }
0x3ca: {  	[tilespmem:s11], [sflag:$0x2] =	stream.indirect.gather [hbm4b:s8+s9], $0x80, s29, s9, $0xb8;
	[tilespmem:$0x1D000] =	vst v63  }
0x3cb: {  	_ =	swait.ge [sflag:s12], $0x4000  }
0x3cc: {  	[sflag:s12] =	ssyncset.done $0x0  }
0x3cd: {  	s30 =	simm.s32 $0xC00;
	[sflag:s12] =	ssyncadd.s32 $0xFFFFC000  }
0x3ce: {  	[spmem:s2] =	stream.indirect.scatter.add.f32 [tilespmem:s10], [sflag:$0x3], $0x80, s30, s9, $0xb8;
	[tilespmem:$0x1D000] =	vst v63  }
0x3cf: {  	_ =	swait.ge [sflag:s5], $0x4000  }
0x3d0: {  	[sflag:s5] =	ssyncset.done $0x0  }
0x3d1: {  	s31 =	simm.s32 $0x500;
	[sflag:s5] =	ssyncadd.s32 $0xFFFFC000  }
0x3d2: {  	[tilespmem:s10], [sflag:$0x1] =	stream.indirect.gather [hbm4b:s8+s9], $0x80, s31, s9, $0xb8;
	[tilespmem:$0x1D000] =	vst v63  }
0x3d3: {  	_ =	swait.ge [sflag:s14], $0x4000  }
0x3d4: {  	[sflag:s14] =	ssyncset.done $0x0  }
0x3d5: {  	s24 =	simm.s32 $0xC80;
	[sflag:s14] =	ssyncadd.s32 $0xFFFFC000  }
0x3d6: {  	[spmem:s2] =	stream.indirect.scatter.add.f32 [tilespmem:s11], [sflag:$0x3], $0x80, s24, s9, $0xb8;
	[tilespmem:$0x1D000] =	vst v63  }
0x3d7: {  	_ =	swait.ge [sflag:s5], $0x4000  }
0x3d8: {  	[sflag:s5] =	ssyncset.done $0x0  }
0x3d9: {  	s6 =	simm.s32 $0x580;
	[sflag:s5] =	ssyncadd.s32 $0xFFFFC000  }
0x3da: {  	[tilespmem:s11], [sflag:$0x2] =	stream.indirect.gather [hbm4b:s8+s9], $0x80, s6, s9, $0xb8;
	[tilespmem:$0x1D000] =	vst v63  }
0x3db: {  	_ =	swait.ge [sflag:s12], $0x4000  }
0x3dc: {  	[sflag:s12] =	ssyncset.done $0x0  }
0x3dd: {  	s23 =	simm.s32 $0xD00;
	[sflag:s12] =	ssyncadd.s32 $0xFFFFC000  }
0x3de: {  	[spmem:s2] =	stream.indirect.scatter.add.f32 [tilespmem:s10], [sflag:$0x3], $0x80, s23, s9, $0xb8;
	[tilespmem:$0x1D000] =	vst v63  }
0x3df: {  	_ =	swait.ge [sflag:s5], $0x4000  }
0x3e0: {  	[sflag:s5] =	ssyncset.done $0x0  }
0x3e1: {  	s4 =	simm.s32 $0x600;
	[sflag:s5] =	ssyncadd.s32 $0xFFFFC000  }
0x3e2: {  	[tilespmem:s10], [sflag:$0x1] =	stream.indirect.gather [hbm4b:s8+s9], $0x80, s4, s9, $0xb8;
	[tilespmem:$0x1D000] =	vst v63  }
0x3e3: {  	_ =	swait.ge [sflag:s14], $0x4000  }
0x3e4: {  	[sflag:s14] =	ssyncset.done $0x0  }
0x3e5: {  	s23 =	simm.s32 $0xD80;
	[sflag:s14] =	ssyncadd.s32 $0xFFFFC000  }
0x3e6: {  	[spmem:s2] =	stream.indirect.scatter.add.f32 [tilespmem:s11], [sflag:$0x3], $0x80, s23, s9, $0xb8;
	[tilespmem:$0x1D000] =	vst v63  }
0x3e7: {  	_ =	swait.ge [sflag:s5], $0x4000  }
0x3e8: {  	[sflag:s5] =	ssyncset.done $0x0  }
0x3e9: {  	s7 =	simm.s32 $0x680;
	[sflag:s5] =	ssyncadd.s32 $0xFFFFC000  }
0x3ea: {  	[tilespmem:s11], [sflag:$0x2] =	stream.indirect.gather [hbm4b:s8+s9], $0x80, s7, s9, $0xb8;
	[tilespmem:$0x1D000] =	vst v63  }
0x3eb: {  	_ =	swait.ge [sflag:s12], $0x4000  }
0x3ec: {  	[sflag:s12] =	ssyncset.done $0x0  }
0x3ed: {  	s23 =	simm.s32 $0xE00;
	[sflag:s12] =	ssyncadd.s32 $0xFFFFC000  }
0x3ee: {  	[spmem:s2] =	stream.indirect.scatter.add.f32 [tilespmem:s10], [sflag:$0x3], $0x80, s23, s9, $0xb8;
	[tilespmem:$0x1D000] =	vst v63  }
0x3ef: {  	_ =	swait.ge [sflag:s5], $0x4000  }
0x3f0: {  	[sflag:s5] =	ssyncset.done $0x0  }
0x3f1: {  	s15 =	simm.s32 $0x700;
	[sflag:s5] =	ssyncadd.s32 $0xFFFFC000  }
0x3f2: {  	[tilespmem:s10], [sflag:$0x1] =	stream.indirect.gather [hbm4b:s8+s9], $0x80, s15, s9, $0xb8;
	[tilespmem:$0x1D000] =	vst v63  }
0x3f3: {  	_ =	swait.ge [sflag:s14], $0x4000  }
0x3f4: {  	[sflag:s14] =	ssyncset.done $0x0  }
0x3f5: {  	s16 =	simm.s32 $0xE80;
	[sflag:s14] =	ssyncadd.s32 $0xFFFFC000  }
0x3f6: {  	[spmem:s2] =	stream.indirect.scatter.add.f32 [tilespmem:s11], [sflag:$0x3], $0x80, s16, s9, $0xb8;
	[tilespmem:$0x1D000] =	vst v63  }
0x3f7: {  	_ =	swait.ge [sflag:s5], $0x4000  }
0x3f8: {  	[sflag:s5] =	ssyncset.done $0x0  }
0x3f9: {  	s17 =	simm.s32 $0x780;
	[sflag:s5] =	ssyncadd.s32 $0xFFFFC000  }
0x3fa: {  	[tilespmem:s11], [sflag:$0x2] =	stream.indirect.gather [hbm4b:s8+s9], $0x80, s17, s9, $0xb8;
	[tilespmem:$0x1D000] =	vst v63  }
0x3fb: {  	_ =	swait.ge [sflag:s12], $0x4000  }
0x3fc: {  	[sflag:s12] =	ssyncset.done $0x0  }
0x3fd: {  	s18 =	simm.s32 $0xF00;
	[sflag:s12] =	ssyncadd.s32 $0xFFFFC000  }
0x3fe: {  	[spmem:s2] =	stream.indirect.scatter.add.f32 [tilespmem:s10], [sflag:$0x3], $0x80, s18, s9, $0xb8;
	[tilespmem:$0x1D000] =	vst v63  }
0x3ff: {  	_ =	swait.ge [sflag:s5], $0x4000  }
0x400: {  	[sflag:s5] =	ssyncset.done $0x0  }
0x401: {  	[sflag:s5] =	ssyncadd.s32 $0xFFFFC000  }
0x402: {  	[tilespmem:s10], [sflag:$0x1] =	stream.indirect.gather [hbm4b:s8+s9], $0x80, s13, s9, $0xb8;
	[tilespmem:$0x1D000] =	vst v63  }
0x403: {  	_ =	swait.ge [sflag:s14], $0x4000  }
0x404: {  	[sflag:s14] =	ssyncset.done $0x0  }
0x405: {  	s19 =	simm.s32 $0xF80;
	[sflag:s14] =	ssyncadd.s32 $0xFFFFC000  }
0x406: {  	[spmem:s2] =	stream.indirect.scatter.add.f32 [tilespmem:s11], [sflag:$0x3], $0x80, s19, s9, $0xb8;
	[tilespmem:$0x1D000] =	vst v63  }
0x407: {  	_ =	swait.ge [sflag:s5], $0x4000  }
0x408: {  	[sflag:s5] =	ssyncset.done $0x0  }
0x409: {  	[sflag:s5] =	ssyncadd.s32 $0xFFFFC000  }
0x40a: {  	_ =	swait.ge [sflag:s12], $0x4000  }
0x40b: {  	[sflag:s12] =	ssyncset.done $0x0  }
0x40c: {  	s23 =	rddreg [dreg:$0x8];
	[sflag:s12] =	ssyncadd.s32 $0xFFFFC000  }
0x40d: {  	[tilespmem:s13], [sflag:$0x3] =	stream.linear.gather [hbm4b:s23+s13], $0x800, $0x38;
	[tilespmem:$0x1D000] =	vst v63  }
0x40e: {  	_ =	swait.ge [sflag:s5], $0x800  }
0x40f: {  	[sflag:s5] =	ssyncset.done $0x0  }
0x410: {  	s23 =	rddreg [dreg:$0x9];
	[sflag:s5] =	ssyncadd.s32 $0xFFFFF800  }
0x411: {  	[tilespmem:s0], [sflag:$0x3] =	stream.linear.gather [hbm4b:s23+s13], $0x800, $0x38;
	[tilespmem:$0x1D000] =	vst v63  }
0x412: {  	_ =	swait.ge [sflag:s5], $0x800  }
0x413: {  	[sflag:s5] =	ssyncset.done $0x0  }
0x414: {  	[sflag:s5] =	ssyncadd.s32 $0xFFFFF800  }
0x415: {  	[tilespmem:s10], [sflag:$0x1] =	stream.indirect.gather [hbm4b:s8+s9], $0x80, s13, s9, $0xb8;
	[tilespmem:$0x1D000] =	vst v63  }
0x416: {  	_ = 	snop  }
0x417: {  	[tilespmem:s11], [sflag:$0x2] =	stream.indirect.gather [hbm4b:s8+s9], $0x80, s9, s9, $0xb8;
	[tilespmem:$0x1D000] =	vst v63  }
0x418: {  	_ =	swait.ge [sflag:s12], $0x4000  }
0x419: {  	[sflag:s12] =	ssyncset.done $0x0  }
0x41a: {  	[sflag:s12] =	ssyncadd.s32 $0xFFFFC000  }
0x41b: {  	[spmem:s2] =	stream.indirect.scatter.add.f32 [tilespmem:s10], [sflag:$0x3], $0x80, s0, s9, $0xb8;
	[tilespmem:$0x1D000] =	vst v63  }
0x41c: {  	_ =	swait.ge [sflag:s5], $0x4000  }
0x41d: {  	[sflag:s5] =	ssyncset.done $0x0  }
0x41e: {  	s23 =	simm.s32 $0x100;
	[sflag:s5] =	ssyncadd.s32 $0xFFFFC000  }
0x41f: {  	[tilespmem:s10], [sflag:$0x1] =	stream.indirect.gather [hbm4b:s8+s9], $0x80, s23, s9, $0xb8;
	[tilespmem:$0x1D000] =	vst v63  }
0x420: {  	_ =	swait.ge [sflag:s14], $0x4000  }
0x421: {  	[sflag:s14] =	ssyncset.done $0x0  }
0x422: {  	s23 =	simm.s32 $0x880;
	[sflag:s14] =	ssyncadd.s32 $0xFFFFC000  }
0x423: {  	[spmem:s2] =	stream.indirect.scatter.add.f32 [tilespmem:s11], [sflag:$0x3], $0x80, s23, s9, $0xb8;
	[tilespmem:$0x1D000] =	vst v63  }
0x424: {  	_ =	swait.ge [sflag:s5], $0x4000  }
0x425: {  	[sflag:s5] =	ssyncset.done $0x0  }
0x426: {  	s23 =	simm.s32 $0x180;
	[sflag:s5] =	ssyncadd.s32 $0xFFFFC000  }
0x427: {  	[tilespmem:s11], [sflag:$0x2] =	stream.indirect.gather [hbm4b:s8+s9], $0x80, s23, s9, $0xb8;
	[tilespmem:$0x1D000] =	vst v63  }
0x428: {  	_ =	swait.ge [sflag:s12], $0x4000  }
0x429: {  	[sflag:s12] =	ssyncset.done $0x0  }
0x42a: {  	s23 =	simm.s32 $0x900;
	[sflag:s12] =	ssyncadd.s32 $0xFFFFC000  }
0x42b: {  	[spmem:s2] =	stream.indirect.scatter.add.f32 [tilespmem:s10], [sflag:$0x3], $0x80, s23, s9, $0xb8;
	[tilespmem:$0x1D000] =	vst v63  }
0x42c: {  	_ =	swait.ge [sflag:s5], $0x4000  }
0x42d: {  	[sflag:s5] =	ssyncset.done $0x0  }
0x42e: {  	s23 =	simm.s32 $0x200;
	[sflag:s5] =	ssyncadd.s32 $0xFFFFC000  }
0x42f: {  	[tilespmem:s10], [sflag:$0x1] =	stream.indirect.gather [hbm4b:s8+s9], $0x80, s23, s9, $0xb8;
	[tilespmem:$0x1D000] =	vst v63  }
0x430: {  	_ =	swait.ge [sflag:s14], $0x4000  }
0x431: {  	[sflag:s14] =	ssyncset.done $0x0  }
0x432: {  	s23 =	simm.s32 $0x980;
	[sflag:s14] =	ssyncadd.s32 $0xFFFFC000  }
0x433: {  	[spmem:s2] =	stream.indirect.scatter.add.f32 [tilespmem:s11], [sflag:$0x3], $0x80, s23, s9, $0xb8;
	[tilespmem:$0x1D000] =	vst v63  }
0x434: {  	_ =	swait.ge [sflag:s5], $0x4000  }
0x435: {  	[sflag:s5] =	ssyncset.done $0x0  }
0x436: {  	[sflag:s5] =	ssyncadd.s32 $0xFFFFC000  }
0x437: {  	[tilespmem:s11], [sflag:$0x2] =	stream.indirect.gather [hbm4b:s8+s9], $0x80, s3, s9, $0xb8;
	[tilespmem:$0x1D000] =	vst v63  }
0x438: {  	_ =	swait.ge [sflag:s12], $0x4000  }
0x439: {  	[sflag:s12] =	ssyncset.done $0x0  }
0x43a: {  	[sflag:s12] =	ssyncadd.s32 $0xFFFFC000  }
0x43b: {  	[spmem:s2] =	stream.indirect.scatter.add.f32 [tilespmem:s10], [sflag:$0x3], $0x80, s20, s9, $0xb8;
	[tilespmem:$0x1D000] =	vst v63  }
0x43c: {  	_ =	swait.ge [sflag:s5], $0x4000  }
0x43d: {  	[sflag:s5] =	ssyncset.done $0x0  }
0x43e: {  	[sflag:s5] =	ssyncadd.s32 $0xFFFFC000  }
0x43f: {  	[tilespmem:s10], [sflag:$0x1] =	stream.indirect.gather [hbm4b:s8+s9], $0x80, s21, s9, $0xb8;
	[tilespmem:$0x1D000] =	vst v63  }
0x440: {  	_ =	swait.ge [sflag:s14], $0x4000  }
0x441: {  	[sflag:s14] =	ssyncset.done $0x0  }
0x442: {  	s23 =	simm.s32 $0xA80;
	[sflag:s14] =	ssyncadd.s32 $0xFFFFC000  }
0x443: {  	[spmem:s2] =	stream.indirect.scatter.add.f32 [tilespmem:s11], [sflag:$0x3], $0x80, s23, s9, $0xb8;
	[tilespmem:$0x1D000] =	vst v63  }
0x444: {  	_ =	swait.ge [sflag:s5], $0x4000  }
0x445: {  	[sflag:s5] =	ssyncset.done $0x0  }
0x446: {  	[sflag:s5] =	ssyncadd.s32 $0xFFFFC000  }
0x447: {  	[tilespmem:s11], [sflag:$0x2] =	stream.indirect.gather [hbm4b:s8+s9], $0x80, s1, s9, $0xb8;
	[tilespmem:$0x1D000] =	vst v63  }
0x448: {  	_ =	swait.ge [sflag:s12], $0x4000  }
0x449: {  	[sflag:s12] =	ssyncset.done $0x0  }
0x44a: {  	[sflag:s12] =	ssyncadd.s32 $0xFFFFC000  }
0x44b: {  	[spmem:s2] =	stream.indirect.scatter.add.f32 [tilespmem:s10], [sflag:$0x3], $0x80, s25, s9, $0xb8;
	[tilespmem:$0x1D000] =	vst v63  }
0x44c: {  	_ =	swait.ge [sflag:s5], $0x4000  }
0x44d: {  	[sflag:s5] =	ssyncset.done $0x0  }
0x44e: {  	[sflag:s5] =	ssyncadd.s32 $0xFFFFC000  }
0x44f: {  	[tilespmem:s10], [sflag:$0x1] =	stream.indirect.gather [hbm4b:s8+s9], $0x80, s26, s9, $0xb8;
	[tilespmem:$0x1D000] =	vst v63  }
0x450: {  	_ =	swait.ge [sflag:s14], $0x4000  }
0x451: {  	[sflag:s14] =	ssyncset.done $0x0  }
0x452: {  	[sflag:s14] =	ssyncadd.s32 $0xFFFFC000  }
0x453: {  	[spmem:s2] =	stream.indirect.scatter.add.f32 [tilespmem:s11], [sflag:$0x3], $0x80, s28, s9, $0xb8;
	[tilespmem:$0x1D000] =	vst v63  }
0x454: {  	_ =	swait.ge [sflag:s5], $0x4000  }
0x455: {  	[sflag:s5] =	ssyncset.done $0x0  }
0x456: {  	[sflag:s5] =	ssyncadd.s32 $0xFFFFC000  }
0x457: {  	[tilespmem:s11], [sflag:$0x2] =	stream.indirect.gather [hbm4b:s8+s9], $0x80, s29, s9, $0xb8;
	[tilespmem:$0x1D000] =	vst v63  }
0x458: {  	_ =	swait.ge [sflag:s12], $0x4000  }
0x459: {  	[sflag:s12] =	ssyncset.done $0x0  }
0x45a: {  	[sflag:s12] =	ssyncadd.s32 $0xFFFFC000  }
0x45b: {  	[spmem:s2] =	stream.indirect.scatter.add.f32 [tilespmem:s10], [sflag:$0x3], $0x80, s30, s9, $0xb8;
	[tilespmem:$0x1D000] =	vst v63  }
0x45c: {  	_ =	swait.ge [sflag:s5], $0x4000  }
0x45d: {  	[sflag:s5] =	ssyncset.done $0x0  }
0x45e: {  	[sflag:s5] =	ssyncadd.s32 $0xFFFFC000  }
0x45f: {  	[tilespmem:s10], [sflag:$0x1] =	stream.indirect.gather [hbm4b:s8+s9], $0x80, s31, s9, $0xb8;
	[tilespmem:$0x1D000] =	vst v63  }
0x460: {  	_ =	swait.ge [sflag:s14], $0x4000  }
0x461: {  	[sflag:s14] =	ssyncset.done $0x0  }
0x462: {  	[sflag:s14] =	ssyncadd.s32 $0xFFFFC000  }
0x463: {  	[spmem:s2] =	stream.indirect.scatter.add.f32 [tilespmem:s11], [sflag:$0x3], $0x80, s24, s9, $0xb8;
	[tilespmem:$0x1D000] =	vst v63  }
0x464: {  	_ =	swait.ge [sflag:s5], $0x4000  }
0x465: {  	[sflag:s5] =	ssyncset.done $0x0  }
0x466: {  	[sflag:s5] =	ssyncadd.s32 $0xFFFFC000  }
0x467: {  	[tilespmem:s11], [sflag:$0x2] =	stream.indirect.gather [hbm4b:s8+s9], $0x80, s6, s9, $0xb8;
	[tilespmem:$0x1D000] =	vst v63  }
0x468: {  	_ =	swait.ge [sflag:s12], $0x4000  }
0x469: {  	[sflag:s12] =	ssyncset.done $0x0  }
0x46a: {  	s24 =	simm.s32 $0xD00;
	[sflag:s12] =	ssyncadd.s32 $0xFFFFC000  }
0x46b: {  	[spmem:s2] =	stream.indirect.scatter.add.f32 [tilespmem:s10], [sflag:$0x3], $0x80, s24, s9, $0xb8;
	[tilespmem:$0x1D000] =	vst v63  }
0x46c: {  	_ =	swait.ge [sflag:s5], $0x4000  }
0x46d: {  	[sflag:s5] =	ssyncset.done $0x0  }
0x46e: {  	s4 =	simm.s32 $0x600;
	[sflag:s5] =	ssyncadd.s32 $0xFFFFC000  }
0x46f: {  	[tilespmem:s10], [sflag:$0x1] =	stream.indirect.gather [hbm4b:s8+s9], $0x80, s4, s9, $0xb8;
	[tilespmem:$0x1D000] =	vst v63  }
0x470: {  	_ =	swait.ge [sflag:s14], $0x4000  }
0x471: {  	[sflag:s14] =	ssyncset.done $0x0  }
0x472: {  	s6 =	simm.s32 $0xD80;
	[sflag:s14] =	ssyncadd.s32 $0xFFFFC000  }
0x473: {  	[spmem:s2] =	stream.indirect.scatter.add.f32 [tilespmem:s11], [sflag:$0x3], $0x80, s6, s9, $0xb8;
	[tilespmem:$0x1D000] =	vst v63  }
0x474: {  	_ =	swait.ge [sflag:s5], $0x4000  }
0x475: {  	[sflag:s5] =	ssyncset.done $0x0  }
0x476: {  	s7 =	simm.s32 $0x680;
	[sflag:s5] =	ssyncadd.s32 $0xFFFFC000  }
0x477: {  	[tilespmem:s11], [sflag:$0x2] =	stream.indirect.gather [hbm4b:s8+s9], $0x80, s7, s9, $0xb8;
	[tilespmem:$0x1D000] =	vst v63  }
0x478: {  	_ =	swait.ge [sflag:s12], $0x4000  }
0x479: {  	[sflag:s12] =	ssyncset.done $0x0  }
0x47a: {  	s7 =	simm.s32 $0xE00;
	[sflag:s12] =	ssyncadd.s32 $0xFFFFC000  }
0x47b: {  	[spmem:s2] =	stream.indirect.scatter.add.f32 [tilespmem:s10], [sflag:$0x3], $0x80, s7, s9, $0xb8;
	[tilespmem:$0x1D000] =	vst v63  }
0x47c: {  	_ =	swait.ge [sflag:s5], $0x4000  }
0x47d: {  	[sflag:s5] =	ssyncset.done $0x0  }
0x47e: {  	s15 =	simm.s32 $0x700;
	[sflag:s5] =	ssyncadd.s32 $0xFFFFC000  }
0x47f: {  	[tilespmem:s10], [sflag:$0x1] =	stream.indirect.gather [hbm4b:s8+s9], $0x80, s15, s9, $0xb8;
	[tilespmem:$0x1D000] =	vst v63  }
0x480: {  	_ =	swait.ge [sflag:s14], $0x4000  }
0x481: {  	[sflag:s14] =	ssyncset.done $0x0  }
0x482: {  	s16 =	simm.s32 $0xE80;
	[sflag:s14] =	ssyncadd.s32 $0xFFFFC000  }
0x483: {  	[spmem:s2] =	stream.indirect.scatter.add.f32 [tilespmem:s11], [sflag:$0x3], $0x80, s16, s9, $0xb8;
	[tilespmem:$0x1D000] =	vst v63  }
0x484: {  	_ =	swait.ge [sflag:s5], $0x4000  }
0x485: {  	[sflag:s5] =	ssyncset.done $0x0  }
0x486: {  	s17 =	simm.s32 $0x780;
	[sflag:s5] =	ssyncadd.s32 $0xFFFFC000  }
0x487: {  	[tilespmem:s11], [sflag:$0x2] =	stream.indirect.gather [hbm4b:s8+s9], $0x80, s17, s9, $0xb8;
	[tilespmem:$0x1D000] =	vst v63  }
0x488: {  	_ =	swait.ge [sflag:s12], $0x4000  }
0x489: {  	[sflag:s12] =	ssyncset.done $0x0  }
0x48a: {  	s18 =	simm.s32 $0xF00;
	[sflag:s12] =	ssyncadd.s32 $0xFFFFC000  }
0x48b: {  	[spmem:s2] =	stream.indirect.scatter.add.f32 [tilespmem:s10], [sflag:$0x3], $0x80, s18, s9, $0xb8;
	[tilespmem:$0x1D000] =	vst v63  }
0x48c: {  	_ =	swait.ge [sflag:s5], $0x4000  }
0x48d: {  	[sflag:s5] =	ssyncset.done $0x0  }
0x48e: {  	[sflag:s5] =	ssyncadd.s32 $0xFFFFC000  }
0x48f: {  	[tilespmem:s10], [sflag:$0x1] =	stream.indirect.gather [hbm4b:s8+s9], $0x80, s13, s9, $0xb8;
	[tilespmem:$0x1D000] =	vst v63  }
0x490: {  	_ =	swait.ge [sflag:s14], $0x4000  }
0x491: {  	[sflag:s14] =	ssyncset.done $0x0  }
0x492: {  	s19 =	simm.s32 $0xF80;
	[sflag:s14] =	ssyncadd.s32 $0xFFFFC000  }
0x493: {  	[spmem:s2] =	stream.indirect.scatter.add.f32 [tilespmem:s11], [sflag:$0x3], $0x80, s19, s9, $0xb8;
	[tilespmem:$0x1D000] =	vst v63  }
0x494: {  	_ =	swait.ge [sflag:s5], $0x4000  }
0x495: {  	[sflag:s5] =	ssyncset.done $0x0  }
0x496: {  	[sflag:s5] =	ssyncadd.s32 $0xFFFFC000  }
0x497: {  	_ =	swait.ge [sflag:s12], $0x4000  }
0x498: {  	[sflag:s12] =	ssyncset.done $0x0  }
0x499: {  	s16 =	rddreg [dreg:$0xa];
	[sflag:s12] =	ssyncadd.s32 $0xFFFFC000  }
0x49a: {  	[tilespmem:s13], [sflag:$0x3] =	stream.linear.gather [hbm4b:s16+s13], $0x800, $0x38;
	[tilespmem:$0x1D000] =	vst v63  }
0x49b: {  	_ =	swait.ge [sflag:s5], $0x800  }
0x49c: {  	[sflag:s5] =	ssyncset.done $0x0  }
0x49d: {  	s17 =	rddreg [dreg:$0xb];
	[sflag:s5] =	ssyncadd.s32 $0xFFFFF800  }
0x49e: {  	[tilespmem:s0], [sflag:$0x3] =	stream.linear.gather [hbm4b:s17+s13], $0x800, $0x38;
	[tilespmem:$0x1D000] =	vst v63  }
0x49f: {  	_ =	swait.ge [sflag:s5], $0x800  }
0x4a0: {  	[sflag:s5] =	ssyncset.done $0x0  }
0x4a1: {  	[sflag:s5] =	ssyncadd.s32 $0xFFFFF800  }
0x4a2: {  	[tilespmem:s10], [sflag:$0x1] =	stream.indirect.gather [hbm4b:s8+s9], $0x80, s13, s9, $0xb8;
	[tilespmem:$0x1D000] =	vst v63  }
0x4a3: {  	_ = 	snop  }
0x4a4: {  	[tilespmem:s11], [sflag:$0x2] =	stream.indirect.gather [hbm4b:s8+s9], $0x80, s9, s9, $0xb8;
	[tilespmem:$0x1D000] =	vst v63  }
0x4a5: {  	_ =	swait.ge [sflag:s12], $0x4000  }
0x4a6: {  	[sflag:s12] =	ssyncset.done $0x0  }
0x4a7: {  	[sflag:s12] =	ssyncadd.s32 $0xFFFFC000  }
0x4a8: {  	[spmem:s2] =	stream.indirect.scatter.add.f32 [tilespmem:s10], [sflag:$0x3], $0x80, s0, s9, $0xb8;
	[tilespmem:$0x1D000] =	vst v63  }
0x4a9: {  	_ =	swait.ge [sflag:s5], $0x4000  }
0x4aa: {  	[sflag:s5] =	ssyncset.done $0x0  }
0x4ab: {  	s18 =	simm.s32 $0x100;
	[sflag:s5] =	ssyncadd.s32 $0xFFFFC000  }
0x4ac: {  	[tilespmem:s10], [sflag:$0x1] =	stream.indirect.gather [hbm4b:s8+s9], $0x80, s18, s9, $0xb8;
	[tilespmem:$0x1D000] =	vst v63  }
0x4ad: {  	_ =	swait.ge [sflag:s14], $0x4000  }
0x4ae: {  	[sflag:s14] =	ssyncset.done $0x0  }
0x4af: {  	s19 =	simm.s32 $0x880;
	[sflag:s14] =	ssyncadd.s32 $0xFFFFC000  }
0x4b0: {  	[spmem:s2] =	stream.indirect.scatter.add.f32 [tilespmem:s11], [sflag:$0x3], $0x80, s19, s9, $0xb8;
	[tilespmem:$0x1D000] =	vst v63  }
0x4b1: {  	_ =	swait.ge [sflag:s5], $0x4000  }
0x4b2: {  	[sflag:s5] =	ssyncset.done $0x0  }
0x4b3: {  	s23 =	simm.s32 $0x180;
	[sflag:s5] =	ssyncadd.s32 $0xFFFFC000  }
0x4b4: {  	[tilespmem:s11], [sflag:$0x2] =	stream.indirect.gather [hbm4b:s8+s9], $0x80, s23, s9, $0xb8;
	[tilespmem:$0x1D000] =	vst v63  }
0x4b5: {  	_ =	swait.ge [sflag:s12], $0x4000  }
0x4b6: {  	[sflag:s12] =	ssyncset.done $0x0  }
0x4b7: {  	s6 =	simm.s32 $0x900;
	[sflag:s12] =	ssyncadd.s32 $0xFFFFC000  }
0x4b8: {  	[spmem:s2] =	stream.indirect.scatter.add.f32 [tilespmem:s10], [sflag:$0x3], $0x80, s6, s9, $0xb8;
	[tilespmem:$0x1D000] =	vst v63  }
0x4b9: {  	_ =	swait.ge [sflag:s5], $0x4000  }
0x4ba: {  	[sflag:s5] =	ssyncset.done $0x0  }
0x4bb: {  	s7 =	simm.s32 $0x200;
	[sflag:s5] =	ssyncadd.s32 $0xFFFFC000  }
0x4bc: {  	[tilespmem:s10], [sflag:$0x1] =	stream.indirect.gather [hbm4b:s8+s9], $0x80, s7, s9, $0xb8;
	[tilespmem:$0x1D000] =	vst v63  }
0x4bd: {  	_ =	swait.ge [sflag:s14], $0x4000  }
0x4be: {  	[sflag:s14] =	ssyncset.done $0x0  }
0x4bf: {  	s15 =	simm.s32 $0x980;
	[sflag:s14] =	ssyncadd.s32 $0xFFFFC000  }
0x4c0: {  	[spmem:s2] =	stream.indirect.scatter.add.f32 [tilespmem:s11], [sflag:$0x3], $0x80, s15, s9, $0xb8;
	[tilespmem:$0x1D000] =	vst v63  }
0x4c1: {  	_ =	swait.ge [sflag:s5], $0x4000  }
0x4c2: {  	[sflag:s5] =	ssyncset.done $0x0  }
0x4c3: {  	s3 =	simm.s32 $0x280;
	[sflag:s5] =	ssyncadd.s32 $0xFFFFC000  }
0x4c4: {  	[tilespmem:s11], [sflag:$0x2] =	stream.indirect.gather [hbm4b:s8+s9], $0x80, s3, s9, $0xb8;
	[tilespmem:$0x1D000] =	vst v63  }
0x4c5: {  	_ =	swait.ge [sflag:s12], $0x4000  }
0x4c6: {  	[sflag:s12] =	ssyncset.done $0x0  }
0x4c7: {  	s20 =	simm.s32 $0xA00;
	[sflag:s12] =	ssyncadd.s32 $0xFFFFC000  }
0x4c8: {  	[spmem:s2] =	stream.indirect.scatter.add.f32 [tilespmem:s10], [sflag:$0x3], $0x80, s20, s9, $0xb8;
	[tilespmem:$0x1D000] =	vst v63  }
0x4c9: {  	_ =	swait.ge [sflag:s5], $0x4000  }
0x4ca: {  	[sflag:s5] =	ssyncset.done $0x0  }
0x4cb: {  	s21 =	simm.s32 $0x300;
	[sflag:s5] =	ssyncadd.s32 $0xFFFFC000  }
0x4cc: {  	[tilespmem:s10], [sflag:$0x1] =	stream.indirect.gather [hbm4b:s8+s9], $0x80, s21, s9, $0xb8;
	[tilespmem:$0x1D000] =	vst v63  }
0x4cd: {  	_ =	swait.ge [sflag:s14], $0x4000  }
0x4ce: {  	[sflag:s14] =	ssyncset.done $0x0  }
0x4cf: {  	s16 =	simm.s32 $0xA80;
	[sflag:s14] =	ssyncadd.s32 $0xFFFFC000  }
0x4d0: {  	[spmem:s2] =	stream.indirect.scatter.add.f32 [tilespmem:s11], [sflag:$0x3], $0x80, s16, s9, $0xb8;
	[tilespmem:$0x1D000] =	vst v63  }
0x4d1: {  	_ =	swait.ge [sflag:s5], $0x4000  }
0x4d2: {  	[sflag:s5] =	ssyncset.done $0x0  }
0x4d3: {  	s17 =	simm.s32 $0x380;
	[sflag:s5] =	ssyncadd.s32 $0xFFFFC000  }
0x4d4: {  	[tilespmem:s11], [sflag:$0x2] =	stream.indirect.gather [hbm4b:s8+s9], $0x80, s17, s9, $0xb8;
	[tilespmem:$0x1D000] =	vst v63  }
0x4d5: {  	_ =	swait.ge [sflag:s12], $0x4000  }
0x4d6: {  	[sflag:s12] =	ssyncset.done $0x0  }
0x4d7: {  	s25 =	simm.s32 $0xB00;
	[sflag:s12] =	ssyncadd.s32 $0xFFFFC000  }
0x4d8: {  	[spmem:s2] =	stream.indirect.scatter.add.f32 [tilespmem:s10], [sflag:$0x3], $0x80, s25, s9, $0xb8;
	[tilespmem:$0x1D000] =	vst v63  }
0x4d9: {  	_ =	swait.ge [sflag:s5], $0x4000  }
0x4da: {  	[sflag:s5] =	ssyncset.done $0x0  }
0x4db: {  	s26 =	simm.s32 $0x400;
	[sflag:s5] =	ssyncadd.s32 $0xFFFFC000  }
0x4dc: {  	[tilespmem:s10], [sflag:$0x1] =	stream.indirect.gather [hbm4b:s8+s9], $0x80, s26, s9, $0xb8;
	[tilespmem:$0x1D000] =	vst v63  }
0x4dd: {  	_ =	swait.ge [sflag:s14], $0x4000  }
0x4de: {  	[sflag:s14] =	ssyncset.done $0x0  }
0x4df: {  	s28 =	simm.s32 $0xB80;
	[sflag:s14] =	ssyncadd.s32 $0xFFFFC000  }
0x4e0: {  	[spmem:s2] =	stream.indirect.scatter.add.f32 [tilespmem:s11], [sflag:$0x3], $0x80, s28, s9, $0xb8;
	[tilespmem:$0x1D000] =	vst v63  }
0x4e1: {  	_ =	swait.ge [sflag:s5], $0x4000  }
0x4e2: {  	[sflag:s5] =	ssyncset.done $0x0  }
0x4e3: {  	s29 =	simm.s32 $0x480;
	[sflag:s5] =	ssyncadd.s32 $0xFFFFC000  }
0x4e4: {  	[tilespmem:s11], [sflag:$0x2] =	stream.indirect.gather [hbm4b:s8+s9], $0x80, s29, s9, $0xb8;
	[tilespmem:$0x1D000] =	vst v63  }
0x4e5: {  	_ =	swait.ge [sflag:s12], $0x4000  }
0x4e6: {  	[sflag:s12] =	ssyncset.done $0x0  }
0x4e7: {  	s30 =	simm.s32 $0xC00;
	[sflag:s12] =	ssyncadd.s32 $0xFFFFC000  }
0x4e8: {  	[spmem:s2] =	stream.indirect.scatter.add.f32 [tilespmem:s10], [sflag:$0x3], $0x80, s30, s9, $0xb8;
	[tilespmem:$0x1D000] =	vst v63  }
0x4e9: {  	_ =	swait.ge [sflag:s5], $0x4000  }
0x4ea: {  	[sflag:s5] =	ssyncset.done $0x0  }
0x4eb: {  	s31 =	simm.s32 $0x500;
	[sflag:s5] =	ssyncadd.s32 $0xFFFFC000  }
0x4ec: {  	[tilespmem:s10], [sflag:$0x1] =	stream.indirect.gather [hbm4b:s8+s9], $0x80, s31, s9, $0xb8;
	[tilespmem:$0x1D000] =	vst v63  }
0x4ed: {  	_ =	swait.ge [sflag:s14], $0x4000  }
0x4ee: {  	[sflag:s14] =	ssyncset.done $0x0  }
0x4ef: {  	s1 =	simm.s32 $0xC80;
	[sflag:s14] =	ssyncadd.s32 $0xFFFFC000  }
0x4f0: {  	[spmem:s2] =	stream.indirect.scatter.add.f32 [tilespmem:s11], [sflag:$0x3], $0x80, s1, s9, $0xb8;
	[tilespmem:$0x1D000] =	vst v63  }
0x4f1: {  	_ =	swait.ge [sflag:s5], $0x4000  }
0x4f2: {  	[sflag:s5] =	ssyncset.done $0x0  }
0x4f3: {  	s18 =	simm.s32 $0x580;
	[sflag:s5] =	ssyncadd.s32 $0xFFFFC000  }
0x4f4: {  	[tilespmem:s11], [sflag:$0x2] =	stream.indirect.gather [hbm4b:s8+s9], $0x80, s18, s9, $0xb8;
	[tilespmem:$0x1D000] =	vst v63  }
0x4f5: {  	_ =	swait.ge [sflag:s12], $0x4000  }
0x4f6: {  	[sflag:s12] =	ssyncset.done $0x0  }
0x4f7: {  	s23 =	simm.s32 $0xD00;
	[sflag:s12] =	ssyncadd.s32 $0xFFFFC000  }
0x4f8: {  	[spmem:s2] =	stream.indirect.scatter.add.f32 [tilespmem:s10], [sflag:$0x3], $0x80, s23, s9, $0xb8;
	[tilespmem:$0x1D000] =	vst v63  }
0x4f9: {  	_ =	swait.ge [sflag:s5], $0x4000  }
0x4fa: {  	[sflag:s5] =	ssyncset.done $0x0  }
0x4fb: {  	s24 =	simm.s32 $0x600;
	[sflag:s5] =	ssyncadd.s32 $0xFFFFC000  }
0x4fc: {  	[tilespmem:s10], [sflag:$0x1] =	stream.indirect.gather [hbm4b:s8+s9], $0x80, s24, s9, $0xb8;
	[tilespmem:$0x1D000] =	vst v63  }
0x4fd: {  	_ =	swait.ge [sflag:s14], $0x4000  }
0x4fe: {  	[sflag:s14] =	ssyncset.done $0x0  }
0x4ff: {  	s15 =	simm.s32 $0xD80;
	[sflag:s14] =	ssyncadd.s32 $0xFFFFC000  }
0x500: {  	[spmem:s2] =	stream.indirect.scatter.add.f32 [tilespmem:s11], [sflag:$0x3], $0x80, s15, s9, $0xb8;
	[tilespmem:$0x1D000] =	vst v63  }
0x501: {  	_ =	swait.ge [sflag:s5], $0x4000  }
0x502: {  	[sflag:s5] =	ssyncset.done $0x0  }
0x503: {  	s16 =	simm.s32 $0x680;
	[sflag:s5] =	ssyncadd.s32 $0xFFFFC000  }
0x504: {  	[tilespmem:s11], [sflag:$0x2] =	stream.indirect.gather [hbm4b:s8+s9], $0x80, s16, s9, $0xb8;
	[tilespmem:$0x1D000] =	vst v63  }
0x505: {  	_ =	swait.ge [sflag:s12], $0x4000  }
0x506: {  	[sflag:s12] =	ssyncset.done $0x0  }
0x507: {  	s17 =	simm.s32 $0xE00;
	[sflag:s12] =	ssyncadd.s32 $0xFFFFC000  }
0x508: {  	[spmem:s2] =	stream.indirect.scatter.add.f32 [tilespmem:s10], [sflag:$0x3], $0x80, s17, s9, $0xb8;
	[tilespmem:$0x1D000] =	vst v63  }
0x509: {  	_ =	swait.ge [sflag:s5], $0x4000  }
0x50a: {  	[sflag:s5] =	ssyncset.done $0x0  }
0x50b: {  	s18 =	simm.s32 $0x700;
	[sflag:s5] =	ssyncadd.s32 $0xFFFFC000  }
0x50c: {  	[tilespmem:s10], [sflag:$0x1] =	stream.indirect.gather [hbm4b:s8+s9], $0x80, s18, s9, $0xb8;
	[tilespmem:$0x1D000] =	vst v63  }
0x50d: {  	_ =	swait.ge [sflag:s14], $0x4000  }
0x50e: {  	[sflag:s14] =	ssyncset.done $0x0  }
0x50f: {  	s23 =	simm.s32 $0xE80;
	[sflag:s14] =	ssyncadd.s32 $0xFFFFC000  }
0x510: {  	[spmem:s2] =	stream.indirect.scatter.add.f32 [tilespmem:s11], [sflag:$0x3], $0x80, s23, s9, $0xb8;
	[tilespmem:$0x1D000] =	vst v63  }
0x511: {  	_ =	swait.ge [sflag:s5], $0x4000  }
0x512: {  	[sflag:s5] =	ssyncset.done $0x0  }
0x513: {  	s23 =	simm.s32 $0x780;
	[sflag:s5] =	ssyncadd.s32 $0xFFFFC000  }
0x514: {  	[tilespmem:s11], [sflag:$0x2] =	stream.indirect.gather [hbm4b:s8+s9], $0x80, s23, s9, $0xb8;
	[tilespmem:$0x1D000] =	vst v63  }
0x515: {  	_ =	swait.ge [sflag:s12], $0x4000  }
0x516: {  	[sflag:s12] =	ssyncset.done $0x0  }
0x517: {  	s23 =	simm.s32 $0xF00;
	[sflag:s12] =	ssyncadd.s32 $0xFFFFC000  }
0x518: {  	[spmem:s2] =	stream.indirect.scatter.add.f32 [tilespmem:s10], [sflag:$0x3], $0x80, s23, s9, $0xb8;
	[tilespmem:$0x1D000] =	vst v63  }
0x519: {  	_ =	swait.ge [sflag:s5], $0x4000  }
0x51a: {  	[sflag:s5] =	ssyncset.done $0x0  }
0x51b: {  	[sflag:s5] =	ssyncadd.s32 $0xFFFFC000  }
0x51c: {  	[tilespmem:s10], [sflag:$0x1] =	stream.indirect.gather [hbm4b:s8+s9], $0x80, s13, s9, $0xb8;
	[tilespmem:$0x1D000] =	vst v63  }
0x51d: {  	_ =	swait.ge [sflag:s14], $0x4000  }
0x51e: {  	[sflag:s14] =	ssyncset.done $0x0  }
0x51f: {  	s23 =	simm.s32 $0xF80;
	[sflag:s14] =	ssyncadd.s32 $0xFFFFC000  }
0x520: {  	[spmem:s2] =	stream.indirect.scatter.add.f32 [tilespmem:s11], [sflag:$0x3], $0x80, s23, s9, $0xb8;
	[tilespmem:$0x1D000] =	vst v63  }
0x521: {  	_ =	swait.ge [sflag:s5], $0x4000  }
0x522: {  	[sflag:s5] =	ssyncset.done $0x0  }
0x523: {  	[sflag:s5] =	ssyncadd.s32 $0xFFFFC000  }
0x524: {  	_ =	swait.ge [sflag:s12], $0x4000  }
0x525: {  	[sflag:s12] =	ssyncset.done $0x0  }
0x526: {  	s23 =	rddreg [dreg:$0xc];
	[sflag:s12] =	ssyncadd.s32 $0xFFFFC000  }
0x527: {  	[tilespmem:s13], [sflag:$0x3] =	stream.linear.gather [hbm4b:s23+s13], $0x800, $0x38;
	[tilespmem:$0x1D000] =	vst v63  }
0x528: {  	_ =	swait.ge [sflag:s5], $0x800  }
0x529: {  	[sflag:s5] =	ssyncset.done $0x0  }
0x52a: {  	s23 =	rddreg [dreg:$0xd];
	[sflag:s5] =	ssyncadd.s32 $0xFFFFF800  }
0x52b: {  	[tilespmem:s0], [sflag:$0x3] =	stream.linear.gather [hbm4b:s23+s13], $0x800, $0x38;
	[tilespmem:$0x1D000] =	vst v63  }
0x52c: {  	_ =	swait.ge [sflag:s5], $0x800  }
0x52d: {  	[sflag:s5] =	ssyncset.done $0x0  }
0x52e: {  	[sflag:s5] =	ssyncadd.s32 $0xFFFFF800  }
0x52f: {  	[tilespmem:s10], [sflag:$0x1] =	stream.indirect.gather [hbm4b:s8+s9], $0x80, s13, s9, $0xb8;
	[tilespmem:$0x1D000] =	vst v63  }
0x530: {  	_ = 	snop  }
0x531: {  	[tilespmem:s11], [sflag:$0x2] =	stream.indirect.gather [hbm4b:s8+s9], $0x80, s9, s9, $0xb8;
	[tilespmem:$0x1D000] =	vst v63  }
0x532: {  	_ =	swait.ge [sflag:s12], $0x4000  }
0x533: {  	[sflag:s12] =	ssyncset.done $0x0  }
0x534: {  	[sflag:s12] =	ssyncadd.s32 $0xFFFFC000  }
0x535: {  	[spmem:s2] =	stream.indirect.scatter.add.f32 [tilespmem:s10], [sflag:$0x3], $0x80, s0, s9, $0xb8;
	[tilespmem:$0x1D000] =	vst v63  }
0x536: {  	_ =	swait.ge [sflag:s5], $0x4000  }
0x537: {  	[sflag:s5] =	ssyncset.done $0x0  }
0x538: {  	s23 =	simm.s32 $0x100;
	[sflag:s5] =	ssyncadd.s32 $0xFFFFC000  }
0x539: {  	[tilespmem:s10], [sflag:$0x1] =	stream.indirect.gather [hbm4b:s8+s9], $0x80, s23, s9, $0xb8;
	[tilespmem:$0x1D000] =	vst v63  }
0x53a: {  	_ =	swait.ge [sflag:s14], $0x4000  }
0x53b: {  	[sflag:s14] =	ssyncset.done $0x0  }
0x53c: {  	s23 =	simm.s32 $0x880;
	[sflag:s14] =	ssyncadd.s32 $0xFFFFC000  }
0x53d: {  	[spmem:s2] =	stream.indirect.scatter.add.f32 [tilespmem:s11], [sflag:$0x3], $0x80, s23, s9, $0xb8;
	[tilespmem:$0x1D000] =	vst v63  }
0x53e: {  	_ =	swait.ge [sflag:s5], $0x4000  }
0x53f: {  	[sflag:s5] =	ssyncset.done $0x0  }
0x540: {  	s23 =	simm.s32 $0x180;
	[sflag:s5] =	ssyncadd.s32 $0xFFFFC000  }
0x541: {  	[tilespmem:s11], [sflag:$0x2] =	stream.indirect.gather [hbm4b:s8+s9], $0x80, s23, s9, $0xb8;
	[tilespmem:$0x1D000] =	vst v63  }
0x542: {  	_ =	swait.ge [sflag:s12], $0x4000  }
0x543: {  	[sflag:s12] =	ssyncset.done $0x0  }
0x544: {  	s23 =	simm.s32 $0x900;
	[sflag:s12] =	ssyncadd.s32 $0xFFFFC000  }
0x545: {  	[spmem:s2] =	stream.indirect.scatter.add.f32 [tilespmem:s10], [sflag:$0x3], $0x80, s23, s9, $0xb8;
	[tilespmem:$0x1D000] =	vst v63  }
0x546: {  	_ =	swait.ge [sflag:s5], $0x4000  }
0x547: {  	[sflag:s5] =	ssyncset.done $0x0  }
0x548: {  	s23 =	simm.s32 $0x200;
	[sflag:s5] =	ssyncadd.s32 $0xFFFFC000  }
0x549: {  	[tilespmem:s10], [sflag:$0x1] =	stream.indirect.gather [hbm4b:s8+s9], $0x80, s23, s9, $0xb8;
	[tilespmem:$0x1D000] =	vst v63  }
0x54a: {  	_ =	swait.ge [sflag:s14], $0x4000  }
0x54b: {  	[sflag:s14] =	ssyncset.done $0x0  }
0x54c: {  	s7 =	simm.s32 $0x980;
	[sflag:s14] =	ssyncadd.s32 $0xFFFFC000  }
0x54d: {  	[spmem:s2] =	stream.indirect.scatter.add.f32 [tilespmem:s11], [sflag:$0x3], $0x80, s7, s9, $0xb8;
	[tilespmem:$0x1D000] =	vst v63  }
0x54e: {  	_ =	swait.ge [sflag:s5], $0x4000  }
0x54f: {  	[sflag:s5] =	ssyncset.done $0x0  }
0x550: {  	s19 =	simm.s32 $0x280;
	[sflag:s5] =	ssyncadd.s32 $0xFFFFC000  }
0x551: {  	[tilespmem:s11], [sflag:$0x2] =	stream.indirect.gather [hbm4b:s8+s9], $0x80, s19, s9, $0xb8;
	[tilespmem:$0x1D000] =	vst v63  }
0x552: {  	_ =	swait.ge [sflag:s12], $0x4000  }
0x553: {  	[sflag:s12] =	ssyncset.done $0x0  }
0x554: {  	s3 =	simm.s32 $0xA00;
	[sflag:s12] =	ssyncadd.s32 $0xFFFFC000  }
0x555: {  	[spmem:s2] =	stream.indirect.scatter.add.f32 [tilespmem:s10], [sflag:$0x3], $0x80, s3, s9, $0xb8;
	[tilespmem:$0x1D000] =	vst v63  }
0x556: {  	_ =	swait.ge [sflag:s5], $0x4000  }
0x557: {  	[sflag:s5] =	ssyncset.done $0x0  }
0x558: {  	s20 =	simm.s32 $0x300;
	[sflag:s5] =	ssyncadd.s32 $0xFFFFC000  }
0x559: {  	[tilespmem:s10], [sflag:$0x1] =	stream.indirect.gather [hbm4b:s8+s9], $0x80, s20, s9, $0xb8;
	[tilespmem:$0x1D000] =	vst v63  }
0x55a: {  	_ =	swait.ge [sflag:s14], $0x4000  }
0x55b: {  	[sflag:s14] =	ssyncset.done $0x0  }
0x55c: {  	s20 =	simm.s32 $0xA80;
	[sflag:s14] =	ssyncadd.s32 $0xFFFFC000  }
0x55d: {  	[spmem:s2] =	stream.indirect.scatter.add.f32 [tilespmem:s11], [sflag:$0x3], $0x80, s20, s9, $0xb8;
	[tilespmem:$0x1D000] =	vst v63  }
0x55e: {  	_ =	swait.ge [sflag:s5], $0x4000  }
0x55f: {  	[sflag:s5] =	ssyncset.done $0x0  }
0x560: {  	s4 =	simm.s32 $0x380;
	[sflag:s5] =	ssyncadd.s32 $0xFFFFC000  }
0x561: {  	[tilespmem:s11], [sflag:$0x2] =	stream.indirect.gather [hbm4b:s8+s9], $0x80, s4, s9, $0xb8;
	[tilespmem:$0x1D000] =	vst v63  }
0x562: {  	_ =	swait.ge [sflag:s12], $0x4000  }
0x563: {  	[sflag:s12] =	ssyncset.done $0x0  }
0x564: {  	s6 =	simm.s32 $0xB00;
	[sflag:s12] =	ssyncadd.s32 $0xFFFFC000  }
0x565: {  	[spmem:s2] =	stream.indirect.scatter.add.f32 [tilespmem:s10], [sflag:$0x3], $0x80, s6, s9, $0xb8;
	[tilespmem:$0x1D000] =	vst v63  }
0x566: {  	_ =	swait.ge [sflag:s5], $0x4000  }
0x567: {  	[sflag:s5] =	ssyncset.done $0x0  }
0x568: {  	s25 =	simm.s32 $0x400;
	[sflag:s5] =	ssyncadd.s32 $0xFFFFC000  }
0x569: {  	[tilespmem:s10], [sflag:$0x1] =	stream.indirect.gather [hbm4b:s8+s9], $0x80, s25, s9, $0xb8;
	[tilespmem:$0x1D000] =	vst v63  }
0x56a: {  	_ =	swait.ge [sflag:s14], $0x4000  }
0x56b: {  	[sflag:s14] =	ssyncset.done $0x0  }
0x56c: {  	s26 =	simm.s32 $0xB80;
	[sflag:s14] =	ssyncadd.s32 $0xFFFFC000  }
0x56d: {  	[spmem:s2] =	stream.indirect.scatter.add.f32 [tilespmem:s11], [sflag:$0x3], $0x80, s26, s9, $0xb8;
	[tilespmem:$0x1D000] =	vst v63  }
0x56e: {  	_ =	swait.ge [sflag:s5], $0x4000  }
0x56f: {  	[sflag:s5] =	ssyncset.done $0x0  }
0x570: {  	s28 =	simm.s32 $0x480;
	[sflag:s5] =	ssyncadd.s32 $0xFFFFC000  }
0x571: {  	[tilespmem:s11], [sflag:$0x2] =	stream.indirect.gather [hbm4b:s8+s9], $0x80, s28, s9, $0xb8;
	[tilespmem:$0x1D000] =	vst v63  }
0x572: {  	_ =	swait.ge [sflag:s12], $0x4000  }
0x573: {  	[sflag:s12] =	ssyncset.done $0x0  }
0x574: {  	s29 =	simm.s32 $0xC00;
	[sflag:s12] =	ssyncadd.s32 $0xFFFFC000  }
0x575: {  	[spmem:s2] =	stream.indirect.scatter.add.f32 [tilespmem:s10], [sflag:$0x3], $0x80, s29, s9, $0xb8;
	[tilespmem:$0x1D000] =	vst v63  }
0x576: {  	_ =	swait.ge [sflag:s5], $0x4000  }
0x577: {  	[sflag:s5] =	ssyncset.done $0x0  }
0x578: {  	s30 =	simm.s32 $0x500;
	[sflag:s5] =	ssyncadd.s32 $0xFFFFC000  }
0x579: {  	[tilespmem:s10], [sflag:$0x1] =	stream.indirect.gather [hbm4b:s8+s9], $0x80, s30, s9, $0xb8;
	[tilespmem:$0x1D000] =	vst v63  }
0x57a: {  	_ =	swait.ge [sflag:s14], $0x4000  }
0x57b: {  	[sflag:s14] =	ssyncset.done $0x0  }
0x57c: {  	s21 =	simm.s32 $0xC80;
	[sflag:s14] =	ssyncadd.s32 $0xFFFFC000  }
0x57d: {  	[spmem:s2] =	stream.indirect.scatter.add.f32 [tilespmem:s11], [sflag:$0x3], $0x80, s21, s9, $0xb8;
	[tilespmem:$0x1D000] =	vst v63  }
0x57e: {  	_ =	swait.ge [sflag:s5], $0x4000  }
0x57f: {  	[sflag:s5] =	ssyncset.done $0x0  }
0x580: {  	s31 =	simm.s32 $0x580;
	[sflag:s5] =	ssyncadd.s32 $0xFFFFC000  }
0x581: {  	[tilespmem:s11], [sflag:$0x2] =	stream.indirect.gather [hbm4b:s8+s9], $0x80, s31, s9, $0xb8;
	[tilespmem:$0x1D000] =	vst v63  }
0x582: {  	_ =	swait.ge [sflag:s12], $0x4000  }
0x583: {  	[sflag:s12] =	ssyncset.done $0x0  }
0x584: {  	s23 =	simm.s32 $0xD00;
	[sflag:s12] =	ssyncadd.s32 $0xFFFFC000  }
0x585: {  	[spmem:s2] =	stream.indirect.scatter.add.f32 [tilespmem:s10], [sflag:$0x3], $0x80, s23, s9, $0xb8;
	[tilespmem:$0x1D000] =	vst v63  }
0x586: {  	_ =	swait.ge [sflag:s5], $0x4000  }
0x587: {  	[sflag:s5] =	ssyncset.done $0x0  }
0x588: {  	s1 =	simm.s32 $0x600;
	[sflag:s5] =	ssyncadd.s32 $0xFFFFC000  }
0x589: {  	[tilespmem:s10], [sflag:$0x1] =	stream.indirect.gather [hbm4b:s8+s9], $0x80, s1, s9, $0xb8;
	[tilespmem:$0x1D000] =	vst v63  }
0x58a: {  	_ =	swait.ge [sflag:s14], $0x4000  }
0x58b: {  	[sflag:s14] =	ssyncset.done $0x0  }
0x58c: {  	s24 =	simm.s32 $0xD80;
	[sflag:s14] =	ssyncadd.s32 $0xFFFFC000  }
0x58d: {  	[spmem:s2] =	stream.indirect.scatter.add.f32 [tilespmem:s11], [sflag:$0x3], $0x80, s24, s9, $0xb8;
	[tilespmem:$0x1D000] =	vst v63  }
0x58e: {  	_ =	swait.ge [sflag:s5], $0x4000  }
0x58f: {  	[sflag:s5] =	ssyncset.done $0x0  }
0x590: {  	s15 =	simm.s32 $0x680;
	[sflag:s5] =	ssyncadd.s32 $0xFFFFC000  }
0x591: {  	[tilespmem:s11], [sflag:$0x2] =	stream.indirect.gather [hbm4b:s8+s9], $0x80, s15, s9, $0xb8;
	[tilespmem:$0x1D000] =	vst v63  }
0x592: {  	_ =	swait.ge [sflag:s12], $0x4000  }
0x593: {  	[sflag:s12] =	ssyncset.done $0x0  }
0x594: {  	s16 =	simm.s32 $0xE00;
	[sflag:s12] =	ssyncadd.s32 $0xFFFFC000  }
0x595: {  	[spmem:s2] =	stream.indirect.scatter.add.f32 [tilespmem:s10], [sflag:$0x3], $0x80, s16, s9, $0xb8;
	[tilespmem:$0x1D000] =	vst v63  }
0x596: {  	_ =	swait.ge [sflag:s5], $0x4000  }
0x597: {  	[sflag:s5] =	ssyncset.done $0x0  }
0x598: {  	s17 =	simm.s32 $0x700;
	[sflag:s5] =	ssyncadd.s32 $0xFFFFC000  }
0x599: {  	[tilespmem:s10], [sflag:$0x1] =	stream.indirect.gather [hbm4b:s8+s9], $0x80, s17, s9, $0xb8;
	[tilespmem:$0x1D000] =	vst v63  }
0x59a: {  	_ =	swait.ge [sflag:s14], $0x4000  }
0x59b: {  	[sflag:s14] =	ssyncset.done $0x0  }
0x59c: {  	s18 =	simm.s32 $0xE80;
	[sflag:s14] =	ssyncadd.s32 $0xFFFFC000  }
0x59d: {  	[spmem:s2] =	stream.indirect.scatter.add.f32 [tilespmem:s11], [sflag:$0x3], $0x80, s18, s9, $0xb8;
	[tilespmem:$0x1D000] =	vst v63  }
0x59e: {  	_ =	swait.ge [sflag:s5], $0x4000  }
0x59f: {  	[sflag:s5] =	ssyncset.done $0x0  }
0x5a0: {  	s25 =	simm.s32 $0x780;
	[sflag:s5] =	ssyncadd.s32 $0xFFFFC000  }
0x5a1: {  	[tilespmem:s11], [sflag:$0x2] =	stream.indirect.gather [hbm4b:s8+s9], $0x80, s25, s9, $0xb8;
	[tilespmem:$0x1D000] =	vst v63  }
0x5a2: {  	_ =	swait.ge [sflag:s12], $0x4000  }
0x5a3: {  	[sflag:s12] =	ssyncset.done $0x0  }
0x5a4: {  	s26 =	simm.s32 $0xF00;
	[sflag:s12] =	ssyncadd.s32 $0xFFFFC000  }
0x5a5: {  	[spmem:s2] =	stream.indirect.scatter.add.f32 [tilespmem:s10], [sflag:$0x3], $0x80, s26, s9, $0xb8;
	[tilespmem:$0x1D000] =	vst v63  }
0x5a6: {  	_ =	swait.ge [sflag:s5], $0x4000  }
0x5a7: {  	[sflag:s5] =	ssyncset.done $0x0  }
0x5a8: {  	[sflag:s5] =	ssyncadd.s32 $0xFFFFC000  }
0x5a9: {  	[tilespmem:s10], [sflag:$0x1] =	stream.indirect.gather [hbm4b:s8+s9], $0x80, s13, s9, $0xb8;
	[tilespmem:$0x1D000] =	vst v63  }
0x5aa: {  	_ =	swait.ge [sflag:s14], $0x4000  }
0x5ab: {  	[sflag:s14] =	ssyncset.done $0x0  }
0x5ac: {  	s28 =	simm.s32 $0xF80;
	[sflag:s14] =	ssyncadd.s32 $0xFFFFC000  }
0x5ad: {  	[spmem:s2] =	stream.indirect.scatter.add.f32 [tilespmem:s11], [sflag:$0x3], $0x80, s28, s9, $0xb8;
	[tilespmem:$0x1D000] =	vst v63  }
0x5ae: {  	_ =	swait.ge [sflag:s5], $0x4000  }
0x5af: {  	[sflag:s5] =	ssyncset.done $0x0  }
0x5b0: {  	[sflag:s5] =	ssyncadd.s32 $0xFFFFC000  }
0x5b1: {  	_ =	swait.ge [sflag:s12], $0x4000  }
0x5b2: {  	[sflag:s12] =	ssyncset.done $0x0  }
0x5b3: {  	[sflag:s12] =	ssyncadd.s32 $0xFFFFC000  }
0x5b4: {  	p0 =	sne.s32 s22, $0x1;
	[bflag:$0x0] =	sbarrier.arrive $0xFFFF  }
.Ltmp1:
0x5b5: {  	s29 =	rddreg [dreg:$0xe];
	(pc) =	sbr.rel @p0 .LBB2_1-.Ltmp1, $4  }
0x5b6: {  	s30 =	rddreg [dreg:$0x10]  }
0x5b7: {  	s31 =	rddreg [dreg:$0xf]  }
0x5b8: {  	[hbm:s29], [sflag:s31] =	dma.local [spmem:s30], $0x2800  }
0x5b9: {  	s22 =	sadd.s32 $0xFFFFFFFF, s22;
	_ =	swait.ge [sflag:s5], $0x2800  }
.LBB2_2:
0x5ba: {  	[sflag:s5] =	ssyncset.done $0x0  }
0x5bb: {  	[sflag:s5] =	ssyncadd.s32 $0xFFFFD800  }
0x5bc: {  	_ =	sfence.sel $0x180000  }
0x5bd: {  	[bflag:$0x0] =	sbarrier.arrive $0xFFFF  }
0x5be: {  	_ =	strace $0x9000004D  }
0x5bf: {  	s0 =	stileid.u32;
	[bflag:$0x2] =	sbarrier.arrive $0xFFFF  }
0x5c0: {  	p0 =	sne.s32 s0, $0x0;
	s0 =	rddreg [dreg:$0x2]  }
0x5c1: {  	s0 =	sadd.s32 @!p0 $0x100000, s0  }
0x5c2: {  	[sflag:s0] =	ssyncadd.tile.s32 @!p0 $0x1;
	_ =	shalt  }
.Lfunc_end2:
_tile_overlayer_lowered:
.L_overlay_start_2:
0x5c3: {  	(tag) =	ssettag $0x2  }
0x5c4: {  	s0 =	rddreg [dreg:$0x0];
	s2 =	stileid.u32  }
0x5c5: {  	s1 =	rddreg [dreg:$0x1];
	p0 =	sne.s32 s2, $0x0  }
0x5c6: {  	s3 =	rddreg [dreg:$0x2];
	[bflag:$0x3] =	sbarrier.arrive $0xFFFF;
	s2 =	simm.s32 @!p0 $0x1C03  }
0x5c7: {  	[timem:s3], [sflag:s2] =	dma.local @!p0 [hbm:s0], s1  }
0x5c8: {  	s0 =	simm.s32 @!p0 $0x3  }
0x5c9: {  	_ =	swait.ge @!p0 [sflag:s0], s1  }
0x5ca: {  	s1 =	ssub.s32 @!p0 $0x0, s1;
	[sflag:s0] =	ssyncset.done @!p0 $0x0  }
0x5cb: {  	[sflag:s0] =	ssyncadd.s32 @!p0 s1  }
0x5cc: {  	[bflag:$0x3] =	sbarrier.arrive $0xFFFF  }
0x5cd: {  	_ =	shalt  }

// kernel: kernel.8.cloned.1.call-start
scs
__scs_entry_jumppad:
0x0: {  	(pc) =	sbr.rel $0x88, $3  }
0x1: {  	(tag) =	ssettag $0x0;
	lr =	simm.s32 $0x1  }
0x2: {  	[smem:$0x3F98] =	sst lr;
	_ =	strace $0xD0000000  }
0x3: {  	_ = 	snop  }
0x4: {  	_ = 	snop  }
0x5: {  	_ = 	snop  }
0x6: {  	_ = 	snop  }
0x7: {  	_ = 	snop  }
__scs_overlays_trampoline_lowered:
0x8: {  	[smem:$0x3FA7] =	sst s0  }
0x9: {  	[smem:$0x3FA8] =	sst s1  }
0xa: {  	[smem:$0x3FA9] =	sst s2  }
0xb: {  	[smem:$0x3FAA] =	sst s3  }
0xc: {  	[smem:$0x3FAB] =	sst s4  }
0xd: {  	[smem:$0x3FAC] =	sst s5  }
0xe: {  	[smem:$0x3FAD] =	sst s6  }
0xf: {  	[smem:$0x3FAE] =	sst s7  }
0x10: {  	[smem:$0x3FAF] =	sst s8  }
0x11: {  	[smem:$0x3FB0] =	sst s9;
	s0 =	simm.s32 @!p0 $0x0  }
0x12: {  	s1 =	sld [smem:$0x3F96];
	s0 =	simm.s32 @p0 $0x1  }
0x13: {  	[smem:$0x3FB1] =	sst s0;
	s0 =	simm.s32 @!p1 $0x0  }
0x14: {  	s2 =	sld [smem:$0x3F95];
	s0 =	simm.s32 @p1 $0x1  }
0x15: {  	[smem:$0x3FB2] =	sst s0;
	s0 =	simm.s32 @!p2 $0x0  }
0x16: {  	s3 =	sld [smem:$0x3FDB];
	s0 =	simm.s32 @p2 $0x1  }
0x17: {  	s4 =	simm.s32 $0x1BF5;
	[smem:$0x3FB4] =	sst s0  }
0x18: {  	s0 =	sld [smem:$0x3F97];
	_ =	swait.ge [sflag:s4], $0x0  }
0x19: {  	s7 =	sld [smem:$0x3F98]  }
0x1a: {  	s8 =	sadd.s32 $0xFFFFE003, lr  }
0x1b: {  	s9 =	sadd.s32 $0xFFFFFEF7, lr;
	s5 =	simm.s32 $0xFFFFFFFF;
	p2 =	slt.u32 s8, $0xFFFFF086  }
0x1c: {  	p1 =	slt.u32 s9, $0xF7A;
	s5 =	simm.s32 @!p2 $0x0  }
0x1d: {  	s5 =	simm.s32 @p1 $0x1;
	p0 =	seq.s32 s7, s2  }
0x1e: {  	s7 =	smul.u32 @!p0 $0xF7A, s2;
	p2 =	seq.s32 @!p0 s5, $0x0  }
0x1f: {  	s9 =	smul.u32 $0xF7A, s1;
	s8 =	simm.s32 @!p0 $0x1BF5;
	p2 =	por !p2, p0  }
0x20: {  	[sflag:s8] =	ssyncset.s32 @!p0 $0xFFFFF086;
	s6 =	sadd.s32 @!p0 s3, s7;
	s7 =	simm.s32 @!p0 $0x108  }
0x21: {  	s3 =	sadd.s32 s3, s9;
	s6 =	sadd.s32 @!p0 $0x88, s6;
	s7 =	simm.s32 @p2 $0x1082  }
0x22: {  	[simem:s7], [sflag:s8] =	dma.local @!p0 [hbm:s6], $0xF7A  }
0x23: {  	s9 =	sor.u32 $0xD0000000, s2;
	s6 =	simm.s32 $0x108;
	_ =	swait.ge @!p0 [sflag:s8], $0x0  }
0x24: {  	s3 =	sadd.s32 $0x88, s3;
	s6 =	simm.s32 @!p1 $0x1082;
	[sflag:s4] =	ssyncset.s32 $0xFFFFF086  }
0x25: {  	[simem:s6], [sflag:s4] =	dma.local [hbm:s3], $0xF7A  }
0x26: {  	[smem:$0x3F98] =	sst s1;
	(tag) =	ssettag s2;
	_ =	strace s9  }
0x27: {  	s1 =	sld [smem:$0x3FA8]  }
0x28: {  	s2 =	sld [smem:$0x3FA9]  }
0x29: {  	s4 =	sld [smem:$0x3FAB]  }
0x2a: {  	p0 =	seq.s32 s5, $0x0;
	s5 =	sld [smem:$0x3FAC]  }
0x2b: {  	s6 =	sld [smem:$0x3FAD]  }
0x2c: {  	s7 =	sld [smem:$0x3FAE]  }
0x2d: {  	s3 =	simm.s32 $0x108;
	s8 =	sld [smem:$0x3FAF]  }
0x2e: {  	s3 =	simm.s32 @!p0 $0x1082;
	s9 =	sld [smem:$0x3FB0]  }
0x2f: {  	lr =	sadd.s32 s0, s3;
	s0 =	sld [smem:$0x3FA7]  }
0x30: {  	s3 =	sld [smem:$0x3FAA]  }
0x31: {  	[smem:$0x3FB3] =	sst s10  }
0x32: {  	s10 =	sld [smem:$0x3FB1];
	_ =	sdelay $0x3  }
0x33: {  	p0 =	seq.s32 s10, $0x1;
	s10 =	sld [smem:$0x3FB3];
	_ =	sdelay $0x3  }
0x34: {  	[smem:$0x3FB3] =	sst s10  }
0x35: {  	s10 =	sld [smem:$0x3FB2];
	_ =	sdelay $0x3  }
0x36: {  	p1 =	seq.s32 s10, $0x1;
	s10 =	sld [smem:$0x3FB3];
	_ =	sdelay $0x3  }
0x37: {  	[smem:$0x3FB3] =	sst s10  }
0x38: {  	s10 =	sld [smem:$0x3FB4]  }
0x39: {  	_ = 	snop;
	(pc) =	sbr.ind lr, $3  }
0x3a: {  	_ = 	snop  }
0x3b: {  	_ = 	snop  }
0x3c: {  	p2 =	seq.s32 s10, $0x1;
	s10 =	sld [smem:$0x3FB3]  }
0x3d: {  	_ =	shalt  }
0x3e: {  	_ =	shalt  }
0x3f: {  	_ =	shalt  }
0x40: {  	_ =	shalt  }
0x41: {  	_ =	shalt  }
0x42: {  	_ =	shalt  }
0x43: {  	_ =	shalt  }
0x44: {  	_ =	shalt  }
0x45: {  	_ =	shalt  }
0x46: {  	_ =	shalt  }
0x47: {  	_ =	shalt  }
0x48: {  	_ =	shalt  }
0x49: {  	_ =	shalt  }
0x4a: {  	_ =	shalt  }
0x4b: {  	_ =	shalt  }
0x4c: {  	_ =	shalt  }
0x4d: {  	_ =	shalt  }
0x4e: {  	_ =	shalt  }
0x4f: {  	_ =	shalt  }
0x50: {  	_ =	shalt  }
0x51: {  	_ =	shalt  }
0x52: {  	_ =	shalt  }
0x53: {  	_ =	shalt  }
0x54: {  	_ =	shalt  }
0x55: {  	_ =	shalt  }
0x56: {  	_ =	shalt  }
0x57: {  	_ =	shalt  }
0x58: {  	_ =	shalt  }
0x59: {  	_ =	shalt  }
0x5a: {  	_ =	shalt  }
0x5b: {  	_ =	shalt  }
0x5c: {  	_ =	shalt  }
0x5d: {  	_ =	shalt  }
0x5e: {  	_ =	shalt  }
0x5f: {  	_ =	shalt  }
0x60: {  	_ =	shalt  }
0x61: {  	_ =	shalt  }
0x62: {  	_ =	shalt  }
0x63: {  	_ =	shalt  }
0x64: {  	_ =	shalt  }
0x65: {  	_ =	shalt  }
0x66: {  	_ =	shalt  }
0x67: {  	_ =	shalt  }
0x68: {  	_ =	shalt  }
0x69: {  	_ =	shalt  }
0x6a: {  	_ =	shalt  }
0x6b: {  	_ =	shalt  }
0x6c: {  	_ =	shalt  }
0x6d: {  	_ =	shalt  }
0x6e: {  	_ =	shalt  }
0x6f: {  	_ =	shalt  }
0x70: {  	_ =	shalt  }
0x71: {  	_ =	shalt  }
0x72: {  	_ =	shalt  }
0x73: {  	_ =	shalt  }
0x74: {  	_ =	shalt  }
0x75: {  	_ =	shalt  }
0x76: {  	_ =	shalt  }
0x77: {  	_ =	shalt  }
0x78: {  	_ =	shalt  }
0x79: {  	_ =	shalt  }
0x7a: {  	_ =	shalt  }
0x7b: {  	_ =	shalt  }
0x7c: {  	_ =	shalt  }
0x7d: {  	_ =	shalt  }
0x7e: {  	_ =	shalt  }
0x7f: {  	_ =	shalt  }
0x80: {  	_ =	shalt  }
0x81: {  	_ =	shalt  }
0x82: {  	_ =	shalt  }
0x83: {  	_ =	shalt  }
0x84: {  	_ =	shalt  }
0x85: {  	_ =	shalt  }
0x86: {  	_ =	shalt  }
0x87: {  	_ =	shalt  }
.Lfunc_end0:
.L_simem_size_0:
called_computation_lowered:
.L_overlay_start_0:
0x88: {  	s2 =	sld [smem:$0x3FD9]  }
0x89: {  	s3 =	sld [smem:$0x3FFE];
	_ =	sdelay $0x1  }
0x8a: {  	s1 =	srdreg.scid  }
0x8b: {  	s0 =	sand.u32 $0x1, s1  }
0x8c: {  	s14 =	sshll.u32 s0, $0xA;
	s2 =	sadd.s32 s3, s2  }
0x8d: {  	s2 =	sadd.s32 s2, s14  }
0x8e: {  	[smem:$0x3FBF] =	sst s2  }
0x8f: {  	_ = 	snop  }
0x90: {  	s2 =	sld [smem:$0x3FD0];
	_ =	sdelay $0x2  }
0x91: {  	s15 =	simm.s32 $0xA;
	s4 =	simm.s32 $0x10  }
0x92: {  	[smem:s4], [sflag:s15] =	dma.local [hbm:s2], $0x1  }
0x93: {  	_ =	swait.eq [sflag:s15], $0x1  }
0x94: {  	[sflag:s15] =	ssyncset.done $0x0  }
0x95: {  	[sflag:s15] =	ssyncadd.s32 $0xFFFFFFFF  }
0x96: {  	s16 =	sld [smem:$0x10];
	(tm) =	ssettm $0x1  }
0x97: {  	s17 =	sld [smem:$0x3FFB];
	_ =	sdelay $0x3  }
0x98: {  	_ =	strace s17  }
0x99: {  	s3 =	sld [smem:$0x3FFC];
	_ =	sdelay $0x3  }
0x9a: {  	_ =	strace s3  }
0x9b: {  	s3 =	sld [smem:$0x3FFD];
	_ =	sdelay $0x3  }
0x9c: {  	_ =	strace s3  }
0x9d: {  	_ =	strace $0x8FFFFFFF  }
0x9e: {  	s18 =	sld [smem:$0x3FDB];
	_ =	sdelay $0x1  }
0x9f: {  	s19 =	simm.s32 $_scs_section_size  }
0xa0: {  	s5 =	simm.s32 $_size__tile_overlayer_lowered;
	s6 =	simm.s32 $_tile_overlayer_lowered  }
0xa1: {  	s22 =	simm.s32 $0x1BFF;
	s21 =	sshll.u32 s6, $0x1;
	s3 =	sadd.s32 s19, s18  }
0xa2: {  	s7 =	simm.s32 $0x0;
	s20 =	sshll.u32 s5, $0x1;
	s5 =	sadd.s32 s21, s3  }
0xa3: {  	[timem:s7], [sflag:s22] =	dma.local [hbm:s5], s20  }
0xa4: {  	_ =	swait.ge [sflag:s22], s20  }
0xa5: {  	s4 =	ssub.s32 $0x0, s20;
	[sflag:s22] =	ssyncset.done $0x0  }
0xa6: {  	[sflag:s22] =	ssyncadd.s32 s4;
	_ =	sdelay $0x1  }
0xa7: {  	s23 =	simm.s32 $0x1B8B  }
0xa8: {  	_ =	swait.ge [sflag:s23], $0x1  }
0xa9: {  	[sflag:s23] =	ssyncset.done $0x0  }
0xaa: {  	s25 =	simm.s32 $0x1B8E;
	s24 =	sld [smem:$0x3FFE];
	[sflag:s23] =	ssyncadd.s32 $0xFFFFFFFF  }
0xab: {  	s26 =	simm.s32 $execute0_lowered;
	[smem:$0x3FD2] =	sst s25  }
0xac: {  	s5 =	sshll.u32 s26, $0x1;
	_ =	strace $0x80000046;
	[dreg:$0x1] =	wrdreg $0xFFFFFFFF  }
0xad: {  	s28 =	simm.s32 $_size_execute0_lowered;
	s3 =	sadd.s32 s3, s5;
	[dreg:$0x0] =	wrdreg $0x0  }
0xae: {  	s5 =	sshll.u32 s28, $0x1;
	[dreg:$0x2] =	wrdreg s3  }
0xaf: {  	[dreg:$0x3] =	wrdreg s5  }
0xb0: {  	[dreg:$0x4] =	wrdreg $0xC0  }
0xb1: {  	_ =	task [dreg:s7], $0x5FFFF  }
0xb2: {  	[dreg:$0x1] =	wrdreg $0xFFFFFFFF  }
0xb3: {  	[dreg:$0x0] =	wrdreg $0x60  }
0xb4: {  	[dreg:$0x2] =	wrdreg s24  }
0xb5: {  	[dreg:$0x3] =	wrdreg s16  }
0xb6: {  	[dreg:$0x4] =	wrdreg $0x68000  }
0xb7: {  	[dreg:$0x5] =	wrdreg $0x9  }
0xb8: {  	_ =	task.clear_ibuf [dreg:s7], $0x6FFFF;
	_ =	strace $0x90000046  }
0xb9: {  	s29 =	simm.s32 $0x9;
	_ =	strace $0x80000048  }
0xba: {  	_ =	swait.ge [sflag:s29], $0x1  }
0xbb: {  	[sflag:s29] =	ssyncadd.s32 $0xFFFFFFFF  }
0xbc: {  	_ =	strace $0x90000048  }
0xbd: {  	_ =	sfence  }
0xbe: {  	s30 =	sld [smem:$0x0];
	_ =	sdelay $0x2  }
0xbf: {  	s31 =	sshll.u32 s1, $0xD;
	s1 =	sshrl.u32 s1, $0x2  }
0xc0: {  	s3 =	sand.u32 $0x4000, s31;
	s1 =	sadd.s32 s1, s30  }
0xc1: {  	s0 =	sor.u32 s3, s0;
	s1 =	sshll.u32 s1, $0x11  }
0xc2: {  	s0 =	sor.u32 s1, s0  }
0xc3: {  	s0 =	sadd.s32 $0x8F2B, s0  }
0xc4: {  	[sflag:s0] =	ssyncadd.remote.s32 $0x1  }
0xc5: {  	_ =	sfence.sel $0xFFFF  }
0xc6: {  	[dreg:$0x0] =	wrdreg $0xFFFFFFFF;
	(pc) =	sbr.abs _section_cstart, $3  }
0xc7: {  	[dreg:$0x1] =	wrdreg $0xFFFFFFFF  }
0xc8: {  	_ =	task.clear_ibuf [dreg:s7], $0x2FFFF;
	_ =	strace $0x9FFFFFFF  }
0xc9: {  	(tm) =	ssettm $0x7FFFFFFF  }
tec
execute0_lowered:
.L_overlay_start_1:
0x0: {  	(tag) =	ssettag $0x1  }
0x1: {  	s7 =	rddreg [dreg:$0x0]  }
0x2: {  	s0 =	srdreg.scid;
	s2 =	rddreg [dreg:$0x1]  }
0x3: {  	s3 =	rddreg [dreg:$0x2];
	s4 =	simm.s32 $0x0;
	s6 =	sand.u32 $0x1, s0  }
0x4: {  	s13 =	simm.s32 $0x80;
	s0 =	stileid.u32;
	s8 =	smul.u32 $0x140000, s6  }
0x5: {  	s14 =	simm.s32 $0x0;
	[smem:$0x7FF] =	sst s4;
	s9 =	smul.u32 $0x14000, s0  }
0x6: {  	s1 =	sshll.u32 s6, $0x4;
	s29 =	smul.u32 $0x50000, s0;
	s6 =	ssub.s32 $0x2, s6  }
0x7: {  	s31 =	sshll.u32 s0, $0x6;
	s1 =	sor.u32 s0, s1;
	s30 =	sshrl.u32 s6, $0x1  }
0x8: {  	s5 =	smul.u32 $0x500, s1;
	s1 =	rddreg [dreg:$0x3];
	_ =	strace $0x80000047  }
0x9: {  	s8 =	sadd.s32 s9, s8;
	s9 =	sshrl.u32 s29, $0x2;
	s11 =	ssub.s32 s6, s30  }
0xa: {  	s6 =	sor.u32 $0x1C01, s31;
	s8 =	sshrl.u32 s8, $0x3;
	s12 =	sadd.s32 s9, s3  }
0xb: {  	s9 =	smax.u32 s11, $0x1;
	s11 =	simm.s32 $0x1;
	s10 =	sadd.s32 s5, s7  }
0xc: {  	s5 =	sadd.s32 $0x18400, s7;
	s8 =	sadd.s32 s8, s7;
	s7 =	sadd.s32 $0x4400, s10  }
0xd: {  	s8 =	sadd.s32 $0x1AC00, s8;
	s10 =	sshrl.u32 s12, $0x3;
	s12 =	simm.s32 $0x2800  }
.LBB2_1:
0xe: {  	[spmem:s10], [sflag:s6] =	dma.local [hbm:s5], $0x2800  }
0xf: {  	_ =	swait.ge [sflag:s11], $0x2800  }
0x10: {  	[sflag:s11] =	ssyncset.done $0x0  }
0x11: {  	[sflag:s11] =	ssyncadd.s32 $0xFFFFD800  }
0x12: {  	[tilespmem:s12], [sflag:$0x1] =	stream.linear.gather [hbm4b:s2+s4], $0x4000, $0x38;
	[tilespmem:$0x1A800] =	vst v63  }
0x13: {  	_ =	swait.ge [sflag:s11], $0x4000  }
0x14: {  	[sflag:s11] =	ssyncset.done $0x0  }
0x15: {  	[sflag:s11] =	ssyncadd.s32 $0xFFFFC000  }
0x16: {  	[tilespmem:s4], [sflag:$0x1] =	stream.linear.gather [hbm4b:s7+s4], $0x2800, $0x38;
	[tilespmem:$0x1A800] =	vst v63  }
0x17: {  	_ =	swait.ge [sflag:s11], $0x2800  }
0x18: {  	[sflag:s11] =	ssyncset.done $0x0  }
0x19: {  	[sflag:s11] =	ssyncadd.s32 $0xFFFFD800  }
0x1a: {  	s15 =	simm.s32 $0x0;
	[bflag:$0x0] =	sbarrier.arrive $0xFFFF  }
0x1b: {  	[spmem:s3] =	stream.indirect.scatter.add.f32 [tilespmem:s12], [sflag:$0x1], $0x80, s15, s13, $0xb8;
	[tilespmem:$0x1A800] =	vst v63  }
0x1c: {  	_ =	swait.ge [sflag:s11], $0x4000  }
0x1d: {  	s15 =	simm.s32 $0x200;
	[sflag:s11] =	ssyncset.done $0x0  }
.LBB2_2:
0x1e: {  	s16 =	sshra.s32 s15, $0x2;
	[sflag:s11] =	ssyncadd.s32 $0xFFFFC000;
	p0 =	sne.s32 s15, $0x9E00  }
0x1f: {  	[spmem:s3] =	stream.indirect.scatter.add.f32 [tilespmem:s12], [sflag:$0x1], $0x80, s16, s13, $0xb8;
	[tilespmem:$0x1A800] =	vst v63  }
.Ltmp0:
0x20: {  	_ = 	snop;
	(pc) =	sbr.rel @p0 .LBB2_2-.Ltmp0, $4  }
0x21: {  	_ = 	snop  }
0x22: {  	s15 =	sadd.s32 $0x200, s15  }
0x23: {  	_ =	swait.ge [sflag:s11], $0x4000  }
0x24: {  	[sflag:s11] =	ssyncset.done $0x0  }
0x25: {  	s14 =	sadd.s32 $0x1, s14  }
0x26: {  	[sflag:s11] =	ssyncadd.s32 $0xFFFFC000;
	p0 =	sne.s32 s14, s9  }
.Ltmp1:
0x27: {  	[bflag:$0x0] =	sbarrier.arrive $0xFFFF;
	(pc) =	sbr.rel @p0 .LBB2_1-.Ltmp1, $4  }
0x28: {  	[hbm:s8], [sflag:s6] =	dma.local [spmem:s10], $0x2800  }
0x29: {  	_ =	swait.ge [sflag:s11], $0x2800  }
0x2a: {  	[sflag:s11] =	ssyncset.done $0x0  }
0x2b: {  	[sflag:s11] =	ssyncadd.s32 $0xFFFFD800  }
0x2c: {  	_ =	sfence.sel $0x180000  }
0x2d: {  	[bflag:$0x0] =	sbarrier.arrive $0xFFFF  }
0x2e: {  	p0 =	sne.s32 s0, $0x0;
	_ =	strace $0x90000047  }
0x2f: {  	s0 =	sadd.s32 @!p0 $0x100000, s1;
	[bflag:$0x2] =	sbarrier.arrive $0xFFFF  }
0x30: {  	[sflag:s0] =	ssyncadd.tile.s32 @!p0 $0x1;
	_ =	shalt  }
.Lfunc_end2:
_tile_overlayer_lowered:
.L_overlay_start_2:
0x31: {  	(tag) =	ssettag $0x2  }
0x32: {  	s0 =	rddreg [dreg:$0x0];
	s2 =	stileid.u32  }
0x33: {  	s1 =	rddreg [dreg:$0x1];
	p0 =	sne.s32 s2, $0x0  }
0x34: {  	s3 =	rddreg [dreg:$0x2];
	[bflag:$0x3] =	sbarrier.arrive $0xFFFF;
	s2 =	simm.s32 @!p0 $0x1C01  }
0x35: {  	[timem:s3], [sflag:s2] =	dma.local @!p0 [hbm:s0], s1  }
0x36: {  	s0 =	simm.s32 @!p0 $0x1  }
0x37: {  	_ =	swait.ge @!p0 [sflag:s0], s1  }
0x38: {  	s1 =	ssub.s32 @!p0 $0x0, s1;
	[sflag:s0] =	ssyncset.done @!p0 $0x0  }
0x39: {  	[sflag:s0] =	ssyncadd.s32 @!p0 s1  }
0x3a: {  	[bflag:$0x3] =	sbarrier.arrive $0xFFFF  }
0x3b: {  	_ =	shalt  }

</sc_bundles>
